<compile_context>
chip_gen: v7x
topology: tpu7x:2x2x1
jax: 0.10.2.dev20260603
libtpu: 0.0.44.dev20260713+nightly
codegen_flags: <defaults>
</compile_context>

<pallas_src>
import functools

import numpy as np
import jax
import jax.numpy as jnp
from jax import lax
from jax.experimental import pallas as pl
from jax.experimental.pallas import tpu as pltpu
from jax.experimental.pallas import tpu_sc as plsc

_KWIN = 25
_S = 1024
_B = 2
_HW = 64
_N = _HW * _HW
_BN = _B * _N
_SCALE = 1.0 / np.sqrt(32.0)


def _local_indices_np(H, W, K):
    r = K // 2
    d = np.arange(-r, r + 1)
    ci = np.clip(np.arange(H)[:, None] + d[None, :], 0, H - 1)
    cj = np.clip(np.arange(W)[:, None] + d[None, :], 0, W - 1)
    idx = (ci[:, None, :, None] * W + cj[None, :, None, :]).reshape(H * W, K * K)
    return idx.astype(np.int32)


def _rotl32(x, r):
    return ((x << np.uint32(r)) | (x >> np.uint32(32 - r))).astype(np.uint32)


def _threefry2x32_np(k0, k1, x0, x1):
    rot = [13, 15, 26, 6, 17, 29, 16, 24]
    k0 = np.uint32(k0)
    k1 = np.uint32(k1)
    ks = [k0, k1, np.uint32(k0 ^ k1 ^ np.uint32(0x1BD11BDA))]
    x0 = (x0 + k0).astype(np.uint32)
    x1 = (x1 + k1).astype(np.uint32)
    for i in range(5):
        for j in range(4):
            x0 = (x0 + x1).astype(np.uint32)
            x1 = (_rotl32(x1, rot[(i % 2) * 4 + j]) ^ x0).astype(np.uint32)
        x0 = (x0 + ks[(i + 1) % 3]).astype(np.uint32)
        x1 = (x1 + ks[(i + 2) % 3] + np.uint32(i + 1)).astype(np.uint32)
    return x0, x1


def _randint_np(seed, shape, minval, maxval):
    k0 = np.uint32(np.uint64(seed) >> np.uint64(32))
    k1 = np.uint32(seed & 0xFFFFFFFF)
    s0, s1 = _threefry2x32_np(k0, k1, np.zeros(2, np.uint32),
                              np.arange(2, dtype=np.uint32))
    size = int(np.prod(shape))

    def bits(a, b):
        o0, o1 = _threefry2x32_np(a, b, np.zeros(size, np.uint32),
                                  np.arange(size, dtype=np.uint32))
        return (o0 ^ o1).astype(np.uint64)

    u = bits(s0[0], s1[0])
    v = bits(s0[1], s1[1])
    span = np.uint64(maxval - minval)
    m = ((np.uint64(65536) % span) ** 2) % span
    out = ((u % span) * m + (v % span)) % span
    return (np.int64(minval) + out.astype(np.int64)).astype(np.int32).reshape(shape)


@functools.lru_cache(maxsize=1)
def _sample_inds_packed():
    local = np.broadcast_to(_local_indices_np(_HW, _HW, _KWIN)[None],
                            (_B, _N, _KWIN * _KWIN))
    n_rand = _S - _KWIN * _KWIN
    rnd = _randint_np(42, (_B, _N, n_rand), 0, _N)
    inds = np.concatenate([local, rnd], axis=-1).astype(np.int32)
    iw = inds.reshape(_BN, _S // 32, 2, 16)
    words = iw[:, :, 0, :] | (iw[:, :, 1, :] << 16)
    return np.asarray(words.reshape(_BN, _S // 2))


def _norm_body(x_ref, o_ref):
    x = x_ref[...]
    row = lax.broadcasted_iota(jnp.int32, x.shape, 0) % 3
    mean = jnp.where(row == 0, 123.675, jnp.where(row == 1, 116.28, 103.53))
    inv = jnp.where(row == 0, 1.0 / 58.395,
                    jnp.where(row == 1, 1.0 / 57.12, 1.0 / 57.375))
    o_ref[...] = (x - mean) * inv


def _normalize(img):
    x = img.reshape(_B * 3, 256 * 256)
    out = pl.pallas_call(
        _norm_body,
        out_shape=jax.ShapeDtypeStruct(x.shape, jnp.float32),
    )(x)
    return out.reshape(_B, 3, 256, 256)


def _conv1_body(x_ref, w_ref, o_ref):
    o_ref[...] = jax.nn.relu(
        lax.dot_general(x_ref[...], w_ref[...], (((0,), (0,)), ((), ())),
                        preferred_element_type=jnp.float32)).astype(jnp.bfloat16)


def _conv1(patches, w1):
    bm = 4096
    m = patches.shape[1]
    return pl.pallas_call(
        _conv1_body,
        grid=(m // bm,),
        in_specs=[
            pl.BlockSpec((27, bm), lambda i: (0, i)),
            pl.BlockSpec((27, 64), lambda i: (0, 0)),
        ],
        out_specs=pl.BlockSpec((bm, 64), lambda i: (i, 0)),
        out_shape=jax.ShapeDtypeStruct((m, 64), jnp.bfloat16),
    )(patches, w1)


def _heads_body(x_ref, w2_ref, wq1_ref, wq2_ref, wk1_ref, wk2_ref,
                q_ref, k_ref):
    acc = jnp.dot(x_ref[0], w2_ref[0], preferred_element_type=jnp.float32)
    for t in range(1, 9):
        acc += jnp.dot(x_ref[t], w2_ref[t], preferred_element_type=jnp.float32)
    f2 = jax.nn.relu(acc)
    qh = jax.nn.relu(
        jnp.dot(f2, wq1_ref[...], preferred_element_type=jnp.float32))
    q_ref[...] = jnp.dot(qh, wq2_ref[...],
                         preferred_element_type=jnp.float32).astype(jnp.bfloat16)
    kh = jax.nn.relu(
        jnp.dot(f2, wk1_ref[...], preferred_element_type=jnp.float32))
    k_ref[...] = jnp.dot(kh, wk2_ref[...],
                         preferred_element_type=jnp.float32).astype(jnp.bfloat16)


def _heads(p2, w2s, wq1m, wq2m, wk1m, wk2m):
    bm = 512
    qf, kf = pl.pallas_call(
        _heads_body,
        grid=(_BN // bm,),
        in_specs=[
            pl.BlockSpec((9, bm, 64), lambda i: (0, i, 0)),
            pl.BlockSpec((9, 64, 256), lambda i: (0, 0, 0)),
            pl.BlockSpec((256, 64), lambda i: (0, 0)),
            pl.BlockSpec((64, 32), lambda i: (0, 0)),
            pl.BlockSpec((256, 64), lambda i: (0, 0)),
            pl.BlockSpec((64, 32), lambda i: (0, 0)),
        ],
        out_specs=[
            pl.BlockSpec((bm, 32), lambda i: (i, 0)),
            pl.BlockSpec((bm, 32), lambda i: (i, 0)),
        ],
        out_shape=[
            jax.ShapeDtypeStruct((_BN, 32), jnp.bfloat16),
            jax.ShapeDtypeStruct((_BN, 32), jnp.bfloat16),
        ],
    )(p2, w2s, wq1m, wq2m, wk1m, wk2m)
    return qf, kf


def _scores_body(q_ref, kt_ref, o_ref):
    s = jnp.dot(q_ref[0], kt_ref[0], preferred_element_type=jnp.float32)
    sb = (s * _SCALE).astype(jnp.bfloat16)
    lo = lax.bitcast_convert_type(sb[:, :_N // 2], jnp.int16).astype(jnp.int32)
    hi = lax.bitcast_convert_type(sb[:, _N // 2:], jnp.int16).astype(jnp.int32)
    o_ref[0] = jnp.bitwise_or(jnp.bitwise_and(lo, 0xFFFF),
                              lax.shift_left(hi, 16))


def _scores(qf3, kT):
    bm = 256
    return pl.pallas_call(
        _scores_body,
        grid=(_B, _N // bm),
        in_specs=[
            pl.BlockSpec((1, bm, 32), lambda b, i: (b, i, 0)),
            pl.BlockSpec((1, 32, _N), lambda b, i: (b, 0, 0)),
        ],
        out_specs=pl.BlockSpec((1, bm, _N // 2), lambda b, i: (b, i, 0)),
        out_shape=jax.ShapeDtypeStruct((_B, _N, _N // 2), jnp.int32),
    )(qf3, kT)


def _sc_gather(scoresw, indsw, seg):
    NW = 32
    RPW = _BN // NW
    NCH = _S // 32
    mesh = plsc.VectorSubcoreMesh(core_axis_name="c", subcore_axis_name="s")

    @functools.partial(
        pl.kernel,
        out_type=[
            jax.ShapeDtypeStruct((_BN, _S), jnp.float32),
            jax.ShapeDtypeStruct((_BN, _S), jnp.int32),
        ],
        mesh=mesh,
        compiler_params=pltpu.CompilerParams(needs_layout_passes=False),
        scratch_types=[
            pltpu.VMEM((_N // 2,), jnp.int32),
            pltpu.VMEM((_N // 2,), jnp.int32),
            pltpu.VMEM((_S // 2,), jnp.int32),
            pltpu.VMEM((_S // 2,), jnp.int32),
            pltpu.VMEM((_S,), jnp.float32),
            pltpu.VMEM((_S,), jnp.float32),
            pltpu.VMEM((_S,), jnp.int32),
            pltpu.VMEM((_S,), jnp.int32),
            pltpu.VMEM((_N,), jnp.int32),
        ] + [pltpu.SemaphoreType.DMA] * 8,
    )
    def k(scores_hbm, inds_hbm, seg_hbm, lg_hbm, sm_hbm,
          srow0, srow1, idx0, idx1, out0, out1, samp0, samp1, segv,
          si0, si1, ii0, ii1, lo0, lo1, so0, so1):
        srows, idxs, outs, samps = (srow0, srow1), (idx0, idx1), (out0, out1), (samp0, samp1)
        sis, iis, los, sos = (si0, si1), (ii0, ii1), (lo0, lo1), (so0, so1)
        wid = lax.axis_index("s") * 2 + lax.axis_index("c")
        base = wid * RPW
        b = wid // (NW // _B)
        pltpu.sync_copy(seg_hbm.at[b], segv)
        pltpu.async_copy(scores_hbm.at[base], srow0, si0)
        pltpu.async_copy(inds_hbm.at[base], idx0, ii0)

        def pair_body(pr, carry):
            for s in range(2):
                r = pr * 2 + s
                row = base + r

                @pl.when(r + 1 < RPW)
                def _prefetch():
                    pltpu.async_copy(scores_hbm.at[row + 1], srows[1 - s],
                                     sis[1 - s])
                    pltpu.async_copy(inds_hbm.at[row + 1], idxs[1 - s],
                                     iis[1 - s])

                pltpu.make_async_copy(scores_hbm.at[row], srows[s], sis[s]).wait()
                pltpu.make_async_copy(inds_hbm.at[row], idxs[s], iis[s]).wait()

                @pl.when(r >= 2)
                def _drain():
                    pltpu.make_async_copy(outs[s], lg_hbm.at[row - 2],
                                          los[s]).wait()
                    pltpu.make_async_copy(samps[s], sm_hbm.at[row - 2],
                                          sos[s]).wait()

                for c in range(NCH):
                    w = idxs[s][pl.ds(c * 16, 16)]
                    ia = jnp.bitwise_and(w, 0xFFFF)
                    ib = lax.shift_right_logical(w, 16)
                    wa = plsc.load_gather(srows[s],
                                          [jnp.bitwise_and(ia, _N // 2 - 1)])
                    wb = plsc.load_gather(srows[s],
                                          [jnp.bitwise_and(ib, _N // 2 - 1)])
                    sha = lax.shift_left(lax.shift_right_logical(ia, 11), 4)
                    shb = lax.shift_left(lax.shift_right_logical(ib, 11), 4)
                    va = plsc.bitcast(
                        lax.shift_left(lax.shift_right_logical(wa, sha), 16),
                        jnp.float32)
                    vb = plsc.bitcast(
                        lax.shift_left(lax.shift_right_logical(wb, shb), 16),
                        jnp.float32)
                    outs[s][pl.ds(c * 32, 16)] = va
                    outs[s][pl.ds(c * 32 + 16, 16)] = vb
                    sa = plsc.load_gather(segv, [ia])
                    sb = plsc.load_gather(segv, [ib])
                    samps[s][pl.ds(c * 32, 16)] = sa
                    samps[s][pl.ds(c * 32 + 16, 16)] = sb

                pltpu.async_copy(outs[s], lg_hbm.at[row], los[s])
                pltpu.async_copy(samps[s], sm_hbm.at[row], sos[s])
            return carry

        lax.fori_loop(0, RPW // 2, pair_body, 0)
        pltpu.make_async_copy(out0, lg_hbm.at[base + RPW - 2], lo0).wait()
        pltpu.make_async_copy(samp0, sm_hbm.at[base + RPW - 2], so0).wait()
        pltpu.make_async_copy(out1, lg_hbm.at[base + RPW - 1], lo1).wait()
        pltpu.make_async_copy(samp1, sm_hbm.at[base + RPW - 1], so1).wait()

    return k(scoresw, indsw, seg)


def _loss_body(l_ref, s_ref, g_ref, loss_ref, acc_ref):
    i = pl.program_id(0)

    @pl.when(i == 0)
    def _init():
        acc_ref[0] = 0.0
        acc_ref[1] = 0.0

    l = l_ref[...]
    m = jnp.max(l, axis=1, keepdims=True)
    ex = jnp.exp(l - m)
    den = jnp.sum(ex, axis=1, keepdims=True)
    y_pred = ex / (den + 1e-12)
    ylog = jnp.log(jnp.maximum(y_pred, 1e-8))
    seg = g_ref[...]
    t = (s_ref[...].astype(jnp.int32) == seg).astype(jnp.float32)
    tsum = jnp.sum(t, axis=1, keepdims=True)
    y_true = t / (tsum + 1e-9)
    lyt = jnp.log(jnp.maximum(y_true, 1e-30))
    kl_el = jnp.where(y_true > 0, y_true * (lyt - ylog), 0.0)
    klr = jnp.sum(kl_el, axis=1)
    act = (seg[:, 0] != 0).astype(jnp.float32)
    acc_ref[0] += jnp.sum(klr * act)
    acc_ref[1] += jnp.sum(act)

    @pl.when(i == pl.num_programs(0) - 1)
    def _fin():
        loss_ref[0, 0] = acc_ref[0] / (acc_ref[1] + 1e-9)


def _loss(logits2, samples2, seg_col):
    bm = 512
    return pl.pallas_call(
        _loss_body,
        grid=(_BN // bm,),
        in_specs=[
            pl.BlockSpec((bm, _S), lambda i: (i, 0)),
            pl.BlockSpec((bm, _S), lambda i: (i, 0)),
            pl.BlockSpec((bm, 1), lambda i: (i, 0)),
        ],
        out_specs=pl.BlockSpec(memory_space=pltpu.SMEM),
        out_shape=jax.ShapeDtypeStruct((1, 1), jnp.float32),
        scratch_shapes=[pltpu.SMEM((2,), jnp.float32)],
    )(logits2, samples2, seg_col)


def _phase(d):
    return divmod(d - 1, 2)


def kernel(img, w_stem1, w_stem2, wq1, wq2, wk1, wk2, segment_target):
    xn = _normalize(img)

    xr = xn.reshape(_B, 3, 128, 2, 128, 2)
    xp1 = jnp.pad(xr, ((0, 0), (0, 0), (1, 0), (0, 0), (1, 0), (0, 0)))
    tap_slices = []
    for dy in range(3):
        u, p = _phase(dy)
        for dx in range(3):
            v, q = _phase(dx)
            for c in range(3):
                tap_slices.append(
                    xp1[:, c, 1 + u:129 + u, p, 1 + v:129 + v, q])
    patches1 = jnp.stack(tap_slices).reshape(27, _B * 128 * 128)
    w1 = jnp.transpose(w_stem1, (2, 3, 1, 0)).reshape(27, 64)
    f1 = _conv1(patches1, w1)

    f1r = f1.reshape(_B, 64, 2, 64, 2, 64)
    fp2 = jnp.pad(f1r, ((0, 0), (1, 0), (0, 0), (1, 0), (0, 0), (0, 0)))
    tap2 = []
    for dy in range(3):
        u, p = _phase(dy)
        for dx in range(3):
            v, q = _phase(dx)
            tap2.append(fp2[:, 1 + u:65 + u, p, 1 + v:65 + v, q, :])
    p2 = jnp.stack(tap2).reshape(9, _BN, 64)
    w2s = jnp.transpose(w_stem2, (2, 3, 1, 0)).reshape(9, 64, 256)
    w2s = w2s.astype(jnp.bfloat16)
    wq1m = jnp.transpose(wq1.reshape(64, 256), (1, 0)).astype(jnp.bfloat16)
    wq2m = jnp.transpose(wq2.reshape(32, 64), (1, 0)).astype(jnp.bfloat16)
    wk1m = jnp.transpose(wk1.reshape(64, 256), (1, 0)).astype(jnp.bfloat16)
    wk2m = jnp.transpose(wk2.reshape(32, 64), (1, 0)).astype(jnp.bfloat16)
    qf, kf = _heads(p2, w2s, wq1m, wq2m, wk1m, wk2m)

    qf3 = qf.reshape(_B, _N, 32)
    kT = jnp.transpose(kf.reshape(_B, _N, 32), (0, 2, 1))
    scoresw = _scores(qf3, kT).reshape(_BN, _N // 2)

    indsw = jnp.asarray(_sample_inds_packed())
    seg = segment_target[:, 0, ::4, ::4].reshape(_B, _N)
    logits2, samples2 = _sc_gather(scoresw, indsw, seg)

    loss = _loss(logits2, samples2, seg.reshape(_BN, 1))

    return logits2.reshape(_B, _N, _S), loss.reshape(())

# --- scband reference (transcript-rebuilt; emitter-appended) ---
"""Pipeline reference for scband-eisen-4260607558105 (READ-ONLY COPY).

The authoritative reference and input builder live on the scoring server;
editing this copy changes nothing except your own understanding.
"""

import jax, jax.numpy as jnp
import numpy as np

KWIN = 25
S = 1024

def _conv(x, w, stride, pad):
    return jax.lax.conv_general_dilated(x, w, (stride, stride), [(pad, pad), (pad, pad)], dimension_numbers=('NCHW', 'OIHW', 'NCHW'))

def _local_indices(H, W, K):
    r = K // 2
    d = np.arange(-r, r + 1)
    ci = np.clip(np.arange(H)[:, None] + d[None, :], 0, H - 1)
    cj = np.clip(np.arange(W)[:, None] + d[None, :], 0, W - 1)
    idx = (ci[:, None, :, None] * W + cj[None, :, None, :]).reshape(H * W, K * K)
    return jnp.asarray(idx, dtype=jnp.int32)

def _sample_inds(B, H, W):
    N = H * W
    local = jnp.broadcast_to(_local_indices(H, W, KWIN)[None], (B, N, KWIN * KWIN))
    n_rand = S - KWIN * KWIN
    rnd = jax.random.randint(jax.random.key(42), (B, N, n_rand), 0, N, dtype=jnp.int32)
    return jnp.concatenate([local, rnd], axis=-1)

def _forward(img, w_stem1, w_stem2, wq1, wq2, wk1, wk2, segment_target):
    mean = jnp.array([123.675, 116.28, 103.53], jnp.float32).reshape(1, 3, 1, 1)
    std = jnp.array([58.395, 57.12, 57.375], jnp.float32).reshape(1, 3, 1, 1)
    x = (img - mean) / std
    f = jax.nn.relu(_conv(x, w_stem1, 2, 1))
    f = jax.nn.relu(_conv(f, w_stem2, 2, 1))
    k = _conv(jax.nn.relu(_conv(f, wk1, 1, 0)), wk2, 1, 0)
    q = _conv(jax.nn.relu(_conv(f, wq1, 1, 0)), wq2, 1, 0)
    B, C, H, W = k.shape
    N = H * W
    kf = jnp.transpose(k.reshape(B, C, N), (0, 2, 1))
    qf = jnp.transpose(q.reshape(B, C, N), (0, 2, 1))
    sample_inds = _sample_inds(B, H, W)
    full = jnp.einsum('bnc,bmc->bnm', qf, kf)
    logits = jnp.take_along_axis(full, sample_inds, axis=2) * (C ** (-0.5))
    seg = segment_target[:, 0, ::4, ::4].reshape(B, N)
    samples = jax.vmap(lambda s, idx: s[idx])(seg, sample_inds)
    targets = (seg[:, :, None] == samples).astype(jnp.float32)
    mask = (seg[:, :, None] != 0).astype(jnp.float32)
    mx = jnp.max(logits, axis=-1, keepdims=True)
    ex = jnp.exp(logits - mx)
    den = jnp.sum(ex * mask, axis=-1, keepdims=True)
    y_pred = ex * mask / (den + 1e-12)
    y_pred_log = jnp.log(jnp.clip(y_pred, 1e-8, None))
    y_true = targets / (jnp.sum(targets, axis=-1, keepdims=True) + 1e-9)
    kl = jnp.where(y_true > 0, y_true * (jnp.log(jnp.clip(y_true, 1e-30, None)) - y_pred_log), 0.0) * mask
    kl = jnp.sum(kl, axis=-1)
    agg = (mask[..., 0] > 0).astype(jnp.float32)
    loss = jnp.sum(kl) / (jnp.sum(agg) + 1e-9)
    return logits, loss

def setup_inputs(seed: int = 0):
    key = jax.random.key(seed)
    ks = jax.random.split(key, 8)
    img = jax.random.normal(ks[0], (2, 3, 256, 256), dtype=jnp.float32) * 60.0 + 115.0
    segment_target = jax.random.randint(ks[1], (2, 1, 256, 256), 0, 64, dtype=jnp.int32)
    w_stem1 = jax.random.normal(ks[2], (64, 3, 3, 3), dtype=jnp.float32) * 0.1
    w_stem2 = jax.random.normal(ks[3], (256, 64, 3, 3), dtype=jnp.float32) * 0.04
    wq1 = jax.random.normal(ks[4], (64, 256, 1, 1), dtype=jnp.float32) * 0.06
    wq2 = jax.random.normal(ks[5], (32, 64, 1, 1), dtype=jnp.float32) * 0.12
    wk1 = jax.random.normal(ks[6], (64, 256, 1, 1), dtype=jnp.float32) * 0.06
    wk2 = jax.random.normal(ks[7], (32, 64, 1, 1), dtype=jnp.float32) * 0.12
    return {"img": img, "w_stem1": w_stem1, "w_stem2": w_stem2, "wq1": wq1, "wq2": wq2, "wk1": wk1, "wk2": wk2, "segment_target": segment_target}

def reference(img, w_stem1, w_stem2, wq1, wq2, wk1, wk2, segment_target):
    return _forward(img, w_stem1, w_stem2, wq1, wq2, wk1, wk2, segment_target)

if __name__ == "__main__":
    import jax
    _d = setup_inputs()
    print(jax.jit(kernel)(*tuple(_d.values())))

</pallas_src>

<mosaic_0001>
#map = affine_map<(d0, d1) -> (0, 0)>
module attributes {stable_mosaic.version = 14 : i64} {
  func.func @k(%arg0: i32, %arg1: i32, %arg2: memref<8192x2048xi32, #tpu.memory_space<hbm>>, %arg3: memref<8192x512xi32, #tpu.memory_space<hbm>>, %arg4: memref<2x4096xi32, #tpu.memory_space<hbm>>, %arg5: memref<8192x1024xf32, #tpu.memory_space<hbm>>, %arg6: memref<8192x1024xi32, #tpu.memory_space<hbm>>, %arg7: memref<2048xi32, #tpu.memory_space<vmem>>, %arg8: memref<2048xi32, #tpu.memory_space<vmem>>, %arg9: memref<512xi32, #tpu.memory_space<vmem>>, %arg10: memref<512xi32, #tpu.memory_space<vmem>>, %arg11: memref<1024xf32, #tpu.memory_space<vmem>>, %arg12: memref<1024xf32, #tpu.memory_space<vmem>>, %arg13: memref<1024xi32, #tpu.memory_space<vmem>>, %arg14: memref<1024xi32, #tpu.memory_space<vmem>>, %arg15: memref<4096xi32, #tpu.memory_space<vmem>>, %arg16: memref<!tpu.dma_semaphore, #tpu.memory_space<semaphore_mem>>, %arg17: memref<!tpu.dma_semaphore, #tpu.memory_space<semaphore_mem>>, %arg18: memref<!tpu.dma_semaphore, #tpu.memory_space<semaphore_mem>>, %arg19: memref<!tpu.dma_semaphore, #tpu.memory_space<semaphore_mem>>, %arg20: memref<!tpu.dma_semaphore, #tpu.memory_space<semaphore_mem>>, %arg21: memref<!tpu.dma_semaphore, #tpu.memory_space<semaphore_mem>>, %arg22: memref<!tpu.dma_semaphore, #tpu.memory_space<semaphore_mem>>, %arg23: memref<!tpu.dma_semaphore, #tpu.memory_space<semaphore_mem>>) attributes {dimension_semantics = [#tpu.dimension_semantics<core_parallel>, #tpu.dimension_semantics<subcore_parallel>], iteration_bounds = array<i64: 2, 16>, scalar_prefetch = 0 : i64, scratch_operands = 17 : i64, tpu.core_type = #tpu.core_type<sc_vector_subcore>, window_params = [{transform_indices = #map}, {transform_indices = #map}, {transform_indices = #map}, {transform_indices = #map}, {transform_indices = #map}]} {
    %mul3A = arith.constant 2 : i32
    %mul3A_0 = arith.muli %arg1, %mul3A : i32
    %add3A = arith.addi %mul3A_0, %arg0 : i32
    %mul3A_1 = arith.constant 256 : i32
    %mul3A_2 = arith.muli %add3A, %mul3A_1 : i32
    %jit3A = arith.constant 16 : i32
    %div3A = arith.divsi %add3A, %jit3A : i32
    %sign3A = arith.constant 0 : i32
    %sign3A_3 = arith.cmpi sgt, %add3A, %sign3A : i32
    %sign3A_4 = arith.extui %sign3A_3 : i1 to i32
    %sign3A_5 = arith.constant 0 : i32
    %sign3A_6 = arith.cmpi slt, %add3A, %sign3A_5 : i32
    %sign3A_7 = arith.extui %sign3A_6 : i1 to i32
    %sign3A_8 = arith.subi %sign3A_4, %sign3A_7 : i32
    %sign3A_9 = arith.constant 0 : i32
    %sign3A_10 = arith.cmpi sgt, %jit3A, %sign3A_9 : i32
    %sign3A_11 = arith.extui %sign3A_10 : i1 to i32
    %sign3A_12 = arith.constant 0 : i32
    %sign3A_13 = arith.cmpi slt, %jit3A, %sign3A_12 : i32
    %sign3A_14 = arith.extui %sign3A_13 : i1 to i32
    %sign3A_15 = arith.subi %sign3A_11, %sign3A_14 : i32
    %ne3A = arith.cmpi ne, %sign3A_8, %sign3A_15 : i32
    %rem3A = arith.remsi %add3A, %jit3A : i32
    %ne3A_16 = arith.constant 0 : i32
    %ne3A_17 = arith.cmpi ne, %rem3A, %ne3A_16 : i32
    %and3A = arith.andi %ne3A, %ne3A_17 : i1
    %sub3A = arith.constant 1 : i32
    %sub3A_18 = arith.subi %div3A, %sub3A : i32
    %select_n3A = arith.select %and3A, %sub3A_18, %div3A : i32
    "tpu.region"() ({
      %run_scoped3A = tpu.sem_alloc : memref<!tpu.dma_semaphore, #tpu.memory_space<semaphore_mem>>
      %dma_start3A_74 = arith.constant 0 : i32
      %dma_start3A_75 = tpu.memref_slice %arg4[%select_n3A, %dma_start3A_74] : memref<2x4096xi32, #tpu.memory_space<hbm>> -> memref<1x4096xi32, #tpu.memory_space<hbm>>
      %dma_start3A_76 = tpu.memref_squeeze %dma_start3A_75 : memref<1x4096xi32, #tpu.memory_space<hbm>> -> memref<4096xi32, #tpu.memory_space<hbm>>
      %dma_start3A_77 = arith.constant 0 : i32
      %dma_start3A_78 = tpu.memref_slice %arg4[%select_n3A, %dma_start3A_77] : memref<2x4096xi32, #tpu.memory_space<hbm>> -> memref<1x4096xi32, #tpu.memory_space<hbm>>
      %dma_start3A_79 = tpu.memref_squeeze %dma_start3A_78 : memref<1x4096xi32, #tpu.memory_space<hbm>> -> memref<4096xi32, #tpu.memory_space<hbm>>
      tpu.enqueue_dma source(%dma_start3A_79 : memref<4096xi32, #tpu.memory_space<hbm>>) target(%arg15 : memref<4096xi32, #tpu.memory_space<vmem>>) target_semaphore(%run_scoped3A : memref<!tpu.dma_semaphore, #tpu.memory_space<semaphore_mem>>)
      %dma_wait3A_80 = arith.constant 0 : i32
      %dma_wait3A_81 = tpu.memref_slice %arg4[%select_n3A, %dma_wait3A_80] : memref<2x4096xi32, #tpu.memory_space<hbm>> -> memref<1x4096xi32, #tpu.memory_space<hbm>>
      %dma_wait3A_82 = tpu.memref_squeeze %dma_wait3A_81 : memref<1x4096xi32, #tpu.memory_space<hbm>> -> memref<4096xi32, #tpu.memory_space<hbm>>
      %dma_wait3A_83 = arith.constant 0 : i32
      %dma_wait3A_84 = tpu.memref_slice %arg4[%select_n3A, %dma_wait3A_83] : memref<2x4096xi32, #tpu.memory_space<hbm>> -> memref<1x4096xi32, #tpu.memory_space<hbm>>
      %dma_wait3A_85 = tpu.memref_squeeze %dma_wait3A_84 : memref<1x4096xi32, #tpu.memory_space<hbm>> -> memref<4096xi32, #tpu.memory_space<hbm>>
      tpu.wait_dma2 semaphore(%run_scoped3A : memref<!tpu.dma_semaphore, #tpu.memory_space<semaphore_mem>>) src(%dma_wait3A_85 : memref<4096xi32, #tpu.memory_space<hbm>>) dst(%arg15 : memref<4096xi32, #tpu.memory_space<vmem>>)
      tpu.yield
    }) : () -> ()
    %dma_start3A = arith.constant 0 : i32
    %dma_start3A_19 = tpu.memref_slice %arg2[%mul3A_2, %dma_start3A] : memref<8192x2048xi32, #tpu.memory_space<hbm>> -> memref<1x2048xi32, #tpu.memory_space<hbm>>
    %dma_start3A_20 = tpu.memref_squeeze %dma_start3A_19 : memref<1x2048xi32, #tpu.memory_space<hbm>> -> memref<2048xi32, #tpu.memory_space<hbm>>
    %dma_start3A_21 = arith.constant 0 : i32
    %dma_start3A_22 = tpu.memref_slice %arg2[%mul3A_2, %dma_start3A_21] : memref<8192x2048xi32, #tpu.memory_space<hbm>> -> memref<1x2048xi32, #tpu.memory_space<hbm>>
    %dma_start3A_23 = tpu.memref_squeeze %dma_start3A_22 : memref<1x2048xi32, #tpu.memory_space<hbm>> -> memref<2048xi32, #tpu.memory_space<hbm>>
    tpu.enqueue_dma source(%dma_start3A_23 : memref<2048xi32, #tpu.memory_space<hbm>>) target(%arg7 : memref<2048xi32, #tpu.memory_space<vmem>>) target_semaphore(%arg16 : memref<!tpu.dma_semaphore, #tpu.memory_space<semaphore_mem>>)
    %dma_start3A_24 = arith.constant 0 : i32
    %dma_start3A_25 = tpu.memref_slice %arg3[%mul3A_2, %dma_start3A_24] : memref<8192x512xi32, #tpu.memory_space<hbm>> -> memref<1x512xi32, #tpu.memory_space<hbm>>
    %dma_start3A_26 = tpu.memref_squeeze %dma_start3A_25 : memref<1x512xi32, #tpu.memory_space<hbm>> -> memref<512xi32, #tpu.memory_space<hbm>>
    %dma_start3A_27 = arith.constant 0 : i32
    %dma_start3A_28 = tpu.memref_slice %arg3[%mul3A_2, %dma_start3A_27] : memref<8192x512xi32, #tpu.memory_space<hbm>> -> memref<1x512xi32, #tpu.memory_space<hbm>>
    %dma_start3A_29 = tpu.memref_squeeze %dma_start3A_28 : memref<1x512xi32, #tpu.memory_space<hbm>> -> memref<512xi32, #tpu.memory_space<hbm>>
    tpu.enqueue_dma source(%dma_start3A_29 : memref<512xi32, #tpu.memory_space<hbm>>) target(%arg9 : memref<512xi32, #tpu.memory_space<vmem>>) target_semaphore(%arg18 : memref<!tpu.dma_semaphore, #tpu.memory_space<semaphore_mem>>)
    %scan3A = arith.constant 0 : i32
    %scan3A_30 = arith.constant 0 : i32
    %scan3A_31 = arith.constant 128 : i32
    %scan3A_32 = arith.addi %scan3A_30, %scan3A_31 : i32
    %scan3A_33 = arith.constant 1 : i32
    scf.for %scan3A_74 = %scan3A_30 to %scan3A_32 step %scan3A_33  : i32 {
      %mul3A_75 = arith.constant 2 : i32
      %mul3A_76 = arith.muli %scan3A_74, %mul3A_75 : i32
      %add3A_77 = arith.constant 0 : i32
      %add3A_78 = arith.addi %mul3A_76, %add3A_77 : i32
      %add3A_79 = arith.addi %mul3A_2, %add3A_78 : i32
      %add3A_80 = arith.constant 1 : i32
      %add3A_81 = arith.addi %add3A_78, %add3A_80 : i32
      %lt3A = arith.constant 256 : i32
      %lt3A_82 = arith.cmpi slt, %add3A_81, %lt3A : i32
      %convert_element_type3A = arith.extui %lt3A_82 : i1 to i32
      %cond3A = arith.constant 0 : i32
      %cond3A_83 = arith.cmpi ne, %convert_element_type3A, %cond3A : i32
      scf.if %cond3A_83 {
        %add3A_3219 = arith.constant 1 : i32
        %add3A_3220 = arith.addi %add3A_79, %add3A_3219 : i32
        %dma_start3A_3221 = arith.constant 0 : i32
        %dma_start3A_3222 = tpu.memref_slice %arg2[%add3A_3220, %dma_start3A_3221] : memref<8192x2048xi32, #tpu.memory_space<hbm>> -> memref<1x2048xi32, #tpu.memory_space<hbm>>
        %dma_start3A_3223 = tpu.memref_squeeze %dma_start3A_3222 : memref<1x2048xi32, #tpu.memory_space<hbm>> -> memref<2048xi32, #tpu.memory_space<hbm>>
        %dma_start3A_3224 = arith.constant 0 : i32
        %dma_start3A_3225 = tpu.memref_slice %arg2[%add3A_3220, %dma_start3A_3224] : memref<8192x2048xi32, #tpu.memory_space<hbm>> -> memref<1x2048xi32, #tpu.memory_space<hbm>>
        %dma_start3A_3226 = tpu.memref_squeeze %dma_start3A_3225 : memref<1x2048xi32, #tpu.memory_space<hbm>> -> memref<2048xi32, #tpu.memory_space<hbm>>
        tpu.enqueue_dma source(%dma_start3A_3226 : memref<2048xi32, #tpu.memory_space<hbm>>) target(%arg8 : memref<2048xi32, #tpu.memory_space<vmem>>) target_semaphore(%arg17 : memref<!tpu.dma_semaphore, #tpu.memory_space<semaphore_mem>>)
        %add3A_3227 = arith.constant 1 : i32
        %add3A_3228 = arith.addi %add3A_79, %add3A_3227 : i32
        %dma_start3A_3229 = arith.constant 0 : i32
        %dma_start3A_3230 = tpu.memref_slice %arg3[%add3A_3228, %dma_start3A_3229] : memref<8192x512xi32, #tpu.memory_space<hbm>> -> memref<1x512xi32, #tpu.memory_space<hbm>>
        %dma_start3A_3231 = tpu.memref_squeeze %dma_start3A_3230 : memref<1x512xi32, #tpu.memory_space<hbm>> -> memref<512xi32, #tpu.memory_space<hbm>>
        %dma_start3A_3232 = arith.constant 0 : i32
        %dma_start3A_3233 = tpu.memref_slice %arg3[%add3A_3228, %dma_start3A_3232] : memref<8192x512xi32, #tpu.memory_space<hbm>> -> memref<1x512xi32, #tpu.memory_space<hbm>>
        %dma_start3A_3234 = tpu.memref_squeeze %dma_start3A_3233 : memref<1x512xi32, #tpu.memory_space<hbm>> -> memref<512xi32, #tpu.memory_space<hbm>>
        tpu.enqueue_dma source(%dma_start3A_3234 : memref<512xi32, #tpu.memory_space<hbm>>) target(%arg10 : memref<512xi32, #tpu.memory_space<vmem>>) target_semaphore(%arg19 : memref<!tpu.dma_semaphore, #tpu.memory_space<semaphore_mem>>)
      } else {
      }
      %dma_wait3A_84 = arith.constant 0 : i32
      %dma_wait3A_85 = tpu.memref_slice %arg2[%add3A_79, %dma_wait3A_84] : memref<8192x2048xi32, #tpu.memory_space<hbm>> -> memref<1x2048xi32, #tpu.memory_space<hbm>>
      %dma_wait3A_86 = tpu.memref_squeeze %dma_wait3A_85 : memref<1x2048xi32, #tpu.memory_space<hbm>> -> memref<2048xi32, #tpu.memory_space<hbm>>
      %dma_wait3A_87 = arith.constant 0 : i32
      %dma_wait3A_88 = tpu.memref_slice %arg2[%add3A_79, %dma_wait3A_87] : memref<8192x2048xi32, #tpu.memory_space<hbm>> -> memref<1x2048xi32, #tpu.memory_space<hbm>>
      %dma_wait3A_89 = tpu.memref_squeeze %dma_wait3A_88 : memref<1x2048xi32, #tpu.memory_space<hbm>> -> memref<2048xi32, #tpu.memory_space<hbm>>
      tpu.wait_dma2 semaphore(%arg16 : memref<!tpu.dma_semaphore, #tpu.memory_space<semaphore_mem>>) src(%dma_wait3A_89 : memref<2048xi32, #tpu.memory_space<hbm>>) dst(%arg7 : memref<2048xi32, #tpu.memory_space<vmem>>)
      %dma_wait3A_90 = arith.constant 0 : i32
      %dma_wait3A_91 = tpu.memref_slice %arg3[%add3A_79, %dma_wait3A_90] : memref<8192x512xi32, #tpu.memory_space<hbm>> -> memref<1x512xi32, #tpu.memory_space<hbm>>
      %dma_wait3A_92 = tpu.memref_squeeze %dma_wait3A_91 : memref<1x512xi32, #tpu.memory_space<hbm>> -> memref<512xi32, #tpu.memory_space<hbm>>
      %dma_wait3A_93 = arith.constant 0 : i32
      %dma_wait3A_94 = tpu.memref_slice %arg3[%add3A_79, %dma_wait3A_93] : memref<8192x512xi32, #tpu.memory_space<hbm>> -> memref<1x512xi32, #tpu.memory_space<hbm>>
      %dma_wait3A_95 = tpu.memref_squeeze %dma_wait3A_94 : memref<1x512xi32, #tpu.memory_space<hbm>> -> memref<512xi32, #tpu.memory_space<hbm>>
      tpu.wait_dma2 semaphore(%arg18 : memref<!tpu.dma_semaphore, #tpu.memory_space<semaphore_mem>>) src(%dma_wait3A_95 : memref<512xi32, #tpu.memory_space<hbm>>) dst(%arg9 : memref<512xi32, #tpu.memory_space<vmem>>)
      %ge3A = arith.constant 2 : i32
      %ge3A_96 = arith.cmpi sge, %add3A_78, %ge3A : i32
      %convert_element_type3A_97 = arith.extui %ge3A_96 : i1 to i32
      %cond3A_98 = arith.constant 0 : i32
      %cond3A_99 = arith.cmpi ne, %convert_element_type3A_97, %cond3A_98 : i32
      scf.if %cond3A_99 {
        %sub3A_3219 = arith.constant 2 : i32
        %sub3A_3220 = arith.subi %add3A_79, %sub3A_3219 : i32
        %dma_wait3A_3221 = arith.constant 0 : i32
        %dma_wait3A_3222 = tpu.memref_slice %arg5[%sub3A_3220, %dma_wait3A_3221] : memref<8192x1024xf32, #tpu.memory_space<hbm>> -> memref<1x1024xf32, #tpu.memory_space<hbm>>
        %dma_wait3A_3223 = tpu.memref_squeeze %dma_wait3A_3222 : memref<1x1024xf32, #tpu.memory_space<hbm>> -> memref<1024xf32, #tpu.memory_space<hbm>>
        %dma_wait3A_3224 = arith.constant 0 : i32
        %dma_wait3A_3225 = tpu.memref_slice %arg5[%sub3A_3220, %dma_wait3A_3224] : memref<8192x1024xf32, #tpu.memory_space<hbm>> -> memref<1x1024xf32, #tpu.memory_space<hbm>>
        %dma_wait3A_3226 = tpu.memref_squeeze %dma_wait3A_3225 : memref<1x1024xf32, #tpu.memory_space<hbm>> -> memref<1024xf32, #tpu.memory_space<hbm>>
        tpu.wait_dma2 semaphore(%arg20 : memref<!tpu.dma_semaphore, #tpu.memory_space<semaphore_mem>>) src(%arg11 : memref<1024xf32, #tpu.memory_space<vmem>>) dst(%dma_wait3A_3226 : memref<1024xf32, #tpu.memory_space<hbm>>)
        %sub3A_3227 = arith.constant 2 : i32
        %sub3A_3228 = arith.subi %add3A_79, %sub3A_3227 : i32
        %dma_wait3A_3229 = arith.constant 0 : i32
        %dma_wait3A_3230 = tpu.memref_slice %arg6[%sub3A_3228, %dma_wait3A_3229] : memref<8192x1024xi32, #tpu.memory_space<hbm>> -> memref<1x1024xi32, #tpu.memory_space<hbm>>
        %dma_wait3A_3231 = tpu.memref_squeeze %dma_wait3A_3230 : memref<1x1024xi32, #tpu.memory_space<hbm>> -> memref<1024xi32, #tpu.memory_space<hbm>>
        %dma_wait3A_3232 = arith.constant 0 : i32
        %dma_wait3A_3233 = tpu.memref_slice %arg6[%sub3A_3228, %dma_wait3A_3232] : memref<8192x1024xi32, #tpu.memory_space<hbm>> -> memref<1x1024xi32, #tpu.memory_space<hbm>>
        %dma_wait3A_3234 = tpu.memref_squeeze %dma_wait3A_3233 : memref<1x1024xi32, #tpu.memory_space<hbm>> -> memref<1024xi32, #tpu.memory_space<hbm>>
        tpu.wait_dma2 semaphore(%arg22 : memref<!tpu.dma_semaphore, #tpu.memory_space<semaphore_mem>>) src(%arg13 : memref<1024xi32, #tpu.memory_space<vmem>>) dst(%dma_wait3A_3234 : memref<1024xi32, #tpu.memory_space<hbm>>)
      } else {
      }
      %get3A = arith.constant 0 : index
      %get3A_100 = tpu.vector_load %arg9[%get3A] {strides = array<i32>} : memref<512xi32, #tpu.memory_space<vmem>>, vector<16xi32>,
      %and3A_101 = arith.constant 65535 : i32
      %and3A_102 = vector.broadcast %and3A_101 : i32 to vector<16xi32>
      %and3A_103 = arith.andi %get3A_100, %and3A_102 : vector<16xi32>
      %shift_right_logical3A = arith.constant 16 : i32
      %shift_right_logical3A_104 = vector.broadcast %shift_right_logical3A : i32 to vector<16xi32>
      %shift_right_logical3A_105 = arith.shrui %get3A_100, %shift_right_logical3A_104 : vector<16xi32>
      %and3A_106 = arith.constant 2047 : i32
      %and3A_107 = vector.broadcast %and3A_106 : i32 to vector<16xi32>
      %and3A_108 = arith.andi %and3A_103, %and3A_107 : vector<16xi32>
      %gather3A = tpu.vector_load_idx %arg7[%and3A_108] : memref<2048xi32, #tpu.memory_space<vmem>>[vector<16xi32>], vector<16xi32>,
      %and3A_109 = arith.constant 2047 : i32
      %and3A_110 = vector.broadcast %and3A_109 : i32 to vector<16xi32>
      %and3A_111 = arith.andi %shift_right_logical3A_105, %and3A_110 : vector<16xi32>
      %gather3A_112 = tpu.vector_load_idx %arg7[%and3A_111] : memref<2048xi32, #tpu.memory_space<vmem>>[vector<16xi32>], vector<16xi32>,
      %shift_right_logical3A_113 = arith.constant 11 : i32
      %shift_right_logical3A_114 = vector.broadcast %shift_right_logical3A_113 : i32 to vector<16xi32>
      %shift_right_logical3A_115 = arith.shrui %and3A_103, %shift_right_logical3A_114 : vector<16xi32>
      %shift_left3A = arith.constant 4 : i32
      %shift_left3A_116 = vector.broadcast %shift_left3A : i32 to vector<16xi32>
      %shift_left3A_117 = arith.shli %shift_right_logical3A_115, %shift_left3A_116 : vector<16xi32>
      %shift_right_logical3A_118 = arith.constant 11 : i32
      %shift_right_logical3A_119 = vector.broadcast %shift_right_logical3A_118 : i32 to vector<16xi32>
      %shift_right_logical3A_120 = arith.shrui %shift_right_logical3A_105, %shift_right_logical3A_119 : vector<16xi32>
      %shift_left3A_121 = arith.constant 4 : i32
      %shift_left3A_122 = vector.broadcast %shift_left3A_121 : i32 to vector<16xi32>
      %shift_left3A_123 = arith.shli %shift_right_logical3A_120, %shift_left3A_122 : vector<16xi32>
      %shift_right_logical3A_124 = arith.shrui %gather3A, %shift_left3A_117 : vector<16xi32>
      %shift_left3A_125 = arith.constant 16 : i32
      %shift_left3A_126 = vector.broadcast %shift_left3A_125 : i32 to vector<16xi32>
      %shift_left3A_127 = arith.shli %shift_right_logical3A_124, %shift_left3A_126 : vector<16xi32>
      %bitcast3A = vector.bitcast %shift_left3A_127 : vector<16xi32> to vector<16xf32>
      %shift_right_logical3A_128 = arith.shrui %gather3A_112, %shift_left3A_123 : vector<16xi32>
      %shift_left3A_129 = arith.constant 16 : i32
      %shift_left3A_130 = vector.broadcast %shift_left3A_129 : i32 to vector<16xi32>
      %shift_left3A_131 = arith.shli %shift_right_logical3A_128, %shift_left3A_130 : vector<16xi32>
      %bitcast3A_132 = vector.bitcast %shift_left3A_131 : vector<16xi32> to vector<16xf32>
      %swap3A = arith.constant 0 : index
      %swap3A_133 = tpu.vector_load %arg11[%swap3A] {strides = array<i32>} : memref<1024xf32, #tpu.memory_space<vmem>>, vector<16xf32>,
      tpu.vector_store %arg11[%swap3A], %bitcast3A {strides = array<i32>} : memref<1024xf32, #tpu.memory_space<vmem>>, vector<16xf32>,
      %swap3A_134 = arith.constant 16 : index
      %swap3A_135 = tpu.vector_load %arg11[%swap3A_134] {strides = array<i32>} : memref<1024xf32, #tpu.memory_space<vmem>>, vector<16xf32>,
      tpu.vector_store %arg11[%swap3A_134], %bitcast3A_132 {strides = array<i32>} : memref<1024xf32, #tpu.memory_space<vmem>>, vector<16xf32>,
      %gather3A_136 = tpu.vector_load_idx %arg15[%and3A_103] : memref<4096xi32, #tpu.memory_space<vmem>>[vector<16xi32>], vector<16xi32>,
      %gather3A_137 = tpu.vector_load_idx %arg15[%shift_right_logical3A_105] : memref<4096xi32, #tpu.memory_space<vmem>>[vector<16xi32>], vector<16xi32>,
      %swap3A_138 = arith.constant 0 : index
      %swap3A_139 = tpu.vector_load %arg13[%swap3A_138] {strides = array<i32>} : memref<1024xi32, #tpu.memory_space<vmem>>, vector<16xi32>,
      tpu.vector_store %arg13[%swap3A_138], %gather3A_136 {strides = array<i32>} : memref<1024xi32, #tpu.memory_space<vmem>>, vector<16xi32>,
      %swap3A_140 = arith.constant 16 : index
      %swap3A_141 = tpu.vector_load %arg13[%swap3A_140] {strides = array<i32>} : memref<1024xi32, #tpu.memory_space<vmem>>, vector<16xi32>,
      tpu.vector_store %arg13[%swap3A_140], %gather3A_137 {strides = array<i32>} : memref<1024xi32, #tpu.memory_space<vmem>>, vector<16xi32>,
      %get3A_142 = arith.constant 16 : index
      %get3A_143 = tpu.vector_load %arg9[%get3A_142] {strides = array<i32>} : memref<512xi32, #tpu.memory_space<vmem>>, vector<16xi32>,
      %and3A_144 = arith.constant 65535 : i32
      %and3A_145 = vector.broadcast %and3A_144 : i32 to vector<16xi32>
      %and3A_146 = arith.andi %get3A_143, %and3A_145 : vector<16xi32>
      %shift_right_logical3A_147 = arith.constant 16 : i32
      %shift_right_logical3A_148 = vector.broadcast %shift_right_logical3A_147 : i32 to vector<16xi32>
      %shift_right_logical3A_149 = arith.shrui %get3A_143, %shift_right_logical3A_148 : vector<16xi32>
      %and3A_150 = arith.constant 2047 : i32
      %and3A_151 = vector.broadcast %and3A_150 : i32 to vector<16xi32>
      %and3A_152 = arith.andi %and3A_146, %and3A_151 : vector<16xi32>
      %gather3A_153 = tpu.vector_load_idx %arg7[%and3A_152] : memref<2048xi32, #tpu.memory_space<vmem>>[vector<16xi32>], vector<16xi32>,
      %and3A_154 = arith.constant 2047 : i32
      %and3A_155 = vector.broadcast %and3A_154 : i32 to vector<16xi32>
      %and3A_156 = arith.andi %shift_right_logical3A_149, %and3A_155 : vector<16xi32>
      %gather3A_157 = tpu.vector_load_idx %arg7[%and3A_156] : memref<2048xi32, #tpu.memory_space<vmem>>[vector<16xi32>], vector<16xi32>,
      %shift_right_logical3A_158 = arith.constant 11 : i32
      %shift_right_logical3A_159 = vector.broadcast %shift_right_logical3A_158 : i32 to vector<16xi32>
      %shift_right_logical3A_160 = arith.shrui %and3A_146, %shift_right_logical3A_159 : vector<16xi32>
      %shift_left3A_161 = arith.constant 4 : i32
      %shift_left3A_162 = vector.broadcast %shift_left3A_161 : i32 to vector<16xi32>
      %shift_left3A_163 = arith.shli %shift_right_logical3A_160, %shift_left3A_162 : vector<16xi32>
      %shift_right_logical3A_164 = arith.constant 11 : i32
      %shift_right_logical3A_165 = vector.broadcast %shift_right_logical3A_164 : i32 to vector<16xi32>
      %shift_right_logical3A_166 = arith.shrui %shift_right_logical3A_149, %shift_right_logical3A_165 : vector<16xi32>
      %shift_left3A_167 = arith.constant 4 : i32
      %shift_left3A_168 = vector.broadcast %shift_left3A_167 : i32 to vector<16xi32>
      %shift_left3A_169 = arith.shli %shift_right_logical3A_166, %shift_left3A_168 : vector<16xi32>
      %shift_right_logical3A_170 = arith.shrui %gather3A_153, %shift_left3A_163 : vector<16xi32>
      %shift_left3A_171 = arith.constant 16 : i32
      %shift_left3A_172 = vector.broadcast %shift_left3A_171 : i32 to vector<16xi32>
      %shift_left3A_173 = arith.shli %shift_right_logical3A_170, %shift_left3A_172 : vector<16xi32>
      %bitcast3A_174 = vector.bitcast %shift_left3A_173 : vector<16xi32> to vector<16xf32>
      %shift_right_logical3A_175 = arith.shrui %gather3A_157, %shift_left3A_169 : vector<16xi32>
      %shift_left3A_176 = arith.constant 16 : i32
      %shift_left3A_177 = vector.broadcast %shift_left3A_176 : i32 to vector<16xi32>
      %shift_left3A_178 = arith.shli %shift_right_logical3A_175, %shift_left3A_177 : vector<16xi32>
      %bitcast3A_179 = vector.bitcast %shift_left3A_178 : vector<16xi32> to vector<16xf32>
      %swap3A_180 = arith.constant 32 : index
      %swap3A_181 = tpu.vector_load %arg11[%swap3A_180] {strides = array<i32>} : memref<1024xf32, #tpu.memory_space<vmem>>, vector<16xf32>,
      tpu.vector_store %arg11[%swap3A_180], %bitcast3A_174 {strides = array<i32>} : memref<1024xf32, #tpu.memory_space<vmem>>, vector<16xf32>,
      %swap3A_182 = arith.constant 48 : index
      %swap3A_183 = tpu.vector_load %arg11[%swap3A_182] {strides = array<i32>} : memref<1024xf32, #tpu.memory_space<vmem>>, vector<16xf32>,
      tpu.vector_store %arg11[%swap3A_182], %bitcast3A_179 {strides = array<i32>} : memref<1024xf32, #tpu.memory_space<vmem>>, vector<16xf32>,
      %gather3A_184 = tpu.vector_load_idx %arg15[%and3A_146] : memref<4096xi32, #tpu.memory_space<vmem>>[vector<16xi32>], vector<16xi32>,
      %gather3A_185 = tpu.vector_load_idx %arg15[%shift_right_logical3A_149] : memref<4096xi32, #tpu.memory_space<vmem>>[vector<16xi32>], vector<16xi32>,
      %swap3A_186 = arith.constant 32 : index
      %swap3A_187 = tpu.vector_load %arg13[%swap3A_186] {strides = array<i32>} : memref<1024xi32, #tpu.memory_space<vmem>>, vector<16xi32>,
      tpu.vector_store %arg13[%swap3A_186], %gather3A_184 {strides = array<i32>} : memref<1024xi32, #tpu.memory_space<vmem>>, vector<16xi32>,
      %swap3A_188 = arith.constant 48 : index
      %swap3A_189 = tpu.vector_load %arg13[%swap3A_188] {strides = array<i32>} : memref<1024xi32, #tpu.memory_space<vmem>>, vector<16xi32>,
      tpu.vector_store %arg13[%swap3A_188], %gather3A_185 {strides = array<i32>} : memref<1024xi32, #tpu.memory_space<vmem>>, vector<16xi32>,
      %get3A_190 = arith.constant 32 : index
      %get3A_191 = tpu.vector_load %arg9[%get3A_190] {strides = array<i32>} : memref<512xi32, #tpu.memory_space<vmem>>, vector<16xi32>,
      %and3A_192 = arith.constant 65535 : i32
      %and3A_193 = vector.broadcast %and3A_192 : i32 to vector<16xi32>
      %and3A_194 = arith.andi %get3A_191, %and3A_193 : vector<16xi32>
      %shift_right_logical3A_195 = arith.constant 16 : i32
      %shift_right_logical3A_196 = vector.broadcast %shift_right_logical3A_195 : i32 to vector<16xi32>
      %shift_right_logical3A_197 = arith.shrui %get3A_191, %shift_right_logical3A_196 : vector<16xi32>
      %and3A_198 = arith.constant 2047 : i32
      %and3A_199 = vector.broadcast %and3A_198 : i32 to vector<16xi32>
      %and3A_200 = arith.andi %and3A_194, %and3A_199 : vector<16xi32>
      %gather3A_201 = tpu.vector_load_idx %arg7[%and3A_200] : memref<2048xi32, #tpu.memory_space<vmem>>[vector<16xi32>], vector<16xi32>,
      %and3A_202 = arith.constant 2047 : i32
      %and3A_203 = vector.broadcast %and3A_202 : i32 to vector<16xi32>
      %and3A_204 = arith.andi %shift_right_logical3A_197, %and3A_203 : vector<16xi32>
      %gather3A_205 = tpu.vector_load_idx %arg7[%and3A_204] : memref<2048xi32, #tpu.memory_space<vmem>>[vector<16xi32>], vector<16xi32>,
      %shift_right_logical3A_206 = arith.constant 11 : i32
      %shift_right_logical3A_207 = vector.broadcast %shift_right_logical3A_206 : i32 to vector<16xi32>
      %shift_right_logical3A_208 = arith.shrui %and3A_194, %shift_right_logical3A_207 : vector<16xi32>
      %shift_left3A_209 = arith.constant 4 : i32
      %shift_left3A_210 = vector.broadcast %shift_left3A_209 : i32 to vector<16xi32>
      %shift_left3A_211 = arith.shli %shift_right_logical3A_208, %shift_left3A_210 : vector<16xi32>
      %shift_right_logical3A_212 = arith.constant 11 : i32
      %shift_right_logical3A_213 = vector.broadcast %shift_right_logical3A_212 : i32 to vector<16xi32>
      %shift_right_logical3A_214 = arith.shrui %shift_right_logical3A_197, %shift_right_logical3A_213 : vector<16xi32>
      %shift_left3A_215 = arith.constant 4 : i32
      %shift_left3A_216 = vector.broadcast %shift_left3A_215 : i32 to vector<16xi32>
      %shift_left3A_217 = arith.shli %shift_right_logical3A_214, %shift_left3A_216 : vector<16xi32>
      %shift_right_logical3A_218 = arith.shrui %gather3A_201, %shift_left3A_211 : vector<16xi32>
      %shift_left3A_219 = arith.constant 16 : i32
      %shift_left3A_220 = vector.broadcast %shift_left3A_219 : i32 to vector<16xi32>
      %shift_left3A_221 = arith.shli %shift_right_logical3A_218, %shift_left3A_220 : vector<16xi32>
      %bitcast3A_222 = vector.bitcast %shift_left3A_221 : vector<16xi32> to vector<16xf32>
      %shift_right_logical3A_223 = arith.shrui %gather3A_205, %shift_left3A_217 : vector<16xi32>
      %shift_left3A_224 = arith.constant 16 : i32
      %shift_left3A_225 = vector.broadcast %shift_left3A_224 : i32 to vector<16xi32>
      %shift_left3A_226 = arith.shli %shift_right_logical3A_223, %shift_left3A_225 : vector<16xi32>
      %bitcast3A_227 = vector.bitcast %shift_left3A_226 : vector<16xi32> to vector<16xf32>
      %swap3A_228 = arith.constant 64 : index
      %swap3A_229 = tpu.vector_load %arg11[%swap3A_228] {strides = array<i32>} : memref<1024xf32, #tpu.memory_space<vmem>>, vector<16xf32>,
      tpu.vector_store %arg11[%swap3A_228], %bitcast3A_222 {strides = array<i32>} : memref<1024xf32, #tpu.memory_space<vmem>>, vector<16xf32>,
      %swap3A_230 = arith.constant 80 : index
      %swap3A_231 = tpu.vector_load %arg11[%swap3A_230] {strides = array<i32>} : memref<1024xf32, #tpu.memory_space<vmem>>, vector<16xf32>,
      tpu.vector_store %arg11[%swap3A_230], %bitcast3A_227 {strides = array<i32>} : memref<1024xf32, #tpu.memory_space<vmem>>, vector<16xf32>,
      %gather3A_232 = tpu.vector_load_idx %arg15[%and3A_194] : memref<4096xi32, #tpu.memory_space<vmem>>[vector<16xi32>], vector<16xi32>,
      %gather3A_233 = tpu.vector_load_idx %arg15[%shift_right_logical3A_197] : memref<4096xi32, #tpu.memory_space<vmem>>[vector<16xi32>], vector<16xi32>,
      %swap3A_234 = arith.constant 64 : index
      %swap3A_235 = tpu.vector_load %arg13[%swap3A_234] {strides = array<i32>} : memref<1024xi32, #tpu.memory_space<vmem>>, vector<16xi32>,
      tpu.vector_store %arg13[%swap3A_234], %gather3A_232 {strides = array<i32>} : memref<1024xi32, #tpu.memory_space<vmem>>, vector<16xi32>,
      %swap3A_236 = arith.constant 80 : index
      %swap3A_237 = tpu.vector_load %arg13[%swap3A_236] {strides = array<i32>} : memref<1024xi32, #tpu.memory_space<vmem>>, vector<16xi32>,
      tpu.vector_store %arg13[%swap3A_236], %gather3A_233 {strides = array<i32>} : memref<1024xi32, #tpu.memory_space<vmem>>, vector<16xi32>,
      %get3A_238 = arith.constant 48 : index
      %get3A_239 = tpu.vector_load %arg9[%get3A_238] {strides = array<i32>} : memref<512xi32, #tpu.memory_space<vmem>>, vector<16xi32>,
      %and3A_240 = arith.constant 65535 : i32
      %and3A_241 = vector.broadcast %and3A_240 : i32 to vector<16xi32>
      %and3A_242 = arith.andi %get3A_239, %and3A_241 : vector<16xi32>
      %shift_right_logical3A_243 = arith.constant 16 : i32
      %shift_right_logical3A_244 = vector.broadcast %shift_right_logical3A_243 : i32 to vector<16xi32>
      %shift_right_logical3A_245 = arith.shrui %get3A_239, %shift_right_logical3A_244 : vector<16xi32>
      %and3A_246 = arith.constant 2047 : i32
      %and3A_247 = vector.broadcast %and3A_246 : i32 to vector<16xi32>
      %and3A_248 = arith.andi %and3A_242, %and3A_247 : vector<16xi32>
      %gather3A_249 = tpu.vector_load_idx %arg7[%and3A_248] : memref<2048xi32, #tpu.memory_space<vmem>>[vector<16xi32>], vector<16xi32>,
      %and3A_250 = arith.constant 2047 : i32
      %and3A_251 = vector.broadcast %and3A_250 : i32 to vector<16xi32>
      %and3A_252 = arith.andi %shift_right_logical3A_245, %and3A_251 : vector<16xi32>
      %gather3A_253 = tpu.vector_load_idx %arg7[%and3A_252] : memref<2048xi32, #tpu.memory_space<vmem>>[vector<16xi32>], vector<16xi32>,
      %shift_right_logical3A_254 = arith.constant 11 : i32
      %shift_right_logical3A_255 = vector.broadcast %shift_right_logical3A_254 : i32 to vector<16xi32>
      %shift_right_logical3A_256 = arith.shrui %and3A_242, %shift_right_logical3A_255 : vector<16xi32>
      %shift_left3A_257 = arith.constant 4 : i32
      %shift_left3A_258 = vector.broadcast %shift_left3A_257 : i32 to vector<16xi32>
      %shift_left3A_259 = arith.shli %shift_right_logical3A_256, %shift_left3A_258 : vector<16xi32>
      %shift_right_logical3A_260 = arith.constant 11 : i32
      %shift_right_logical3A_261 = vector.broadcast %shift_right_logical3A_260 : i32 to vector<16xi32>
      %shift_right_logical3A_262 = arith.shrui %shift_right_logical3A_245, %shift_right_logical3A_261 : vector<16xi32>
      %shift_left3A_263 = arith.constant 4 : i32
      %shift_left3A_264 = vector.broadcast %shift_left3A_263 : i32 to vector<16xi32>
      %shift_left3A_265 = arith.shli %shift_right_logical3A_262, %shift_left3A_264 : vector<16xi32>
      %shift_right_logical3A_266 = arith.shrui %gather3A_249, %shift_left3A_259 : vector<16xi32>
      %shift_left3A_267 = arith.constant 16 : i32
      %shift_left3A_268 = vector.broadcast %shift_left3A_267 : i32 to vector<16xi32>
      %shift_left3A_269 = arith.shli %shift_right_logical3A_266, %shift_left3A_268 : vector<16xi32>
      %bitcast3A_270 = vector.bitcast %shift_left3A_269 : vector<16xi32> to vector<16xf32>
      %shift_right_logical3A_271 = arith.shrui %gather3A_253, %shift_left3A_265 : vector<16xi32>
      %shift_left3A_272 = arith.constant 16 : i32
      %shift_left3A_273 = vector.broadcast %shift_left3A_272 : i32 to vector<16xi32>
      %shift_left3A_274 = arith.shli %shift_right_logical3A_271, %shift_left3A_273 : vector<16xi32>
      %bitcast3A_275 = vector.bitcast %shift_left3A_274 : vector<16xi32> to vector<16xf32>
      %swap3A_276 = arith.constant 96 : index
      %swap3A_277 = tpu.vector_load %arg11[%swap3A_276] {strides = array<i32>} : memref<1024xf32, #tpu.memory_space<vmem>>, vector<16xf32>,
      tpu.vector_store %arg11[%swap3A_276], %bitcast3A_270 {strides = array<i32>} : memref<1024xf32, #tpu.memory_space<vmem>>, vector<16xf32>,
      %swap3A_278 = arith.constant 112 : index
      %swap3A_279 = tpu.vector_load %arg11[%swap3A_278] {strides = array<i32>} : memref<1024xf32, #tpu.memory_space<vmem>>, vector<16xf32>,
      tpu.vector_store %arg11[%swap3A_278], %bitcast3A_275 {strides = array<i32>} : memref<1024xf32, #tpu.memory_space<vmem>>, vector<16xf32>,
      %gather3A_280 = tpu.vector_load_idx %arg15[%and3A_242] : memref<4096xi32, #tpu.memory_space<vmem>>[vector<16xi32>], vector<16xi32>,
      %gather3A_281 = tpu.vector_load_idx %arg15[%shift_right_logical3A_245] : memref<4096xi32, #tpu.memory_space<vmem>>[vector<16xi32>], vector<16xi32>,
      %swap3A_282 = arith.constant 96 : index
      %swap3A_283 = tpu.vector_load %arg13[%swap3A_282] {strides = array<i32>} : memref<1024xi32, #tpu.memory_space<vmem>>, vector<16xi32>,
      tpu.vector_store %arg13[%swap3A_282], %gather3A_280 {strides = array<i32>} : memref<1024xi32, #tpu.memory_space<vmem>>, vector<16xi32>,
      %swap3A_284 = arith.constant 112 : index
      %swap3A_285 = tpu.vector_load %arg13[%swap3A_284] {strides = array<i32>} : memref<1024xi32, #tpu.memory_space<vmem>>, vector<16xi32>,
      tpu.vector_store %arg13[%swap3A_284], %gather3A_281 {strides = array<i32>} : memref<1024xi32, #tpu.memory_space<vmem>>, vector<16xi32>,
      %get3A_286 = arith.constant 64 : index
      %get3A_287 = tpu.vector_load %arg9[%get3A_286] {strides = array<i32>} : memref<512xi32, #tpu.memory_space<vmem>>, vector<16xi32>,
      %and3A_288 = arith.constant 65535 : i32
      %and3A_289 = vector.broadcast %and3A_288 : i32 to vector<16xi32>
      %and3A_290 = arith.andi %get3A_287, %and3A_289 : vector<16xi32>
      %shift_right_logical3A_291 = arith.constant 16 : i32
      %shift_right_logical3A_292 = vector.broadcast %shift_right_logical3A_291 : i32 to vector<16xi32>
      %shift_right_logical3A_293 = arith.shrui %get3A_287, %shift_right_logical3A_292 : vector<16xi32>
      %and3A_294 = arith.constant 2047 : i32
      %and3A_295 = vector.broadcast %and3A_294 : i32 to vector<16xi32>
      %and3A_296 = arith.andi %and3A_290, %and3A_295 : vector<16xi32>
      %gather3A_297 = tpu.vector_load_idx %arg7[%and3A_296] : memref<2048xi32, #tpu.memory_space<vmem>>[vector<16xi32>], vector<16xi32>,
      %and3A_298 = arith.constant 2047 : i32
      %and3A_299 = vector.broadcast %and3A_298 : i32 to vector<16xi32>
      %and3A_300 = arith.andi %shift_right_logical3A_293, %and3A_299 : vector<16xi32>
      %gather3A_301 = tpu.vector_load_idx %arg7[%and3A_300] : memref<2048xi32, #tpu.memory_space<vmem>>[vector<16xi32>], vector<16xi32>,
      %shift_right_logical3A_302 = arith.constant 11 : i32
      %shift_right_logical3A_303 = vector.broadcast %shift_right_logical3A_302 : i32 to vector<16xi32>
      %shift_right_logical3A_304 = arith.shrui %and3A_290, %shift_right_logical3A_303 : vector<16xi32>
      %shift_left3A_305 = arith.constant 4 : i32
      %shift_left3A_306 = vector.broadcast %shift_left3A_305 : i32 to vector<16xi32>
      %shift_left3A_307 = arith.shli %shift_right_logical3A_304, %shift_left3A_306 : vector<16xi32>
      %shift_right_logical3A_308 = arith.constant 11 : i32
      %shift_right_logical3A_309 = vector.broadcast %shift_right_logical3A_308 : i32 to vector<16xi32>
      %shift_right_logical3A_310 = arith.shrui %shift_right_logical3A_293, %shift_right_logical3A_309 : vector<16xi32>
      %shift_left3A_311 = arith.constant 4 : i32
      %shift_left3A_312 = vector.broadcast %shift_left3A_311 : i32 to vector<16xi32>
      %shift_left3A_313 = arith.shli %shift_right_logical3A_310, %shift_left3A_312 : vector<16xi32>
      %shift_right_logical3A_314 = arith.shrui %gather3A_297, %shift_left3A_307 : vector<16xi32>
      %shift_left3A_315 = arith.constant 16 : i32
      %shift_left3A_316 = vector.broadcast %shift_left3A_315 : i32 to vector<16xi32>
      %shift_left3A_317 = arith.shli %shift_right_logical3A_314, %shift_left3A_316 : vector<16xi32>
      %bitcast3A_318 = vector.bitcast %shift_left3A_317 : vector<16xi32> to vector<16xf32>
      %shift_right_logical3A_319 = arith.shrui %gather3A_301, %shift_left3A_313 : vector<16xi32>
      %shift_left3A_320 = arith.constant 16 : i32
      %shift_left3A_321 = vector.broadcast %shift_left3A_320 : i32 to vector<16xi32>
      %shift_left3A_322 = arith.shli %shift_right_logical3A_319, %shift_left3A_321 : vector<16xi32>
      %bitcast3A_323 = vector.bitcast %shift_left3A_322 : vector<16xi32> to vector<16xf32>
      %swap3A_324 = arith.constant 128 : index
      %swap3A_325 = tpu.vector_load %arg11[%swap3A_324] {strides = array<i32>} : memref<1024xf32, #tpu.memory_space<vmem>>, vector<16xf32>,
      tpu.vector_store %arg11[%swap3A_324], %bitcast3A_318 {strides = array<i32>} : memref<1024xf32, #tpu.memory_space<vmem>>, vector<16xf32>,
      %swap3A_326 = arith.constant 144 : index
      %swap3A_327 = tpu.vector_load %arg11[%swap3A_326] {strides = array<i32>} : memref<1024xf32, #tpu.memory_space<vmem>>, vector<16xf32>,
      tpu.vector_store %arg11[%swap3A_326], %bitcast3A_323 {strides = array<i32>} : memref<1024xf32, #tpu.memory_space<vmem>>, vector<16xf32>,
      %gather3A_328 = tpu.vector_load_idx %arg15[%and3A_290] : memref<4096xi32, #tpu.memory_space<vmem>>[vector<16xi32>], vector<16xi32>,
      %gather3A_329 = tpu.vector_load_idx %arg15[%shift_right_logical3A_293] : memref<4096xi32, #tpu.memory_space<vmem>>[vector<16xi32>], vector<16xi32>,
      %swap3A_330 = arith.constant 128 : index
      %swap3A_331 = tpu.vector_load %arg13[%swap3A_330] {strides = array<i32>} : memref<1024xi32, #tpu.memory_space<vmem>>, vector<16xi32>,
      tpu.vector_store %arg13[%swap3A_330], %gather3A_328 {strides = array<i32>} : memref<1024xi32, #tpu.memory_space<vmem>>, vector<16xi32>,
      %swap3A_332 = arith.constant 144 : index
      %swap3A_333 = tpu.vector_load %arg13[%swap3A_332] {strides = array<i32>} : memref<1024xi32, #tpu.memory_space<vmem>>, vector<16xi32>,
      tpu.vector_store %arg13[%swap3A_332], %gather3A_329 {strides = array<i32>} : memref<1024xi32, #tpu.memory_space<vmem>>, vector<16xi32>,
      %get3A_334 = arith.constant 80 : index
      %get3A_335 = tpu.vector_load %arg9[%get3A_334] {strides = array<i32>} : memref<512xi32, #tpu.memory_space<vmem>>, vector<16xi32>,
      %and3A_336 = arith.constant 65535 : i32
      %and3A_337 = vector.broadcast %and3A_336 : i32 to vector<16xi32>
      %and3A_338 = arith.andi %get3A_335, %and3A_337 : vector<16xi32>
      %shift_right_logical3A_339 = arith.constant 16 : i32
      %shift_right_logical3A_340 = vector.broadcast %shift_right_logical3A_339 : i32 to vector<16xi32>
      %shift_right_logical3A_341 = arith.shrui %get3A_335, %shift_right_logical3A_340 : vector<16xi32>
      %and3A_342 = arith.constant 2047 : i32
      %and3A_343 = vector.broadcast %and3A_342 : i32 to vector<16xi32>
      %and3A_344 = arith.andi %and3A_338, %and3A_343 : vector<16xi32>
      %gather3A_345 = tpu.vector_load_idx %arg7[%and3A_344] : memref<2048xi32, #tpu.memory_space<vmem>>[vector<16xi32>], vector<16xi32>,
      %and3A_346 = arith.constant 2047 : i32
      %and3A_347 = vector.broadcast %and3A_346 : i32 to vector<16xi32>
      %and3A_348 = arith.andi %shift_right_logical3A_341, %and3A_347 : vector<16xi32>
      %gather3A_349 = tpu.vector_load_idx %arg7[%and3A_348] : memref<2048xi32, #tpu.memory_space<vmem>>[vector<16xi32>], vector<16xi32>,
      %shift_right_logical3A_350 = arith.constant 11 : i32
      %shift_right_logical3A_351 = vector.broadcast %shift_right_logical3A_350 : i32 to vector<16xi32>
      %shift_right_logical3A_352 = arith.shrui %and3A_338, %shift_right_logical3A_351 : vector<16xi32>
      %shift_left3A_353 = arith.constant 4 : i32
      %shift_left3A_354 = vector.broadcast %shift_left3A_353 : i32 to vector<16xi32>
      %shift_left3A_355 = arith.shli %shift_right_logical3A_352, %shift_left3A_354 : vector<16xi32>
      %shift_right_logical3A_356 = arith.constant 11 : i32
      %shift_right_logical3A_357 = vector.broadcast %shift_right_logical3A_356 : i32 to vector<16xi32>
      %shift_right_logical3A_358 = arith.shrui %shift_right_logical3A_341, %shift_right_logical3A_357 : vector<16xi32>
      %shift_left3A_359 = arith.constant 4 : i32
      %shift_left3A_360 = vector.broadcast %shift_left3A_359 : i32 to vector<16xi32>
      %shift_left3A_361 = arith.shli %shift_right_logical3A_358, %shift_left3A_360 : vector<16xi32>
      %shift_right_logical3A_362 = arith.shrui %gather3A_345, %shift_left3A_355 : vector<16xi32>
      %shift_left3A_363 = arith.constant 16 : i32
      %shift_left3A_364 = vector.broadcast %shift_left3A_363 : i32 to vector<16xi32>
      %shift_left3A_365 = arith.shli %shift_right_logical3A_362, %shift_left3A_364 : vector<16xi32>
      %bitcast3A_366 = vector.bitcast %shift_left3A_365 : vector<16xi32> to vector<16xf32>
      %shift_right_logical3A_367 = arith.shrui %gather3A_349, %shift_left3A_361 : vector<16xi32>
      %shift_left3A_368 = arith.constant 16 : i32
      %shift_left3A_369 = vector.broadcast %shift_left3A_368 : i32 to vector<16xi32>
      %shift_left3A_370 = arith.shli %shift_right_logical3A_367, %shift_left3A_369 : vector<16xi32>
      %bitcast3A_371 = vector.bitcast %shift_left3A_370 : vector<16xi32> to vector<16xf32>
      %swap3A_372 = arith.constant 160 : index
      %swap3A_373 = tpu.vector_load %arg11[%swap3A_372] {strides = array<i32>} : memref<1024xf32, #tpu.memory_space<vmem>>, vector<16xf32>,
      tpu.vector_store %arg11[%swap3A_372], %bitcast3A_366 {strides = array<i32>} : memref<1024xf32, #tpu.memory_space<vmem>>, vector<16xf32>,
      %swap3A_374 = arith.constant 176 : index
      %swap3A_375 = tpu.vector_load %arg11[%swap3A_374] {strides = array<i32>} : memref<1024xf32, #tpu.memory_space<vmem>>, vector<16xf32>,
      tpu.vector_store %arg11[%swap3A_374], %bitcast3A_371 {strides = array<i32>} : memref<1024xf32, #tpu.memory_space<vmem>>, vector<16xf32>,
      %gather3A_376 = tpu.vector_load_idx %arg15[%and3A_338] : memref<4096xi32, #tpu.memory_space<vmem>>[vector<16xi32>], vector<16xi32>,
      %gather3A_377 = tpu.vector_load_idx %arg15[%shift_right_logical3A_341] : memref<4096xi32, #tpu.memory_space<vmem>>[vector<16xi32>], vector<16xi32>,
      %swap3A_378 = arith.constant 160 : index
      %swap3A_379 = tpu.vector_load %arg13[%swap3A_378] {strides = array<i32>} : memref<1024xi32, #tpu.memory_space<vmem>>, vector<16xi32>,
      tpu.vector_store %arg13[%swap3A_378], %gather3A_376 {strides = array<i32>} : memref<1024xi32, #tpu.memory_space<vmem>>, vector<16xi32>,
      %swap3A_380 = arith.constant 176 : index
      %swap3A_381 = tpu.vector_load %arg13[%swap3A_380] {strides = array<i32>} : memref<1024xi32, #tpu.memory_space<vmem>>, vector<16xi32>,
      tpu.vector_store %arg13[%swap3A_380], %gather3A_377 {strides = array<i32>} : memref<1024xi32, #tpu.memory_space<vmem>>, vector<16xi32>,
      %get3A_382 = arith.constant 96 : index
      %get3A_383 = tpu.vector_load %arg9[%get3A_382] {strides = array<i32>} : memref<512xi32, #tpu.memory_space<vmem>>, vector<16xi32>,
      %and3A_384 = arith.constant 65535 : i32
      %and3A_385 = vector.broadcast %and3A_384 : i32 to vector<16xi32>
      %and3A_386 = arith.andi %get3A_383, %and3A_385 : vector<16xi32>
      %shift_right_logical3A_387 = arith.constant 16 : i32
      %shift_right_logical3A_388 = vector.broadcast %shift_right_logical3A_387 : i32 to vector<16xi32>
      %shift_right_logical3A_389 = arith.shrui %get3A_383, %shift_right_logical3A_388 : vector<16xi32>
      %and3A_390 = arith.constant 2047 : i32
      %and3A_391 = vector.broadcast %and3A_390 : i32 to vector<16xi32>
      %and3A_392 = arith.andi %and3A_386, %and3A_391 : vector<16xi32>
      %gather3A_393 = tpu.vector_load_idx %arg7[%and3A_392] : memref<2048xi32, #tpu.memory_space<vmem>>[vector<16xi32>], vector<16xi32>,
      %and3A_394 = arith.constant 2047 : i32
      %and3A_395 = vector.broadcast %and3A_394 : i32 to vector<16xi32>
      %and3A_396 = arith.andi %shift_right_logical3A_389, %and3A_395 : vector<16xi32>
      %gather3A_397 = tpu.vector_load_idx %arg7[%and3A_396] : memref<2048xi32, #tpu.memory_space<vmem>>[vector<16xi32>], vector<16xi32>,
      %shift_right_logical3A_398 = arith.constant 11 : i32
      %shift_right_logical3A_399 = vector.broadcast %shift_right_logical3A_398 : i32 to vector<16xi32>
      %shift_right_logical3A_400 = arith.shrui %and3A_386, %shift_right_logical3A_399 : vector<16xi32>
      %shift_left3A_401 = arith.constant 4 : i32
      %shift_left3A_402 = vector.broadcast %shift_left3A_401 : i32 to vector<16xi32>
      %shift_left3A_403 = arith.shli %shift_right_logical3A_400, %shift_left3A_402 : vector<16xi32>
      %shift_right_logical3A_404 = arith.constant 11 : i32
      %shift_right_logical3A_405 = vector.broadcast %shift_right_logical3A_404 : i32 to vector<16xi32>
      %shift_right_logical3A_406 = arith.shrui %shift_right_logical3A_389, %shift_right_logical3A_405 : vector<16xi32>
      %shift_left3A_407 = arith.constant 4 : i32
      %shift_left3A_408 = vector.broadcast %shift_left3A_407 : i32 to vector<16xi32>
      %shift_left3A_409 = arith.shli %shift_right_logical3A_406, %shift_left3A_408 : vector<16xi32>
      %shift_right_logical3A_410 = arith.shrui %gather3A_393, %shift_left3A_403 : vector<16xi32>
      %shift_left3A_411 = arith.constant 16 : i32
      %shift_left3A_412 = vector.broadcast %shift_left3A_411 : i32 to vector<16xi32>
      %shift_left3A_413 = arith.shli %shift_right_logical3A_410, %shift_left3A_412 : vector<16xi32>
      %bitcast3A_414 = vector.bitcast %shift_left3A_413 : vector<16xi32> to vector<16xf32>
      %shift_right_logical3A_415 = arith.shrui %gather3A_397, %shift_left3A_409 : vector<16xi32>
      %shift_left3A_416 = arith.constant 16 : i32
      %shift_left3A_417 = vector.broadcast %shift_left3A_416 : i32 to vector<16xi32>
      %shift_left3A_418 = arith.shli %shift_right_logical3A_415, %shift_left3A_417 : vector<16xi32>
      %bitcast3A_419 = vector.bitcast %shift_left3A_418 : vector<16xi32> to vector<16xf32>
      %swap3A_420 = arith.constant 192 : index
      %swap3A_421 = tpu.vector_load %arg11[%swap3A_420] {strides = array<i32>} : memref<1024xf32, #tpu.memory_space<vmem>>, vector<16xf32>,
      tpu.vector_store %arg11[%swap3A_420], %bitcast3A_414 {strides = array<i32>} : memref<1024xf32, #tpu.memory_space<vmem>>, vector<16xf32>,
      %swap3A_422 = arith.constant 208 : index
      %swap3A_423 = tpu.vector_load %arg11[%swap3A_422] {strides = array<i32>} : memref<1024xf32, #tpu.memory_space<vmem>>, vector<16xf32>,
      tpu.vector_store %arg11[%swap3A_422], %bitcast3A_419 {strides = array<i32>} : memref<1024xf32, #tpu.memory_space<vmem>>, vector<16xf32>,
      %gather3A_424 = tpu.vector_load_idx %arg15[%and3A_386] : memref<4096xi32, #tpu.memory_space<vmem>>[vector<16xi32>], vector<16xi32>,
      %gather3A_425 = tpu.vector_load_idx %arg15[%shift_right_logical3A_389] : memref<4096xi32, #tpu.memory_space<vmem>>[vector<16xi32>], vector<16xi32>,
      %swap3A_426 = arith.constant 192 : index
      %swap3A_427 = tpu.vector_load %arg13[%swap3A_426] {strides = array<i32>} : memref<1024xi32, #tpu.memory_space<vmem>>, vector<16xi32>,
      tpu.vector_store %arg13[%swap3A_426], %gather3A_424 {strides = array<i32>} : memref<1024xi32, #tpu.memory_space<vmem>>, vector<16xi32>,
      %swap3A_428 = arith.constant 208 : index
      %swap3A_429 = tpu.vector_load %arg13[%swap3A_428] {strides = array<i32>} : memref<1024xi32, #tpu.memory_space<vmem>>, vector<16xi32>,
      tpu.vector_store %arg13[%swap3A_428], %gather3A_425 {strides = array<i32>} : memref<1024xi32, #tpu.memory_space<vmem>>, vector<16xi32>,
      %get3A_430 = arith.constant 112 : index
      %get3A_431 = tpu.vector_load %arg9[%get3A_430] {strides = array<i32>} : memref<512xi32, #tpu.memory_space<vmem>>, vector<16xi32>,
      %and3A_432 = arith.constant 65535 : i32
      %and3A_433 = vector.broadcast %and3A_432 : i32 to vector<16xi32>
      %and3A_434 = arith.andi %get3A_431, %and3A_433 : vector<16xi32>
      %shift_right_logical3A_435 = arith.constant 16 : i32
      %shift_right_logical3A_436 = vector.broadcast %shift_right_logical3A_435 : i32 to vector<16xi32>
      %shift_right_logical3A_437 = arith.shrui %get3A_431, %shift_right_logical3A_436 : vector<16xi32>
      %and3A_438 = arith.constant 2047 : i32
      %and3A_439 = vector.broadcast %and3A_438 : i32 to vector<16xi32>
      %and3A_440 = arith.andi %and3A_434, %and3A_439 : vector<16xi32>
      %gather3A_441 = tpu.vector_load_idx %arg7[%and3A_440] : memref<2048xi32, #tpu.memory_space<vmem>>[vector<16xi32>], vector<16xi32>,
      %and3A_442 = arith.constant 2047 : i32
      %and3A_443 = vector.broadcast %and3A_442 : i32 to vector<16xi32>
      %and3A_444 = arith.andi %shift_right_logical3A_437, %and3A_443 : vector<16xi32>
      %gather3A_445 = tpu.vector_load_idx %arg7[%and3A_444] : memref<2048xi32, #tpu.memory_space<vmem>>[vector<16xi32>], vector<16xi32>,
      %shift_right_logical3A_446 = arith.constant 11 : i32
      %shift_right_logical3A_447 = vector.broadcast %shift_right_logical3A_446 : i32 to vector<16xi32>
      %shift_right_logical3A_448 = arith.shrui %and3A_434, %shift_right_logical3A_447 : vector<16xi32>
      %shift_left3A_449 = arith.constant 4 : i32
      %shift_left3A_450 = vector.broadcast %shift_left3A_449 : i32 to vector<16xi32>
      %shift_left3A_451 = arith.shli %shift_right_logical3A_448, %shift_left3A_450 : vector<16xi32>
      %shift_right_logical3A_452 = arith.constant 11 : i32
      %shift_right_logical3A_453 = vector.broadcast %shift_right_logical3A_452 : i32 to vector<16xi32>
      %shift_right_logical3A_454 = arith.shrui %shift_right_logical3A_437, %shift_right_logical3A_453 : vector<16xi32>
      %shift_left3A_455 = arith.constant 4 : i32
      %shift_left3A_456 = vector.broadcast %shift_left3A_455 : i32 to vector<16xi32>
      %shift_left3A_457 = arith.shli %shift_right_logical3A_454, %shift_left3A_456 : vector<16xi32>
      %shift_right_logical3A_458 = arith.shrui %gather3A_441, %shift_left3A_451 : vector<16xi32>
      %shift_left3A_459 = arith.constant 16 : i32
      %shift_left3A_460 = vector.broadcast %shift_left3A_459 : i32 to vector<16xi32>
      %shift_left3A_461 = arith.shli %shift_right_logical3A_458, %shift_left3A_460 : vector<16xi32>
      %bitcast3A_462 = vector.bitcast %shift_left3A_461 : vector<16xi32> to vector<16xf32>
      %shift_right_logical3A_463 = arith.shrui %gather3A_445, %shift_left3A_457 : vector<16xi32>
      %shift_left3A_464 = arith.constant 16 : i32
      %shift_left3A_465 = vector.broadcast %shift_left3A_464 : i32 to vector<16xi32>
      %shift_left3A_466 = arith.shli %shift_right_logical3A_463, %shift_left3A_465 : vector<16xi32>
      %bitcast3A_467 = vector.bitcast %shift_left3A_466 : vector<16xi32> to vector<16xf32>
      %swap3A_468 = arith.constant 224 : index
      %swap3A_469 = tpu.vector_load %arg11[%swap3A_468] {strides = array<i32>} : memref<1024xf32, #tpu.memory_space<vmem>>, vector<16xf32>,
      tpu.vector_store %arg11[%swap3A_468], %bitcast3A_462 {strides = array<i32>} : memref<1024xf32, #tpu.memory_space<vmem>>, vector<16xf32>,
      %swap3A_470 = arith.constant 240 : index
      %swap3A_471 = tpu.vector_load %arg11[%swap3A_470] {strides = array<i32>} : memref<1024xf32, #tpu.memory_space<vmem>>, vector<16xf32>,
      tpu.vector_store %arg11[%swap3A_470], %bitcast3A_467 {strides = array<i32>} : memref<1024xf32, #tpu.memory_space<vmem>>, vector<16xf32>,
      %gather3A_472 = tpu.vector_load_idx %arg15[%and3A_434] : memref<4096xi32, #tpu.memory_space<vmem>>[vector<16xi32>], vector<16xi32>,
      %gather3A_473 = tpu.vector_load_idx %arg15[%shift_right_logical3A_437] : memref<4096xi32, #tpu.memory_space<vmem>>[vector<16xi32>], vector<16xi32>,
      %swap3A_474 = arith.constant 224 : index
      %swap3A_475 = tpu.vector_load %arg13[%swap3A_474] {strides = array<i32>} : memref<1024xi32, #tpu.memory_space<vmem>>, vector<16xi32>,
      tpu.vector_store %arg13[%swap3A_474], %gather3A_472 {strides = array<i32>} : memref<1024xi32, #tpu.memory_space<vmem>>, vector<16xi32>,
      %swap3A_476 = arith.constant 240 : index
      %swap3A_477 = tpu.vector_load %arg13[%swap3A_476] {strides = array<i32>} : memref<1024xi32, #tpu.memory_space<vmem>>, vector<16xi32>,
      tpu.vector_store %arg13[%swap3A_476], %gather3A_473 {strides = array<i32>} : memref<1024xi32, #tpu.memory_space<vmem>>, vector<16xi32>,
      %get3A_478 = arith.constant 128 : index
      %get3A_479 = tpu.vector_load %arg9[%get3A_478] {strides = array<i32>} : memref<512xi32, #tpu.memory_space<vmem>>, vector<16xi32>,
      %and3A_480 = arith.constant 65535 : i32
      %and3A_481 = vector.broadcast %and3A_480 : i32 to vector<16xi32>
      %and3A_482 = arith.andi %get3A_479, %and3A_481 : vector<16xi32>
      %shift_right_logical3A_483 = arith.constant 16 : i32
      %shift_right_logical3A_484 = vector.broadcast %shift_right_logical3A_483 : i32 to vector<16xi32>
      %shift_right_logical3A_485 = arith.shrui %get3A_479, %shift_right_logical3A_484 : vector<16xi32>
      %and3A_486 = arith.constant 2047 : i32
      %and3A_487 = vector.broadcast %and3A_486 : i32 to vector<16xi32>
      %and3A_488 = arith.andi %and3A_482, %and3A_487 : vector<16xi32>
      %gather3A_489 = tpu.vector_load_idx %arg7[%and3A_488] : memref<2048xi32, #tpu.memory_space<vmem>>[vector<16xi32>], vector<16xi32>,
      %and3A_490 = arith.constant 2047 : i32
      %and3A_491 = vector.broadcast %and3A_490 : i32 to vector<16xi32>
      %and3A_492 = arith.andi %shift_right_logical3A_485, %and3A_491 : vector<16xi32>
      %gather3A_493 = tpu.vector_load_idx %arg7[%and3A_492] : memref<2048xi32, #tpu.memory_space<vmem>>[vector<16xi32>], vector<16xi32>,
      %shift_right_logical3A_494 = arith.constant 11 : i32
      %shift_right_logical3A_495 = vector.broadcast %shift_right_logical3A_494 : i32 to vector<16xi32>
      %shift_right_logical3A_496 = arith.shrui %and3A_482, %shift_right_logical3A_495 : vector<16xi32>
      %shift_left3A_497 = arith.constant 4 : i32
      %shift_left3A_498 = vector.broadcast %shift_left3A_497 : i32 to vector<16xi32>
      %shift_left3A_499 = arith.shli %shift_right_logical3A_496, %shift_left3A_498 : vector<16xi32>
      %shift_right_logical3A_500 = arith.constant 11 : i32
      %shift_right_logical3A_501 = vector.broadcast %shift_right_logical3A_500 : i32 to vector<16xi32>
      %shift_right_logical3A_502 = arith.shrui %shift_right_logical3A_485, %shift_right_logical3A_501 : vector<16xi32>
      %shift_left3A_503 = arith.constant 4 : i32
      %shift_left3A_504 = vector.broadcast %shift_left3A_503 : i32 to vector<16xi32>
      %shift_left3A_505 = arith.shli %shift_right_logical3A_502, %shift_left3A_504 : vector<16xi32>
      %shift_right_logical3A_506 = arith.shrui %gather3A_489, %shift_left3A_499 : vector<16xi32>
      %shift_left3A_507 = arith.constant 16 : i32
      %shift_left3A_508 = vector.broadcast %shift_left3A_507 : i32 to vector<16xi32>
      %shift_left3A_509 = arith.shli %shift_right_logical3A_506, %shift_left3A_508 : vector<16xi32>
      %bitcast3A_510 = vector.bitcast %shift_left3A_509 : vector<16xi32> to vector<16xf32>
      %shift_right_logical3A_511 = arith.shrui %gather3A_493, %shift_left3A_505 : vector<16xi32>
      %shift_left3A_512 = arith.constant 16 : i32
      %shift_left3A_513 = vector.broadcast %shift_left3A_512 : i32 to vector<16xi32>
      %shift_left3A_514 = arith.shli %shift_right_logical3A_511, %shift_left3A_513 : vector<16xi32>
      %bitcast3A_515 = vector.bitcast %shift_left3A_514 : vector<16xi32> to vector<16xf32>
      %swap3A_516 = arith.constant 256 : index
      %swap3A_517 = tpu.vector_load %arg11[%swap3A_516] {strides = array<i32>} : memref<1024xf32, #tpu.memory_space<vmem>>, vector<16xf32>,
      tpu.vector_store %arg11[%swap3A_516], %bitcast3A_510 {strides = array<i32>} : memref<1024xf32, #tpu.memory_space<vmem>>, vector<16xf32>,
      %swap3A_518 = arith.constant 272 : index
      %swap3A_519 = tpu.vector_load %arg11[%swap3A_518] {strides = array<i32>} : memref<1024xf32, #tpu.memory_space<vmem>>, vector<16xf32>,
      tpu.vector_store %arg11[%swap3A_518], %bitcast3A_515 {strides = array<i32>} : memref<1024xf32, #tpu.memory_space<vmem>>, vector<16xf32>,
      %gather3A_520 = tpu.vector_load_idx %arg15[%and3A_482] : memref<4096xi32, #tpu.memory_space<vmem>>[vector<16xi32>], vector<16xi32>,
      %gather3A_521 = tpu.vector_load_idx %arg15[%shift_right_logical3A_485] : memref<4096xi32, #tpu.memory_space<vmem>>[vector<16xi32>], vector<16xi32>,
      %swap3A_522 = arith.constant 256 : index
      %swap3A_523 = tpu.vector_load %arg13[%swap3A_522] {strides = array<i32>} : memref<1024xi32, #tpu.memory_space<vmem>>, vector<16xi32>,
      tpu.vector_store %arg13[%swap3A_522], %gather3A_520 {strides = array<i32>} : memref<1024xi32, #tpu.memory_space<vmem>>, vector<16xi32>,
      %swap3A_524 = arith.constant 272 : index
      %swap3A_525 = tpu.vector_load %arg13[%swap3A_524] {strides = array<i32>} : memref<1024xi32, #tpu.memory_space<vmem>>, vector<16xi32>,
      tpu.vector_store %arg13[%swap3A_524], %gather3A_521 {strides = array<i32>} : memref<1024xi32, #tpu.memory_space<vmem>>, vector<16xi32>,
      %get3A_526 = arith.constant 144 : index
      %get3A_527 = tpu.vector_load %arg9[%get3A_526] {strides = array<i32>} : memref<512xi32, #tpu.memory_space<vmem>>, vector<16xi32>,
      %and3A_528 = arith.constant 65535 : i32
      %and3A_529 = vector.broadcast %and3A_528 : i32 to vector<16xi32>
      %and3A_530 = arith.andi %get3A_527, %and3A_529 : vector<16xi32>
      %shift_right_logical3A_531 = arith.constant 16 : i32
      %shift_right_logical3A_532 = vector.broadcast %shift_right_logical3A_531 : i32 to vector<16xi32>
      %shift_right_logical3A_533 = arith.shrui %get3A_527, %shift_right_logical3A_532 : vector<16xi32>
      %and3A_534 = arith.constant 2047 : i32
      %and3A_535 = vector.broadcast %and3A_534 : i32 to vector<16xi32>
      %and3A_536 = arith.andi %and3A_530, %and3A_535 : vector<16xi32>
      %gather3A_537 = tpu.vector_load_idx %arg7[%and3A_536] : memref<2048xi32, #tpu.memory_space<vmem>>[vector<16xi32>], vector<16xi32>,
      %and3A_538 = arith.constant 2047 : i32
      %and3A_539 = vector.broadcast %and3A_538 : i32 to vector<16xi32>
      %and3A_540 = arith.andi %shift_right_logical3A_533, %and3A_539 : vector<16xi32>
      %gather3A_541 = tpu.vector_load_idx %arg7[%and3A_540] : memref<2048xi32, #tpu.memory_space<vmem>>[vector<16xi32>], vector<16xi32>,
      %shift_right_logical3A_542 = arith.constant 11 : i32
      %shift_right_logical3A_543 = vector.broadcast %shift_right_logical3A_542 : i32 to vector<16xi32>
      %shift_right_logical3A_544 = arith.shrui %and3A_530, %shift_right_logical3A_543 : vector<16xi32>
      %shift_left3A_545 = arith.constant 4 : i32
      %shift_left3A_546 = vector.broadcast %shift_left3A_545 : i32 to vector<16xi32>
      %shift_left3A_547 = arith.shli %shift_right_logical3A_544, %shift_left3A_546 : vector<16xi32>
      %shift_right_logical3A_548 = arith.constant 11 : i32
      %shift_right_logical3A_549 = vector.broadcast %shift_right_logical3A_548 : i32 to vector<16xi32>
      %shift_right_logical3A_550 = arith.shrui %shift_right_logical3A_533, %shift_right_logical3A_549 : vector<16xi32>
      %shift_left3A_551 = arith.constant 4 : i32
      %shift_left3A_552 = vector.broadcast %shift_left3A_551 : i32 to vector<16xi32>
      %shift_left3A_553 = arith.shli %shift_right_logical3A_550, %shift_left3A_552 : vector<16xi32>
      %shift_right_logical3A_554 = arith.shrui %gather3A_537, %shift_left3A_547 : vector<16xi32>
      %shift_left3A_555 = arith.constant 16 : i32
      %shift_left3A_556 = vector.broadcast %shift_left3A_555 : i32 to vector<16xi32>
      %shift_left3A_557 = arith.shli %shift_right_logical3A_554, %shift_left3A_556 : vector<16xi32>
      %bitcast3A_558 = vector.bitcast %shift_left3A_557 : vector<16xi32> to vector<16xf32>
      %shift_right_logical3A_559 = arith.shrui %gather3A_541, %shift_left3A_553 : vector<16xi32>
      %shift_left3A_560 = arith.constant 16 : i32
      %shift_left3A_561 = vector.broadcast %shift_left3A_560 : i32 to vector<16xi32>
      %shift_left3A_562 = arith.shli %shift_right_logical3A_559, %shift_left3A_561 : vector<16xi32>
      %bitcast3A_563 = vector.bitcast %shift_left3A_562 : vector<16xi32> to vector<16xf32>
      %swap3A_564 = arith.constant 288 : index
      %swap3A_565 = tpu.vector_load %arg11[%swap3A_564] {strides = array<i32>} : memref<1024xf32, #tpu.memory_space<vmem>>, vector<16xf32>,
      tpu.vector_store %arg11[%swap3A_564], %bitcast3A_558 {strides = array<i32>} : memref<1024xf32, #tpu.memory_space<vmem>>, vector<16xf32>,
      %swap3A_566 = arith.constant 304 : index
      %swap3A_567 = tpu.vector_load %arg11[%swap3A_566] {strides = array<i32>} : memref<1024xf32, #tpu.memory_space<vmem>>, vector<16xf32>,
      tpu.vector_store %arg11[%swap3A_566], %bitcast3A_563 {strides = array<i32>} : memref<1024xf32, #tpu.memory_space<vmem>>, vector<16xf32>,
      %gather3A_568 = tpu.vector_load_idx %arg15[%and3A_530] : memref<4096xi32, #tpu.memory_space<vmem>>[vector<16xi32>], vector<16xi32>,
      %gather3A_569 = tpu.vector_load_idx %arg15[%shift_right_logical3A_533] : memref<4096xi32, #tpu.memory_space<vmem>>[vector<16xi32>], vector<16xi32>,
      %swap3A_570 = arith.constant 288 : index
      %swap3A_571 = tpu.vector_load %arg13[%swap3A_570] {strides = array<i32>} : memref<1024xi32, #tpu.memory_space<vmem>>, vector<16xi32>,
      tpu.vector_store %arg13[%swap3A_570], %gather3A_568 {strides = array<i32>} : memref<1024xi32, #tpu.memory_space<vmem>>, vector<16xi32>,
      %swap3A_572 = arith.constant 304 : index
      %swap3A_573 = tpu.vector_load %arg13[%swap3A_572] {strides = array<i32>} : memref<1024xi32, #tpu.memory_space<vmem>>, vector<16xi32>,
      tpu.vector_store %arg13[%swap3A_572], %gather3A_569 {strides = array<i32>} : memref<1024xi32, #tpu.memory_space<vmem>>, vector<16xi32>,
      %get3A_574 = arith.constant 160 : index
      %get3A_575 = tpu.vector_load %arg9[%get3A_574] {strides = array<i32>} : memref<512xi32, #tpu.memory_space<vmem>>, vector<16xi32>,
      %and3A_576 = arith.constant 65535 : i32
      %and3A_577 = vector.broadcast %and3A_576 : i32 to vector<16xi32>
      %and3A_578 = arith.andi %get3A_575, %and3A_577 : vector<16xi32>
      %shift_right_logical3A_579 = arith.constant 16 : i32
      %shift_right_logical3A_580 = vector.broadcast %shift_right_logical3A_579 : i32 to vector<16xi32>
      %shift_right_logical3A_581 = arith.shrui %get3A_575, %shift_right_logical3A_580 : vector<16xi32>
      %and3A_582 = arith.constant 2047 : i32
      %and3A_583 = vector.broadcast %and3A_582 : i32 to vector<16xi32>
      %and3A_584 = arith.andi %and3A_578, %and3A_583 : vector<16xi32>
      %gather3A_585 = tpu.vector_load_idx %arg7[%and3A_584] : memref<2048xi32, #tpu.memory_space<vmem>>[vector<16xi32>], vector<16xi32>,
      %and3A_586 = arith.constant 2047 : i32
      %and3A_587 = vector.broadcast %and3A_586 : i32 to vector<16xi32>
      %and3A_588 = arith.andi %shift_right_logical3A_581, %and3A_587 : vector<16xi32>
      %gather3A_589 = tpu.vector_load_idx %arg7[%and3A_588] : memref<2048xi32, #tpu.memory_space<vmem>>[vector<16xi32>], vector<16xi32>,
      %shift_right_logical3A_590 = arith.constant 11 : i32
      %shift_right_logical3A_591 = vector.broadcast %shift_right_logical3A_590 : i32 to vector<16xi32>
      %shift_right_logical3A_592 = arith.shrui %and3A_578, %shift_right_logical3A_591 : vector<16xi32>
      %shift_left3A_593 = arith.constant 4 : i32
      %shift_left3A_594 = vector.broadcast %shift_left3A_593 : i32 to vector<16xi32>
      %shift_left3A_595 = arith.shli %shift_right_logical3A_592, %shift_left3A_594 : vector<16xi32>
      %shift_right_logical3A_596 = arith.constant 11 : i32
      %shift_right_logical3A_597 = vector.broadcast %shift_right_logical3A_596 : i32 to vector<16xi32>
      %shift_right_logical3A_598 = arith.shrui %shift_right_logical3A_581, %shift_right_logical3A_597 : vector<16xi32>
      %shift_left3A_599 = arith.constant 4 : i32
      %shift_left3A_600 = vector.broadcast %shift_left3A_599 : i32 to vector<16xi32>
      %shift_left3A_601 = arith.shli %shift_right_logical3A_598, %shift_left3A_600 : vector<16xi32>
      %shift_right_logical3A_602 = arith.shrui %gather3A_585, %shift_left3A_595 : vector<16xi32>
      %shift_left3A_603 = arith.constant 16 : i32
      %shift_left3A_604 = vector.broadcast %shift_left3A_603 : i32 to vector<16xi32>
      %shift_left3A_605 = arith.shli %shift_right_logical3A_602, %shift_left3A_604 : vector<16xi32>
      %bitcast3A_606 = vector.bitcast %shift_left3A_605 : vector<16xi32> to vector<16xf32>
      %shift_right_logical3A_607 = arith.shrui %gather3A_589, %shift_left3A_601 : vector<16xi32>
      %shift_left3A_608 = arith.constant 16 : i32
      %shift_left3A_609 = vector.broadcast %shift_left3A_608 : i32 to vector<16xi32>
      %shift_left3A_610 = arith.shli %shift_right_logical3A_607, %shift_left3A_609 : vector<16xi32>
      %bitcast3A_611 = vector.bitcast %shift_left3A_610 : vector<16xi32> to vector<16xf32>
      %swap3A_612 = arith.constant 320 : index
      %swap3A_613 = tpu.vector_load %arg11[%swap3A_612] {strides = array<i32>} : memref<1024xf32, #tpu.memory_space<vmem>>, vector<16xf32>,
      tpu.vector_store %arg11[%swap3A_612], %bitcast3A_606 {strides = array<i32>} : memref<1024xf32, #tpu.memory_space<vmem>>, vector<16xf32>,
      %swap3A_614 = arith.constant 336 : index
      %swap3A_615 = tpu.vector_load %arg11[%swap3A_614] {strides = array<i32>} : memref<1024xf32, #tpu.memory_space<vmem>>, vector<16xf32>,
      tpu.vector_store %arg11[%swap3A_614], %bitcast3A_611 {strides = array<i32>} : memref<1024xf32, #tpu.memory_space<vmem>>, vector<16xf32>,
      %gather3A_616 = tpu.vector_load_idx %arg15[%and3A_578] : memref<4096xi32, #tpu.memory_space<vmem>>[vector<16xi32>], vector<16xi32>,
      %gather3A_617 = tpu.vector_load_idx %arg15[%shift_right_logical3A_581] : memref<4096xi32, #tpu.memory_space<vmem>>[vector<16xi32>], vector<16xi32>,
      %swap3A_618 = arith.constant 320 : index
      %swap3A_619 = tpu.vector_load %arg13[%swap3A_618] {strides = array<i32>} : memref<1024xi32, #tpu.memory_space<vmem>>, vector<16xi32>,
      tpu.vector_store %arg13[%swap3A_618], %gather3A_616 {strides = array<i32>} : memref<1024xi32, #tpu.memory_space<vmem>>, vector<16xi32>,
      %swap3A_620 = arith.constant 336 : index
      %swap3A_621 = tpu.vector_load %arg13[%swap3A_620] {strides = array<i32>} : memref<1024xi32, #tpu.memory_space<vmem>>, vector<16xi32>,
      tpu.vector_store %arg13[%swap3A_620], %gather3A_617 {strides = array<i32>} : memref<1024xi32, #tpu.memory_space<vmem>>, vector<16xi32>,
      %get3A_622 = arith.constant 176 : index
      %get3A_623 = tpu.vector_load %arg9[%get3A_622] {strides = array<i32>} : memref<512xi32, #tpu.memory_space<vmem>>, vector<16xi32>,
      %and3A_624 = arith.constant 65535 : i32
      %and3A_625 = vector.broadcast %and3A_624 : i32 to vector<16xi32>
      %and3A_626 = arith.andi %get3A_623, %and3A_625 : vector<16xi32>
      %shift_right_logical3A_627 = arith.constant 16 : i32
      %shift_right_logical3A_628 = vector.broadcast %shift_right_logical3A_627 : i32 to vector<16xi32>
      %shift_right_logical3A_629 = arith.shrui %get3A_623, %shift_right_logical3A_628 : vector<16xi32>
      %and3A_630 = arith.constant 2047 : i32
      %and3A_631 = vector.broadcast %and3A_630 : i32 to vector<16xi32>
      %and3A_632 = arith.andi %and3A_626, %and3A_631 : vector<16xi32>
      %gather3A_633 = tpu.vector_load_idx %arg7[%and3A_632] : memref<2048xi32, #tpu.memory_space<vmem>>[vector<16xi32>], vector<16xi32>,
      %and3A_634 = arith.constant 2047 : i32
      %and3A_635 = vector.broadcast %and3A_634 : i32 to vector<16xi32>
      %and3A_636 = arith.andi %shift_right_logical3A_629, %and3A_635 : vector<16xi32>
      %gather3A_637 = tpu.vector_load_idx %arg7[%and3A_636] : memref<2048xi32, #tpu.memory_space<vmem>>[vector<16xi32>], vector<16xi32>,
      %shift_right_logical3A_638 = arith.constant 11 : i32
      %shift_right_logical3A_639 = vector.broadcast %shift_right_logical3A_638 : i32 to vector<16xi32>
      %shift_right_logical3A_640 = arith.shrui %and3A_626, %shift_right_logical3A_639 : vector<16xi32>
      %shift_left3A_641 = arith.constant 4 : i32
      %shift_left3A_642 = vector.broadcast %shift_left3A_641 : i32 to vector<16xi32>
      %shift_left3A_643 = arith.shli %shift_right_logical3A_640, %shift_left3A_642 : vector<16xi32>
      %shift_right_logical3A_644 = arith.constant 11 : i32
      %shift_right_logical3A_645 = vector.broadcast %shift_right_logical3A_644 : i32 to vector<16xi32>
      %shift_right_logical3A_646 = arith.shrui %shift_right_logical3A_629, %shift_right_logical3A_645 : vector<16xi32>
      %shift_left3A_647 = arith.constant 4 : i32
      %shift_left3A_648 = vector.broadcast %shift_left3A_647 : i32 to vector<16xi32>
      %shift_left3A_649 = arith.shli %shift_right_logical3A_646, %shift_left3A_648 : vector<16xi32>
      %shift_right_logical3A_650 = arith.shrui %gather3A_633, %shift_left3A_643 : vector<16xi32>
      %shift_left3A_651 = arith.constant 16 : i32
      %shift_left3A_652 = vector.broadcast %shift_left3A_651 : i32 to vector<16xi32>
      %shift_left3A_653 = arith.shli %shift_right_logical3A_650, %shift_left3A_652 : vector<16xi32>
      %bitcast3A_654 = vector.bitcast %shift_left3A_653 : vector<16xi32> to vector<16xf32>
      %shift_right_logical3A_655 = arith.shrui %gather3A_637, %shift_left3A_649 : vector<16xi32>
      %shift_left3A_656 = arith.constant 16 : i32
      %shift_left3A_657 = vector.broadcast %shift_left3A_656 : i32 to vector<16xi32>
      %shift_left3A_658 = arith.shli %shift_right_logical3A_655, %shift_left3A_657 : vector<16xi32>
      %bitcast3A_659 = vector.bitcast %shift_left3A_658 : vector<16xi32> to vector<16xf32>
      %swap3A_660 = arith.constant 352 : index
      %swap3A_661 = tpu.vector_load %arg11[%swap3A_660] {strides = array<i32>} : memref<1024xf32, #tpu.memory_space<vmem>>, vector<16xf32>,
      tpu.vector_store %arg11[%swap3A_660], %bitcast3A_654 {strides = array<i32>} : memref<1024xf32, #tpu.memory_space<vmem>>, vector<16xf32>,
      %swap3A_662 = arith.constant 368 : index
      %swap3A_663 = tpu.vector_load %arg11[%swap3A_662] {strides = array<i32>} : memref<1024xf32, #tpu.memory_space<vmem>>, vector<16xf32>,
      tpu.vector_store %arg11[%swap3A_662], %bitcast3A_659 {strides = array<i32>} : memref<1024xf32, #tpu.memory_space<vmem>>, vector<16xf32>,
      %gather3A_664 = tpu.vector_load_idx %arg15[%and3A_626] : memref<4096xi32, #tpu.memory_space<vmem>>[vector<16xi32>], vector<16xi32>,
      %gather3A_665 = tpu.vector_load_idx %arg15[%shift_right_logical3A_629] : memref<4096xi32, #tpu.memory_space<vmem>>[vector<16xi32>], vector<16xi32>,
      %swap3A_666 = arith.constant 352 : index
      %swap3A_667 = tpu.vector_load %arg13[%swap3A_666] {strides = array<i32>} : memref<1024xi32, #tpu.memory_space<vmem>>, vector<16xi32>,
      tpu.vector_store %arg13[%swap3A_666], %gather3A_664 {strides = array<i32>} : memref<1024xi32, #tpu.memory_space<vmem>>, vector<16xi32>,
      %swap3A_668 = arith.constant 368 : index
      %swap3A_669 = tpu.vector_load %arg13[%swap3A_668] {strides = array<i32>} : memref<1024xi32, #tpu.memory_space<vmem>>, vector<16xi32>,
      tpu.vector_store %arg13[%swap3A_668], %gather3A_665 {strides = array<i32>} : memref<1024xi32, #tpu.memory_space<vmem>>, vector<16xi32>,
      %get3A_670 = arith.constant 192 : index
      %get3A_671 = tpu.vector_load %arg9[%get3A_670] {strides = array<i32>} : memref<512xi32, #tpu.memory_space<vmem>>, vector<16xi32>,
      %and3A_672 = arith.constant 65535 : i32
      %and3A_673 = vector.broadcast %and3A_672 : i32 to vector<16xi32>
      %and3A_674 = arith.andi %get3A_671, %and3A_673 : vector<16xi32>
      %shift_right_logical3A_675 = arith.constant 16 : i32
      %shift_right_logical3A_676 = vector.broadcast %shift_right_logical3A_675 : i32 to vector<16xi32>
      %shift_right_logical3A_677 = arith.shrui %get3A_671, %shift_right_logical3A_676 : vector<16xi32>
      %and3A_678 = arith.constant 2047 : i32
      %and3A_679 = vector.broadcast %and3A_678 : i32 to vector<16xi32>
      %and3A_680 = arith.andi %and3A_674, %and3A_679 : vector<16xi32>
      %gather3A_681 = tpu.vector_load_idx %arg7[%and3A_680] : memref<2048xi32, #tpu.memory_space<vmem>>[vector<16xi32>], vector<16xi32>,
      %and3A_682 = arith.constant 2047 : i32
      %and3A_683 = vector.broadcast %and3A_682 : i32 to vector<16xi32>
      %and3A_684 = arith.andi %shift_right_logical3A_677, %and3A_683 : vector<16xi32>
      %gather3A_685 = tpu.vector_load_idx %arg7[%and3A_684] : memref<2048xi32, #tpu.memory_space<vmem>>[vector<16xi32>], vector<16xi32>,
      %shift_right_logical3A_686 = arith.constant 11 : i32
      %shift_right_logical3A_687 = vector.broadcast %shift_right_logical3A_686 : i32 to vector<16xi32>
      %shift_right_logical3A_688 = arith.shrui %and3A_674, %shift_right_logical3A_687 : vector<16xi32>
      %shift_left3A_689 = arith.constant 4 : i32
      %shift_left3A_690 = vector.broadcast %shift_left3A_689 : i32 to vector<16xi32>
      %shift_left3A_691 = arith.shli %shift_right_logical3A_688, %shift_left3A_690 : vector<16xi32>
      %shift_right_logical3A_692 = arith.constant 11 : i32
      %shift_right_logical3A_693 = vector.broadcast %shift_right_logical3A_692 : i32 to vector<16xi32>
      %shift_right_logical3A_694 = arith.shrui %shift_right_logical3A_677, %shift_right_logical3A_693 : vector<16xi32>
      %shift_left3A_695 = arith.constant 4 : i32
      %shift_left3A_696 = vector.broadcast %shift_left3A_695 : i32 to vector<16xi32>
      %shift_left3A_697 = arith.shli %shift_right_logical3A_694, %shift_left3A_696 : vector<16xi32>
      %shift_right_logical3A_698 = arith.shrui %gather3A_681, %shift_left3A_691 : vector<16xi32>
      %shift_left3A_699 = arith.constant 16 : i32
      %shift_left3A_700 = vector.broadcast %shift_left3A_699 : i32 to vector<16xi32>
      %shift_left3A_701 = arith.shli %shift_right_logical3A_698, %shift_left3A_700 : vector<16xi32>
      %bitcast3A_702 = vector.bitcast %shift_left3A_701 : vector<16xi32> to vector<16xf32>
      %shift_right_logical3A_703 = arith.shrui %gather3A_685, %shift_left3A_697 : vector<16xi32>
      %shift_left3A_704 = arith.constant 16 : i32
      %shift_left3A_705 = vector.broadcast %shift_left3A_704 : i32 to vector<16xi32>
      %shift_left3A_706 = arith.shli %shift_right_logical3A_703, %shift_left3A_705 : vector<16xi32>
      %bitcast3A_707 = vector.bitcast %shift_left3A_706 : vector<16xi32> to vector<16xf32>
      %swap3A_708 = arith.constant 384 : index
      %swap3A_709 = tpu.vector_load %arg11[%swap3A_708] {strides = array<i32>} : memref<1024xf32, #tpu.memory_space<vmem>>, vector<16xf32>,
      tpu.vector_store %arg11[%swap3A_708], %bitcast3A_702 {strides = array<i32>} : memref<1024xf32, #tpu.memory_space<vmem>>, vector<16xf32>,
      %swap3A_710 = arith.constant 400 : index
      %swap3A_711 = tpu.vector_load %arg11[%swap3A_710] {strides = array<i32>} : memref<1024xf32, #tpu.memory_space<vmem>>, vector<16xf32>,
      tpu.vector_store %arg11[%swap3A_710], %bitcast3A_707 {strides = array<i32>} : memref<1024xf32, #tpu.memory_space<vmem>>, vector<16xf32>,
      %gather3A_712 = tpu.vector_load_idx %arg15[%and3A_674] : memref<4096xi32, #tpu.memory_space<vmem>>[vector<16xi32>], vector<16xi32>,
      %gather3A_713 = tpu.vector_load_idx %arg15[%shift_right_logical3A_677] : memref<4096xi32, #tpu.memory_space<vmem>>[vector<16xi32>], vector<16xi32>,
      %swap3A_714 = arith.constant 384 : index
      %swap3A_715 = tpu.vector_load %arg13[%swap3A_714] {strides = array<i32>} : memref<1024xi32, #tpu.memory_space<vmem>>, vector<16xi32>,
      tpu.vector_store %arg13[%swap3A_714], %gather3A_712 {strides = array<i32>} : memref<1024xi32, #tpu.memory_space<vmem>>, vector<16xi32>,
      %swap3A_716 = arith.constant 400 : index
      %swap3A_717 = tpu.vector_load %arg13[%swap3A_716] {strides = array<i32>} : memref<1024xi32, #tpu.memory_space<vmem>>, vector<16xi32>,
      tpu.vector_store %arg13[%swap3A_716], %gather3A_713 {strides = array<i32>} : memref<1024xi32, #tpu.memory_space<vmem>>, vector<16xi32>,
      %get3A_718 = arith.constant 208 : index
      %get3A_719 = tpu.vector_load %arg9[%get3A_718] {strides = array<i32>} : memref<512xi32, #tpu.memory_space<vmem>>, vector<16xi32>,
      %and3A_720 = arith.constant 65535 : i32
      %and3A_721 = vector.broadcast %and3A_720 : i32 to vector<16xi32>
      %and3A_722 = arith.andi %get3A_719, %and3A_721 : vector<16xi32>
      %shift_right_logical3A_723 = arith.constant 16 : i32
      %shift_right_logical3A_724 = vector.broadcast %shift_right_logical3A_723 : i32 to vector<16xi32>
      %shift_right_logical3A_725 = arith.shrui %get3A_719, %shift_right_logical3A_724 : vector<16xi32>
      %and3A_726 = arith.constant 2047 : i32
      %and3A_727 = vector.broadcast %and3A_726 : i32 to vector<16xi32>
      %and3A_728 = arith.andi %and3A_722, %and3A_727 : vector<16xi32>
      %gather3A_729 = tpu.vector_load_idx %arg7[%and3A_728] : memref<2048xi32, #tpu.memory_space<vmem>>[vector<16xi32>], vector<16xi32>,
      %and3A_730 = arith.constant 2047 : i32
      %and3A_731 = vector.broadcast %and3A_730 : i32 to vector<16xi32>
      %and3A_732 = arith.andi %shift_right_logical3A_725, %and3A_731 : vector<16xi32>
      %gather3A_733 = tpu.vector_load_idx %arg7[%and3A_732] : memref<2048xi32, #tpu.memory_space<vmem>>[vector<16xi32>], vector<16xi32>,
      %shift_right_logical3A_734 = arith.constant 11 : i32
      %shift_right_logical3A_735 = vector.broadcast %shift_right_logical3A_734 : i32 to vector<16xi32>
      %shift_right_logical3A_736 = arith.shrui %and3A_722, %shift_right_logical3A_735 : vector<16xi32>
      %shift_left3A_737 = arith.constant 4 : i32
      %shift_left3A_738 = vector.broadcast %shift_left3A_737 : i32 to vector<16xi32>
      %shift_left3A_739 = arith.shli %shift_right_logical3A_736, %shift_left3A_738 : vector<16xi32>
      %shift_right_logical3A_740 = arith.constant 11 : i32
      %shift_right_logical3A_741 = vector.broadcast %shift_right_logical3A_740 : i32 to vector<16xi32>
      %shift_right_logical3A_742 = arith.shrui %shift_right_logical3A_725, %shift_right_logical3A_741 : vector<16xi32>
      %shift_left3A_743 = arith.constant 4 : i32
      %shift_left3A_744 = vector.broadcast %shift_left3A_743 : i32 to vector<16xi32>
      %shift_left3A_745 = arith.shli %shift_right_logical3A_742, %shift_left3A_744 : vector<16xi32>
      %shift_right_logical3A_746 = arith.shrui %gather3A_729, %shift_left3A_739 : vector<16xi32>
      %shift_left3A_747 = arith.constant 16 : i32
      %shift_left3A_748 = vector.broadcast %shift_left3A_747 : i32 to vector<16xi32>
      %shift_left3A_749 = arith.shli %shift_right_logical3A_746, %shift_left3A_748 : vector<16xi32>
      %bitcast3A_750 = vector.bitcast %shift_left3A_749 : vector<16xi32> to vector<16xf32>
      %shift_right_logical3A_751 = arith.shrui %gather3A_733, %shift_left3A_745 : vector<16xi32>
      %shift_left3A_752 = arith.constant 16 : i32
      %shift_left3A_753 = vector.broadcast %shift_left3A_752 : i32 to vector<16xi32>
      %shift_left3A_754 = arith.shli %shift_right_logical3A_751, %shift_left3A_753 : vector<16xi32>
      %bitcast3A_755 = vector.bitcast %shift_left3A_754 : vector<16xi32> to vector<16xf32>
      %swap3A_756 = arith.constant 416 : index
      %swap3A_757 = tpu.vector_load %arg11[%swap3A_756] {strides = array<i32>} : memref<1024xf32, #tpu.memory_space<vmem>>, vector<16xf32>,
      tpu.vector_store %arg11[%swap3A_756], %bitcast3A_750 {strides = array<i32>} : memref<1024xf32, #tpu.memory_space<vmem>>, vector<16xf32>,
      %swap3A_758 = arith.constant 432 : index
      %swap3A_759 = tpu.vector_load %arg11[%swap3A_758] {strides = array<i32>} : memref<1024xf32, #tpu.memory_space<vmem>>, vector<16xf32>,
      tpu.vector_store %arg11[%swap3A_758], %bitcast3A_755 {strides = array<i32>} : memref<1024xf32, #tpu.memory_space<vmem>>, vector<16xf32>,
      %gather3A_760 = tpu.vector_load_idx %arg15[%and3A_722] : memref<4096xi32, #tpu.memory_space<vmem>>[vector<16xi32>], vector<16xi32>,
      %gather3A_761 = tpu.vector_load_idx %arg15[%shift_right_logical3A_725] : memref<4096xi32, #tpu.memory_space<vmem>>[vector<16xi32>], vector<16xi32>,
      %swap3A_762 = arith.constant 416 : index
      %swap3A_763 = tpu.vector_load %arg13[%swap3A_762] {strides = array<i32>} : memref<1024xi32, #tpu.memory_space<vmem>>, vector<16xi32>,
      tpu.vector_store %arg13[%swap3A_762], %gather3A_760 {strides = array<i32>} : memref<1024xi32, #tpu.memory_space<vmem>>, vector<16xi32>,
      %swap3A_764 = arith.constant 432 : index
      %swap3A_765 = tpu.vector_load %arg13[%swap3A_764] {strides = array<i32>} : memref<1024xi32, #tpu.memory_space<vmem>>, vector<16xi32>,
      tpu.vector_store %arg13[%swap3A_764], %gather3A_761 {strides = array<i32>} : memref<1024xi32, #tpu.memory_space<vmem>>, vector<16xi32>,
      %get3A_766 = arith.constant 224 : index
      %get3A_767 = tpu.vector_load %arg9[%get3A_766] {strides = array<i32>} : memref<512xi32, #tpu.memory_space<vmem>>, vector<16xi32>,
      %and3A_768 = arith.constant 65535 : i32
      %and3A_769 = vector.broadcast %and3A_768 : i32 to vector<16xi32>
      %and3A_770 = arith.andi %get3A_767, %and3A_769 : vector<16xi32>
      %shift_right_logical3A_771 = arith.constant 16 : i32
      %shift_right_logical3A_772 = vector.broadcast %shift_right_logical3A_771 : i32 to vector<16xi32>
      %shift_right_logical3A_773 = arith.shrui %get3A_767, %shift_right_logical3A_772 : vector<16xi32>
      %and3A_774 = arith.constant 2047 : i32
      %and3A_775 = vector.broadcast %and3A_774 : i32 to vector<16xi32>
      %and3A_776 = arith.andi %and3A_770, %and3A_775 : vector<16xi32>
      %gather3A_777 = tpu.vector_load_idx %arg7[%and3A_776] : memref<2048xi32, #tpu.memory_space<vmem>>[vector<16xi32>], vector<16xi32>,
      %and3A_778 = arith.constant 2047 : i32
      %and3A_779 = vector.broadcast %and3A_778 : i32 to vector<16xi32>
      %and3A_780 = arith.andi %shift_right_logical3A_773, %and3A_779 : vector<16xi32>
      %gather3A_781 = tpu.vector_load_idx %arg7[%and3A_780] : memref<2048xi32, #tpu.memory_space<vmem>>[vector<16xi32>], vector<16xi32>,
      %shift_right_logical3A_782 = arith.constant 11 : i32
      %shift_right_logical3A_783 = vector.broadcast %shift_right_logical3A_782 : i32 to vector<16xi32>
      %shift_right_logical3A_784 = arith.shrui %and3A_770, %shift_right_logical3A_783 : vector<16xi32>
      %shift_left3A_785 = arith.constant 4 : i32
      %shift_left3A_786 = vector.broadcast %shift_left3A_785 : i32 to vector<16xi32>
      %shift_left3A_787 = arith.shli %shift_right_logical3A_784, %shift_left3A_786 : vector<16xi32>
      %shift_right_logical3A_788 = arith.constant 11 : i32
      %shift_right_logical3A_789 = vector.broadcast %shift_right_logical3A_788 : i32 to vector<16xi32>
      %shift_right_logical3A_790 = arith.shrui %shift_right_logical3A_773, %shift_right_logical3A_789 : vector<16xi32>
      %shift_left3A_791 = arith.constant 4 : i32
      %shift_left3A_792 = vector.broadcast %shift_left3A_791 : i32 to vector<16xi32>
      %shift_left3A_793 = arith.shli %shift_right_logical3A_790, %shift_left3A_792 : vector<16xi32>
      %shift_right_logical3A_794 = arith.shrui %gather3A_777, %shift_left3A_787 : vector<16xi32>
      %shift_left3A_795 = arith.constant 16 : i32
      %shift_left3A_796 = vector.broadcast %shift_left3A_795 : i32 to vector<16xi32>
      %shift_left3A_797 = arith.shli %shift_right_logical3A_794, %shift_left3A_796 : vector<16xi32>
      %bitcast3A_798 = vector.bitcast %shift_left3A_797 : vector<16xi32> to vector<16xf32>
      %shift_right_logical3A_799 = arith.shrui %gather3A_781, %shift_left3A_793 : vector<16xi32>
      %shift_left3A_800 = arith.constant 16 : i32
      %shift_left3A_801 = vector.broadcast %shift_left3A_800 : i32 to vector<16xi32>
      %shift_left3A_802 = arith.shli %shift_right_logical3A_799, %shift_left3A_801 : vector<16xi32>
      %bitcast3A_803 = vector.bitcast %shift_left3A_802 : vector<16xi32> to vector<16xf32>
      %swap3A_804 = arith.constant 448 : index
      %swap3A_805 = tpu.vector_load %arg11[%swap3A_804] {strides = array<i32>} : memref<1024xf32, #tpu.memory_space<vmem>>, vector<16xf32>,
      tpu.vector_store %arg11[%swap3A_804], %bitcast3A_798 {strides = array<i32>} : memref<1024xf32, #tpu.memory_space<vmem>>, vector<16xf32>,
      %swap3A_806 = arith.constant 464 : index
      %swap3A_807 = tpu.vector_load %arg11[%swap3A_806] {strides = array<i32>} : memref<1024xf32, #tpu.memory_space<vmem>>, vector<16xf32>,
      tpu.vector_store %arg11[%swap3A_806], %bitcast3A_803 {strides = array<i32>} : memref<1024xf32, #tpu.memory_space<vmem>>, vector<16xf32>,
      %gather3A_808 = tpu.vector_load_idx %arg15[%and3A_770] : memref<4096xi32, #tpu.memory_space<vmem>>[vector<16xi32>], vector<16xi32>,
      %gather3A_809 = tpu.vector_load_idx %arg15[%shift_right_logical3A_773] : memref<4096xi32, #tpu.memory_space<vmem>>[vector<16xi32>], vector<16xi32>,
      %swap3A_810 = arith.constant 448 : index
      %swap3A_811 = tpu.vector_load %arg13[%swap3A_810] {strides = array<i32>} : memref<1024xi32, #tpu.memory_space<vmem>>, vector<16xi32>,
      tpu.vector_store %arg13[%swap3A_810], %gather3A_808 {strides = array<i32>} : memref<1024xi32, #tpu.memory_space<vmem>>, vector<16xi32>,
      %swap3A_812 = arith.constant 464 : index
      %swap3A_813 = tpu.vector_load %arg13[%swap3A_812] {strides = array<i32>} : memref<1024xi32, #tpu.memory_space<vmem>>, vector<16xi32>,
      tpu.vector_store %arg13[%swap3A_812], %gather3A_809 {strides = array<i32>} : memref<1024xi32, #tpu.memory_space<vmem>>, vector<16xi32>,
      %get3A_814 = arith.constant 240 : index
      %get3A_815 = tpu.vector_load %arg9[%get3A_814] {strides = array<i32>} : memref<512xi32, #tpu.memory_space<vmem>>, vector<16xi32>,
      %and3A_816 = arith.constant 65535 : i32
      %and3A_817 = vector.broadcast %and3A_816 : i32 to vector<16xi32>
      %and3A_818 = arith.andi %get3A_815, %and3A_817 : vector<16xi32>
      %shift_right_logical3A_819 = arith.constant 16 : i32
      %shift_right_logical3A_820 = vector.broadcast %shift_right_logical3A_819 : i32 to vector<16xi32>
      %shift_right_logical3A_821 = arith.shrui %get3A_815, %shift_right_logical3A_820 : vector<16xi32>
      %and3A_822 = arith.constant 2047 : i32
      %and3A_823 = vector.broadcast %and3A_822 : i32 to vector<16xi32>
      %and3A_824 = arith.andi %and3A_818, %and3A_823 : vector<16xi32>
      %gather3A_825 = tpu.vector_load_idx %arg7[%and3A_824] : memref<2048xi32, #tpu.memory_space<vmem>>[vector<16xi32>], vector<16xi32>,
      %and3A_826 = arith.constant 2047 : i32
      %and3A_827 = vector.broadcast %and3A_826 : i32 to vector<16xi32>
      %and3A_828 = arith.andi %shift_right_logical3A_821, %and3A_827 : vector<16xi32>
      %gather3A_829 = tpu.vector_load_idx %arg7[%and3A_828] : memref<2048xi32, #tpu.memory_space<vmem>>[vector<16xi32>], vector<16xi32>,
      %shift_right_logical3A_830 = arith.constant 11 : i32
      %shift_right_logical3A_831 = vector.broadcast %shift_right_logical3A_830 : i32 to vector<16xi32>
      %shift_right_logical3A_832 = arith.shrui %and3A_818, %shift_right_logical3A_831 : vector<16xi32>
      %shift_left3A_833 = arith.constant 4 : i32
      %shift_left3A_834 = vector.broadcast %shift_left3A_833 : i32 to vector<16xi32>
      %shift_left3A_835 = arith.shli %shift_right_logical3A_832, %shift_left3A_834 : vector<16xi32>
      %shift_right_logical3A_836 = arith.constant 11 : i32
      %shift_right_logical3A_837 = vector.broadcast %shift_right_logical3A_836 : i32 to vector<16xi32>
      %shift_right_logical3A_838 = arith.shrui %shift_right_logical3A_821, %shift_right_logical3A_837 : vector<16xi32>
      %shift_left3A_839 = arith.constant 4 : i32
      %shift_left3A_840 = vector.broadcast %shift_left3A_839 : i32 to vector<16xi32>
      %shift_left3A_841 = arith.shli %shift_right_logical3A_838, %shift_left3A_840 : vector<16xi32>
      %shift_right_logical3A_842 = arith.shrui %gather3A_825, %shift_left3A_835 : vector<16xi32>
      %shift_left3A_843 = arith.constant 16 : i32
      %shift_left3A_844 = vector.broadcast %shift_left3A_843 : i32 to vector<16xi32>
      %shift_left3A_845 = arith.shli %shift_right_logical3A_842, %shift_left3A_844 : vector<16xi32>
      %bitcast3A_846 = vector.bitcast %shift_left3A_845 : vector<16xi32> to vector<16xf32>
      %shift_right_logical3A_847 = arith.shrui %gather3A_829, %shift_left3A_841 : vector<16xi32>
      %shift_left3A_848 = arith.constant 16 : i32
      %shift_left3A_849 = vector.broadcast %shift_left3A_848 : i32 to vector<16xi32>
      %shift_left3A_850 = arith.shli %shift_right_logical3A_847, %shift_left3A_849 : vector<16xi32>
      %bitcast3A_851 = vector.bitcast %shift_left3A_850 : vector<16xi32> to vector<16xf32>
      %swap3A_852 = arith.constant 480 : index
      %swap3A_853 = tpu.vector_load %arg11[%swap3A_852] {strides = array<i32>} : memref<1024xf32, #tpu.memory_space<vmem>>, vector<16xf32>,
      tpu.vector_store %arg11[%swap3A_852], %bitcast3A_846 {strides = array<i32>} : memref<1024xf32, #tpu.memory_space<vmem>>, vector<16xf32>,
      %swap3A_854 = arith.constant 496 : index
      %swap3A_855 = tpu.vector_load %arg11[%swap3A_854] {strides = array<i32>} : memref<1024xf32, #tpu.memory_space<vmem>>, vector<16xf32>,
      tpu.vector_store %arg11[%swap3A_854], %bitcast3A_851 {strides = array<i32>} : memref<1024xf32, #tpu.memory_space<vmem>>, vector<16xf32>,
      %gather3A_856 = tpu.vector_load_idx %arg15[%and3A_818] : memref<4096xi32, #tpu.memory_space<vmem>>[vector<16xi32>], vector<16xi32>,
      %gather3A_857 = tpu.vector_load_idx %arg15[%shift_right_logical3A_821] : memref<4096xi32, #tpu.memory_space<vmem>>[vector<16xi32>], vector<16xi32>,
      %swap3A_858 = arith.constant 480 : index
      %swap3A_859 = tpu.vector_load %arg13[%swap3A_858] {strides = array<i32>} : memref<1024xi32, #tpu.memory_space<vmem>>, vector<16xi32>,
      tpu.vector_store %arg13[%swap3A_858], %gather3A_856 {strides = array<i32>} : memref<1024xi32, #tpu.memory_space<vmem>>, vector<16xi32>,
      %swap3A_860 = arith.constant 496 : index
      %swap3A_861 = tpu.vector_load %arg13[%swap3A_860] {strides = array<i32>} : memref<1024xi32, #tpu.memory_space<vmem>>, vector<16xi32>,
      tpu.vector_store %arg13[%swap3A_860], %gather3A_857 {strides = array<i32>} : memref<1024xi32, #tpu.memory_space<vmem>>, vector<16xi32>,
      %get3A_862 = arith.constant 256 : index
      %get3A_863 = tpu.vector_load %arg9[%get3A_862] {strides = array<i32>} : memref<512xi32, #tpu.memory_space<vmem>>, vector<16xi32>,
      %and3A_864 = arith.constant 65535 : i32
      %and3A_865 = vector.broadcast %and3A_864 : i32 to vector<16xi32>
      %and3A_866 = arith.andi %get3A_863, %and3A_865 : vector<16xi32>
      %shift_right_logical3A_867 = arith.constant 16 : i32
      %shift_right_logical3A_868 = vector.broadcast %shift_right_logical3A_867 : i32 to vector<16xi32>
      %shift_right_logical3A_869 = arith.shrui %get3A_863, %shift_right_logical3A_868 : vector<16xi32>
      %and3A_870 = arith.constant 2047 : i32
      %and3A_871 = vector.broadcast %and3A_870 : i32 to vector<16xi32>
      %and3A_872 = arith.andi %and3A_866, %and3A_871 : vector<16xi32>
      %gather3A_873 = tpu.vector_load_idx %arg7[%and3A_872] : memref<2048xi32, #tpu.memory_space<vmem>>[vector<16xi32>], vector<16xi32>,
      %and3A_874 = arith.constant 2047 : i32
      %and3A_875 = vector.broadcast %and3A_874 : i32 to vector<16xi32>
      %and3A_876 = arith.andi %shift_right_logical3A_869, %and3A_875 : vector<16xi32>
      %gather3A_877 = tpu.vector_load_idx %arg7[%and3A_876] : memref<2048xi32, #tpu.memory_space<vmem>>[vector<16xi32>], vector<16xi32>,
      %shift_right_logical3A_878 = arith.constant 11 : i32
      %shift_right_logical3A_879 = vector.broadcast %shift_right_logical3A_878 : i32 to vector<16xi32>
      %shift_right_logical3A_880 = arith.shrui %and3A_866, %shift_right_logical3A_879 : vector<16xi32>
      %shift_left3A_881 = arith.constant 4 : i32
      %shift_left3A_882 = vector.broadcast %shift_left3A_881 : i32 to vector<16xi32>
      %shift_left3A_883 = arith.shli %shift_right_logical3A_880, %shift_left3A_882 : vector<16xi32>
      %shift_right_logical3A_884 = arith.constant 11 : i32
      %shift_right_logical3A_885 = vector.broadcast %shift_right_logical3A_884 : i32 to vector<16xi32>
      %shift_right_logical3A_886 = arith.shrui %shift_right_logical3A_869, %shift_right_logical3A_885 : vector<16xi32>
      %shift_left3A_887 = arith.constant 4 : i32
      %shift_left3A_888 = vector.broadcast %shift_left3A_887 : i32 to vector<16xi32>
      %shift_left3A_889 = arith.shli %shift_right_logical3A_886, %shift_left3A_888 : vector<16xi32>
      %shift_right_logical3A_890 = arith.shrui %gather3A_873, %shift_left3A_883 : vector<16xi32>
      %shift_left3A_891 = arith.constant 16 : i32
      %shift_left3A_892 = vector.broadcast %shift_left3A_891 : i32 to vector<16xi32>
      %shift_left3A_893 = arith.shli %shift_right_logical3A_890, %shift_left3A_892 : vector<16xi32>
      %bitcast3A_894 = vector.bitcast %shift_left3A_893 : vector<16xi32> to vector<16xf32>
      %shift_right_logical3A_895 = arith.shrui %gather3A_877, %shift_left3A_889 : vector<16xi32>
      %shift_left3A_896 = arith.constant 16 : i32
      %shift_left3A_897 = vector.broadcast %shift_left3A_896 : i32 to vector<16xi32>
      %shift_left3A_898 = arith.shli %shift_right_logical3A_895, %shift_left3A_897 : vector<16xi32>
      %bitcast3A_899 = vector.bitcast %shift_left3A_898 : vector<16xi32> to vector<16xf32>
      %swap3A_900 = arith.constant 512 : index
      %swap3A_901 = tpu.vector_load %arg11[%swap3A_900] {strides = array<i32>} : memref<1024xf32, #tpu.memory_space<vmem>>, vector<16xf32>,
      tpu.vector_store %arg11[%swap3A_900], %bitcast3A_894 {strides = array<i32>} : memref<1024xf32, #tpu.memory_space<vmem>>, vector<16xf32>,
      %swap3A_902 = arith.constant 528 : index
      %swap3A_903 = tpu.vector_load %arg11[%swap3A_902] {strides = array<i32>} : memref<1024xf32, #tpu.memory_space<vmem>>, vector<16xf32>,
      tpu.vector_store %arg11[%swap3A_902], %bitcast3A_899 {strides = array<i32>} : memref<1024xf32, #tpu.memory_space<vmem>>, vector<16xf32>,
      %gather3A_904 = tpu.vector_load_idx %arg15[%and3A_866] : memref<4096xi32, #tpu.memory_space<vmem>>[vector<16xi32>], vector<16xi32>,
      %gather3A_905 = tpu.vector_load_idx %arg15[%shift_right_logical3A_869] : memref<4096xi32, #tpu.memory_space<vmem>>[vector<16xi32>], vector<16xi32>,
      %swap3A_906 = arith.constant 512 : index
      %swap3A_907 = tpu.vector_load %arg13[%swap3A_906] {strides = array<i32>} : memref<1024xi32, #tpu.memory_space<vmem>>, vector<16xi32>,
      tpu.vector_store %arg13[%swap3A_906], %gather3A_904 {strides = array<i32>} : memref<1024xi32, #tpu.memory_space<vmem>>, vector<16xi32>,
      %swap3A_908 = arith.constant 528 : index
      %swap3A_909 = tpu.vector_load %arg13[%swap3A_908] {strides = array<i32>} : memref<1024xi32, #tpu.memory_space<vmem>>, vector<16xi32>,
      tpu.vector_store %arg13[%swap3A_908], %gather3A_905 {strides = array<i32>} : memref<1024xi32, #tpu.memory_space<vmem>>, vector<16xi32>,
      %get3A_910 = arith.constant 272 : index
      %get3A_911 = tpu.vector_load %arg9[%get3A_910] {strides = array<i32>} : memref<512xi32, #tpu.memory_space<vmem>>, vector<16xi32>,
      %and3A_912 = arith.constant 65535 : i32
      %and3A_913 = vector.broadcast %and3A_912 : i32 to vector<16xi32>
      %and3A_914 = arith.andi %get3A_911, %and3A_913 : vector<16xi32>
      %shift_right_logical3A_915 = arith.constant 16 : i32
      %shift_right_logical3A_916 = vector.broadcast %shift_right_logical3A_915 : i32 to vector<16xi32>
      %shift_right_logical3A_917 = arith.shrui %get3A_911, %shift_right_logical3A_916 : vector<16xi32>
      %and3A_918 = arith.constant 2047 : i32
      %and3A_919 = vector.broadcast %and3A_918 : i32 to vector<16xi32>
      %and3A_920 = arith.andi %and3A_914, %and3A_919 : vector<16xi32>
      %gather3A_921 = tpu.vector_load_idx %arg7[%and3A_920] : memref<2048xi32, #tpu.memory_space<vmem>>[vector<16xi32>], vector<16xi32>,
      %and3A_922 = arith.constant 2047 : i32
      %and3A_923 = vector.broadcast %and3A_922 : i32 to vector<16xi32>
      %and3A_924 = arith.andi %shift_right_logical3A_917, %and3A_923 : vector<16xi32>
      %gather3A_925 = tpu.vector_load_idx %arg7[%and3A_924] : memref<2048xi32, #tpu.memory_space<vmem>>[vector<16xi32>], vector<16xi32>,
      %shift_right_logical3A_926 = arith.constant 11 : i32
      %shift_right_logical3A_927 = vector.broadcast %shift_right_logical3A_926 : i32 to vector<16xi32>
      %shift_right_logical3A_928 = arith.shrui %and3A_914, %shift_right_logical3A_927 : vector<16xi32>
      %shift_left3A_929 = arith.constant 4 : i32
      %shift_left3A_930 = vector.broadcast %shift_left3A_929 : i32 to vector<16xi32>
      %shift_left3A_931 = arith.shli %shift_right_logical3A_928, %shift_left3A_930 : vector<16xi32>
      %shift_right_logical3A_932 = arith.constant 11 : i32
      %shift_right_logical3A_933 = vector.broadcast %shift_right_logical3A_932 : i32 to vector<16xi32>
      %shift_right_logical3A_934 = arith.shrui %shift_right_logical3A_917, %shift_right_logical3A_933 : vector<16xi32>
      %shift_left3A_935 = arith.constant 4 : i32
      %shift_left3A_936 = vector.broadcast %shift_left3A_935 : i32 to vector<16xi32>
      %shift_left3A_937 = arith.shli %shift_right_logical3A_934, %shift_left3A_936 : vector<16xi32>
      %shift_right_logical3A_938 = arith.shrui %gather3A_921, %shift_left3A_931 : vector<16xi32>
      %shift_left3A_939 = arith.constant 16 : i32
      %shift_left3A_940 = vector.broadcast %shift_left3A_939 : i32 to vector<16xi32>
      %shift_left3A_941 = arith.shli %shift_right_logical3A_938, %shift_left3A_940 : vector<16xi32>
      %bitcast3A_942 = vector.bitcast %shift_left3A_941 : vector<16xi32> to vector<16xf32>
      %shift_right_logical3A_943 = arith.shrui %gather3A_925, %shift_left3A_937 : vector<16xi32>
      %shift_left3A_944 = arith.constant 16 : i32
      %shift_left3A_945 = vector.broadcast %shift_left3A_944 : i32 to vector<16xi32>
      %shift_left3A_946 = arith.shli %shift_right_logical3A_943, %shift_left3A_945 : vector<16xi32>
      %bitcast3A_947 = vector.bitcast %shift_left3A_946 : vector<16xi32> to vector<16xf32>
      %swap3A_948 = arith.constant 544 : index
      %swap3A_949 = tpu.vector_load %arg11[%swap3A_948] {strides = array<i32>} : memref<1024xf32, #tpu.memory_space<vmem>>, vector<16xf32>,
      tpu.vector_store %arg11[%swap3A_948], %bitcast3A_942 {strides = array<i32>} : memref<1024xf32, #tpu.memory_space<vmem>>, vector<16xf32>,
      %swap3A_950 = arith.constant 560 : index
      %swap3A_951 = tpu.vector_load %arg11[%swap3A_950] {strides = array<i32>} : memref<1024xf32, #tpu.memory_space<vmem>>, vector<16xf32>,
      tpu.vector_store %arg11[%swap3A_950], %bitcast3A_947 {strides = array<i32>} : memref<1024xf32, #tpu.memory_space<vmem>>, vector<16xf32>,
      %gather3A_952 = tpu.vector_load_idx %arg15[%and3A_914] : memref<4096xi32, #tpu.memory_space<vmem>>[vector<16xi32>], vector<16xi32>,
      %gather3A_953 = tpu.vector_load_idx %arg15[%shift_right_logical3A_917] : memref<4096xi32, #tpu.memory_space<vmem>>[vector<16xi32>], vector<16xi32>,
      %swap3A_954 = arith.constant 544 : index
      %swap3A_955 = tpu.vector_load %arg13[%swap3A_954] {strides = array<i32>} : memref<1024xi32, #tpu.memory_space<vmem>>, vector<16xi32>,
      tpu.vector_store %arg13[%swap3A_954], %gather3A_952 {strides = array<i32>} : memref<1024xi32, #tpu.memory_space<vmem>>, vector<16xi32>,
      %swap3A_956 = arith.constant 560 : index
      %swap3A_957 = tpu.vector_load %arg13[%swap3A_956] {strides = array<i32>} : memref<1024xi32, #tpu.memory_space<vmem>>, vector<16xi32>,
      tpu.vector_store %arg13[%swap3A_956], %gather3A_953 {strides = array<i32>} : memref<1024xi32, #tpu.memory_space<vmem>>, vector<16xi32>,
      %get3A_958 = arith.constant 288 : index
      %get3A_959 = tpu.vector_load %arg9[%get3A_958] {strides = array<i32>} : memref<512xi32, #tpu.memory_space<vmem>>, vector<16xi32>,
      %and3A_960 = arith.constant 65535 : i32
      %and3A_961 = vector.broadcast %and3A_960 : i32 to vector<16xi32>
      %and3A_962 = arith.andi %get3A_959, %and3A_961 : vector<16xi32>
      %shift_right_logical3A_963 = arith.constant 16 : i32
      %shift_right_logical3A_964 = vector.broadcast %shift_right_logical3A_963 : i32 to vector<16xi32>
      %shift_right_logical3A_965 = arith.shrui %get3A_959, %shift_right_logical3A_964 : vector<16xi32>
      %and3A_966 = arith.constant 2047 : i32
      %and3A_967 = vector.broadcast %and3A_966 : i32 to vector<16xi32>
      %and3A_968 = arith.andi %and3A_962, %and3A_967 : vector<16xi32>
      %gather3A_969 = tpu.vector_load_idx %arg7[%and3A_968] : memref<2048xi32, #tpu.memory_space<vmem>>[vector<16xi32>], vector<16xi32>,
      %and3A_970 = arith.constant 2047 : i32
      %and3A_971 = vector.broadcast %and3A_970 : i32 to vector<16xi32>
      %and3A_972 = arith.andi %shift_right_logical3A_965, %and3A_971 : vector<16xi32>
      %gather3A_973 = tpu.vector_load_idx %arg7[%and3A_972] : memref<2048xi32, #tpu.memory_space<vmem>>[vector<16xi32>], vector<16xi32>,
      %shift_right_logical3A_974 = arith.constant 11 : i32
      %shift_right_logical3A_975 = vector.broadcast %shift_right_logical3A_974 : i32 to vector<16xi32>
      %shift_right_logical3A_976 = arith.shrui %and3A_962, %shift_right_logical3A_975 : vector<16xi32>
      %shift_left3A_977 = arith.constant 4 : i32
      %shift_left3A_978 = vector.broadcast %shift_left3A_977 : i32 to vector<16xi32>
      %shift_left3A_979 = arith.shli %shift_right_logical3A_976, %shift_left3A_978 : vector<16xi32>
      %shift_right_logical3A_980 = arith.constant 11 : i32
      %shift_right_logical3A_981 = vector.broadcast %shift_right_logical3A_980 : i32 to vector<16xi32>
      %shift_right_logical3A_982 = arith.shrui %shift_right_logical3A_965, %shift_right_logical3A_981 : vector<16xi32>
      %shift_left3A_983 = arith.constant 4 : i32
      %shift_left3A_984 = vector.broadcast %shift_left3A_983 : i32 to vector<16xi32>
      %shift_left3A_985 = arith.shli %shift_right_logical3A_982, %shift_left3A_984 : vector<16xi32>
      %shift_right_logical3A_986 = arith.shrui %gather3A_969, %shift_left3A_979 : vector<16xi32>
      %shift_left3A_987 = arith.constant 16 : i32
      %shift_left3A_988 = vector.broadcast %shift_left3A_987 : i32 to vector<16xi32>
      %shift_left3A_989 = arith.shli %shift_right_logical3A_986, %shift_left3A_988 : vector<16xi32>
      %bitcast3A_990 = vector.bitcast %shift_left3A_989 : vector<16xi32> to vector<16xf32>
      %shift_right_logical3A_991 = arith.shrui %gather3A_973, %shift_left3A_985 : vector<16xi32>
      %shift_left3A_992 = arith.constant 16 : i32
      %shift_left3A_993 = vector.broadcast %shift_left3A_992 : i32 to vector<16xi32>
      %shift_left3A_994 = arith.shli %shift_right_logical3A_991, %shift_left3A_993 : vector<16xi32>
      %bitcast3A_995 = vector.bitcast %shift_left3A_994 : vector<16xi32> to vector<16xf32>
      %swap3A_996 = arith.constant 576 : index
      %swap3A_997 = tpu.vector_load %arg11[%swap3A_996] {strides = array<i32>} : memref<1024xf32, #tpu.memory_space<vmem>>, vector<16xf32>,
      tpu.vector_store %arg11[%swap3A_996], %bitcast3A_990 {strides = array<i32>} : memref<1024xf32, #tpu.memory_space<vmem>>, vector<16xf32>,
      %swap3A_998 = arith.constant 592 : index
      %swap3A_999 = tpu.vector_load %arg11[%swap3A_998] {strides = array<i32>} : memref<1024xf32, #tpu.memory_space<vmem>>, vector<16xf32>,
      tpu.vector_store %arg11[%swap3A_998], %bitcast3A_995 {strides = array<i32>} : memref<1024xf32, #tpu.memory_space<vmem>>, vector<16xf32>,
      %gather3A_1000 = tpu.vector_load_idx %arg15[%and3A_962] : memref<4096xi32, #tpu.memory_space<vmem>>[vector<16xi32>], vector<16xi32>,
      %gather3A_1001 = tpu.vector_load_idx %arg15[%shift_right_logical3A_965] : memref<4096xi32, #tpu.memory_space<vmem>>[vector<16xi32>], vector<16xi32>,
      %swap3A_1002 = arith.constant 576 : index
      %swap3A_1003 = tpu.vector_load %arg13[%swap3A_1002] {strides = array<i32>} : memref<1024xi32, #tpu.memory_space<vmem>>, vector<16xi32>,
      tpu.vector_store %arg13[%swap3A_1002], %gather3A_1000 {strides = array<i32>} : memref<1024xi32, #tpu.memory_space<vmem>>, vector<16xi32>,
      %swap3A_1004 = arith.constant 592 : index
      %swap3A_1005 = tpu.vector_load %arg13[%swap3A_1004] {strides = array<i32>} : memref<1024xi32, #tpu.memory_space<vmem>>, vector<16xi32>,
      tpu.vector_store %arg13[%swap3A_1004], %gather3A_1001 {strides = array<i32>} : memref<1024xi32, #tpu.memory_space<vmem>>, vector<16xi32>,
      %get3A_1006 = arith.constant 304 : index
      %get3A_1007 = tpu.vector_load %arg9[%get3A_1006] {strides = array<i32>} : memref<512xi32, #tpu.memory_space<vmem>>, vector<16xi32>,
      %and3A_1008 = arith.constant 65535 : i32
      %and3A_1009 = vector.broadcast %and3A_1008 : i32 to vector<16xi32>
      %and3A_1010 = arith.andi %get3A_1007, %and3A_1009 : vector<16xi32>
      %shift_right_logical3A_1011 = arith.constant 16 : i32
      %shift_right_logical3A_1012 = vector.broadcast %shift_right_logical3A_1011 : i32 to vector<16xi32>
      %shift_right_logical3A_1013 = arith.shrui %get3A_1007, %shift_right_logical3A_1012 : vector<16xi32>
      %and3A_1014 = arith.constant 2047 : i32
      %and3A_1015 = vector.broadcast %and3A_1014 : i32 to vector<16xi32>
      %and3A_1016 = arith.andi %and3A_1010, %and3A_1015 : vector<16xi32>
      %gather3A_1017 = tpu.vector_load_idx %arg7[%and3A_1016] : memref<2048xi32, #tpu.memory_space<vmem>>[vector<16xi32>], vector<16xi32>,
      %and3A_1018 = arith.constant 2047 : i32
      %and3A_1019 = vector.broadcast %and3A_1018 : i32 to vector<16xi32>
      %and3A_1020 = arith.andi %shift_right_logical3A_1013, %and3A_1019 : vector<16xi32>
      %gather3A_1021 = tpu.vector_load_idx %arg7[%and3A_1020] : memref<2048xi32, #tpu.memory_space<vmem>>[vector<16xi32>], vector<16xi32>,
      %shift_right_logical3A_1022 = arith.constant 11 : i32
      %shift_right_logical3A_1023 = vector.broadcast %shift_right_logical3A_1022 : i32 to vector<16xi32>
      %shift_right_logical3A_1024 = arith.shrui %and3A_1010, %shift_right_logical3A_1023 : vector<16xi32>
      %shift_left3A_1025 = arith.constant 4 : i32
      %shift_left3A_1026 = vector.broadcast %shift_left3A_1025 : i32 to vector<16xi32>
      %shift_left3A_1027 = arith.shli %shift_right_logical3A_1024, %shift_left3A_1026 : vector<16xi32>
      %shift_right_logical3A_1028 = arith.constant 11 : i32
      %shift_right_logical3A_1029 = vector.broadcast %shift_right_logical3A_1028 : i32 to vector<16xi32>
      %shift_right_logical3A_1030 = arith.shrui %shift_right_logical3A_1013, %shift_right_logical3A_1029 : vector<16xi32>
      %shift_left3A_1031 = arith.constant 4 : i32
      %shift_left3A_1032 = vector.broadcast %shift_left3A_1031 : i32 to vector<16xi32>
      %shift_left3A_1033 = arith.shli %shift_right_logical3A_1030, %shift_left3A_1032 : vector<16xi32>
      %shift_right_logical3A_1034 = arith.shrui %gather3A_1017, %shift_left3A_1027 : vector<16xi32>
      %shift_left3A_1035 = arith.constant 16 : i32
      %shift_left3A_1036 = vector.broadcast %shift_left3A_1035 : i32 to vector<16xi32>
      %shift_left3A_1037 = arith.shli %shift_right_logical3A_1034, %shift_left3A_1036 : vector<16xi32>
      %bitcast3A_1038 = vector.bitcast %shift_left3A_1037 : vector<16xi32> to vector<16xf32>
      %shift_right_logical3A_1039 = arith.shrui %gather3A_1021, %shift_left3A_1033 : vector<16xi32>
      %shift_left3A_1040 = arith.constant 16 : i32
      %shift_left3A_1041 = vector.broadcast %shift_left3A_1040 : i32 to vector<16xi32>
      %shift_left3A_1042 = arith.shli %shift_right_logical3A_1039, %shift_left3A_1041 : vector<16xi32>
      %bitcast3A_1043 = vector.bitcast %shift_left3A_1042 : vector<16xi32> to vector<16xf32>
      %swap3A_1044 = arith.constant 608 : index
      %swap3A_1045 = tpu.vector_load %arg11[%swap3A_1044] {strides = array<i32>} : memref<1024xf32, #tpu.memory_space<vmem>>, vector<16xf32>,
      tpu.vector_store %arg11[%swap3A_1044], %bitcast3A_1038 {strides = array<i32>} : memref<1024xf32, #tpu.memory_space<vmem>>, vector<16xf32>,
      %swap3A_1046 = arith.constant 624 : index
      %swap3A_1047 = tpu.vector_load %arg11[%swap3A_1046] {strides = array<i32>} : memref<1024xf32, #tpu.memory_space<vmem>>, vector<16xf32>,
      tpu.vector_store %arg11[%swap3A_1046], %bitcast3A_1043 {strides = array<i32>} : memref<1024xf32, #tpu.memory_space<vmem>>, vector<16xf32>,
      %gather3A_1048 = tpu.vector_load_idx %arg15[%and3A_1010] : memref<4096xi32, #tpu.memory_space<vmem>>[vector<16xi32>], vector<16xi32>,
      %gather3A_1049 = tpu.vector_load_idx %arg15[%shift_right_logical3A_1013] : memref<4096xi32, #tpu.memory_space<vmem>>[vector<16xi32>], vector<16xi32>,
      %swap3A_1050 = arith.constant 608 : index
      %swap3A_1051 = tpu.vector_load %arg13[%swap3A_1050] {strides = array<i32>} : memref<1024xi32, #tpu.memory_space<vmem>>, vector<16xi32>,
      tpu.vector_store %arg13[%swap3A_1050], %gather3A_1048 {strides = array<i32>} : memref<1024xi32, #tpu.memory_space<vmem>>, vector<16xi32>,
      %swap3A_1052 = arith.constant 624 : index
      %swap3A_1053 = tpu.vector_load %arg13[%swap3A_1052] {strides = array<i32>} : memref<1024xi32, #tpu.memory_space<vmem>>, vector<16xi32>,
      tpu.vector_store %arg13[%swap3A_1052], %gather3A_1049 {strides = array<i32>} : memref<1024xi32, #tpu.memory_space<vmem>>, vector<16xi32>,
      %get3A_1054 = arith.constant 320 : index
      %get3A_1055 = tpu.vector_load %arg9[%get3A_1054] {strides = array<i32>} : memref<512xi32, #tpu.memory_space<vmem>>, vector<16xi32>,
      %and3A_1056 = arith.constant 65535 : i32
      %and3A_1057 = vector.broadcast %and3A_1056 : i32 to vector<16xi32>
      %and3A_1058 = arith.andi %get3A_1055, %and3A_1057 : vector<16xi32>
      %shift_right_logical3A_1059 = arith.constant 16 : i32
      %shift_right_logical3A_1060 = vector.broadcast %shift_right_logical3A_1059 : i32 to vector<16xi32>
      %shift_right_logical3A_1061 = arith.shrui %get3A_1055, %shift_right_logical3A_1060 : vector<16xi32>
      %and3A_1062 = arith.constant 2047 : i32
      %and3A_1063 = vector.broadcast %and3A_1062 : i32 to vector<16xi32>
      %and3A_1064 = arith.andi %and3A_1058, %and3A_1063 : vector<16xi32>
      %gather3A_1065 = tpu.vector_load_idx %arg7[%and3A_1064] : memref<2048xi32, #tpu.memory_space<vmem>>[vector<16xi32>], vector<16xi32>,
      %and3A_1066 = arith.constant 2047 : i32
      %and3A_1067 = vector.broadcast %and3A_1066 : i32 to vector<16xi32>
      %and3A_1068 = arith.andi %shift_right_logical3A_1061, %and3A_1067 : vector<16xi32>
      %gather3A_1069 = tpu.vector_load_idx %arg7[%and3A_1068] : memref<2048xi32, #tpu.memory_space<vmem>>[vector<16xi32>], vector<16xi32>,
      %shift_right_logical3A_1070 = arith.constant 11 : i32
      %shift_right_logical3A_1071 = vector.broadcast %shift_right_logical3A_1070 : i32 to vector<16xi32>
      %shift_right_logical3A_1072 = arith.shrui %and3A_1058, %shift_right_logical3A_1071 : vector<16xi32>
      %shift_left3A_1073 = arith.constant 4 : i32
      %shift_left3A_1074 = vector.broadcast %shift_left3A_1073 : i32 to vector<16xi32>
      %shift_left3A_1075 = arith.shli %shift_right_logical3A_1072, %shift_left3A_1074 : vector<16xi32>
      %shift_right_logical3A_1076 = arith.constant 11 : i32
      %shift_right_logical3A_1077 = vector.broadcast %shift_right_logical3A_1076 : i32 to vector<16xi32>
      %shift_right_logical3A_1078 = arith.shrui %shift_right_logical3A_1061, %shift_right_logical3A_1077 : vector<16xi32>
      %shift_left3A_1079 = arith.constant 4 : i32
      %shift_left3A_1080 = vector.broadcast %shift_left3A_1079 : i32 to vector<16xi32>
      %shift_left3A_1081 = arith.shli %shift_right_logical3A_1078, %shift_left3A_1080 : vector<16xi32>
      %shift_right_logical3A_1082 = arith.shrui %gather3A_1065, %shift_left3A_1075 : vector<16xi32>
      %shift_left3A_1083 = arith.constant 16 : i32
      %shift_left3A_1084 = vector.broadcast %shift_left3A_1083 : i32 to vector<16xi32>
      %shift_left3A_1085 = arith.shli %shift_right_logical3A_1082, %shift_left3A_1084 : vector<16xi32>
      %bitcast3A_1086 = vector.bitcast %shift_left3A_1085 : vector<16xi32> to vector<16xf32>
      %shift_right_logical3A_1087 = arith.shrui %gather3A_1069, %shift_left3A_1081 : vector<16xi32>
      %shift_left3A_1088 = arith.constant 16 : i32
      %shift_left3A_1089 = vector.broadcast %shift_left3A_1088 : i32 to vector<16xi32>
      %shift_left3A_1090 = arith.shli %shift_right_logical3A_1087, %shift_left3A_1089 : vector<16xi32>
      %bitcast3A_1091 = vector.bitcast %shift_left3A_1090 : vector<16xi32> to vector<16xf32>
      %swap3A_1092 = arith.constant 640 : index
      %swap3A_1093 = tpu.vector_load %arg11[%swap3A_1092] {strides = array<i32>} : memref<1024xf32, #tpu.memory_space<vmem>>, vector<16xf32>,
      tpu.vector_store %arg11[%swap3A_1092], %bitcast3A_1086 {strides = array<i32>} : memref<1024xf32, #tpu.memory_space<vmem>>, vector<16xf32>,
      %swap3A_1094 = arith.constant 656 : index
      %swap3A_1095 = tpu.vector_load %arg11[%swap3A_1094] {strides = array<i32>} : memref<1024xf32, #tpu.memory_space<vmem>>, vector<16xf32>,
      tpu.vector_store %arg11[%swap3A_1094], %bitcast3A_1091 {strides = array<i32>} : memref<1024xf32, #tpu.memory_space<vmem>>, vector<16xf32>,
      %gather3A_1096 = tpu.vector_load_idx %arg15[%and3A_1058] : memref<4096xi32, #tpu.memory_space<vmem>>[vector<16xi32>], vector<16xi32>,
      %gather3A_1097 = tpu.vector_load_idx %arg15[%shift_right_logical3A_1061] : memref<4096xi32, #tpu.memory_space<vmem>>[vector<16xi32>], vector<16xi32>,
      %swap3A_1098 = arith.constant 640 : index
      %swap3A_1099 = tpu.vector_load %arg13[%swap3A_1098] {strides = array<i32>} : memref<1024xi32, #tpu.memory_space<vmem>>, vector<16xi32>,
      tpu.vector_store %arg13[%swap3A_1098], %gather3A_1096 {strides = array<i32>} : memref<1024xi32, #tpu.memory_space<vmem>>, vector<16xi32>,
      %swap3A_1100 = arith.constant 656 : index
      %swap3A_1101 = tpu.vector_load %arg13[%swap3A_1100] {strides = array<i32>} : memref<1024xi32, #tpu.memory_space<vmem>>, vector<16xi32>,
      tpu.vector_store %arg13[%swap3A_1100], %gather3A_1097 {strides = array<i32>} : memref<1024xi32, #tpu.memory_space<vmem>>, vector<16xi32>,
      %get3A_1102 = arith.constant 336 : index
      %get3A_1103 = tpu.vector_load %arg9[%get3A_1102] {strides = array<i32>} : memref<512xi32, #tpu.memory_space<vmem>>, vector<16xi32>,
      %and3A_1104 = arith.constant 65535 : i32
      %and3A_1105 = vector.broadcast %and3A_1104 : i32 to vector<16xi32>
      %and3A_1106 = arith.andi %get3A_1103, %and3A_1105 : vector<16xi32>
      %shift_right_logical3A_1107 = arith.constant 16 : i32
      %shift_right_logical3A_1108 = vector.broadcast %shift_right_logical3A_1107 : i32 to vector<16xi32>
      %shift_right_logical3A_1109 = arith.shrui %get3A_1103, %shift_right_logical3A_1108 : vector<16xi32>
      %and3A_1110 = arith.constant 2047 : i32
      %and3A_1111 = vector.broadcast %and3A_1110 : i32 to vector<16xi32>
      %and3A_1112 = arith.andi %and3A_1106, %and3A_1111 : vector<16xi32>
      %gather3A_1113 = tpu.vector_load_idx %arg7[%and3A_1112] : memref<2048xi32, #tpu.memory_space<vmem>>[vector<16xi32>], vector<16xi32>,
      %and3A_1114 = arith.constant 2047 : i32
      %and3A_1115 = vector.broadcast %and3A_1114 : i32 to vector<16xi32>
      %and3A_1116 = arith.andi %shift_right_logical3A_1109, %and3A_1115 : vector<16xi32>
      %gather3A_1117 = tpu.vector_load_idx %arg7[%and3A_1116] : memref<2048xi32, #tpu.memory_space<vmem>>[vector<16xi32>], vector<16xi32>,
      %shift_right_logical3A_1118 = arith.constant 11 : i32
      %shift_right_logical3A_1119 = vector.broadcast %shift_right_logical3A_1118 : i32 to vector<16xi32>
      %shift_right_logical3A_1120 = arith.shrui %and3A_1106, %shift_right_logical3A_1119 : vector<16xi32>
      %shift_left3A_1121 = arith.constant 4 : i32
      %shift_left3A_1122 = vector.broadcast %shift_left3A_1121 : i32 to vector<16xi32>
      %shift_left3A_1123 = arith.shli %shift_right_logical3A_1120, %shift_left3A_1122 : vector<16xi32>
      %shift_right_logical3A_1124 = arith.constant 11 : i32
      %shift_right_logical3A_1125 = vector.broadcast %shift_right_logical3A_1124 : i32 to vector<16xi32>
      %shift_right_logical3A_1126 = arith.shrui %shift_right_logical3A_1109, %shift_right_logical3A_1125 : vector<16xi32>
      %shift_left3A_1127 = arith.constant 4 : i32
      %shift_left3A_1128 = vector.broadcast %shift_left3A_1127 : i32 to vector<16xi32>
      %shift_left3A_1129 = arith.shli %shift_right_logical3A_1126, %shift_left3A_1128 : vector<16xi32>
      %shift_right_logical3A_1130 = arith.shrui %gather3A_1113, %shift_left3A_1123 : vector<16xi32>
      %shift_left3A_1131 = arith.constant 16 : i32
      %shift_left3A_1132 = vector.broadcast %shift_left3A_1131 : i32 to vector<16xi32>
      %shift_left3A_1133 = arith.shli %shift_right_logical3A_1130, %shift_left3A_1132 : vector<16xi32>
      %bitcast3A_1134 = vector.bitcast %shift_left3A_1133 : vector<16xi32> to vector<16xf32>
      %shift_right_logical3A_1135 = arith.shrui %gather3A_1117, %shift_left3A_1129 : vector<16xi32>
      %shift_left3A_1136 = arith.constant 16 : i32
      %shift_left3A_1137 = vector.broadcast %shift_left3A_1136 : i32 to vector<16xi32>
      %shift_left3A_1138 = arith.shli %shift_right_logical3A_1135, %shift_left3A_1137 : vector<16xi32>
      %bitcast3A_1139 = vector.bitcast %shift_left3A_1138 : vector<16xi32> to vector<16xf32>
      %swap3A_1140 = arith.constant 672 : index
      %swap3A_1141 = tpu.vector_load %arg11[%swap3A_1140] {strides = array<i32>} : memref<1024xf32, #tpu.memory_space<vmem>>, vector<16xf32>,
      tpu.vector_store %arg11[%swap3A_1140], %bitcast3A_1134 {strides = array<i32>} : memref<1024xf32, #tpu.memory_space<vmem>>, vector<16xf32>,
      %swap3A_1142 = arith.constant 688 : index
      %swap3A_1143 = tpu.vector_load %arg11[%swap3A_1142] {strides = array<i32>} : memref<1024xf32, #tpu.memory_space<vmem>>, vector<16xf32>,
      tpu.vector_store %arg11[%swap3A_1142], %bitcast3A_1139 {strides = array<i32>} : memref<1024xf32, #tpu.memory_space<vmem>>, vector<16xf32>,
      %gather3A_1144 = tpu.vector_load_idx %arg15[%and3A_1106] : memref<4096xi32, #tpu.memory_space<vmem>>[vector<16xi32>], vector<16xi32>,
      %gather3A_1145 = tpu.vector_load_idx %arg15[%shift_right_logical3A_1109] : memref<4096xi32, #tpu.memory_space<vmem>>[vector<16xi32>], vector<16xi32>,
      %swap3A_1146 = arith.constant 672 : index
      %swap3A_1147 = tpu.vector_load %arg13[%swap3A_1146] {strides = array<i32>} : memref<1024xi32, #tpu.memory_space<vmem>>, vector<16xi32>,
      tpu.vector_store %arg13[%swap3A_1146], %gather3A_1144 {strides = array<i32>} : memref<1024xi32, #tpu.memory_space<vmem>>, vector<16xi32>,
      %swap3A_1148 = arith.constant 688 : index
      %swap3A_1149 = tpu.vector_load %arg13[%swap3A_1148] {strides = array<i32>} : memref<1024xi32, #tpu.memory_space<vmem>>, vector<16xi32>,
      tpu.vector_store %arg13[%swap3A_1148], %gather3A_1145 {strides = array<i32>} : memref<1024xi32, #tpu.memory_space<vmem>>, vector<16xi32>,
      %get3A_1150 = arith.constant 352 : index
      %get3A_1151 = tpu.vector_load %arg9[%get3A_1150] {strides = array<i32>} : memref<512xi32, #tpu.memory_space<vmem>>, vector<16xi32>,
      %and3A_1152 = arith.constant 65535 : i32
      %and3A_1153 = vector.broadcast %and3A_1152 : i32 to vector<16xi32>
      %and3A_1154 = arith.andi %get3A_1151, %and3A_1153 : vector<16xi32>
      %shift_right_logical3A_1155 = arith.constant 16 : i32
      %shift_right_logical3A_1156 = vector.broadcast %shift_right_logical3A_1155 : i32 to vector<16xi32>
      %shift_right_logical3A_1157 = arith.shrui %get3A_1151, %shift_right_logical3A_1156 : vector<16xi32>
      %and3A_1158 = arith.constant 2047 : i32
      %and3A_1159 = vector.broadcast %and3A_1158 : i32 to vector<16xi32>
      %and3A_1160 = arith.andi %and3A_1154, %and3A_1159 : vector<16xi32>
      %gather3A_1161 = tpu.vector_load_idx %arg7[%and3A_1160] : memref<2048xi32, #tpu.memory_space<vmem>>[vector<16xi32>], vector<16xi32>,
      %and3A_1162 = arith.constant 2047 : i32
      %and3A_1163 = vector.broadcast %and3A_1162 : i32 to vector<16xi32>
      %and3A_1164 = arith.andi %shift_right_logical3A_1157, %and3A_1163 : vector<16xi32>
      %gather3A_1165 = tpu.vector_load_idx %arg7[%and3A_1164] : memref<2048xi32, #tpu.memory_space<vmem>>[vector<16xi32>], vector<16xi32>,
      %shift_right_logical3A_1166 = arith.constant 11 : i32
      %shift_right_logical3A_1167 = vector.broadcast %shift_right_logical3A_1166 : i32 to vector<16xi32>
      %shift_right_logical3A_1168 = arith.shrui %and3A_1154, %shift_right_logical3A_1167 : vector<16xi32>
      %shift_left3A_1169 = arith.constant 4 : i32
      %shift_left3A_1170 = vector.broadcast %shift_left3A_1169 : i32 to vector<16xi32>
      %shift_left3A_1171 = arith.shli %shift_right_logical3A_1168, %shift_left3A_1170 : vector<16xi32>
      %shift_right_logical3A_1172 = arith.constant 11 : i32
      %shift_right_logical3A_1173 = vector.broadcast %shift_right_logical3A_1172 : i32 to vector<16xi32>
      %shift_right_logical3A_1174 = arith.shrui %shift_right_logical3A_1157, %shift_right_logical3A_1173 : vector<16xi32>
      %shift_left3A_1175 = arith.constant 4 : i32
      %shift_left3A_1176 = vector.broadcast %shift_left3A_1175 : i32 to vector<16xi32>
      %shift_left3A_1177 = arith.shli %shift_right_logical3A_1174, %shift_left3A_1176 : vector<16xi32>
      %shift_right_logical3A_1178 = arith.shrui %gather3A_1161, %shift_left3A_1171 : vector<16xi32>
      %shift_left3A_1179 = arith.constant 16 : i32
      %shift_left3A_1180 = vector.broadcast %shift_left3A_1179 : i32 to vector<16xi32>
      %shift_left3A_1181 = arith.shli %shift_right_logical3A_1178, %shift_left3A_1180 : vector<16xi32>
      %bitcast3A_1182 = vector.bitcast %shift_left3A_1181 : vector<16xi32> to vector<16xf32>
      %shift_right_logical3A_1183 = arith.shrui %gather3A_1165, %shift_left3A_1177 : vector<16xi32>
      %shift_left3A_1184 = arith.constant 16 : i32
      %shift_left3A_1185 = vector.broadcast %shift_left3A_1184 : i32 to vector<16xi32>
      %shift_left3A_1186 = arith.shli %shift_right_logical3A_1183, %shift_left3A_1185 : vector<16xi32>
      %bitcast3A_1187 = vector.bitcast %shift_left3A_1186 : vector<16xi32> to vector<16xf32>
      %swap3A_1188 = arith.constant 704 : index
      %swap3A_1189 = tpu.vector_load %arg11[%swap3A_1188] {strides = array<i32>} : memref<1024xf32, #tpu.memory_space<vmem>>, vector<16xf32>,
      tpu.vector_store %arg11[%swap3A_1188], %bitcast3A_1182 {strides = array<i32>} : memref<1024xf32, #tpu.memory_space<vmem>>, vector<16xf32>,
      %swap3A_1190 = arith.constant 720 : index
      %swap3A_1191 = tpu.vector_load %arg11[%swap3A_1190] {strides = array<i32>} : memref<1024xf32, #tpu.memory_space<vmem>>, vector<16xf32>,
      tpu.vector_store %arg11[%swap3A_1190], %bitcast3A_1187 {strides = array<i32>} : memref<1024xf32, #tpu.memory_space<vmem>>, vector<16xf32>,
      %gather3A_1192 = tpu.vector_load_idx %arg15[%and3A_1154] : memref<4096xi32, #tpu.memory_space<vmem>>[vector<16xi32>], vector<16xi32>,
      %gather3A_1193 = tpu.vector_load_idx %arg15[%shift_right_logical3A_1157] : memref<4096xi32, #tpu.memory_space<vmem>>[vector<16xi32>], vector<16xi32>,
      %swap3A_1194 = arith.constant 704 : index
      %swap3A_1195 = tpu.vector_load %arg13[%swap3A_1194] {strides = array<i32>} : memref<1024xi32, #tpu.memory_space<vmem>>, vector<16xi32>,
      tpu.vector_store %arg13[%swap3A_1194], %gather3A_1192 {strides = array<i32>} : memref<1024xi32, #tpu.memory_space<vmem>>, vector<16xi32>,
      %swap3A_1196 = arith.constant 720 : index
      %swap3A_1197 = tpu.vector_load %arg13[%swap3A_1196] {strides = array<i32>} : memref<1024xi32, #tpu.memory_space<vmem>>, vector<16xi32>,
      tpu.vector_store %arg13[%swap3A_1196], %gather3A_1193 {strides = array<i32>} : memref<1024xi32, #tpu.memory_space<vmem>>, vector<16xi32>,
      %get3A_1198 = arith.constant 368 : index
      %get3A_1199 = tpu.vector_load %arg9[%get3A_1198] {strides = array<i32>} : memref<512xi32, #tpu.memory_space<vmem>>, vector<16xi32>,
      %and3A_1200 = arith.constant 65535 : i32
      %and3A_1201 = vector.broadcast %and3A_1200 : i32 to vector<16xi32>
      %and3A_1202 = arith.andi %get3A_1199, %and3A_1201 : vector<16xi32>
      %shift_right_logical3A_1203 = arith.constant 16 : i32
      %shift_right_logical3A_1204 = vector.broadcast %shift_right_logical3A_1203 : i32 to vector<16xi32>
      %shift_right_logical3A_1205 = arith.shrui %get3A_1199, %shift_right_logical3A_1204 : vector<16xi32>
      %and3A_1206 = arith.constant 2047 : i32
      %and3A_1207 = vector.broadcast %and3A_1206 : i32 to vector<16xi32>
      %and3A_1208 = arith.andi %and3A_1202, %and3A_1207 : vector<16xi32>
      %gather3A_1209 = tpu.vector_load_idx %arg7[%and3A_1208] : memref<2048xi32, #tpu.memory_space<vmem>>[vector<16xi32>], vector<16xi32>,
      %and3A_1210 = arith.constant 2047 : i32
      %and3A_1211 = vector.broadcast %and3A_1210 : i32 to vector<16xi32>
      %and3A_1212 = arith.andi %shift_right_logical3A_1205, %and3A_1211 : vector<16xi32>
      %gather3A_1213 = tpu.vector_load_idx %arg7[%and3A_1212] : memref<2048xi32, #tpu.memory_space<vmem>>[vector<16xi32>], vector<16xi32>,
      %shift_right_logical3A_1214 = arith.constant 11 : i32
      %shift_right_logical3A_1215 = vector.broadcast %shift_right_logical3A_1214 : i32 to vector<16xi32>
      %shift_right_logical3A_1216 = arith.shrui %and3A_1202, %shift_right_logical3A_1215 : vector<16xi32>
      %shift_left3A_1217 = arith.constant 4 : i32
      %shift_left3A_1218 = vector.broadcast %shift_left3A_1217 : i32 to vector<16xi32>
      %shift_left3A_1219 = arith.shli %shift_right_logical3A_1216, %shift_left3A_1218 : vector<16xi32>
      %shift_right_logical3A_1220 = arith.constant 11 : i32
      %shift_right_logical3A_1221 = vector.broadcast %shift_right_logical3A_1220 : i32 to vector<16xi32>
      %shift_right_logical3A_1222 = arith.shrui %shift_right_logical3A_1205, %shift_right_logical3A_1221 : vector<16xi32>
      %shift_left3A_1223 = arith.constant 4 : i32
      %shift_left3A_1224 = vector.broadcast %shift_left3A_1223 : i32 to vector<16xi32>
      %shift_left3A_1225 = arith.shli %shift_right_logical3A_1222, %shift_left3A_1224 : vector<16xi32>
      %shift_right_logical3A_1226 = arith.shrui %gather3A_1209, %shift_left3A_1219 : vector<16xi32>
      %shift_left3A_1227 = arith.constant 16 : i32
      %shift_left3A_1228 = vector.broadcast %shift_left3A_1227 : i32 to vector<16xi32>
      %shift_left3A_1229 = arith.shli %shift_right_logical3A_1226, %shift_left3A_1228 : vector<16xi32>
      %bitcast3A_1230 = vector.bitcast %shift_left3A_1229 : vector<16xi32> to vector<16xf32>
      %shift_right_logical3A_1231 = arith.shrui %gather3A_1213, %shift_left3A_1225 : vector<16xi32>
      %shift_left3A_1232 = arith.constant 16 : i32
      %shift_left3A_1233 = vector.broadcast %shift_left3A_1232 : i32 to vector<16xi32>
      %shift_left3A_1234 = arith.shli %shift_right_logical3A_1231, %shift_left3A_1233 : vector<16xi32>
      %bitcast3A_1235 = vector.bitcast %shift_left3A_1234 : vector<16xi32> to vector<16xf32>
      %swap3A_1236 = arith.constant 736 : index
      %swap3A_1237 = tpu.vector_load %arg11[%swap3A_1236] {strides = array<i32>} : memref<1024xf32, #tpu.memory_space<vmem>>, vector<16xf32>,
      tpu.vector_store %arg11[%swap3A_1236], %bitcast3A_1230 {strides = array<i32>} : memref<1024xf32, #tpu.memory_space<vmem>>, vector<16xf32>,
      %swap3A_1238 = arith.constant 752 : index
      %swap3A_1239 = tpu.vector_load %arg11[%swap3A_1238] {strides = array<i32>} : memref<1024xf32, #tpu.memory_space<vmem>>, vector<16xf32>,
      tpu.vector_store %arg11[%swap3A_1238], %bitcast3A_1235 {strides = array<i32>} : memref<1024xf32, #tpu.memory_space<vmem>>, vector<16xf32>,
      %gather3A_1240 = tpu.vector_load_idx %arg15[%and3A_1202] : memref<4096xi32, #tpu.memory_space<vmem>>[vector<16xi32>], vector<16xi32>,
      %gather3A_1241 = tpu.vector_load_idx %arg15[%shift_right_logical3A_1205] : memref<4096xi32, #tpu.memory_space<vmem>>[vector<16xi32>], vector<16xi32>,
      %swap3A_1242 = arith.constant 736 : index
      %swap3A_1243 = tpu.vector_load %arg13[%swap3A_1242] {strides = array<i32>} : memref<1024xi32, #tpu.memory_space<vmem>>, vector<16xi32>,
      tpu.vector_store %arg13[%swap3A_1242], %gather3A_1240 {strides = array<i32>} : memref<1024xi32, #tpu.memory_space<vmem>>, vector<16xi32>,
      %swap3A_1244 = arith.constant 752 : index
      %swap3A_1245 = tpu.vector_load %arg13[%swap3A_1244] {strides = array<i32>} : memref<1024xi32, #tpu.memory_space<vmem>>, vector<16xi32>,
      tpu.vector_store %arg13[%swap3A_1244], %gather3A_1241 {strides = array<i32>} : memref<1024xi32, #tpu.memory_space<vmem>>, vector<16xi32>,
      %get3A_1246 = arith.constant 384 : index
      %get3A_1247 = tpu.vector_load %arg9[%get3A_1246] {strides = array<i32>} : memref<512xi32, #tpu.memory_space<vmem>>, vector<16xi32>,
      %and3A_1248 = arith.constant 65535 : i32
      %and3A_1249 = vector.broadcast %and3A_1248 : i32 to vector<16xi32>
      %and3A_1250 = arith.andi %get3A_1247, %and3A_1249 : vector<16xi32>
      %shift_right_logical3A_1251 = arith.constant 16 : i32
      %shift_right_logical3A_1252 = vector.broadcast %shift_right_logical3A_1251 : i32 to vector<16xi32>
      %shift_right_logical3A_1253 = arith.shrui %get3A_1247, %shift_right_logical3A_1252 : vector<16xi32>
      %and3A_1254 = arith.constant 2047 : i32
      %and3A_1255 = vector.broadcast %and3A_1254 : i32 to vector<16xi32>
      %and3A_1256 = arith.andi %and3A_1250, %and3A_1255 : vector<16xi32>
      %gather3A_1257 = tpu.vector_load_idx %arg7[%and3A_1256] : memref<2048xi32, #tpu.memory_space<vmem>>[vector<16xi32>], vector<16xi32>,
      %and3A_1258 = arith.constant 2047 : i32
      %and3A_1259 = vector.broadcast %and3A_1258 : i32 to vector<16xi32>
      %and3A_1260 = arith.andi %shift_right_logical3A_1253, %and3A_1259 : vector<16xi32>
      %gather3A_1261 = tpu.vector_load_idx %arg7[%and3A_1260] : memref<2048xi32, #tpu.memory_space<vmem>>[vector<16xi32>], vector<16xi32>,
      %shift_right_logical3A_1262 = arith.constant 11 : i32
      %shift_right_logical3A_1263 = vector.broadcast %shift_right_logical3A_1262 : i32 to vector<16xi32>
      %shift_right_logical3A_1264 = arith.shrui %and3A_1250, %shift_right_logical3A_1263 : vector<16xi32>
      %shift_left3A_1265 = arith.constant 4 : i32
      %shift_left3A_1266 = vector.broadcast %shift_left3A_1265 : i32 to vector<16xi32>
      %shift_left3A_1267 = arith.shli %shift_right_logical3A_1264, %shift_left3A_1266 : vector<16xi32>
      %shift_right_logical3A_1268 = arith.constant 11 : i32
      %shift_right_logical3A_1269 = vector.broadcast %shift_right_logical3A_1268 : i32 to vector<16xi32>
      %shift_right_logical3A_1270 = arith.shrui %shift_right_logical3A_1253, %shift_right_logical3A_1269 : vector<16xi32>
      %shift_left3A_1271 = arith.constant 4 : i32
      %shift_left3A_1272 = vector.broadcast %shift_left3A_1271 : i32 to vector<16xi32>
      %shift_left3A_1273 = arith.shli %shift_right_logical3A_1270, %shift_left3A_1272 : vector<16xi32>
      %shift_right_logical3A_1274 = arith.shrui %gather3A_1257, %shift_left3A_1267 : vector<16xi32>
      %shift_left3A_1275 = arith.constant 16 : i32
      %shift_left3A_1276 = vector.broadcast %shift_left3A_1275 : i32 to vector<16xi32>
      %shift_left3A_1277 = arith.shli %shift_right_logical3A_1274, %shift_left3A_1276 : vector<16xi32>
      %bitcast3A_1278 = vector.bitcast %shift_left3A_1277 : vector<16xi32> to vector<16xf32>
      %shift_right_logical3A_1279 = arith.shrui %gather3A_1261, %shift_left3A_1273 : vector<16xi32>
      %shift_left3A_1280 = arith.constant 16 : i32
      %shift_left3A_1281 = vector.broadcast %shift_left3A_1280 : i32 to vector<16xi32>
      %shift_left3A_1282 = arith.shli %shift_right_logical3A_1279, %shift_left3A_1281 : vector<16xi32>
      %bitcast3A_1283 = vector.bitcast %shift_left3A_1282 : vector<16xi32> to vector<16xf32>
      %swap3A_1284 = arith.constant 768 : index
      %swap3A_1285 = tpu.vector_load %arg11[%swap3A_1284] {strides = array<i32>} : memref<1024xf32, #tpu.memory_space<vmem>>, vector<16xf32>,
      tpu.vector_store %arg11[%swap3A_1284], %bitcast3A_1278 {strides = array<i32>} : memref<1024xf32, #tpu.memory_space<vmem>>, vector<16xf32>,
      %swap3A_1286 = arith.constant 784 : index
      %swap3A_1287 = tpu.vector_load %arg11[%swap3A_1286] {strides = array<i32>} : memref<1024xf32, #tpu.memory_space<vmem>>, vector<16xf32>,
      tpu.vector_store %arg11[%swap3A_1286], %bitcast3A_1283 {strides = array<i32>} : memref<1024xf32, #tpu.memory_space<vmem>>, vector<16xf32>,
      %gather3A_1288 = tpu.vector_load_idx %arg15[%and3A_1250] : memref<4096xi32, #tpu.memory_space<vmem>>[vector<16xi32>], vector<16xi32>,
      %gather3A_1289 = tpu.vector_load_idx %arg15[%shift_right_logical3A_1253] : memref<4096xi32, #tpu.memory_space<vmem>>[vector<16xi32>], vector<16xi32>,
      %swap3A_1290 = arith.constant 768 : index
      %swap3A_1291 = tpu.vector_load %arg13[%swap3A_1290] {strides = array<i32>} : memref<1024xi32, #tpu.memory_space<vmem>>, vector<16xi32>,
      tpu.vector_store %arg13[%swap3A_1290], %gather3A_1288 {strides = array<i32>} : memref<1024xi32, #tpu.memory_space<vmem>>, vector<16xi32>,
      %swap3A_1292 = arith.constant 784 : index
      %swap3A_1293 = tpu.vector_load %arg13[%swap3A_1292] {strides = array<i32>} : memref<1024xi32, #tpu.memory_space<vmem>>, vector<16xi32>,
      tpu.vector_store %arg13[%swap3A_1292], %gather3A_1289 {strides = array<i32>} : memref<1024xi32, #tpu.memory_space<vmem>>, vector<16xi32>,
      %get3A_1294 = arith.constant 400 : index
      %get3A_1295 = tpu.vector_load %arg9[%get3A_1294] {strides = array<i32>} : memref<512xi32, #tpu.memory_space<vmem>>, vector<16xi32>,
      %and3A_1296 = arith.constant 65535 : i32
      %and3A_1297 = vector.broadcast %and3A_1296 : i32 to vector<16xi32>
      %and3A_1298 = arith.andi %get3A_1295, %and3A_1297 : vector<16xi32>
      %shift_right_logical3A_1299 = arith.constant 16 : i32
      %shift_right_logical3A_1300 = vector.broadcast %shift_right_logical3A_1299 : i32 to vector<16xi32>
      %shift_right_logical3A_1301 = arith.shrui %get3A_1295, %shift_right_logical3A_1300 : vector<16xi32>
      %and3A_1302 = arith.constant 2047 : i32
      %and3A_1303 = vector.broadcast %and3A_1302 : i32 to vector<16xi32>
      %and3A_1304 = arith.andi %and3A_1298, %and3A_1303 : vector<16xi32>
      %gather3A_1305 = tpu.vector_load_idx %arg7[%and3A_1304] : memref<2048xi32, #tpu.memory_space<vmem>>[vector<16xi32>], vector<16xi32>,
      %and3A_1306 = arith.constant 2047 : i32
      %and3A_1307 = vector.broadcast %and3A_1306 : i32 to vector<16xi32>
      %and3A_1308 = arith.andi %shift_right_logical3A_1301, %and3A_1307 : vector<16xi32>
      %gather3A_1309 = tpu.vector_load_idx %arg7[%and3A_1308] : memref<2048xi32, #tpu.memory_space<vmem>>[vector<16xi32>], vector<16xi32>,
      %shift_right_logical3A_1310 = arith.constant 11 : i32
      %shift_right_logical3A_1311 = vector.broadcast %shift_right_logical3A_1310 : i32 to vector<16xi32>
      %shift_right_logical3A_1312 = arith.shrui %and3A_1298, %shift_right_logical3A_1311 : vector<16xi32>
      %shift_left3A_1313 = arith.constant 4 : i32
      %shift_left3A_1314 = vector.broadcast %shift_left3A_1313 : i32 to vector<16xi32>
      %shift_left3A_1315 = arith.shli %shift_right_logical3A_1312, %shift_left3A_1314 : vector<16xi32>
      %shift_right_logical3A_1316 = arith.constant 11 : i32
      %shift_right_logical3A_1317 = vector.broadcast %shift_right_logical3A_1316 : i32 to vector<16xi32>
      %shift_right_logical3A_1318 = arith.shrui %shift_right_logical3A_1301, %shift_right_logical3A_1317 : vector<16xi32>
      %shift_left3A_1319 = arith.constant 4 : i32
      %shift_left3A_1320 = vector.broadcast %shift_left3A_1319 : i32 to vector<16xi32>
      %shift_left3A_1321 = arith.shli %shift_right_logical3A_1318, %shift_left3A_1320 : vector<16xi32>
      %shift_right_logical3A_1322 = arith.shrui %gather3A_1305, %shift_left3A_1315 : vector<16xi32>
      %shift_left3A_1323 = arith.constant 16 : i32
      %shift_left3A_1324 = vector.broadcast %shift_left3A_1323 : i32 to vector<16xi32>
      %shift_left3A_1325 = arith.shli %shift_right_logical3A_1322, %shift_left3A_1324 : vector<16xi32>
      %bitcast3A_1326 = vector.bitcast %shift_left3A_1325 : vector<16xi32> to vector<16xf32>
      %shift_right_logical3A_1327 = arith.shrui %gather3A_1309, %shift_left3A_1321 : vector<16xi32>
      %shift_left3A_1328 = arith.constant 16 : i32
      %shift_left3A_1329 = vector.broadcast %shift_left3A_1328 : i32 to vector<16xi32>
      %shift_left3A_1330 = arith.shli %shift_right_logical3A_1327, %shift_left3A_1329 : vector<16xi32>
      %bitcast3A_1331 = vector.bitcast %shift_left3A_1330 : vector<16xi32> to vector<16xf32>
      %swap3A_1332 = arith.constant 800 : index
      %swap3A_1333 = tpu.vector_load %arg11[%swap3A_1332] {strides = array<i32>} : memref<1024xf32, #tpu.memory_space<vmem>>, vector<16xf32>,
      tpu.vector_store %arg11[%swap3A_1332], %bitcast3A_1326 {strides = array<i32>} : memref<1024xf32, #tpu.memory_space<vmem>>, vector<16xf32>,
      %swap3A_1334 = arith.constant 816 : index
      %swap3A_1335 = tpu.vector_load %arg11[%swap3A_1334] {strides = array<i32>} : memref<1024xf32, #tpu.memory_space<vmem>>, vector<16xf32>,
      tpu.vector_store %arg11[%swap3A_1334], %bitcast3A_1331 {strides = array<i32>} : memref<1024xf32, #tpu.memory_space<vmem>>, vector<16xf32>,
      %gather3A_1336 = tpu.vector_load_idx %arg15[%and3A_1298] : memref<4096xi32, #tpu.memory_space<vmem>>[vector<16xi32>], vector<16xi32>,
      %gather3A_1337 = tpu.vector_load_idx %arg15[%shift_right_logical3A_1301] : memref<4096xi32, #tpu.memory_space<vmem>>[vector<16xi32>], vector<16xi32>,
      %swap3A_1338 = arith.constant 800 : index
      %swap3A_1339 = tpu.vector_load %arg13[%swap3A_1338] {strides = array<i32>} : memref<1024xi32, #tpu.memory_space<vmem>>, vector<16xi32>,
      tpu.vector_store %arg13[%swap3A_1338], %gather3A_1336 {strides = array<i32>} : memref<1024xi32, #tpu.memory_space<vmem>>, vector<16xi32>,
      %swap3A_1340 = arith.constant 816 : index
      %swap3A_1341 = tpu.vector_load %arg13[%swap3A_1340] {strides = array<i32>} : memref<1024xi32, #tpu.memory_space<vmem>>, vector<16xi32>,
      tpu.vector_store %arg13[%swap3A_1340], %gather3A_1337 {strides = array<i32>} : memref<1024xi32, #tpu.memory_space<vmem>>, vector<16xi32>,
      %get3A_1342 = arith.constant 416 : index
      %get3A_1343 = tpu.vector_load %arg9[%get3A_1342] {strides = array<i32>} : memref<512xi32, #tpu.memory_space<vmem>>, vector<16xi32>,
      %and3A_1344 = arith.constant 65535 : i32
      %and3A_1345 = vector.broadcast %and3A_1344 : i32 to vector<16xi32>
      %and3A_1346 = arith.andi %get3A_1343, %and3A_1345 : vector<16xi32>
      %shift_right_logical3A_1347 = arith.constant 16 : i32
      %shift_right_logical3A_1348 = vector.broadcast %shift_right_logical3A_1347 : i32 to vector<16xi32>
      %shift_right_logical3A_1349 = arith.shrui %get3A_1343, %shift_right_logical3A_1348 : vector<16xi32>
      %and3A_1350 = arith.constant 2047 : i32
      %and3A_1351 = vector.broadcast %and3A_1350 : i32 to vector<16xi32>
      %and3A_1352 = arith.andi %and3A_1346, %and3A_1351 : vector<16xi32>
      %gather3A_1353 = tpu.vector_load_idx %arg7[%and3A_1352] : memref<2048xi32, #tpu.memory_space<vmem>>[vector<16xi32>], vector<16xi32>,
      %and3A_1354 = arith.constant 2047 : i32
      %and3A_1355 = vector.broadcast %and3A_1354 : i32 to vector<16xi32>
      %and3A_1356 = arith.andi %shift_right_logical3A_1349, %and3A_1355 : vector<16xi32>
      %gather3A_1357 = tpu.vector_load_idx %arg7[%and3A_1356] : memref<2048xi32, #tpu.memory_space<vmem>>[vector<16xi32>], vector<16xi32>,
      %shift_right_logical3A_1358 = arith.constant 11 : i32
      %shift_right_logical3A_1359 = vector.broadcast %shift_right_logical3A_1358 : i32 to vector<16xi32>
      %shift_right_logical3A_1360 = arith.shrui %and3A_1346, %shift_right_logical3A_1359 : vector<16xi32>
      %shift_left3A_1361 = arith.constant 4 : i32
      %shift_left3A_1362 = vector.broadcast %shift_left3A_1361 : i32 to vector<16xi32>
      %shift_left3A_1363 = arith.shli %shift_right_logical3A_1360, %shift_left3A_1362 : vector<16xi32>
      %shift_right_logical3A_1364 = arith.constant 11 : i32
      %shift_right_logical3A_1365 = vector.broadcast %shift_right_logical3A_1364 : i32 to vector<16xi32>
      %shift_right_logical3A_1366 = arith.shrui %shift_right_logical3A_1349, %shift_right_logical3A_1365 : vector<16xi32>
      %shift_left3A_1367 = arith.constant 4 : i32
      %shift_left3A_1368 = vector.broadcast %shift_left3A_1367 : i32 to vector<16xi32>
      %shift_left3A_1369 = arith.shli %shift_right_logical3A_1366, %shift_left3A_1368 : vector<16xi32>
      %shift_right_logical3A_1370 = arith.shrui %gather3A_1353, %shift_left3A_1363 : vector<16xi32>
      %shift_left3A_1371 = arith.constant 16 : i32
      %shift_left3A_1372 = vector.broadcast %shift_left3A_1371 : i32 to vector<16xi32>
      %shift_left3A_1373 = arith.shli %shift_right_logical3A_1370, %shift_left3A_1372 : vector<16xi32>
      %bitcast3A_1374 = vector.bitcast %shift_left3A_1373 : vector<16xi32> to vector<16xf32>
      %shift_right_logical3A_1375 = arith.shrui %gather3A_1357, %shift_left3A_1369 : vector<16xi32>
      %shift_left3A_1376 = arith.constant 16 : i32
      %shift_left3A_1377 = vector.broadcast %shift_left3A_1376 : i32 to vector<16xi32>
      %shift_left3A_1378 = arith.shli %shift_right_logical3A_1375, %shift_left3A_1377 : vector<16xi32>
      %bitcast3A_1379 = vector.bitcast %shift_left3A_1378 : vector<16xi32> to vector<16xf32>
      %swap3A_1380 = arith.constant 832 : index
      %swap3A_1381 = tpu.vector_load %arg11[%swap3A_1380] {strides = array<i32>} : memref<1024xf32, #tpu.memory_space<vmem>>, vector<16xf32>,
      tpu.vector_store %arg11[%swap3A_1380], %bitcast3A_1374 {strides = array<i32>} : memref<1024xf32, #tpu.memory_space<vmem>>, vector<16xf32>,
      %swap3A_1382 = arith.constant 848 : index
      %swap3A_1383 = tpu.vector_load %arg11[%swap3A_1382] {strides = array<i32>} : memref<1024xf32, #tpu.memory_space<vmem>>, vector<16xf32>,
      tpu.vector_store %arg11[%swap3A_1382], %bitcast3A_1379 {strides = array<i32>} : memref<1024xf32, #tpu.memory_space<vmem>>, vector<16xf32>,
      %gather3A_1384 = tpu.vector_load_idx %arg15[%and3A_1346] : memref<4096xi32, #tpu.memory_space<vmem>>[vector<16xi32>], vector<16xi32>,
      %gather3A_1385 = tpu.vector_load_idx %arg15[%shift_right_logical3A_1349] : memref<4096xi32, #tpu.memory_space<vmem>>[vector<16xi32>], vector<16xi32>,
      %swap3A_1386 = arith.constant 832 : index
      %swap3A_1387 = tpu.vector_load %arg13[%swap3A_1386] {strides = array<i32>} : memref<1024xi32, #tpu.memory_space<vmem>>, vector<16xi32>,
      tpu.vector_store %arg13[%swap3A_1386], %gather3A_1384 {strides = array<i32>} : memref<1024xi32, #tpu.memory_space<vmem>>, vector<16xi32>,
      %swap3A_1388 = arith.constant 848 : index
      %swap3A_1389 = tpu.vector_load %arg13[%swap3A_1388] {strides = array<i32>} : memref<1024xi32, #tpu.memory_space<vmem>>, vector<16xi32>,
      tpu.vector_store %arg13[%swap3A_1388], %gather3A_1385 {strides = array<i32>} : memref<1024xi32, #tpu.memory_space<vmem>>, vector<16xi32>,
      %get3A_1390 = arith.constant 432 : index
      %get3A_1391 = tpu.vector_load %arg9[%get3A_1390] {strides = array<i32>} : memref<512xi32, #tpu.memory_space<vmem>>, vector<16xi32>,
      %and3A_1392 = arith.constant 65535 : i32
      %and3A_1393 = vector.broadcast %and3A_1392 : i32 to vector<16xi32>
      %and3A_1394 = arith.andi %get3A_1391, %and3A_1393 : vector<16xi32>
      %shift_right_logical3A_1395 = arith.constant 16 : i32
      %shift_right_logical3A_1396 = vector.broadcast %shift_right_logical3A_1395 : i32 to vector<16xi32>
      %shift_right_logical3A_1397 = arith.shrui %get3A_1391, %shift_right_logical3A_1396 : vector<16xi32>
      %and3A_1398 = arith.constant 2047 : i32
      %and3A_1399 = vector.broadcast %and3A_1398 : i32 to vector<16xi32>
      %and3A_1400 = arith.andi %and3A_1394, %and3A_1399 : vector<16xi32>
      %gather3A_1401 = tpu.vector_load_idx %arg7[%and3A_1400] : memref<2048xi32, #tpu.memory_space<vmem>>[vector<16xi32>], vector<16xi32>,
      %and3A_1402 = arith.constant 2047 : i32
      %and3A_1403 = vector.broadcast %and3A_1402 : i32 to vector<16xi32>
      %and3A_1404 = arith.andi %shift_right_logical3A_1397, %and3A_1403 : vector<16xi32>
      %gather3A_1405 = tpu.vector_load_idx %arg7[%and3A_1404] : memref<2048xi32, #tpu.memory_space<vmem>>[vector<16xi32>], vector<16xi32>,
      %shift_right_logical3A_1406 = arith.constant 11 : i32
      %shift_right_logical3A_1407 = vector.broadcast %shift_right_logical3A_1406 : i32 to vector<16xi32>
      %shift_right_logical3A_1408 = arith.shrui %and3A_1394, %shift_right_logical3A_1407 : vector<16xi32>
      %shift_left3A_1409 = arith.constant 4 : i32
      %shift_left3A_1410 = vector.broadcast %shift_left3A_1409 : i32 to vector<16xi32>
      %shift_left3A_1411 = arith.shli %shift_right_logical3A_1408, %shift_left3A_1410 : vector<16xi32>
      %shift_right_logical3A_1412 = arith.constant 11 : i32
      %shift_right_logical3A_1413 = vector.broadcast %shift_right_logical3A_1412 : i32 to vector<16xi32>
      %shift_right_logical3A_1414 = arith.shrui %shift_right_logical3A_1397, %shift_right_logical3A_1413 : vector<16xi32>
      %shift_left3A_1415 = arith.constant 4 : i32
      %shift_left3A_1416 = vector.broadcast %shift_left3A_1415 : i32 to vector<16xi32>
      %shift_left3A_1417 = arith.shli %shift_right_logical3A_1414, %shift_left3A_1416 : vector<16xi32>
      %shift_right_logical3A_1418 = arith.shrui %gather3A_1401, %shift_left3A_1411 : vector<16xi32>
      %shift_left3A_1419 = arith.constant 16 : i32
      %shift_left3A_1420 = vector.broadcast %shift_left3A_1419 : i32 to vector<16xi32>
      %shift_left3A_1421 = arith.shli %shift_right_logical3A_1418, %shift_left3A_1420 : vector<16xi32>
      %bitcast3A_1422 = vector.bitcast %shift_left3A_1421 : vector<16xi32> to vector<16xf32>
      %shift_right_logical3A_1423 = arith.shrui %gather3A_1405, %shift_left3A_1417 : vector<16xi32>
      %shift_left3A_1424 = arith.constant 16 : i32
      %shift_left3A_1425 = vector.broadcast %shift_left3A_1424 : i32 to vector<16xi32>
      %shift_left3A_1426 = arith.shli %shift_right_logical3A_1423, %shift_left3A_1425 : vector<16xi32>
      %bitcast3A_1427 = vector.bitcast %shift_left3A_1426 : vector<16xi32> to vector<16xf32>
      %swap3A_1428 = arith.constant 864 : index
      %swap3A_1429 = tpu.vector_load %arg11[%swap3A_1428] {strides = array<i32>} : memref<1024xf32, #tpu.memory_space<vmem>>, vector<16xf32>,
      tpu.vector_store %arg11[%swap3A_1428], %bitcast3A_1422 {strides = array<i32>} : memref<1024xf32, #tpu.memory_space<vmem>>, vector<16xf32>,
      %swap3A_1430 = arith.constant 880 : index
      %swap3A_1431 = tpu.vector_load %arg11[%swap3A_1430] {strides = array<i32>} : memref<1024xf32, #tpu.memory_space<vmem>>, vector<16xf32>,
      tpu.vector_store %arg11[%swap3A_1430], %bitcast3A_1427 {strides = array<i32>} : memref<1024xf32, #tpu.memory_space<vmem>>, vector<16xf32>,
      %gather3A_1432 = tpu.vector_load_idx %arg15[%and3A_1394] : memref<4096xi32, #tpu.memory_space<vmem>>[vector<16xi32>], vector<16xi32>,
      %gather3A_1433 = tpu.vector_load_idx %arg15[%shift_right_logical3A_1397] : memref<4096xi32, #tpu.memory_space<vmem>>[vector<16xi32>], vector<16xi32>,
      %swap3A_1434 = arith.constant 864 : index
      %swap3A_1435 = tpu.vector_load %arg13[%swap3A_1434] {strides = array<i32>} : memref<1024xi32, #tpu.memory_space<vmem>>, vector<16xi32>,
      tpu.vector_store %arg13[%swap3A_1434], %gather3A_1432 {strides = array<i32>} : memref<1024xi32, #tpu.memory_space<vmem>>, vector<16xi32>,
      %swap3A_1436 = arith.constant 880 : index
      %swap3A_1437 = tpu.vector_load %arg13[%swap3A_1436] {strides = array<i32>} : memref<1024xi32, #tpu.memory_space<vmem>>, vector<16xi32>,
      tpu.vector_store %arg13[%swap3A_1436], %gather3A_1433 {strides = array<i32>} : memref<1024xi32, #tpu.memory_space<vmem>>, vector<16xi32>,
      %get3A_1438 = arith.constant 448 : index
      %get3A_1439 = tpu.vector_load %arg9[%get3A_1438] {strides = array<i32>} : memref<512xi32, #tpu.memory_space<vmem>>, vector<16xi32>,
      %and3A_1440 = arith.constant 65535 : i32
      %and3A_1441 = vector.broadcast %and3A_1440 : i32 to vector<16xi32>
      %and3A_1442 = arith.andi %get3A_1439, %and3A_1441 : vector<16xi32>
      %shift_right_logical3A_1443 = arith.constant 16 : i32
      %shift_right_logical3A_1444 = vector.broadcast %shift_right_logical3A_1443 : i32 to vector<16xi32>
      %shift_right_logical3A_1445 = arith.shrui %get3A_1439, %shift_right_logical3A_1444 : vector<16xi32>
      %and3A_1446 = arith.constant 2047 : i32
      %and3A_1447 = vector.broadcast %and3A_1446 : i32 to vector<16xi32>
      %and3A_1448 = arith.andi %and3A_1442, %and3A_1447 : vector<16xi32>
      %gather3A_1449 = tpu.vector_load_idx %arg7[%and3A_1448] : memref<2048xi32, #tpu.memory_space<vmem>>[vector<16xi32>], vector<16xi32>,
      %and3A_1450 = arith.constant 2047 : i32
      %and3A_1451 = vector.broadcast %and3A_1450 : i32 to vector<16xi32>
      %and3A_1452 = arith.andi %shift_right_logical3A_1445, %and3A_1451 : vector<16xi32>
      %gather3A_1453 = tpu.vector_load_idx %arg7[%and3A_1452] : memref<2048xi32, #tpu.memory_space<vmem>>[vector<16xi32>], vector<16xi32>,
      %shift_right_logical3A_1454 = arith.constant 11 : i32
      %shift_right_logical3A_1455 = vector.broadcast %shift_right_logical3A_1454 : i32 to vector<16xi32>
      %shift_right_logical3A_1456 = arith.shrui %and3A_1442, %shift_right_logical3A_1455 : vector<16xi32>
      %shift_left3A_1457 = arith.constant 4 : i32
      %shift_left3A_1458 = vector.broadcast %shift_left3A_1457 : i32 to vector<16xi32>
      %shift_left3A_1459 = arith.shli %shift_right_logical3A_1456, %shift_left3A_1458 : vector<16xi32>
      %shift_right_logical3A_1460 = arith.constant 11 : i32
      %shift_right_logical3A_1461 = vector.broadcast %shift_right_logical3A_1460 : i32 to vector<16xi32>
      %shift_right_logical3A_1462 = arith.shrui %shift_right_logical3A_1445, %shift_right_logical3A_1461 : vector<16xi32>
      %shift_left3A_1463 = arith.constant 4 : i32
      %shift_left3A_1464 = vector.broadcast %shift_left3A_1463 : i32 to vector<16xi32>
      %shift_left3A_1465 = arith.shli %shift_right_logical3A_1462, %shift_left3A_1464 : vector<16xi32>
      %shift_right_logical3A_1466 = arith.shrui %gather3A_1449, %shift_left3A_1459 : vector<16xi32>
      %shift_left3A_1467 = arith.constant 16 : i32
      %shift_left3A_1468 = vector.broadcast %shift_left3A_1467 : i32 to vector<16xi32>
      %shift_left3A_1469 = arith.shli %shift_right_logical3A_1466, %shift_left3A_1468 : vector<16xi32>
      %bitcast3A_1470 = vector.bitcast %shift_left3A_1469 : vector<16xi32> to vector<16xf32>
      %shift_right_logical3A_1471 = arith.shrui %gather3A_1453, %shift_left3A_1465 : vector<16xi32>
      %shift_left3A_1472 = arith.constant 16 : i32
      %shift_left3A_1473 = vector.broadcast %shift_left3A_1472 : i32 to vector<16xi32>
      %shift_left3A_1474 = arith.shli %shift_right_logical3A_1471, %shift_left3A_1473 : vector<16xi32>
      %bitcast3A_1475 = vector.bitcast %shift_left3A_1474 : vector<16xi32> to vector<16xf32>
      %swap3A_1476 = arith.constant 896 : index
      %swap3A_1477 = tpu.vector_load %arg11[%swap3A_1476] {strides = array<i32>} : memref<1024xf32, #tpu.memory_space<vmem>>, vector<16xf32>,
      tpu.vector_store %arg11[%swap3A_1476], %bitcast3A_1470 {strides = array<i32>} : memref<1024xf32, #tpu.memory_space<vmem>>, vector<16xf32>,
      %swap3A_1478 = arith.constant 912 : index
      %swap3A_1479 = tpu.vector_load %arg11[%swap3A_1478] {strides = array<i32>} : memref<1024xf32, #tpu.memory_space<vmem>>, vector<16xf32>,
      tpu.vector_store %arg11[%swap3A_1478], %bitcast3A_1475 {strides = array<i32>} : memref<1024xf32, #tpu.memory_space<vmem>>, vector<16xf32>,
      %gather3A_1480 = tpu.vector_load_idx %arg15[%and3A_1442] : memref<4096xi32, #tpu.memory_space<vmem>>[vector<16xi32>], vector<16xi32>,
      %gather3A_1481 = tpu.vector_load_idx %arg15[%shift_right_logical3A_1445] : memref<4096xi32, #tpu.memory_space<vmem>>[vector<16xi32>], vector<16xi32>,
      %swap3A_1482 = arith.constant 896 : index
      %swap3A_1483 = tpu.vector_load %arg13[%swap3A_1482] {strides = array<i32>} : memref<1024xi32, #tpu.memory_space<vmem>>, vector<16xi32>,
      tpu.vector_store %arg13[%swap3A_1482], %gather3A_1480 {strides = array<i32>} : memref<1024xi32, #tpu.memory_space<vmem>>, vector<16xi32>,
      %swap3A_1484 = arith.constant 912 : index
      %swap3A_1485 = tpu.vector_load %arg13[%swap3A_1484] {strides = array<i32>} : memref<1024xi32, #tpu.memory_space<vmem>>, vector<16xi32>,
      tpu.vector_store %arg13[%swap3A_1484], %gather3A_1481 {strides = array<i32>} : memref<1024xi32, #tpu.memory_space<vmem>>, vector<16xi32>,
      %get3A_1486 = arith.constant 464 : index
      %get3A_1487 = tpu.vector_load %arg9[%get3A_1486] {strides = array<i32>} : memref<512xi32, #tpu.memory_space<vmem>>, vector<16xi32>,
      %and3A_1488 = arith.constant 65535 : i32
      %and3A_1489 = vector.broadcast %and3A_1488 : i32 to vector<16xi32>
      %and3A_1490 = arith.andi %get3A_1487, %and3A_1489 : vector<16xi32>
      %shift_right_logical3A_1491 = arith.constant 16 : i32
      %shift_right_logical3A_1492 = vector.broadcast %shift_right_logical3A_1491 : i32 to vector<16xi32>
      %shift_right_logical3A_1493 = arith.shrui %get3A_1487, %shift_right_logical3A_1492 : vector<16xi32>
      %and3A_1494 = arith.constant 2047 : i32
      %and3A_1495 = vector.broadcast %and3A_1494 : i32 to vector<16xi32>
      %and3A_1496 = arith.andi %and3A_1490, %and3A_1495 : vector<16xi32>
      %gather3A_1497 = tpu.vector_load_idx %arg7[%and3A_1496] : memref<2048xi32, #tpu.memory_space<vmem>>[vector<16xi32>], vector<16xi32>,
      %and3A_1498 = arith.constant 2047 : i32
      %and3A_1499 = vector.broadcast %and3A_1498 : i32 to vector<16xi32>
      %and3A_1500 = arith.andi %shift_right_logical3A_1493, %and3A_1499 : vector<16xi32>
      %gather3A_1501 = tpu.vector_load_idx %arg7[%and3A_1500] : memref<2048xi32, #tpu.memory_space<vmem>>[vector<16xi32>], vector<16xi32>,
      %shift_right_logical3A_1502 = arith.constant 11 : i32
      %shift_right_logical3A_1503 = vector.broadcast %shift_right_logical3A_1502 : i32 to vector<16xi32>
      %shift_right_logical3A_1504 = arith.shrui %and3A_1490, %shift_right_logical3A_1503 : vector<16xi32>
      %shift_left3A_1505 = arith.constant 4 : i32
      %shift_left3A_1506 = vector.broadcast %shift_left3A_1505 : i32 to vector<16xi32>
      %shift_left3A_1507 = arith.shli %shift_right_logical3A_1504, %shift_left3A_1506 : vector<16xi32>
      %shift_right_logical3A_1508 = arith.constant 11 : i32
      %shift_right_logical3A_1509 = vector.broadcast %shift_right_logical3A_1508 : i32 to vector<16xi32>
      %shift_right_logical3A_1510 = arith.shrui %shift_right_logical3A_1493, %shift_right_logical3A_1509 : vector<16xi32>
      %shift_left3A_1511 = arith.constant 4 : i32
      %shift_left3A_1512 = vector.broadcast %shift_left3A_1511 : i32 to vector<16xi32>
      %shift_left3A_1513 = arith.shli %shift_right_logical3A_1510, %shift_left3A_1512 : vector<16xi32>
      %shift_right_logical3A_1514 = arith.shrui %gather3A_1497, %shift_left3A_1507 : vector<16xi32>
      %shift_left3A_1515 = arith.constant 16 : i32
      %shift_left3A_1516 = vector.broadcast %shift_left3A_1515 : i32 to vector<16xi32>
      %shift_left3A_1517 = arith.shli %shift_right_logical3A_1514, %shift_left3A_1516 : vector<16xi32>
      %bitcast3A_1518 = vector.bitcast %shift_left3A_1517 : vector<16xi32> to vector<16xf32>
      %shift_right_logical3A_1519 = arith.shrui %gather3A_1501, %shift_left3A_1513 : vector<16xi32>
      %shift_left3A_1520 = arith.constant 16 : i32
      %shift_left3A_1521 = vector.broadcast %shift_left3A_1520 : i32 to vector<16xi32>
      %shift_left3A_1522 = arith.shli %shift_right_logical3A_1519, %shift_left3A_1521 : vector<16xi32>
      %bitcast3A_1523 = vector.bitcast %shift_left3A_1522 : vector<16xi32> to vector<16xf32>
      %swap3A_1524 = arith.constant 928 : index
      %swap3A_1525 = tpu.vector_load %arg11[%swap3A_1524] {strides = array<i32>} : memref<1024xf32, #tpu.memory_space<vmem>>, vector<16xf32>,
      tpu.vector_store %arg11[%swap3A_1524], %bitcast3A_1518 {strides = array<i32>} : memref<1024xf32, #tpu.memory_space<vmem>>, vector<16xf32>,
      %swap3A_1526 = arith.constant 944 : index
      %swap3A_1527 = tpu.vector_load %arg11[%swap3A_1526] {strides = array<i32>} : memref<1024xf32, #tpu.memory_space<vmem>>, vector<16xf32>,
      tpu.vector_store %arg11[%swap3A_1526], %bitcast3A_1523 {strides = array<i32>} : memref<1024xf32, #tpu.memory_space<vmem>>, vector<16xf32>,
      %gather3A_1528 = tpu.vector_load_idx %arg15[%and3A_1490] : memref<4096xi32, #tpu.memory_space<vmem>>[vector<16xi32>], vector<16xi32>,
      %gather3A_1529 = tpu.vector_load_idx %arg15[%shift_right_logical3A_1493] : memref<4096xi32, #tpu.memory_space<vmem>>[vector<16xi32>], vector<16xi32>,
      %swap3A_1530 = arith.constant 928 : index
      %swap3A_1531 = tpu.vector_load %arg13[%swap3A_1530] {strides = array<i32>} : memref<1024xi32, #tpu.memory_space<vmem>>, vector<16xi32>,
      tpu.vector_store %arg13[%swap3A_1530], %gather3A_1528 {strides = array<i32>} : memref<1024xi32, #tpu.memory_space<vmem>>, vector<16xi32>,
      %swap3A_1532 = arith.constant 944 : index
      %swap3A_1533 = tpu.vector_load %arg13[%swap3A_1532] {strides = array<i32>} : memref<1024xi32, #tpu.memory_space<vmem>>, vector<16xi32>,
      tpu.vector_store %arg13[%swap3A_1532], %gather3A_1529 {strides = array<i32>} : memref<1024xi32, #tpu.memory_space<vmem>>, vector<16xi32>,
      %get3A_1534 = arith.constant 480 : index
      %get3A_1535 = tpu.vector_load %arg9[%get3A_1534] {strides = array<i32>} : memref<512xi32, #tpu.memory_space<vmem>>, vector<16xi32>,
      %and3A_1536 = arith.constant 65535 : i32
      %and3A_1537 = vector.broadcast %and3A_1536 : i32 to vector<16xi32>
      %and3A_1538 = arith.andi %get3A_1535, %and3A_1537 : vector<16xi32>
      %shift_right_logical3A_1539 = arith.constant 16 : i32
      %shift_right_logical3A_1540 = vector.broadcast %shift_right_logical3A_1539 : i32 to vector<16xi32>
      %shift_right_logical3A_1541 = arith.shrui %get3A_1535, %shift_right_logical3A_1540 : vector<16xi32>
      %and3A_1542 = arith.constant 2047 : i32
      %and3A_1543 = vector.broadcast %and3A_1542 : i32 to vector<16xi32>
      %and3A_1544 = arith.andi %and3A_1538, %and3A_1543 : vector<16xi32>
      %gather3A_1545 = tpu.vector_load_idx %arg7[%and3A_1544] : memref<2048xi32, #tpu.memory_space<vmem>>[vector<16xi32>], vector<16xi32>,
      %and3A_1546 = arith.constant 2047 : i32
      %and3A_1547 = vector.broadcast %and3A_1546 : i32 to vector<16xi32>
      %and3A_1548 = arith.andi %shift_right_logical3A_1541, %and3A_1547 : vector<16xi32>
      %gather3A_1549 = tpu.vector_load_idx %arg7[%and3A_1548] : memref<2048xi32, #tpu.memory_space<vmem>>[vector<16xi32>], vector<16xi32>,
      %shift_right_logical3A_1550 = arith.constant 11 : i32
      %shift_right_logical3A_1551 = vector.broadcast %shift_right_logical3A_1550 : i32 to vector<16xi32>
      %shift_right_logical3A_1552 = arith.shrui %and3A_1538, %shift_right_logical3A_1551 : vector<16xi32>
      %shift_left3A_1553 = arith.constant 4 : i32
      %shift_left3A_1554 = vector.broadcast %shift_left3A_1553 : i32 to vector<16xi32>
      %shift_left3A_1555 = arith.shli %shift_right_logical3A_1552, %shift_left3A_1554 : vector<16xi32>
      %shift_right_logical3A_1556 = arith.constant 11 : i32
      %shift_right_logical3A_1557 = vector.broadcast %shift_right_logical3A_1556 : i32 to vector<16xi32>
      %shift_right_logical3A_1558 = arith.shrui %shift_right_logical3A_1541, %shift_right_logical3A_1557 : vector<16xi32>
      %shift_left3A_1559 = arith.constant 4 : i32
      %shift_left3A_1560 = vector.broadcast %shift_left3A_1559 : i32 to vector<16xi32>
      %shift_left3A_1561 = arith.shli %shift_right_logical3A_1558, %shift_left3A_1560 : vector<16xi32>
      %shift_right_logical3A_1562 = arith.shrui %gather3A_1545, %shift_left3A_1555 : vector<16xi32>
      %shift_left3A_1563 = arith.constant 16 : i32
      %shift_left3A_1564 = vector.broadcast %shift_left3A_1563 : i32 to vector<16xi32>
      %shift_left3A_1565 = arith.shli %shift_right_logical3A_1562, %shift_left3A_1564 : vector<16xi32>
      %bitcast3A_1566 = vector.bitcast %shift_left3A_1565 : vector<16xi32> to vector<16xf32>
      %shift_right_logical3A_1567 = arith.shrui %gather3A_1549, %shift_left3A_1561 : vector<16xi32>
      %shift_left3A_1568 = arith.constant 16 : i32
      %shift_left3A_1569 = vector.broadcast %shift_left3A_1568 : i32 to vector<16xi32>
      %shift_left3A_1570 = arith.shli %shift_right_logical3A_1567, %shift_left3A_1569 : vector<16xi32>
      %bitcast3A_1571 = vector.bitcast %shift_left3A_1570 : vector<16xi32> to vector<16xf32>
      %swap3A_1572 = arith.constant 960 : index
      %swap3A_1573 = tpu.vector_load %arg11[%swap3A_1572] {strides = array<i32>} : memref<1024xf32, #tpu.memory_space<vmem>>, vector<16xf32>,
      tpu.vector_store %arg11[%swap3A_1572], %bitcast3A_1566 {strides = array<i32>} : memref<1024xf32, #tpu.memory_space<vmem>>, vector<16xf32>,
      %swap3A_1574 = arith.constant 976 : index
      %swap3A_1575 = tpu.vector_load %arg11[%swap3A_1574] {strides = array<i32>} : memref<1024xf32, #tpu.memory_space<vmem>>, vector<16xf32>,
      tpu.vector_store %arg11[%swap3A_1574], %bitcast3A_1571 {strides = array<i32>} : memref<1024xf32, #tpu.memory_space<vmem>>, vector<16xf32>,
      %gather3A_1576 = tpu.vector_load_idx %arg15[%and3A_1538] : memref<4096xi32, #tpu.memory_space<vmem>>[vector<16xi32>], vector<16xi32>,
      %gather3A_1577 = tpu.vector_load_idx %arg15[%shift_right_logical3A_1541] : memref<4096xi32, #tpu.memory_space<vmem>>[vector<16xi32>], vector<16xi32>,
      %swap3A_1578 = arith.constant 960 : index
      %swap3A_1579 = tpu.vector_load %arg13[%swap3A_1578] {strides = array<i32>} : memref<1024xi32, #tpu.memory_space<vmem>>, vector<16xi32>,
      tpu.vector_store %arg13[%swap3A_1578], %gather3A_1576 {strides = array<i32>} : memref<1024xi32, #tpu.memory_space<vmem>>, vector<16xi32>,
      %swap3A_1580 = arith.constant 976 : index
      %swap3A_1581 = tpu.vector_load %arg13[%swap3A_1580] {strides = array<i32>} : memref<1024xi32, #tpu.memory_space<vmem>>, vector<16xi32>,
      tpu.vector_store %arg13[%swap3A_1580], %gather3A_1577 {strides = array<i32>} : memref<1024xi32, #tpu.memory_space<vmem>>, vector<16xi32>,
      %get3A_1582 = arith.constant 496 : index
      %get3A_1583 = tpu.vector_load %arg9[%get3A_1582] {strides = array<i32>} : memref<512xi32, #tpu.memory_space<vmem>>, vector<16xi32>,
      %and3A_1584 = arith.constant 65535 : i32
      %and3A_1585 = vector.broadcast %and3A_1584 : i32 to vector<16xi32>
      %and3A_1586 = arith.andi %get3A_1583, %and3A_1585 : vector<16xi32>
      %shift_right_logical3A_1587 = arith.constant 16 : i32
      %shift_right_logical3A_1588 = vector.broadcast %shift_right_logical3A_1587 : i32 to vector<16xi32>
      %shift_right_logical3A_1589 = arith.shrui %get3A_1583, %shift_right_logical3A_1588 : vector<16xi32>
      %and3A_1590 = arith.constant 2047 : i32
      %and3A_1591 = vector.broadcast %and3A_1590 : i32 to vector<16xi32>
      %and3A_1592 = arith.andi %and3A_1586, %and3A_1591 : vector<16xi32>
      %gather3A_1593 = tpu.vector_load_idx %arg7[%and3A_1592] : memref<2048xi32, #tpu.memory_space<vmem>>[vector<16xi32>], vector<16xi32>,
      %and3A_1594 = arith.constant 2047 : i32
      %and3A_1595 = vector.broadcast %and3A_1594 : i32 to vector<16xi32>
      %and3A_1596 = arith.andi %shift_right_logical3A_1589, %and3A_1595 : vector<16xi32>
      %gather3A_1597 = tpu.vector_load_idx %arg7[%and3A_1596] : memref<2048xi32, #tpu.memory_space<vmem>>[vector<16xi32>], vector<16xi32>,
      %shift_right_logical3A_1598 = arith.constant 11 : i32
      %shift_right_logical3A_1599 = vector.broadcast %shift_right_logical3A_1598 : i32 to vector<16xi32>
      %shift_right_logical3A_1600 = arith.shrui %and3A_1586, %shift_right_logical3A_1599 : vector<16xi32>
      %shift_left3A_1601 = arith.constant 4 : i32
      %shift_left3A_1602 = vector.broadcast %shift_left3A_1601 : i32 to vector<16xi32>
      %shift_left3A_1603 = arith.shli %shift_right_logical3A_1600, %shift_left3A_1602 : vector<16xi32>
      %shift_right_logical3A_1604 = arith.constant 11 : i32
      %shift_right_logical3A_1605 = vector.broadcast %shift_right_logical3A_1604 : i32 to vector<16xi32>
      %shift_right_logical3A_1606 = arith.shrui %shift_right_logical3A_1589, %shift_right_logical3A_1605 : vector<16xi32>
      %shift_left3A_1607 = arith.constant 4 : i32
      %shift_left3A_1608 = vector.broadcast %shift_left3A_1607 : i32 to vector<16xi32>
      %shift_left3A_1609 = arith.shli %shift_right_logical3A_1606, %shift_left3A_1608 : vector<16xi32>
      %shift_right_logical3A_1610 = arith.shrui %gather3A_1593, %shift_left3A_1603 : vector<16xi32>
      %shift_left3A_1611 = arith.constant 16 : i32
      %shift_left3A_1612 = vector.broadcast %shift_left3A_1611 : i32 to vector<16xi32>
      %shift_left3A_1613 = arith.shli %shift_right_logical3A_1610, %shift_left3A_1612 : vector<16xi32>
      %bitcast3A_1614 = vector.bitcast %shift_left3A_1613 : vector<16xi32> to vector<16xf32>
      %shift_right_logical3A_1615 = arith.shrui %gather3A_1597, %shift_left3A_1609 : vector<16xi32>
      %shift_left3A_1616 = arith.constant 16 : i32
      %shift_left3A_1617 = vector.broadcast %shift_left3A_1616 : i32 to vector<16xi32>
      %shift_left3A_1618 = arith.shli %shift_right_logical3A_1615, %shift_left3A_1617 : vector<16xi32>
      %bitcast3A_1619 = vector.bitcast %shift_left3A_1618 : vector<16xi32> to vector<16xf32>
      %swap3A_1620 = arith.constant 992 : index
      %swap3A_1621 = tpu.vector_load %arg11[%swap3A_1620] {strides = array<i32>} : memref<1024xf32, #tpu.memory_space<vmem>>, vector<16xf32>,
      tpu.vector_store %arg11[%swap3A_1620], %bitcast3A_1614 {strides = array<i32>} : memref<1024xf32, #tpu.memory_space<vmem>>, vector<16xf32>,
      %swap3A_1622 = arith.constant 1008 : index
      %swap3A_1623 = tpu.vector_load %arg11[%swap3A_1622] {strides = array<i32>} : memref<1024xf32, #tpu.memory_space<vmem>>, vector<16xf32>,
      tpu.vector_store %arg11[%swap3A_1622], %bitcast3A_1619 {strides = array<i32>} : memref<1024xf32, #tpu.memory_space<vmem>>, vector<16xf32>,
      %gather3A_1624 = tpu.vector_load_idx %arg15[%and3A_1586] : memref<4096xi32, #tpu.memory_space<vmem>>[vector<16xi32>], vector<16xi32>,
      %gather3A_1625 = tpu.vector_load_idx %arg15[%shift_right_logical3A_1589] : memref<4096xi32, #tpu.memory_space<vmem>>[vector<16xi32>], vector<16xi32>,
      %swap3A_1626 = arith.constant 992 : index
      %swap3A_1627 = tpu.vector_load %arg13[%swap3A_1626] {strides = array<i32>} : memref<1024xi32, #tpu.memory_space<vmem>>, vector<16xi32>,
      tpu.vector_store %arg13[%swap3A_1626], %gather3A_1624 {strides = array<i32>} : memref<1024xi32, #tpu.memory_space<vmem>>, vector<16xi32>,
      %swap3A_1628 = arith.constant 1008 : index
      %swap3A_1629 = tpu.vector_load %arg13[%swap3A_1628] {strides = array<i32>} : memref<1024xi32, #tpu.memory_space<vmem>>, vector<16xi32>,
      tpu.vector_store %arg13[%swap3A_1628], %gather3A_1625 {strides = array<i32>} : memref<1024xi32, #tpu.memory_space<vmem>>, vector<16xi32>,
      %dma_start3A_1630 = arith.constant 0 : i32
      %dma_start3A_1631 = tpu.memref_slice %arg5[%add3A_79, %dma_start3A_1630] : memref<8192x1024xf32, #tpu.memory_space<hbm>> -> memref<1x1024xf32, #tpu.memory_space<hbm>>
      %dma_start3A_1632 = tpu.memref_squeeze %dma_start3A_1631 : memref<1x1024xf32, #tpu.memory_space<hbm>> -> memref<1024xf32, #tpu.memory_space<hbm>>
      %dma_start3A_1633 = arith.constant 0 : i32
      %dma_start3A_1634 = tpu.memref_slice %arg5[%add3A_79, %dma_start3A_1633] : memref<8192x1024xf32, #tpu.memory_space<hbm>> -> memref<1x1024xf32, #tpu.memory_space<hbm>>
      %dma_start3A_1635 = tpu.memref_squeeze %dma_start3A_1634 : memref<1x1024xf32, #tpu.memory_space<hbm>> -> memref<1024xf32, #tpu.memory_space<hbm>>
      tpu.enqueue_dma source(%arg11 : memref<1024xf32, #tpu.memory_space<vmem>>) target(%dma_start3A_1635 : memref<1024xf32, #tpu.memory_space<hbm>>) target_semaphore(%arg20 : memref<!tpu.dma_semaphore, #tpu.memory_space<semaphore_mem>>)
      %dma_start3A_1636 = arith.constant 0 : i32
      %dma_start3A_1637 = tpu.memref_slice %arg6[%add3A_79, %dma_start3A_1636] : memref<8192x1024xi32, #tpu.memory_space<hbm>> -> memref<1x1024xi32, #tpu.memory_space<hbm>>
      %dma_start3A_1638 = tpu.memref_squeeze %dma_start3A_1637 : memref<1x1024xi32, #tpu.memory_space<hbm>> -> memref<1024xi32, #tpu.memory_space<hbm>>
      %dma_start3A_1639 = arith.constant 0 : i32
      %dma_start3A_1640 = tpu.memref_slice %arg6[%add3A_79, %dma_start3A_1639] : memref<8192x1024xi32, #tpu.memory_space<hbm>> -> memref<1x1024xi32, #tpu.memory_space<hbm>>
      %dma_start3A_1641 = tpu.memref_squeeze %dma_start3A_1640 : memref<1x1024xi32, #tpu.memory_space<hbm>> -> memref<1024xi32, #tpu.memory_space<hbm>>
      tpu.enqueue_dma source(%arg13 : memref<1024xi32, #tpu.memory_space<vmem>>) target(%dma_start3A_1641 : memref<1024xi32, #tpu.memory_space<hbm>>) target_semaphore(%arg22 : memref<!tpu.dma_semaphore, #tpu.memory_space<semaphore_mem>>)
      %mul3A_1642 = arith.constant 2 : i32
      %mul3A_1643 = arith.muli %scan3A_74, %mul3A_1642 : i32
      %add3A_1644 = arith.constant 1 : i32
      %add3A_1645 = arith.addi %mul3A_1643, %add3A_1644 : i32
      %add3A_1646 = arith.addi %mul3A_2, %add3A_1645 : i32
      %add3A_1647 = arith.constant 1 : i32
      %add3A_1648 = arith.addi %add3A_1645, %add3A_1647 : i32
      %lt3A_1649 = arith.constant 256 : i32
      %lt3A_1650 = arith.cmpi slt, %add3A_1648, %lt3A_1649 : i32
      %convert_element_type3A_1651 = arith.extui %lt3A_1650 : i1 to i32
      %cond3A_1652 = arith.constant 0 : i32
      %cond3A_1653 = arith.cmpi ne, %convert_element_type3A_1651, %cond3A_1652 : i32
      scf.if %cond3A_1653 {
        %add3A_3219 = arith.constant 1 : i32
        %add3A_3220 = arith.addi %add3A_1646, %add3A_3219 : i32
        %dma_start3A_3221 = arith.constant 0 : i32
        %dma_start3A_3222 = tpu.memref_slice %arg2[%add3A_3220, %dma_start3A_3221] : memref<8192x2048xi32, #tpu.memory_space<hbm>> -> memref<1x2048xi32, #tpu.memory_space<hbm>>
        %dma_start3A_3223 = tpu.memref_squeeze %dma_start3A_3222 : memref<1x2048xi32, #tpu.memory_space<hbm>> -> memref<2048xi32, #tpu.memory_space<hbm>>
        %dma_start3A_3224 = arith.constant 0 : i32
        %dma_start3A_3225 = tpu.memref_slice %arg2[%add3A_3220, %dma_start3A_3224] : memref<8192x2048xi32, #tpu.memory_space<hbm>> -> memref<1x2048xi32, #tpu.memory_space<hbm>>
        %dma_start3A_3226 = tpu.memref_squeeze %dma_start3A_3225 : memref<1x2048xi32, #tpu.memory_space<hbm>> -> memref<2048xi32, #tpu.memory_space<hbm>>
        tpu.enqueue_dma source(%dma_start3A_3226 : memref<2048xi32, #tpu.memory_space<hbm>>) target(%arg7 : memref<2048xi32, #tpu.memory_space<vmem>>) target_semaphore(%arg16 : memref<!tpu.dma_semaphore, #tpu.memory_space<semaphore_mem>>)
        %add3A_3227 = arith.constant 1 : i32
        %add3A_3228 = arith.addi %add3A_1646, %add3A_3227 : i32
        %dma_start3A_3229 = arith.constant 0 : i32
        %dma_start3A_3230 = tpu.memref_slice %arg3[%add3A_3228, %dma_start3A_3229] : memref<8192x512xi32, #tpu.memory_space<hbm>> -> memref<1x512xi32, #tpu.memory_space<hbm>>
        %dma_start3A_3231 = tpu.memref_squeeze %dma_start3A_3230 : memref<1x512xi32, #tpu.memory_space<hbm>> -> memref<512xi32, #tpu.memory_space<hbm>>
        %dma_start3A_3232 = arith.constant 0 : i32
        %dma_start3A_3233 = tpu.memref_slice %arg3[%add3A_3228, %dma_start3A_3232] : memref<8192x512xi32, #tpu.memory_space<hbm>> -> memref<1x512xi32, #tpu.memory_space<hbm>>
        %dma_start3A_3234 = tpu.memref_squeeze %dma_start3A_3233 : memref<1x512xi32, #tpu.memory_space<hbm>> -> memref<512xi32, #tpu.memory_space<hbm>>
        tpu.enqueue_dma source(%dma_start3A_3234 : memref<512xi32, #tpu.memory_space<hbm>>) target(%arg9 : memref<512xi32, #tpu.memory_space<vmem>>) target_semaphore(%arg18 : memref<!tpu.dma_semaphore, #tpu.memory_space<semaphore_mem>>)
      } else {
      }
      %dma_wait3A_1654 = arith.constant 0 : i32
      %dma_wait3A_1655 = tpu.memref_slice %arg2[%add3A_1646, %dma_wait3A_1654] : memref<8192x2048xi32, #tpu.memory_space<hbm>> -> memref<1x2048xi32, #tpu.memory_space<hbm>>
      %dma_wait3A_1656 = tpu.memref_squeeze %dma_wait3A_1655 : memref<1x2048xi32, #tpu.memory_space<hbm>> -> memref<2048xi32, #tpu.memory_space<hbm>>
      %dma_wait3A_1657 = arith.constant 0 : i32
      %dma_wait3A_1658 = tpu.memref_slice %arg2[%add3A_1646, %dma_wait3A_1657] : memref<8192x2048xi32, #tpu.memory_space<hbm>> -> memref<1x2048xi32, #tpu.memory_space<hbm>>
      %dma_wait3A_1659 = tpu.memref_squeeze %dma_wait3A_1658 : memref<1x2048xi32, #tpu.memory_space<hbm>> -> memref<2048xi32, #tpu.memory_space<hbm>>
      tpu.wait_dma2 semaphore(%arg17 : memref<!tpu.dma_semaphore, #tpu.memory_space<semaphore_mem>>) src(%dma_wait3A_1659 : memref<2048xi32, #tpu.memory_space<hbm>>) dst(%arg8 : memref<2048xi32, #tpu.memory_space<vmem>>)
      %dma_wait3A_1660 = arith.constant 0 : i32
      %dma_wait3A_1661 = tpu.memref_slice %arg3[%add3A_1646, %dma_wait3A_1660] : memref<8192x512xi32, #tpu.memory_space<hbm>> -> memref<1x512xi32, #tpu.memory_space<hbm>>
      %dma_wait3A_1662 = tpu.memref_squeeze %dma_wait3A_1661 : memref<1x512xi32, #tpu.memory_space<hbm>> -> memref<512xi32, #tpu.memory_space<hbm>>
      %dma_wait3A_1663 = arith.constant 0 : i32
      %dma_wait3A_1664 = tpu.memref_slice %arg3[%add3A_1646, %dma_wait3A_1663] : memref<8192x512xi32, #tpu.memory_space<hbm>> -> memref<1x512xi32, #tpu.memory_space<hbm>>
      %dma_wait3A_1665 = tpu.memref_squeeze %dma_wait3A_1664 : memref<1x512xi32, #tpu.memory_space<hbm>> -> memref<512xi32, #tpu.memory_space<hbm>>
      tpu.wait_dma2 semaphore(%arg19 : memref<!tpu.dma_semaphore, #tpu.memory_space<semaphore_mem>>) src(%dma_wait3A_1665 : memref<512xi32, #tpu.memory_space<hbm>>) dst(%arg10 : memref<512xi32, #tpu.memory_space<vmem>>)
      %ge3A_1666 = arith.constant 2 : i32
      %ge3A_1667 = arith.cmpi sge, %add3A_1645, %ge3A_1666 : i32
      %convert_element_type3A_1668 = arith.extui %ge3A_1667 : i1 to i32
      %cond3A_1669 = arith.constant 0 : i32
      %cond3A_1670 = arith.cmpi ne, %convert_element_type3A_1668, %cond3A_1669 : i32
      scf.if %cond3A_1670 {
        %sub3A_3219 = arith.constant 2 : i32
        %sub3A_3220 = arith.subi %add3A_1646, %sub3A_3219 : i32
        %dma_wait3A_3221 = arith.constant 0 : i32
        %dma_wait3A_3222 = tpu.memref_slice %arg5[%sub3A_3220, %dma_wait3A_3221] : memref<8192x1024xf32, #tpu.memory_space<hbm>> -> memref<1x1024xf32, #tpu.memory_space<hbm>>
        %dma_wait3A_3223 = tpu.memref_squeeze %dma_wait3A_3222 : memref<1x1024xf32, #tpu.memory_space<hbm>> -> memref<1024xf32, #tpu.memory_space<hbm>>
        %dma_wait3A_3224 = arith.constant 0 : i32
        %dma_wait3A_3225 = tpu.memref_slice %arg5[%sub3A_3220, %dma_wait3A_3224] : memref<8192x1024xf32, #tpu.memory_space<hbm>> -> memref<1x1024xf32, #tpu.memory_space<hbm>>
        %dma_wait3A_3226 = tpu.memref_squeeze %dma_wait3A_3225 : memref<1x1024xf32, #tpu.memory_space<hbm>> -> memref<1024xf32, #tpu.memory_space<hbm>>
        tpu.wait_dma2 semaphore(%arg21 : memref<!tpu.dma_semaphore, #tpu.memory_space<semaphore_mem>>) src(%arg12 : memref<1024xf32, #tpu.memory_space<vmem>>) dst(%dma_wait3A_3226 : memref<1024xf32, #tpu.memory_space<hbm>>)
        %sub3A_3227 = arith.constant 2 : i32
        %sub3A_3228 = arith.subi %add3A_1646, %sub3A_3227 : i32
        %dma_wait3A_3229 = arith.constant 0 : i32
        %dma_wait3A_3230 = tpu.memref_slice %arg6[%sub3A_3228, %dma_wait3A_3229] : memref<8192x1024xi32, #tpu.memory_space<hbm>> -> memref<1x1024xi32, #tpu.memory_space<hbm>>
        %dma_wait3A_3231 = tpu.memref_squeeze %dma_wait3A_3230 : memref<1x1024xi32, #tpu.memory_space<hbm>> -> memref<1024xi32, #tpu.memory_space<hbm>>
        %dma_wait3A_3232 = arith.constant 0 : i32
        %dma_wait3A_3233 = tpu.memref_slice %arg6[%sub3A_3228, %dma_wait3A_3232] : memref<8192x1024xi32, #tpu.memory_space<hbm>> -> memref<1x1024xi32, #tpu.memory_space<hbm>>
        %dma_wait3A_3234 = tpu.memref_squeeze %dma_wait3A_3233 : memref<1x1024xi32, #tpu.memory_space<hbm>> -> memref<1024xi32, #tpu.memory_space<hbm>>
        tpu.wait_dma2 semaphore(%arg23 : memref<!tpu.dma_semaphore, #tpu.memory_space<semaphore_mem>>) src(%arg14 : memref<1024xi32, #tpu.memory_space<vmem>>) dst(%dma_wait3A_3234 : memref<1024xi32, #tpu.memory_space<hbm>>)
      } else {
      }
      %get3A_1671 = arith.constant 0 : index
      %get3A_1672 = tpu.vector_load %arg10[%get3A_1671] {strides = array<i32>} : memref<512xi32, #tpu.memory_space<vmem>>, vector<16xi32>,
      %and3A_1673 = arith.constant 65535 : i32
      %and3A_1674 = vector.broadcast %and3A_1673 : i32 to vector<16xi32>
      %and3A_1675 = arith.andi %get3A_1672, %and3A_1674 : vector<16xi32>
      %shift_right_logical3A_1676 = arith.constant 16 : i32
      %shift_right_logical3A_1677 = vector.broadcast %shift_right_logical3A_1676 : i32 to vector<16xi32>
      %shift_right_logical3A_1678 = arith.shrui %get3A_1672, %shift_right_logical3A_1677 : vector<16xi32>
      %and3A_1679 = arith.constant 2047 : i32
      %and3A_1680 = vector.broadcast %and3A_1679 : i32 to vector<16xi32>
      %and3A_1681 = arith.andi %and3A_1675, %and3A_1680 : vector<16xi32>
      %gather3A_1682 = tpu.vector_load_idx %arg8[%and3A_1681] : memref<2048xi32, #tpu.memory_space<vmem>>[vector<16xi32>], vector<16xi32>,
      %and3A_1683 = arith.constant 2047 : i32
      %and3A_1684 = vector.broadcast %and3A_1683 : i32 to vector<16xi32>
      %and3A_1685 = arith.andi %shift_right_logical3A_1678, %and3A_1684 : vector<16xi32>
      %gather3A_1686 = tpu.vector_load_idx %arg8[%and3A_1685] : memref<2048xi32, #tpu.memory_space<vmem>>[vector<16xi32>], vector<16xi32>,
      %shift_right_logical3A_1687 = arith.constant 11 : i32
      %shift_right_logical3A_1688 = vector.broadcast %shift_right_logical3A_1687 : i32 to vector<16xi32>
      %shift_right_logical3A_1689 = arith.shrui %and3A_1675, %shift_right_logical3A_1688 : vector<16xi32>
      %shift_left3A_1690 = arith.constant 4 : i32
      %shift_left3A_1691 = vector.broadcast %shift_left3A_1690 : i32 to vector<16xi32>
      %shift_left3A_1692 = arith.shli %shift_right_logical3A_1689, %shift_left3A_1691 : vector<16xi32>
      %shift_right_logical3A_1693 = arith.constant 11 : i32
      %shift_right_logical3A_1694 = vector.broadcast %shift_right_logical3A_1693 : i32 to vector<16xi32>
      %shift_right_logical3A_1695 = arith.shrui %shift_right_logical3A_1678, %shift_right_logical3A_1694 : vector<16xi32>
      %shift_left3A_1696 = arith.constant 4 : i32
      %shift_left3A_1697 = vector.broadcast %shift_left3A_1696 : i32 to vector<16xi32>
      %shift_left3A_1698 = arith.shli %shift_right_logical3A_1695, %shift_left3A_1697 : vector<16xi32>
      %shift_right_logical3A_1699 = arith.shrui %gather3A_1682, %shift_left3A_1692 : vector<16xi32>
      %shift_left3A_1700 = arith.constant 16 : i32
      %shift_left3A_1701 = vector.broadcast %shift_left3A_1700 : i32 to vector<16xi32>
      %shift_left3A_1702 = arith.shli %shift_right_logical3A_1699, %shift_left3A_1701 : vector<16xi32>
      %bitcast3A_1703 = vector.bitcast %shift_left3A_1702 : vector<16xi32> to vector<16xf32>
      %shift_right_logical3A_1704 = arith.shrui %gather3A_1686, %shift_left3A_1698 : vector<16xi32>
      %shift_left3A_1705 = arith.constant 16 : i32
      %shift_left3A_1706 = vector.broadcast %shift_left3A_1705 : i32 to vector<16xi32>
      %shift_left3A_1707 = arith.shli %shift_right_logical3A_1704, %shift_left3A_1706 : vector<16xi32>
      %bitcast3A_1708 = vector.bitcast %shift_left3A_1707 : vector<16xi32> to vector<16xf32>
      %swap3A_1709 = arith.constant 0 : index
      %swap3A_1710 = tpu.vector_load %arg12[%swap3A_1709] {strides = array<i32>} : memref<1024xf32, #tpu.memory_space<vmem>>, vector<16xf32>,
      tpu.vector_store %arg12[%swap3A_1709], %bitcast3A_1703 {strides = array<i32>} : memref<1024xf32, #tpu.memory_space<vmem>>, vector<16xf32>,
      %swap3A_1711 = arith.constant 16 : index
      %swap3A_1712 = tpu.vector_load %arg12[%swap3A_1711] {strides = array<i32>} : memref<1024xf32, #tpu.memory_space<vmem>>, vector<16xf32>,
      tpu.vector_store %arg12[%swap3A_1711], %bitcast3A_1708 {strides = array<i32>} : memref<1024xf32, #tpu.memory_space<vmem>>, vector<16xf32>,
      %gather3A_1713 = tpu.vector_load_idx %arg15[%and3A_1675] : memref<4096xi32, #tpu.memory_space<vmem>>[vector<16xi32>], vector<16xi32>,
      %gather3A_1714 = tpu.vector_load_idx %arg15[%shift_right_logical3A_1678] : memref<4096xi32, #tpu.memory_space<vmem>>[vector<16xi32>], vector<16xi32>,
      %swap3A_1715 = arith.constant 0 : index
      %swap3A_1716 = tpu.vector_load %arg14[%swap3A_1715] {strides = array<i32>} : memref<1024xi32, #tpu.memory_space<vmem>>, vector<16xi32>,
      tpu.vector_store %arg14[%swap3A_1715], %gather3A_1713 {strides = array<i32>} : memref<1024xi32, #tpu.memory_space<vmem>>, vector<16xi32>,
      %swap3A_1717 = arith.constant 16 : index
      %swap3A_1718 = tpu.vector_load %arg14[%swap3A_1717] {strides = array<i32>} : memref<1024xi32, #tpu.memory_space<vmem>>, vector<16xi32>,
      tpu.vector_store %arg14[%swap3A_1717], %gather3A_1714 {strides = array<i32>} : memref<1024xi32, #tpu.memory_space<vmem>>, vector<16xi32>,
      %get3A_1719 = arith.constant 16 : index
      %get3A_1720 = tpu.vector_load %arg10[%get3A_1719] {strides = array<i32>} : memref<512xi32, #tpu.memory_space<vmem>>, vector<16xi32>,
      %and3A_1721 = arith.constant 65535 : i32
      %and3A_1722 = vector.broadcast %and3A_1721 : i32 to vector<16xi32>
      %and3A_1723 = arith.andi %get3A_1720, %and3A_1722 : vector<16xi32>
      %shift_right_logical3A_1724 = arith.constant 16 : i32
      %shift_right_logical3A_1725 = vector.broadcast %shift_right_logical3A_1724 : i32 to vector<16xi32>
      %shift_right_logical3A_1726 = arith.shrui %get3A_1720, %shift_right_logical3A_1725 : vector<16xi32>
      %and3A_1727 = arith.constant 2047 : i32
      %and3A_1728 = vector.broadcast %and3A_1727 : i32 to vector<16xi32>
      %and3A_1729 = arith.andi %and3A_1723, %and3A_1728 : vector<16xi32>
      %gather3A_1730 = tpu.vector_load_idx %arg8[%and3A_1729] : memref<2048xi32, #tpu.memory_space<vmem>>[vector<16xi32>], vector<16xi32>,
      %and3A_1731 = arith.constant 2047 : i32
      %and3A_1732 = vector.broadcast %and3A_1731 : i32 to vector<16xi32>
      %and3A_1733 = arith.andi %shift_right_logical3A_1726, %and3A_1732 : vector<16xi32>
      %gather3A_1734 = tpu.vector_load_idx %arg8[%and3A_1733] : memref<2048xi32, #tpu.memory_space<vmem>>[vector<16xi32>], vector<16xi32>,
      %shift_right_logical3A_1735 = arith.constant 11 : i32
      %shift_right_logical3A_1736 = vector.broadcast %shift_right_logical3A_1735 : i32 to vector<16xi32>
      %shift_right_logical3A_1737 = arith.shrui %and3A_1723, %shift_right_logical3A_1736 : vector<16xi32>
      %shift_left3A_1738 = arith.constant 4 : i32
      %shift_left3A_1739 = vector.broadcast %shift_left3A_1738 : i32 to vector<16xi32>
      %shift_left3A_1740 = arith.shli %shift_right_logical3A_1737, %shift_left3A_1739 : vector<16xi32>
      %shift_right_logical3A_1741 = arith.constant 11 : i32
      %shift_right_logical3A_1742 = vector.broadcast %shift_right_logical3A_1741 : i32 to vector<16xi32>
      %shift_right_logical3A_1743 = arith.shrui %shift_right_logical3A_1726, %shift_right_logical3A_1742 : vector<16xi32>
      %shift_left3A_1744 = arith.constant 4 : i32
      %shift_left3A_1745 = vector.broadcast %shift_left3A_1744 : i32 to vector<16xi32>
      %shift_left3A_1746 = arith.shli %shift_right_logical3A_1743, %shift_left3A_1745 : vector<16xi32>
      %shift_right_logical3A_1747 = arith.shrui %gather3A_1730, %shift_left3A_1740 : vector<16xi32>
      %shift_left3A_1748 = arith.constant 16 : i32
      %shift_left3A_1749 = vector.broadcast %shift_left3A_1748 : i32 to vector<16xi32>
      %shift_left3A_1750 = arith.shli %shift_right_logical3A_1747, %shift_left3A_1749 : vector<16xi32>
      %bitcast3A_1751 = vector.bitcast %shift_left3A_1750 : vector<16xi32> to vector<16xf32>
      %shift_right_logical3A_1752 = arith.shrui %gather3A_1734, %shift_left3A_1746 : vector<16xi32>
      %shift_left3A_1753 = arith.constant 16 : i32
      %shift_left3A_1754 = vector.broadcast %shift_left3A_1753 : i32 to vector<16xi32>
      %shift_left3A_1755 = arith.shli %shift_right_logical3A_1752, %shift_left3A_1754 : vector<16xi32>
      %bitcast3A_1756 = vector.bitcast %shift_left3A_1755 : vector<16xi32> to vector<16xf32>
      %swap3A_1757 = arith.constant 32 : index
      %swap3A_1758 = tpu.vector_load %arg12[%swap3A_1757] {strides = array<i32>} : memref<1024xf32, #tpu.memory_space<vmem>>, vector<16xf32>,
      tpu.vector_store %arg12[%swap3A_1757], %bitcast3A_1751 {strides = array<i32>} : memref<1024xf32, #tpu.memory_space<vmem>>, vector<16xf32>,
      %swap3A_1759 = arith.constant 48 : index
      %swap3A_1760 = tpu.vector_load %arg12[%swap3A_1759] {strides = array<i32>} : memref<1024xf32, #tpu.memory_space<vmem>>, vector<16xf32>,
      tpu.vector_store %arg12[%swap3A_1759], %bitcast3A_1756 {strides = array<i32>} : memref<1024xf32, #tpu.memory_space<vmem>>, vector<16xf32>,
      %gather3A_1761 = tpu.vector_load_idx %arg15[%and3A_1723] : memref<4096xi32, #tpu.memory_space<vmem>>[vector<16xi32>], vector<16xi32>,
      %gather3A_1762 = tpu.vector_load_idx %arg15[%shift_right_logical3A_1726] : memref<4096xi32, #tpu.memory_space<vmem>>[vector<16xi32>], vector<16xi32>,
      %swap3A_1763 = arith.constant 32 : index
      %swap3A_1764 = tpu.vector_load %arg14[%swap3A_1763] {strides = array<i32>} : memref<1024xi32, #tpu.memory_space<vmem>>, vector<16xi32>,
      tpu.vector_store %arg14[%swap3A_1763], %gather3A_1761 {strides = array<i32>} : memref<1024xi32, #tpu.memory_space<vmem>>, vector<16xi32>,
      %swap3A_1765 = arith.constant 48 : index
      %swap3A_1766 = tpu.vector_load %arg14[%swap3A_1765] {strides = array<i32>} : memref<1024xi32, #tpu.memory_space<vmem>>, vector<16xi32>,
      tpu.vector_store %arg14[%swap3A_1765], %gather3A_1762 {strides = array<i32>} : memref<1024xi32, #tpu.memory_space<vmem>>, vector<16xi32>,
      %get3A_1767 = arith.constant 32 : index
      %get3A_1768 = tpu.vector_load %arg10[%get3A_1767] {strides = array<i32>} : memref<512xi32, #tpu.memory_space<vmem>>, vector<16xi32>,
      %and3A_1769 = arith.constant 65535 : i32
      %and3A_1770 = vector.broadcast %and3A_1769 : i32 to vector<16xi32>
      %and3A_1771 = arith.andi %get3A_1768, %and3A_1770 : vector<16xi32>
      %shift_right_logical3A_1772 = arith.constant 16 : i32
      %shift_right_logical3A_1773 = vector.broadcast %shift_right_logical3A_1772 : i32 to vector<16xi32>
      %shift_right_logical3A_1774 = arith.shrui %get3A_1768, %shift_right_logical3A_1773 : vector<16xi32>
      %and3A_1775 = arith.constant 2047 : i32
      %and3A_1776 = vector.broadcast %and3A_1775 : i32 to vector<16xi32>
      %and3A_1777 = arith.andi %and3A_1771, %and3A_1776 : vector<16xi32>
      %gather3A_1778 = tpu.vector_load_idx %arg8[%and3A_1777] : memref<2048xi32, #tpu.memory_space<vmem>>[vector<16xi32>], vector<16xi32>,
      %and3A_1779 = arith.constant 2047 : i32
      %and3A_1780 = vector.broadcast %and3A_1779 : i32 to vector<16xi32>
      %and3A_1781 = arith.andi %shift_right_logical3A_1774, %and3A_1780 : vector<16xi32>
      %gather3A_1782 = tpu.vector_load_idx %arg8[%and3A_1781] : memref<2048xi32, #tpu.memory_space<vmem>>[vector<16xi32>], vector<16xi32>,
      %shift_right_logical3A_1783 = arith.constant 11 : i32
      %shift_right_logical3A_1784 = vector.broadcast %shift_right_logical3A_1783 : i32 to vector<16xi32>
      %shift_right_logical3A_1785 = arith.shrui %and3A_1771, %shift_right_logical3A_1784 : vector<16xi32>
      %shift_left3A_1786 = arith.constant 4 : i32
      %shift_left3A_1787 = vector.broadcast %shift_left3A_1786 : i32 to vector<16xi32>
      %shift_left3A_1788 = arith.shli %shift_right_logical3A_1785, %shift_left3A_1787 : vector<16xi32>
      %shift_right_logical3A_1789 = arith.constant 11 : i32
      %shift_right_logical3A_1790 = vector.broadcast %shift_right_logical3A_1789 : i32 to vector<16xi32>
      %shift_right_logical3A_1791 = arith.shrui %shift_right_logical3A_1774, %shift_right_logical3A_1790 : vector<16xi32>
      %shift_left3A_1792 = arith.constant 4 : i32
      %shift_left3A_1793 = vector.broadcast %shift_left3A_1792 : i32 to vector<16xi32>
      %shift_left3A_1794 = arith.shli %shift_right_logical3A_1791, %shift_left3A_1793 : vector<16xi32>
      %shift_right_logical3A_1795 = arith.shrui %gather3A_1778, %shift_left3A_1788 : vector<16xi32>
      %shift_left3A_1796 = arith.constant 16 : i32
      %shift_left3A_1797 = vector.broadcast %shift_left3A_1796 : i32 to vector<16xi32>
      %shift_left3A_1798 = arith.shli %shift_right_logical3A_1795, %shift_left3A_1797 : vector<16xi32>
      %bitcast3A_1799 = vector.bitcast %shift_left3A_1798 : vector<16xi32> to vector<16xf32>
      %shift_right_logical3A_1800 = arith.shrui %gather3A_1782, %shift_left3A_1794 : vector<16xi32>
      %shift_left3A_1801 = arith.constant 16 : i32
      %shift_left3A_1802 = vector.broadcast %shift_left3A_1801 : i32 to vector<16xi32>
      %shift_left3A_1803 = arith.shli %shift_right_logical3A_1800, %shift_left3A_1802 : vector<16xi32>
      %bitcast3A_1804 = vector.bitcast %shift_left3A_1803 : vector<16xi32> to vector<16xf32>
      %swap3A_1805 = arith.constant 64 : index
      %swap3A_1806 = tpu.vector_load %arg12[%swap3A_1805] {strides = array<i32>} : memref<1024xf32, #tpu.memory_space<vmem>>, vector<16xf32>,
      tpu.vector_store %arg12[%swap3A_1805], %bitcast3A_1799 {strides = array<i32>} : memref<1024xf32, #tpu.memory_space<vmem>>, vector<16xf32>,
      %swap3A_1807 = arith.constant 80 : index
      %swap3A_1808 = tpu.vector_load %arg12[%swap3A_1807] {strides = array<i32>} : memref<1024xf32, #tpu.memory_space<vmem>>, vector<16xf32>,
      tpu.vector_store %arg12[%swap3A_1807], %bitcast3A_1804 {strides = array<i32>} : memref<1024xf32, #tpu.memory_space<vmem>>, vector<16xf32>,
      %gather3A_1809 = tpu.vector_load_idx %arg15[%and3A_1771] : memref<4096xi32, #tpu.memory_space<vmem>>[vector<16xi32>], vector<16xi32>,
      %gather3A_1810 = tpu.vector_load_idx %arg15[%shift_right_logical3A_1774] : memref<4096xi32, #tpu.memory_space<vmem>>[vector<16xi32>], vector<16xi32>,
      %swap3A_1811 = arith.constant 64 : index
      %swap3A_1812 = tpu.vector_load %arg14[%swap3A_1811] {strides = array<i32>} : memref<1024xi32, #tpu.memory_space<vmem>>, vector<16xi32>,
      tpu.vector_store %arg14[%swap3A_1811], %gather3A_1809 {strides = array<i32>} : memref<1024xi32, #tpu.memory_space<vmem>>, vector<16xi32>,
      %swap3A_1813 = arith.constant 80 : index
      %swap3A_1814 = tpu.vector_load %arg14[%swap3A_1813] {strides = array<i32>} : memref<1024xi32, #tpu.memory_space<vmem>>, vector<16xi32>,
      tpu.vector_store %arg14[%swap3A_1813], %gather3A_1810 {strides = array<i32>} : memref<1024xi32, #tpu.memory_space<vmem>>, vector<16xi32>,
      %get3A_1815 = arith.constant 48 : index
      %get3A_1816 = tpu.vector_load %arg10[%get3A_1815] {strides = array<i32>} : memref<512xi32, #tpu.memory_space<vmem>>, vector<16xi32>,
      %and3A_1817 = arith.constant 65535 : i32
      %and3A_1818 = vector.broadcast %and3A_1817 : i32 to vector<16xi32>
      %and3A_1819 = arith.andi %get3A_1816, %and3A_1818 : vector<16xi32>
      %shift_right_logical3A_1820 = arith.constant 16 : i32
      %shift_right_logical3A_1821 = vector.broadcast %shift_right_logical3A_1820 : i32 to vector<16xi32>
      %shift_right_logical3A_1822 = arith.shrui %get3A_1816, %shift_right_logical3A_1821 : vector<16xi32>
      %and3A_1823 = arith.constant 2047 : i32
      %and3A_1824 = vector.broadcast %and3A_1823 : i32 to vector<16xi32>
      %and3A_1825 = arith.andi %and3A_1819, %and3A_1824 : vector<16xi32>
      %gather3A_1826 = tpu.vector_load_idx %arg8[%and3A_1825] : memref<2048xi32, #tpu.memory_space<vmem>>[vector<16xi32>], vector<16xi32>,
      %and3A_1827 = arith.constant 2047 : i32
      %and3A_1828 = vector.broadcast %and3A_1827 : i32 to vector<16xi32>
      %and3A_1829 = arith.andi %shift_right_logical3A_1822, %and3A_1828 : vector<16xi32>
      %gather3A_1830 = tpu.vector_load_idx %arg8[%and3A_1829] : memref<2048xi32, #tpu.memory_space<vmem>>[vector<16xi32>], vector<16xi32>,
      %shift_right_logical3A_1831 = arith.constant 11 : i32
      %shift_right_logical3A_1832 = vector.broadcast %shift_right_logical3A_1831 : i32 to vector<16xi32>
      %shift_right_logical3A_1833 = arith.shrui %and3A_1819, %shift_right_logical3A_1832 : vector<16xi32>
      %shift_left3A_1834 = arith.constant 4 : i32
      %shift_left3A_1835 = vector.broadcast %shift_left3A_1834 : i32 to vector<16xi32>
      %shift_left3A_1836 = arith.shli %shift_right_logical3A_1833, %shift_left3A_1835 : vector<16xi32>
      %shift_right_logical3A_1837 = arith.constant 11 : i32
      %shift_right_logical3A_1838 = vector.broadcast %shift_right_logical3A_1837 : i32 to vector<16xi32>
      %shift_right_logical3A_1839 = arith.shrui %shift_right_logical3A_1822, %shift_right_logical3A_1838 : vector<16xi32>
      %shift_left3A_1840 = arith.constant 4 : i32
      %shift_left3A_1841 = vector.broadcast %shift_left3A_1840 : i32 to vector<16xi32>
      %shift_left3A_1842 = arith.shli %shift_right_logical3A_1839, %shift_left3A_1841 : vector<16xi32>
      %shift_right_logical3A_1843 = arith.shrui %gather3A_1826, %shift_left3A_1836 : vector<16xi32>
      %shift_left3A_1844 = arith.constant 16 : i32
      %shift_left3A_1845 = vector.broadcast %shift_left3A_1844 : i32 to vector<16xi32>
      %shift_left3A_1846 = arith.shli %shift_right_logical3A_1843, %shift_left3A_1845 : vector<16xi32>
      %bitcast3A_1847 = vector.bitcast %shift_left3A_1846 : vector<16xi32> to vector<16xf32>
      %shift_right_logical3A_1848 = arith.shrui %gather3A_1830, %shift_left3A_1842 : vector<16xi32>
      %shift_left3A_1849 = arith.constant 16 : i32
      %shift_left3A_1850 = vector.broadcast %shift_left3A_1849 : i32 to vector<16xi32>
      %shift_left3A_1851 = arith.shli %shift_right_logical3A_1848, %shift_left3A_1850 : vector<16xi32>
      %bitcast3A_1852 = vector.bitcast %shift_left3A_1851 : vector<16xi32> to vector<16xf32>
      %swap3A_1853 = arith.constant 96 : index
      %swap3A_1854 = tpu.vector_load %arg12[%swap3A_1853] {strides = array<i32>} : memref<1024xf32, #tpu.memory_space<vmem>>, vector<16xf32>,
      tpu.vector_store %arg12[%swap3A_1853], %bitcast3A_1847 {strides = array<i32>} : memref<1024xf32, #tpu.memory_space<vmem>>, vector<16xf32>,
      %swap3A_1855 = arith.constant 112 : index
      %swap3A_1856 = tpu.vector_load %arg12[%swap3A_1855] {strides = array<i32>} : memref<1024xf32, #tpu.memory_space<vmem>>, vector<16xf32>,
      tpu.vector_store %arg12[%swap3A_1855], %bitcast3A_1852 {strides = array<i32>} : memref<1024xf32, #tpu.memory_space<vmem>>, vector<16xf32>,
      %gather3A_1857 = tpu.vector_load_idx %arg15[%and3A_1819] : memref<4096xi32, #tpu.memory_space<vmem>>[vector<16xi32>], vector<16xi32>,
      %gather3A_1858 = tpu.vector_load_idx %arg15[%shift_right_logical3A_1822] : memref<4096xi32, #tpu.memory_space<vmem>>[vector<16xi32>], vector<16xi32>,
      %swap3A_1859 = arith.constant 96 : index
      %swap3A_1860 = tpu.vector_load %arg14[%swap3A_1859] {strides = array<i32>} : memref<1024xi32, #tpu.memory_space<vmem>>, vector<16xi32>,
      tpu.vector_store %arg14[%swap3A_1859], %gather3A_1857 {strides = array<i32>} : memref<1024xi32, #tpu.memory_space<vmem>>, vector<16xi32>,
      %swap3A_1861 = arith.constant 112 : index
      %swap3A_1862 = tpu.vector_load %arg14[%swap3A_1861] {strides = array<i32>} : memref<1024xi32, #tpu.memory_space<vmem>>, vector<16xi32>,
      tpu.vector_store %arg14[%swap3A_1861], %gather3A_1858 {strides = array<i32>} : memref<1024xi32, #tpu.memory_space<vmem>>, vector<16xi32>,
      %get3A_1863 = arith.constant 64 : index
      %get3A_1864 = tpu.vector_load %arg10[%get3A_1863] {strides = array<i32>} : memref<512xi32, #tpu.memory_space<vmem>>, vector<16xi32>,
      %and3A_1865 = arith.constant 65535 : i32
      %and3A_1866 = vector.broadcast %and3A_1865 : i32 to vector<16xi32>
      %and3A_1867 = arith.andi %get3A_1864, %and3A_1866 : vector<16xi32>
      %shift_right_logical3A_1868 = arith.constant 16 : i32
      %shift_right_logical3A_1869 = vector.broadcast %shift_right_logical3A_1868 : i32 to vector<16xi32>
      %shift_right_logical3A_1870 = arith.shrui %get3A_1864, %shift_right_logical3A_1869 : vector<16xi32>
      %and3A_1871 = arith.constant 2047 : i32
      %and3A_1872 = vector.broadcast %and3A_1871 : i32 to vector<16xi32>
      %and3A_1873 = arith.andi %and3A_1867, %and3A_1872 : vector<16xi32>
      %gather3A_1874 = tpu.vector_load_idx %arg8[%and3A_1873] : memref<2048xi32, #tpu.memory_space<vmem>>[vector<16xi32>], vector<16xi32>,
      %and3A_1875 = arith.constant 2047 : i32
      %and3A_1876 = vector.broadcast %and3A_1875 : i32 to vector<16xi32>
      %and3A_1877 = arith.andi %shift_right_logical3A_1870, %and3A_1876 : vector<16xi32>
      %gather3A_1878 = tpu.vector_load_idx %arg8[%and3A_1877] : memref<2048xi32, #tpu.memory_space<vmem>>[vector<16xi32>], vector<16xi32>,
      %shift_right_logical3A_1879 = arith.constant 11 : i32
      %shift_right_logical3A_1880 = vector.broadcast %shift_right_logical3A_1879 : i32 to vector<16xi32>
      %shift_right_logical3A_1881 = arith.shrui %and3A_1867, %shift_right_logical3A_1880 : vector<16xi32>
      %shift_left3A_1882 = arith.constant 4 : i32
      %shift_left3A_1883 = vector.broadcast %shift_left3A_1882 : i32 to vector<16xi32>
      %shift_left3A_1884 = arith.shli %shift_right_logical3A_1881, %shift_left3A_1883 : vector<16xi32>
      %shift_right_logical3A_1885 = arith.constant 11 : i32
      %shift_right_logical3A_1886 = vector.broadcast %shift_right_logical3A_1885 : i32 to vector<16xi32>
      %shift_right_logical3A_1887 = arith.shrui %shift_right_logical3A_1870, %shift_right_logical3A_1886 : vector<16xi32>
      %shift_left3A_1888 = arith.constant 4 : i32
      %shift_left3A_1889 = vector.broadcast %shift_left3A_1888 : i32 to vector<16xi32>
      %shift_left3A_1890 = arith.shli %shift_right_logical3A_1887, %shift_left3A_1889 : vector<16xi32>
      %shift_right_logical3A_1891 = arith.shrui %gather3A_1874, %shift_left3A_1884 : vector<16xi32>
      %shift_left3A_1892 = arith.constant 16 : i32
      %shift_left3A_1893 = vector.broadcast %shift_left3A_1892 : i32 to vector<16xi32>
      %shift_left3A_1894 = arith.shli %shift_right_logical3A_1891, %shift_left3A_1893 : vector<16xi32>
      %bitcast3A_1895 = vector.bitcast %shift_left3A_1894 : vector<16xi32> to vector<16xf32>
      %shift_right_logical3A_1896 = arith.shrui %gather3A_1878, %shift_left3A_1890 : vector<16xi32>
      %shift_left3A_1897 = arith.constant 16 : i32
      %shift_left3A_1898 = vector.broadcast %shift_left3A_1897 : i32 to vector<16xi32>
      %shift_left3A_1899 = arith.shli %shift_right_logical3A_1896, %shift_left3A_1898 : vector<16xi32>
      %bitcast3A_1900 = vector.bitcast %shift_left3A_1899 : vector<16xi32> to vector<16xf32>
      %swap3A_1901 = arith.constant 128 : index
      %swap3A_1902 = tpu.vector_load %arg12[%swap3A_1901] {strides = array<i32>} : memref<1024xf32, #tpu.memory_space<vmem>>, vector<16xf32>,
      tpu.vector_store %arg12[%swap3A_1901], %bitcast3A_1895 {strides = array<i32>} : memref<1024xf32, #tpu.memory_space<vmem>>, vector<16xf32>,
      %swap3A_1903 = arith.constant 144 : index
      %swap3A_1904 = tpu.vector_load %arg12[%swap3A_1903] {strides = array<i32>} : memref<1024xf32, #tpu.memory_space<vmem>>, vector<16xf32>,
      tpu.vector_store %arg12[%swap3A_1903], %bitcast3A_1900 {strides = array<i32>} : memref<1024xf32, #tpu.memory_space<vmem>>, vector<16xf32>,
      %gather3A_1905 = tpu.vector_load_idx %arg15[%and3A_1867] : memref<4096xi32, #tpu.memory_space<vmem>>[vector<16xi32>], vector<16xi32>,
      %gather3A_1906 = tpu.vector_load_idx %arg15[%shift_right_logical3A_1870] : memref<4096xi32, #tpu.memory_space<vmem>>[vector<16xi32>], vector<16xi32>,
      %swap3A_1907 = arith.constant 128 : index
      %swap3A_1908 = tpu.vector_load %arg14[%swap3A_1907] {strides = array<i32>} : memref<1024xi32, #tpu.memory_space<vmem>>, vector<16xi32>,
      tpu.vector_store %arg14[%swap3A_1907], %gather3A_1905 {strides = array<i32>} : memref<1024xi32, #tpu.memory_space<vmem>>, vector<16xi32>,
      %swap3A_1909 = arith.constant 144 : index
      %swap3A_1910 = tpu.vector_load %arg14[%swap3A_1909] {strides = array<i32>} : memref<1024xi32, #tpu.memory_space<vmem>>, vector<16xi32>,
      tpu.vector_store %arg14[%swap3A_1909], %gather3A_1906 {strides = array<i32>} : memref<1024xi32, #tpu.memory_space<vmem>>, vector<16xi32>,
      %get3A_1911 = arith.constant 80 : index
      %get3A_1912 = tpu.vector_load %arg10[%get3A_1911] {strides = array<i32>} : memref<512xi32, #tpu.memory_space<vmem>>, vector<16xi32>,
      %and3A_1913 = arith.constant 65535 : i32
      %and3A_1914 = vector.broadcast %and3A_1913 : i32 to vector<16xi32>
      %and3A_1915 = arith.andi %get3A_1912, %and3A_1914 : vector<16xi32>
      %shift_right_logical3A_1916 = arith.constant 16 : i32
      %shift_right_logical3A_1917 = vector.broadcast %shift_right_logical3A_1916 : i32 to vector<16xi32>
      %shift_right_logical3A_1918 = arith.shrui %get3A_1912, %shift_right_logical3A_1917 : vector<16xi32>
      %and3A_1919 = arith.constant 2047 : i32
      %and3A_1920 = vector.broadcast %and3A_1919 : i32 to vector<16xi32>
      %and3A_1921 = arith.andi %and3A_1915, %and3A_1920 : vector<16xi32>
      %gather3A_1922 = tpu.vector_load_idx %arg8[%and3A_1921] : memref<2048xi32, #tpu.memory_space<vmem>>[vector<16xi32>], vector<16xi32>,
      %and3A_1923 = arith.constant 2047 : i32
      %and3A_1924 = vector.broadcast %and3A_1923 : i32 to vector<16xi32>
      %and3A_1925 = arith.andi %shift_right_logical3A_1918, %and3A_1924 : vector<16xi32>
      %gather3A_1926 = tpu.vector_load_idx %arg8[%and3A_1925] : memref<2048xi32, #tpu.memory_space<vmem>>[vector<16xi32>], vector<16xi32>,
      %shift_right_logical3A_1927 = arith.constant 11 : i32
      %shift_right_logical3A_1928 = vector.broadcast %shift_right_logical3A_1927 : i32 to vector<16xi32>
      %shift_right_logical3A_1929 = arith.shrui %and3A_1915, %shift_right_logical3A_1928 : vector<16xi32>
      %shift_left3A_1930 = arith.constant 4 : i32
      %shift_left3A_1931 = vector.broadcast %shift_left3A_1930 : i32 to vector<16xi32>
      %shift_left3A_1932 = arith.shli %shift_right_logical3A_1929, %shift_left3A_1931 : vector<16xi32>
      %shift_right_logical3A_1933 = arith.constant 11 : i32
      %shift_right_logical3A_1934 = vector.broadcast %shift_right_logical3A_1933 : i32 to vector<16xi32>
      %shift_right_logical3A_1935 = arith.shrui %shift_right_logical3A_1918, %shift_right_logical3A_1934 : vector<16xi32>
      %shift_left3A_1936 = arith.constant 4 : i32
      %shift_left3A_1937 = vector.broadcast %shift_left3A_1936 : i32 to vector<16xi32>
      %shift_left3A_1938 = arith.shli %shift_right_logical3A_1935, %shift_left3A_1937 : vector<16xi32>
      %shift_right_logical3A_1939 = arith.shrui %gather3A_1922, %shift_left3A_1932 : vector<16xi32>
      %shift_left3A_1940 = arith.constant 16 : i32
      %shift_left3A_1941 = vector.broadcast %shift_left3A_1940 : i32 to vector<16xi32>
      %shift_left3A_1942 = arith.shli %shift_right_logical3A_1939, %shift_left3A_1941 : vector<16xi32>
      %bitcast3A_1943 = vector.bitcast %shift_left3A_1942 : vector<16xi32> to vector<16xf32>
      %shift_right_logical3A_1944 = arith.shrui %gather3A_1926, %shift_left3A_1938 : vector<16xi32>
      %shift_left3A_1945 = arith.constant 16 : i32
      %shift_left3A_1946 = vector.broadcast %shift_left3A_1945 : i32 to vector<16xi32>
      %shift_left3A_1947 = arith.shli %shift_right_logical3A_1944, %shift_left3A_1946 : vector<16xi32>
      %bitcast3A_1948 = vector.bitcast %shift_left3A_1947 : vector<16xi32> to vector<16xf32>
      %swap3A_1949 = arith.constant 160 : index
      %swap3A_1950 = tpu.vector_load %arg12[%swap3A_1949] {strides = array<i32>} : memref<1024xf32, #tpu.memory_space<vmem>>, vector<16xf32>,
      tpu.vector_store %arg12[%swap3A_1949], %bitcast3A_1943 {strides = array<i32>} : memref<1024xf32, #tpu.memory_space<vmem>>, vector<16xf32>,
      %swap3A_1951 = arith.constant 176 : index
      %swap3A_1952 = tpu.vector_load %arg12[%swap3A_1951] {strides = array<i32>} : memref<1024xf32, #tpu.memory_space<vmem>>, vector<16xf32>,
      tpu.vector_store %arg12[%swap3A_1951], %bitcast3A_1948 {strides = array<i32>} : memref<1024xf32, #tpu.memory_space<vmem>>, vector<16xf32>,
      %gather3A_1953 = tpu.vector_load_idx %arg15[%and3A_1915] : memref<4096xi32, #tpu.memory_space<vmem>>[vector<16xi32>], vector<16xi32>,
      %gather3A_1954 = tpu.vector_load_idx %arg15[%shift_right_logical3A_1918] : memref<4096xi32, #tpu.memory_space<vmem>>[vector<16xi32>], vector<16xi32>,
      %swap3A_1955 = arith.constant 160 : index
      %swap3A_1956 = tpu.vector_load %arg14[%swap3A_1955] {strides = array<i32>} : memref<1024xi32, #tpu.memory_space<vmem>>, vector<16xi32>,
      tpu.vector_store %arg14[%swap3A_1955], %gather3A_1953 {strides = array<i32>} : memref<1024xi32, #tpu.memory_space<vmem>>, vector<16xi32>,
      %swap3A_1957 = arith.constant 176 : index
      %swap3A_1958 = tpu.vector_load %arg14[%swap3A_1957] {strides = array<i32>} : memref<1024xi32, #tpu.memory_space<vmem>>, vector<16xi32>,
      tpu.vector_store %arg14[%swap3A_1957], %gather3A_1954 {strides = array<i32>} : memref<1024xi32, #tpu.memory_space<vmem>>, vector<16xi32>,
      %get3A_1959 = arith.constant 96 : index
      %get3A_1960 = tpu.vector_load %arg10[%get3A_1959] {strides = array<i32>} : memref<512xi32, #tpu.memory_space<vmem>>, vector<16xi32>,
      %and3A_1961 = arith.constant 65535 : i32
      %and3A_1962 = vector.broadcast %and3A_1961 : i32 to vector<16xi32>
      %and3A_1963 = arith.andi %get3A_1960, %and3A_1962 : vector<16xi32>
      %shift_right_logical3A_1964 = arith.constant 16 : i32
      %shift_right_logical3A_1965 = vector.broadcast %shift_right_logical3A_1964 : i32 to vector<16xi32>
      %shift_right_logical3A_1966 = arith.shrui %get3A_1960, %shift_right_logical3A_1965 : vector<16xi32>
      %and3A_1967 = arith.constant 2047 : i32
      %and3A_1968 = vector.broadcast %and3A_1967 : i32 to vector<16xi32>
      %and3A_1969 = arith.andi %and3A_1963, %and3A_1968 : vector<16xi32>
      %gather3A_1970 = tpu.vector_load_idx %arg8[%and3A_1969] : memref<2048xi32, #tpu.memory_space<vmem>>[vector<16xi32>], vector<16xi32>,
      %and3A_1971 = arith.constant 2047 : i32
      %and3A_1972 = vector.broadcast %and3A_1971 : i32 to vector<16xi32>
      %and3A_1973 = arith.andi %shift_right_logical3A_1966, %and3A_1972 : vector<16xi32>
      %gather3A_1974 = tpu.vector_load_idx %arg8[%and3A_1973] : memref<2048xi32, #tpu.memory_space<vmem>>[vector<16xi32>], vector<16xi32>,
      %shift_right_logical3A_1975 = arith.constant 11 : i32
      %shift_right_logical3A_1976 = vector.broadcast %shift_right_logical3A_1975 : i32 to vector<16xi32>
      %shift_right_logical3A_1977 = arith.shrui %and3A_1963, %shift_right_logical3A_1976 : vector<16xi32>
      %shift_left3A_1978 = arith.constant 4 : i32
      %shift_left3A_1979 = vector.broadcast %shift_left3A_1978 : i32 to vector<16xi32>
      %shift_left3A_1980 = arith.shli %shift_right_logical3A_1977, %shift_left3A_1979 : vector<16xi32>
      %shift_right_logical3A_1981 = arith.constant 11 : i32
      %shift_right_logical3A_1982 = vector.broadcast %shift_right_logical3A_1981 : i32 to vector<16xi32>
      %shift_right_logical3A_1983 = arith.shrui %shift_right_logical3A_1966, %shift_right_logical3A_1982 : vector<16xi32>
      %shift_left3A_1984 = arith.constant 4 : i32
      %shift_left3A_1985 = vector.broadcast %shift_left3A_1984 : i32 to vector<16xi32>
      %shift_left3A_1986 = arith.shli %shift_right_logical3A_1983, %shift_left3A_1985 : vector<16xi32>
      %shift_right_logical3A_1987 = arith.shrui %gather3A_1970, %shift_left3A_1980 : vector<16xi32>
      %shift_left3A_1988 = arith.constant 16 : i32
      %shift_left3A_1989 = vector.broadcast %shift_left3A_1988 : i32 to vector<16xi32>
      %shift_left3A_1990 = arith.shli %shift_right_logical3A_1987, %shift_left3A_1989 : vector<16xi32>
      %bitcast3A_1991 = vector.bitcast %shift_left3A_1990 : vector<16xi32> to vector<16xf32>
      %shift_right_logical3A_1992 = arith.shrui %gather3A_1974, %shift_left3A_1986 : vector<16xi32>
      %shift_left3A_1993 = arith.constant 16 : i32
      %shift_left3A_1994 = vector.broadcast %shift_left3A_1993 : i32 to vector<16xi32>
      %shift_left3A_1995 = arith.shli %shift_right_logical3A_1992, %shift_left3A_1994 : vector<16xi32>
      %bitcast3A_1996 = vector.bitcast %shift_left3A_1995 : vector<16xi32> to vector<16xf32>
      %swap3A_1997 = arith.constant 192 : index
      %swap3A_1998 = tpu.vector_load %arg12[%swap3A_1997] {strides = array<i32>} : memref<1024xf32, #tpu.memory_space<vmem>>, vector<16xf32>,
      tpu.vector_store %arg12[%swap3A_1997], %bitcast3A_1991 {strides = array<i32>} : memref<1024xf32, #tpu.memory_space<vmem>>, vector<16xf32>,
      %swap3A_1999 = arith.constant 208 : index
      %swap3A_2000 = tpu.vector_load %arg12[%swap3A_1999] {strides = array<i32>} : memref<1024xf32, #tpu.memory_space<vmem>>, vector<16xf32>,
      tpu.vector_store %arg12[%swap3A_1999], %bitcast3A_1996 {strides = array<i32>} : memref<1024xf32, #tpu.memory_space<vmem>>, vector<16xf32>,
      %gather3A_2001 = tpu.vector_load_idx %arg15[%and3A_1963] : memref<4096xi32, #tpu.memory_space<vmem>>[vector<16xi32>], vector<16xi32>,
      %gather3A_2002 = tpu.vector_load_idx %arg15[%shift_right_logical3A_1966] : memref<4096xi32, #tpu.memory_space<vmem>>[vector<16xi32>], vector<16xi32>,
      %swap3A_2003 = arith.constant 192 : index
      %swap3A_2004 = tpu.vector_load %arg14[%swap3A_2003] {strides = array<i32>} : memref<1024xi32, #tpu.memory_space<vmem>>, vector<16xi32>,
      tpu.vector_store %arg14[%swap3A_2003], %gather3A_2001 {strides = array<i32>} : memref<1024xi32, #tpu.memory_space<vmem>>, vector<16xi32>,
      %swap3A_2005 = arith.constant 208 : index
      %swap3A_2006 = tpu.vector_load %arg14[%swap3A_2005] {strides = array<i32>} : memref<1024xi32, #tpu.memory_space<vmem>>, vector<16xi32>,
      tpu.vector_store %arg14[%swap3A_2005], %gather3A_2002 {strides = array<i32>} : memref<1024xi32, #tpu.memory_space<vmem>>, vector<16xi32>,
      %get3A_2007 = arith.constant 112 : index
      %get3A_2008 = tpu.vector_load %arg10[%get3A_2007] {strides = array<i32>} : memref<512xi32, #tpu.memory_space<vmem>>, vector<16xi32>,
      %and3A_2009 = arith.constant 65535 : i32
      %and3A_2010 = vector.broadcast %and3A_2009 : i32 to vector<16xi32>
      %and3A_2011 = arith.andi %get3A_2008, %and3A_2010 : vector<16xi32>
      %shift_right_logical3A_2012 = arith.constant 16 : i32
      %shift_right_logical3A_2013 = vector.broadcast %shift_right_logical3A_2012 : i32 to vector<16xi32>
      %shift_right_logical3A_2014 = arith.shrui %get3A_2008, %shift_right_logical3A_2013 : vector<16xi32>
      %and3A_2015 = arith.constant 2047 : i32
      %and3A_2016 = vector.broadcast %and3A_2015 : i32 to vector<16xi32>
      %and3A_2017 = arith.andi %and3A_2011, %and3A_2016 : vector<16xi32>
      %gather3A_2018 = tpu.vector_load_idx %arg8[%and3A_2017] : memref<2048xi32, #tpu.memory_space<vmem>>[vector<16xi32>], vector<16xi32>,
      %and3A_2019 = arith.constant 2047 : i32
      %and3A_2020 = vector.broadcast %and3A_2019 : i32 to vector<16xi32>
      %and3A_2021 = arith.andi %shift_right_logical3A_2014, %and3A_2020 : vector<16xi32>
      %gather3A_2022 = tpu.vector_load_idx %arg8[%and3A_2021] : memref<2048xi32, #tpu.memory_space<vmem>>[vector<16xi32>], vector<16xi32>,
      %shift_right_logical3A_2023 = arith.constant 11 : i32
      %shift_right_logical3A_2024 = vector.broadcast %shift_right_logical3A_2023 : i32 to vector<16xi32>
      %shift_right_logical3A_2025 = arith.shrui %and3A_2011, %shift_right_logical3A_2024 : vector<16xi32>
      %shift_left3A_2026 = arith.constant 4 : i32
      %shift_left3A_2027 = vector.broadcast %shift_left3A_2026 : i32 to vector<16xi32>
      %shift_left3A_2028 = arith.shli %shift_right_logical3A_2025, %shift_left3A_2027 : vector<16xi32>
      %shift_right_logical3A_2029 = arith.constant 11 : i32
      %shift_right_logical3A_2030 = vector.broadcast %shift_right_logical3A_2029 : i32 to vector<16xi32>
      %shift_right_logical3A_2031 = arith.shrui %shift_right_logical3A_2014, %shift_right_logical3A_2030 : vector<16xi32>
      %shift_left3A_2032 = arith.constant 4 : i32
      %shift_left3A_2033 = vector.broadcast %shift_left3A_2032 : i32 to vector<16xi32>
      %shift_left3A_2034 = arith.shli %shift_right_logical3A_2031, %shift_left3A_2033 : vector<16xi32>
      %shift_right_logical3A_2035 = arith.shrui %gather3A_2018, %shift_left3A_2028 : vector<16xi32>
      %shift_left3A_2036 = arith.constant 16 : i32
      %shift_left3A_2037 = vector.broadcast %shift_left3A_2036 : i32 to vector<16xi32>
      %shift_left3A_2038 = arith.shli %shift_right_logical3A_2035, %shift_left3A_2037 : vector<16xi32>
      %bitcast3A_2039 = vector.bitcast %shift_left3A_2038 : vector<16xi32> to vector<16xf32>
      %shift_right_logical3A_2040 = arith.shrui %gather3A_2022, %shift_left3A_2034 : vector<16xi32>
      %shift_left3A_2041 = arith.constant 16 : i32
      %shift_left3A_2042 = vector.broadcast %shift_left3A_2041 : i32 to vector<16xi32>
      %shift_left3A_2043 = arith.shli %shift_right_logical3A_2040, %shift_left3A_2042 : vector<16xi32>
      %bitcast3A_2044 = vector.bitcast %shift_left3A_2043 : vector<16xi32> to vector<16xf32>
      %swap3A_2045 = arith.constant 224 : index
      %swap3A_2046 = tpu.vector_load %arg12[%swap3A_2045] {strides = array<i32>} : memref<1024xf32, #tpu.memory_space<vmem>>, vector<16xf32>,
      tpu.vector_store %arg12[%swap3A_2045], %bitcast3A_2039 {strides = array<i32>} : memref<1024xf32, #tpu.memory_space<vmem>>, vector<16xf32>,
      %swap3A_2047 = arith.constant 240 : index
      %swap3A_2048 = tpu.vector_load %arg12[%swap3A_2047] {strides = array<i32>} : memref<1024xf32, #tpu.memory_space<vmem>>, vector<16xf32>,
      tpu.vector_store %arg12[%swap3A_2047], %bitcast3A_2044 {strides = array<i32>} : memref<1024xf32, #tpu.memory_space<vmem>>, vector<16xf32>,
      %gather3A_2049 = tpu.vector_load_idx %arg15[%and3A_2011] : memref<4096xi32, #tpu.memory_space<vmem>>[vector<16xi32>], vector<16xi32>,
      %gather3A_2050 = tpu.vector_load_idx %arg15[%shift_right_logical3A_2014] : memref<4096xi32, #tpu.memory_space<vmem>>[vector<16xi32>], vector<16xi32>,
      %swap3A_2051 = arith.constant 224 : index
      %swap3A_2052 = tpu.vector_load %arg14[%swap3A_2051] {strides = array<i32>} : memref<1024xi32, #tpu.memory_space<vmem>>, vector<16xi32>,
      tpu.vector_store %arg14[%swap3A_2051], %gather3A_2049 {strides = array<i32>} : memref<1024xi32, #tpu.memory_space<vmem>>, vector<16xi32>,
      %swap3A_2053 = arith.constant 240 : index
      %swap3A_2054 = tpu.vector_load %arg14[%swap3A_2053] {strides = array<i32>} : memref<1024xi32, #tpu.memory_space<vmem>>, vector<16xi32>,
      tpu.vector_store %arg14[%swap3A_2053], %gather3A_2050 {strides = array<i32>} : memref<1024xi32, #tpu.memory_space<vmem>>, vector<16xi32>,
      %get3A_2055 = arith.constant 128 : index
      %get3A_2056 = tpu.vector_load %arg10[%get3A_2055] {strides = array<i32>} : memref<512xi32, #tpu.memory_space<vmem>>, vector<16xi32>,
      %and3A_2057 = arith.constant 65535 : i32
      %and3A_2058 = vector.broadcast %and3A_2057 : i32 to vector<16xi32>
      %and3A_2059 = arith.andi %get3A_2056, %and3A_2058 : vector<16xi32>
      %shift_right_logical3A_2060 = arith.constant 16 : i32
      %shift_right_logical3A_2061 = vector.broadcast %shift_right_logical3A_2060 : i32 to vector<16xi32>
      %shift_right_logical3A_2062 = arith.shrui %get3A_2056, %shift_right_logical3A_2061 : vector<16xi32>
      %and3A_2063 = arith.constant 2047 : i32
      %and3A_2064 = vector.broadcast %and3A_2063 : i32 to vector<16xi32>
      %and3A_2065 = arith.andi %and3A_2059, %and3A_2064 : vector<16xi32>
      %gather3A_2066 = tpu.vector_load_idx %arg8[%and3A_2065] : memref<2048xi32, #tpu.memory_space<vmem>>[vector<16xi32>], vector<16xi32>,
      %and3A_2067 = arith.constant 2047 : i32
      %and3A_2068 = vector.broadcast %and3A_2067 : i32 to vector<16xi32>
      %and3A_2069 = arith.andi %shift_right_logical3A_2062, %and3A_2068 : vector<16xi32>
      %gather3A_2070 = tpu.vector_load_idx %arg8[%and3A_2069] : memref<2048xi32, #tpu.memory_space<vmem>>[vector<16xi32>], vector<16xi32>,
      %shift_right_logical3A_2071 = arith.constant 11 : i32
      %shift_right_logical3A_2072 = vector.broadcast %shift_right_logical3A_2071 : i32 to vector<16xi32>
      %shift_right_logical3A_2073 = arith.shrui %and3A_2059, %shift_right_logical3A_2072 : vector<16xi32>
      %shift_left3A_2074 = arith.constant 4 : i32
      %shift_left3A_2075 = vector.broadcast %shift_left3A_2074 : i32 to vector<16xi32>
      %shift_left3A_2076 = arith.shli %shift_right_logical3A_2073, %shift_left3A_2075 : vector<16xi32>
      %shift_right_logical3A_2077 = arith.constant 11 : i32
      %shift_right_logical3A_2078 = vector.broadcast %shift_right_logical3A_2077 : i32 to vector<16xi32>
      %shift_right_logical3A_2079 = arith.shrui %shift_right_logical3A_2062, %shift_right_logical3A_2078 : vector<16xi32>
      %shift_left3A_2080 = arith.constant 4 : i32
      %shift_left3A_2081 = vector.broadcast %shift_left3A_2080 : i32 to vector<16xi32>
      %shift_left3A_2082 = arith.shli %shift_right_logical3A_2079, %shift_left3A_2081 : vector<16xi32>
      %shift_right_logical3A_2083 = arith.shrui %gather3A_2066, %shift_left3A_2076 : vector<16xi32>
      %shift_left3A_2084 = arith.constant 16 : i32
      %shift_left3A_2085 = vector.broadcast %shift_left3A_2084 : i32 to vector<16xi32>
      %shift_left3A_2086 = arith.shli %shift_right_logical3A_2083, %shift_left3A_2085 : vector<16xi32>
      %bitcast3A_2087 = vector.bitcast %shift_left3A_2086 : vector<16xi32> to vector<16xf32>
      %shift_right_logical3A_2088 = arith.shrui %gather3A_2070, %shift_left3A_2082 : vector<16xi32>
      %shift_left3A_2089 = arith.constant 16 : i32
      %shift_left3A_2090 = vector.broadcast %shift_left3A_2089 : i32 to vector<16xi32>
      %shift_left3A_2091 = arith.shli %shift_right_logical3A_2088, %shift_left3A_2090 : vector<16xi32>
      %bitcast3A_2092 = vector.bitcast %shift_left3A_2091 : vector<16xi32> to vector<16xf32>
      %swap3A_2093 = arith.constant 256 : index
      %swap3A_2094 = tpu.vector_load %arg12[%swap3A_2093] {strides = array<i32>} : memref<1024xf32, #tpu.memory_space<vmem>>, vector<16xf32>,
      tpu.vector_store %arg12[%swap3A_2093], %bitcast3A_2087 {strides = array<i32>} : memref<1024xf32, #tpu.memory_space<vmem>>, vector<16xf32>,
      %swap3A_2095 = arith.constant 272 : index
      %swap3A_2096 = tpu.vector_load %arg12[%swap3A_2095] {strides = array<i32>} : memref<1024xf32, #tpu.memory_space<vmem>>, vector<16xf32>,
      tpu.vector_store %arg12[%swap3A_2095], %bitcast3A_2092 {strides = array<i32>} : memref<1024xf32, #tpu.memory_space<vmem>>, vector<16xf32>,
      %gather3A_2097 = tpu.vector_load_idx %arg15[%and3A_2059] : memref<4096xi32, #tpu.memory_space<vmem>>[vector<16xi32>], vector<16xi32>,
      %gather3A_2098 = tpu.vector_load_idx %arg15[%shift_right_logical3A_2062] : memref<4096xi32, #tpu.memory_space<vmem>>[vector<16xi32>], vector<16xi32>,
      %swap3A_2099 = arith.constant 256 : index
      %swap3A_2100 = tpu.vector_load %arg14[%swap3A_2099] {strides = array<i32>} : memref<1024xi32, #tpu.memory_space<vmem>>, vector<16xi32>,
      tpu.vector_store %arg14[%swap3A_2099], %gather3A_2097 {strides = array<i32>} : memref<1024xi32, #tpu.memory_space<vmem>>, vector<16xi32>,
      %swap3A_2101 = arith.constant 272 : index
      %swap3A_2102 = tpu.vector_load %arg14[%swap3A_2101] {strides = array<i32>} : memref<1024xi32, #tpu.memory_space<vmem>>, vector<16xi32>,
      tpu.vector_store %arg14[%swap3A_2101], %gather3A_2098 {strides = array<i32>} : memref<1024xi32, #tpu.memory_space<vmem>>, vector<16xi32>,
      %get3A_2103 = arith.constant 144 : index
      %get3A_2104 = tpu.vector_load %arg10[%get3A_2103] {strides = array<i32>} : memref<512xi32, #tpu.memory_space<vmem>>, vector<16xi32>,
      %and3A_2105 = arith.constant 65535 : i32
      %and3A_2106 = vector.broadcast %and3A_2105 : i32 to vector<16xi32>
      %and3A_2107 = arith.andi %get3A_2104, %and3A_2106 : vector<16xi32>
      %shift_right_logical3A_2108 = arith.constant 16 : i32
      %shift_right_logical3A_2109 = vector.broadcast %shift_right_logical3A_2108 : i32 to vector<16xi32>
      %shift_right_logical3A_2110 = arith.shrui %get3A_2104, %shift_right_logical3A_2109 : vector<16xi32>
      %and3A_2111 = arith.constant 2047 : i32
      %and3A_2112 = vector.broadcast %and3A_2111 : i32 to vector<16xi32>
      %and3A_2113 = arith.andi %and3A_2107, %and3A_2112 : vector<16xi32>
      %gather3A_2114 = tpu.vector_load_idx %arg8[%and3A_2113] : memref<2048xi32, #tpu.memory_space<vmem>>[vector<16xi32>], vector<16xi32>,
      %and3A_2115 = arith.constant 2047 : i32
      %and3A_2116 = vector.broadcast %and3A_2115 : i32 to vector<16xi32>
      %and3A_2117 = arith.andi %shift_right_logical3A_2110, %and3A_2116 : vector<16xi32>
      %gather3A_2118 = tpu.vector_load_idx %arg8[%and3A_2117] : memref<2048xi32, #tpu.memory_space<vmem>>[vector<16xi32>], vector<16xi32>,
      %shift_right_logical3A_2119 = arith.constant 11 : i32
      %shift_right_logical3A_2120 = vector.broadcast %shift_right_logical3A_2119 : i32 to vector<16xi32>
      %shift_right_logical3A_2121 = arith.shrui %and3A_2107, %shift_right_logical3A_2120 : vector<16xi32>
      %shift_left3A_2122 = arith.constant 4 : i32
      %shift_left3A_2123 = vector.broadcast %shift_left3A_2122 : i32 to vector<16xi32>
      %shift_left3A_2124 = arith.shli %shift_right_logical3A_2121, %shift_left3A_2123 : vector<16xi32>
      %shift_right_logical3A_2125 = arith.constant 11 : i32
      %shift_right_logical3A_2126 = vector.broadcast %shift_right_logical3A_2125 : i32 to vector<16xi32>
      %shift_right_logical3A_2127 = arith.shrui %shift_right_logical3A_2110, %shift_right_logical3A_2126 : vector<16xi32>
      %shift_left3A_2128 = arith.constant 4 : i32
      %shift_left3A_2129 = vector.broadcast %shift_left3A_2128 : i32 to vector<16xi32>
      %shift_left3A_2130 = arith.shli %shift_right_logical3A_2127, %shift_left3A_2129 : vector<16xi32>
      %shift_right_logical3A_2131 = arith.shrui %gather3A_2114, %shift_left3A_2124 : vector<16xi32>
      %shift_left3A_2132 = arith.constant 16 : i32
      %shift_left3A_2133 = vector.broadcast %shift_left3A_2132 : i32 to vector<16xi32>
      %shift_left3A_2134 = arith.shli %shift_right_logical3A_2131, %shift_left3A_2133 : vector<16xi32>
      %bitcast3A_2135 = vector.bitcast %shift_left3A_2134 : vector<16xi32> to vector<16xf32>
      %shift_right_logical3A_2136 = arith.shrui %gather3A_2118, %shift_left3A_2130 : vector<16xi32>
      %shift_left3A_2137 = arith.constant 16 : i32
      %shift_left3A_2138 = vector.broadcast %shift_left3A_2137 : i32 to vector<16xi32>
      %shift_left3A_2139 = arith.shli %shift_right_logical3A_2136, %shift_left3A_2138 : vector<16xi32>
      %bitcast3A_2140 = vector.bitcast %shift_left3A_2139 : vector<16xi32> to vector<16xf32>
      %swap3A_2141 = arith.constant 288 : index
      %swap3A_2142 = tpu.vector_load %arg12[%swap3A_2141] {strides = array<i32>} : memref<1024xf32, #tpu.memory_space<vmem>>, vector<16xf32>,
      tpu.vector_store %arg12[%swap3A_2141], %bitcast3A_2135 {strides = array<i32>} : memref<1024xf32, #tpu.memory_space<vmem>>, vector<16xf32>,
      %swap3A_2143 = arith.constant 304 : index
      %swap3A_2144 = tpu.vector_load %arg12[%swap3A_2143] {strides = array<i32>} : memref<1024xf32, #tpu.memory_space<vmem>>, vector<16xf32>,
      tpu.vector_store %arg12[%swap3A_2143], %bitcast3A_2140 {strides = array<i32>} : memref<1024xf32, #tpu.memory_space<vmem>>, vector<16xf32>,
      %gather3A_2145 = tpu.vector_load_idx %arg15[%and3A_2107] : memref<4096xi32, #tpu.memory_space<vmem>>[vector<16xi32>], vector<16xi32>,
      %gather3A_2146 = tpu.vector_load_idx %arg15[%shift_right_logical3A_2110] : memref<4096xi32, #tpu.memory_space<vmem>>[vector<16xi32>], vector<16xi32>,
      %swap3A_2147 = arith.constant 288 : index
      %swap3A_2148 = tpu.vector_load %arg14[%swap3A_2147] {strides = array<i32>} : memref<1024xi32, #tpu.memory_space<vmem>>, vector<16xi32>,
      tpu.vector_store %arg14[%swap3A_2147], %gather3A_2145 {strides = array<i32>} : memref<1024xi32, #tpu.memory_space<vmem>>, vector<16xi32>,
      %swap3A_2149 = arith.constant 304 : index
      %swap3A_2150 = tpu.vector_load %arg14[%swap3A_2149] {strides = array<i32>} : memref<1024xi32, #tpu.memory_space<vmem>>, vector<16xi32>,
      tpu.vector_store %arg14[%swap3A_2149], %gather3A_2146 {strides = array<i32>} : memref<1024xi32, #tpu.memory_space<vmem>>, vector<16xi32>,
      %get3A_2151 = arith.constant 160 : index
      %get3A_2152 = tpu.vector_load %arg10[%get3A_2151] {strides = array<i32>} : memref<512xi32, #tpu.memory_space<vmem>>, vector<16xi32>,
      %and3A_2153 = arith.constant 65535 : i32
      %and3A_2154 = vector.broadcast %and3A_2153 : i32 to vector<16xi32>
      %and3A_2155 = arith.andi %get3A_2152, %and3A_2154 : vector<16xi32>
      %shift_right_logical3A_2156 = arith.constant 16 : i32
      %shift_right_logical3A_2157 = vector.broadcast %shift_right_logical3A_2156 : i32 to vector<16xi32>
      %shift_right_logical3A_2158 = arith.shrui %get3A_2152, %shift_right_logical3A_2157 : vector<16xi32>
      %and3A_2159 = arith.constant 2047 : i32
      %and3A_2160 = vector.broadcast %and3A_2159 : i32 to vector<16xi32>
      %and3A_2161 = arith.andi %and3A_2155, %and3A_2160 : vector<16xi32>
      %gather3A_2162 = tpu.vector_load_idx %arg8[%and3A_2161] : memref<2048xi32, #tpu.memory_space<vmem>>[vector<16xi32>], vector<16xi32>,
      %and3A_2163 = arith.constant 2047 : i32
      %and3A_2164 = vector.broadcast %and3A_2163 : i32 to vector<16xi32>
      %and3A_2165 = arith.andi %shift_right_logical3A_2158, %and3A_2164 : vector<16xi32>
      %gather3A_2166 = tpu.vector_load_idx %arg8[%and3A_2165] : memref<2048xi32, #tpu.memory_space<vmem>>[vector<16xi32>], vector<16xi32>,
      %shift_right_logical3A_2167 = arith.constant 11 : i32
      %shift_right_logical3A_2168 = vector.broadcast %shift_right_logical3A_2167 : i32 to vector<16xi32>
      %shift_right_logical3A_2169 = arith.shrui %and3A_2155, %shift_right_logical3A_2168 : vector<16xi32>
      %shift_left3A_2170 = arith.constant 4 : i32
      %shift_left3A_2171 = vector.broadcast %shift_left3A_2170 : i32 to vector<16xi32>
      %shift_left3A_2172 = arith.shli %shift_right_logical3A_2169, %shift_left3A_2171 : vector<16xi32>
      %shift_right_logical3A_2173 = arith.constant 11 : i32
      %shift_right_logical3A_2174 = vector.broadcast %shift_right_logical3A_2173 : i32 to vector<16xi32>
      %shift_right_logical3A_2175 = arith.shrui %shift_right_logical3A_2158, %shift_right_logical3A_2174 : vector<16xi32>
      %shift_left3A_2176 = arith.constant 4 : i32
      %shift_left3A_2177 = vector.broadcast %shift_left3A_2176 : i32 to vector<16xi32>
      %shift_left3A_2178 = arith.shli %shift_right_logical3A_2175, %shift_left3A_2177 : vector<16xi32>
      %shift_right_logical3A_2179 = arith.shrui %gather3A_2162, %shift_left3A_2172 : vector<16xi32>
      %shift_left3A_2180 = arith.constant 16 : i32
      %shift_left3A_2181 = vector.broadcast %shift_left3A_2180 : i32 to vector<16xi32>
      %shift_left3A_2182 = arith.shli %shift_right_logical3A_2179, %shift_left3A_2181 : vector<16xi32>
      %bitcast3A_2183 = vector.bitcast %shift_left3A_2182 : vector<16xi32> to vector<16xf32>
      %shift_right_logical3A_2184 = arith.shrui %gather3A_2166, %shift_left3A_2178 : vector<16xi32>
      %shift_left3A_2185 = arith.constant 16 : i32
      %shift_left3A_2186 = vector.broadcast %shift_left3A_2185 : i32 to vector<16xi32>
      %shift_left3A_2187 = arith.shli %shift_right_logical3A_2184, %shift_left3A_2186 : vector<16xi32>
      %bitcast3A_2188 = vector.bitcast %shift_left3A_2187 : vector<16xi32> to vector<16xf32>
      %swap3A_2189 = arith.constant 320 : index
      %swap3A_2190 = tpu.vector_load %arg12[%swap3A_2189] {strides = array<i32>} : memref<1024xf32, #tpu.memory_space<vmem>>, vector<16xf32>,
      tpu.vector_store %arg12[%swap3A_2189], %bitcast3A_2183 {strides = array<i32>} : memref<1024xf32, #tpu.memory_space<vmem>>, vector<16xf32>,
      %swap3A_2191 = arith.constant 336 : index
      %swap3A_2192 = tpu.vector_load %arg12[%swap3A_2191] {strides = array<i32>} : memref<1024xf32, #tpu.memory_space<vmem>>, vector<16xf32>,
      tpu.vector_store %arg12[%swap3A_2191], %bitcast3A_2188 {strides = array<i32>} : memref<1024xf32, #tpu.memory_space<vmem>>, vector<16xf32>,
      %gather3A_2193 = tpu.vector_load_idx %arg15[%and3A_2155] : memref<4096xi32, #tpu.memory_space<vmem>>[vector<16xi32>], vector<16xi32>,
      %gather3A_2194 = tpu.vector_load_idx %arg15[%shift_right_logical3A_2158] : memref<4096xi32, #tpu.memory_space<vmem>>[vector<16xi32>], vector<16xi32>,
      %swap3A_2195 = arith.constant 320 : index
      %swap3A_2196 = tpu.vector_load %arg14[%swap3A_2195] {strides = array<i32>} : memref<1024xi32, #tpu.memory_space<vmem>>, vector<16xi32>,
      tpu.vector_store %arg14[%swap3A_2195], %gather3A_2193 {strides = array<i32>} : memref<1024xi32, #tpu.memory_space<vmem>>, vector<16xi32>,
      %swap3A_2197 = arith.constant 336 : index
      %swap3A_2198 = tpu.vector_load %arg14[%swap3A_2197] {strides = array<i32>} : memref<1024xi32, #tpu.memory_space<vmem>>, vector<16xi32>,
      tpu.vector_store %arg14[%swap3A_2197], %gather3A_2194 {strides = array<i32>} : memref<1024xi32, #tpu.memory_space<vmem>>, vector<16xi32>,
      %get3A_2199 = arith.constant 176 : index
      %get3A_2200 = tpu.vector_load %arg10[%get3A_2199] {strides = array<i32>} : memref<512xi32, #tpu.memory_space<vmem>>, vector<16xi32>,
      %and3A_2201 = arith.constant 65535 : i32
      %and3A_2202 = vector.broadcast %and3A_2201 : i32 to vector<16xi32>
      %and3A_2203 = arith.andi %get3A_2200, %and3A_2202 : vector<16xi32>
      %shift_right_logical3A_2204 = arith.constant 16 : i32
      %shift_right_logical3A_2205 = vector.broadcast %shift_right_logical3A_2204 : i32 to vector<16xi32>
      %shift_right_logical3A_2206 = arith.shrui %get3A_2200, %shift_right_logical3A_2205 : vector<16xi32>
      %and3A_2207 = arith.constant 2047 : i32
      %and3A_2208 = vector.broadcast %and3A_2207 : i32 to vector<16xi32>
      %and3A_2209 = arith.andi %and3A_2203, %and3A_2208 : vector<16xi32>
      %gather3A_2210 = tpu.vector_load_idx %arg8[%and3A_2209] : memref<2048xi32, #tpu.memory_space<vmem>>[vector<16xi32>], vector<16xi32>,
      %and3A_2211 = arith.constant 2047 : i32
      %and3A_2212 = vector.broadcast %and3A_2211 : i32 to vector<16xi32>
      %and3A_2213 = arith.andi %shift_right_logical3A_2206, %and3A_2212 : vector<16xi32>
      %gather3A_2214 = tpu.vector_load_idx %arg8[%and3A_2213] : memref<2048xi32, #tpu.memory_space<vmem>>[vector<16xi32>], vector<16xi32>,
      %shift_right_logical3A_2215 = arith.constant 11 : i32
      %shift_right_logical3A_2216 = vector.broadcast %shift_right_logical3A_2215 : i32 to vector<16xi32>
      %shift_right_logical3A_2217 = arith.shrui %and3A_2203, %shift_right_logical3A_2216 : vector<16xi32>
      %shift_left3A_2218 = arith.constant 4 : i32
      %shift_left3A_2219 = vector.broadcast %shift_left3A_2218 : i32 to vector<16xi32>
      %shift_left3A_2220 = arith.shli %shift_right_logical3A_2217, %shift_left3A_2219 : vector<16xi32>
      %shift_right_logical3A_2221 = arith.constant 11 : i32
      %shift_right_logical3A_2222 = vector.broadcast %shift_right_logical3A_2221 : i32 to vector<16xi32>
      %shift_right_logical3A_2223 = arith.shrui %shift_right_logical3A_2206, %shift_right_logical3A_2222 : vector<16xi32>
      %shift_left3A_2224 = arith.constant 4 : i32
      %shift_left3A_2225 = vector.broadcast %shift_left3A_2224 : i32 to vector<16xi32>
      %shift_left3A_2226 = arith.shli %shift_right_logical3A_2223, %shift_left3A_2225 : vector<16xi32>
      %shift_right_logical3A_2227 = arith.shrui %gather3A_2210, %shift_left3A_2220 : vector<16xi32>
      %shift_left3A_2228 = arith.constant 16 : i32
      %shift_left3A_2229 = vector.broadcast %shift_left3A_2228 : i32 to vector<16xi32>
      %shift_left3A_2230 = arith.shli %shift_right_logical3A_2227, %shift_left3A_2229 : vector<16xi32>
      %bitcast3A_2231 = vector.bitcast %shift_left3A_2230 : vector<16xi32> to vector<16xf32>
      %shift_right_logical3A_2232 = arith.shrui %gather3A_2214, %shift_left3A_2226 : vector<16xi32>
      %shift_left3A_2233 = arith.constant 16 : i32
      %shift_left3A_2234 = vector.broadcast %shift_left3A_2233 : i32 to vector<16xi32>
      %shift_left3A_2235 = arith.shli %shift_right_logical3A_2232, %shift_left3A_2234 : vector<16xi32>
      %bitcast3A_2236 = vector.bitcast %shift_left3A_2235 : vector<16xi32> to vector<16xf32>
      %swap3A_2237 = arith.constant 352 : index
      %swap3A_2238 = tpu.vector_load %arg12[%swap3A_2237] {strides = array<i32>} : memref<1024xf32, #tpu.memory_space<vmem>>, vector<16xf32>,
      tpu.vector_store %arg12[%swap3A_2237], %bitcast3A_2231 {strides = array<i32>} : memref<1024xf32, #tpu.memory_space<vmem>>, vector<16xf32>,
      %swap3A_2239 = arith.constant 368 : index
      %swap3A_2240 = tpu.vector_load %arg12[%swap3A_2239] {strides = array<i32>} : memref<1024xf32, #tpu.memory_space<vmem>>, vector<16xf32>,
      tpu.vector_store %arg12[%swap3A_2239], %bitcast3A_2236 {strides = array<i32>} : memref<1024xf32, #tpu.memory_space<vmem>>, vector<16xf32>,
      %gather3A_2241 = tpu.vector_load_idx %arg15[%and3A_2203] : memref<4096xi32, #tpu.memory_space<vmem>>[vector<16xi32>], vector<16xi32>,
      %gather3A_2242 = tpu.vector_load_idx %arg15[%shift_right_logical3A_2206] : memref<4096xi32, #tpu.memory_space<vmem>>[vector<16xi32>], vector<16xi32>,
      %swap3A_2243 = arith.constant 352 : index
      %swap3A_2244 = tpu.vector_load %arg14[%swap3A_2243] {strides = array<i32>} : memref<1024xi32, #tpu.memory_space<vmem>>, vector<16xi32>,
      tpu.vector_store %arg14[%swap3A_2243], %gather3A_2241 {strides = array<i32>} : memref<1024xi32, #tpu.memory_space<vmem>>, vector<16xi32>,
      %swap3A_2245 = arith.constant 368 : index
      %swap3A_2246 = tpu.vector_load %arg14[%swap3A_2245] {strides = array<i32>} : memref<1024xi32, #tpu.memory_space<vmem>>, vector<16xi32>,
      tpu.vector_store %arg14[%swap3A_2245], %gather3A_2242 {strides = array<i32>} : memref<1024xi32, #tpu.memory_space<vmem>>, vector<16xi32>,
      %get3A_2247 = arith.constant 192 : index
      %get3A_2248 = tpu.vector_load %arg10[%get3A_2247] {strides = array<i32>} : memref<512xi32, #tpu.memory_space<vmem>>, vector<16xi32>,
      %and3A_2249 = arith.constant 65535 : i32
      %and3A_2250 = vector.broadcast %and3A_2249 : i32 to vector<16xi32>
      %and3A_2251 = arith.andi %get3A_2248, %and3A_2250 : vector<16xi32>
      %shift_right_logical3A_2252 = arith.constant 16 : i32
      %shift_right_logical3A_2253 = vector.broadcast %shift_right_logical3A_2252 : i32 to vector<16xi32>
      %shift_right_logical3A_2254 = arith.shrui %get3A_2248, %shift_right_logical3A_2253 : vector<16xi32>
      %and3A_2255 = arith.constant 2047 : i32
      %and3A_2256 = vector.broadcast %and3A_2255 : i32 to vector<16xi32>
      %and3A_2257 = arith.andi %and3A_2251, %and3A_2256 : vector<16xi32>
      %gather3A_2258 = tpu.vector_load_idx %arg8[%and3A_2257] : memref<2048xi32, #tpu.memory_space<vmem>>[vector<16xi32>], vector<16xi32>,
      %and3A_2259 = arith.constant 2047 : i32
      %and3A_2260 = vector.broadcast %and3A_2259 : i32 to vector<16xi32>
      %and3A_2261 = arith.andi %shift_right_logical3A_2254, %and3A_2260 : vector<16xi32>
      %gather3A_2262 = tpu.vector_load_idx %arg8[%and3A_2261] : memref<2048xi32, #tpu.memory_space<vmem>>[vector<16xi32>], vector<16xi32>,
      %shift_right_logical3A_2263 = arith.constant 11 : i32
      %shift_right_logical3A_2264 = vector.broadcast %shift_right_logical3A_2263 : i32 to vector<16xi32>
      %shift_right_logical3A_2265 = arith.shrui %and3A_2251, %shift_right_logical3A_2264 : vector<16xi32>
      %shift_left3A_2266 = arith.constant 4 : i32
      %shift_left3A_2267 = vector.broadcast %shift_left3A_2266 : i32 to vector<16xi32>
      %shift_left3A_2268 = arith.shli %shift_right_logical3A_2265, %shift_left3A_2267 : vector<16xi32>
      %shift_right_logical3A_2269 = arith.constant 11 : i32
      %shift_right_logical3A_2270 = vector.broadcast %shift_right_logical3A_2269 : i32 to vector<16xi32>
      %shift_right_logical3A_2271 = arith.shrui %shift_right_logical3A_2254, %shift_right_logical3A_2270 : vector<16xi32>
      %shift_left3A_2272 = arith.constant 4 : i32
      %shift_left3A_2273 = vector.broadcast %shift_left3A_2272 : i32 to vector<16xi32>
      %shift_left3A_2274 = arith.shli %shift_right_logical3A_2271, %shift_left3A_2273 : vector<16xi32>
      %shift_right_logical3A_2275 = arith.shrui %gather3A_2258, %shift_left3A_2268 : vector<16xi32>
      %shift_left3A_2276 = arith.constant 16 : i32
      %shift_left3A_2277 = vector.broadcast %shift_left3A_2276 : i32 to vector<16xi32>
      %shift_left3A_2278 = arith.shli %shift_right_logical3A_2275, %shift_left3A_2277 : vector<16xi32>
      %bitcast3A_2279 = vector.bitcast %shift_left3A_2278 : vector<16xi32> to vector<16xf32>
      %shift_right_logical3A_2280 = arith.shrui %gather3A_2262, %shift_left3A_2274 : vector<16xi32>
      %shift_left3A_2281 = arith.constant 16 : i32
      %shift_left3A_2282 = vector.broadcast %shift_left3A_2281 : i32 to vector<16xi32>
      %shift_left3A_2283 = arith.shli %shift_right_logical3A_2280, %shift_left3A_2282 : vector<16xi32>
      %bitcast3A_2284 = vector.bitcast %shift_left3A_2283 : vector<16xi32> to vector<16xf32>
      %swap3A_2285 = arith.constant 384 : index
      %swap3A_2286 = tpu.vector_load %arg12[%swap3A_2285] {strides = array<i32>} : memref<1024xf32, #tpu.memory_space<vmem>>, vector<16xf32>,
      tpu.vector_store %arg12[%swap3A_2285], %bitcast3A_2279 {strides = array<i32>} : memref<1024xf32, #tpu.memory_space<vmem>>, vector<16xf32>,
      %swap3A_2287 = arith.constant 400 : index
      %swap3A_2288 = tpu.vector_load %arg12[%swap3A_2287] {strides = array<i32>} : memref<1024xf32, #tpu.memory_space<vmem>>, vector<16xf32>,
      tpu.vector_store %arg12[%swap3A_2287], %bitcast3A_2284 {strides = array<i32>} : memref<1024xf32, #tpu.memory_space<vmem>>, vector<16xf32>,
      %gather3A_2289 = tpu.vector_load_idx %arg15[%and3A_2251] : memref<4096xi32, #tpu.memory_space<vmem>>[vector<16xi32>], vector<16xi32>,
      %gather3A_2290 = tpu.vector_load_idx %arg15[%shift_right_logical3A_2254] : memref<4096xi32, #tpu.memory_space<vmem>>[vector<16xi32>], vector<16xi32>,
      %swap3A_2291 = arith.constant 384 : index
      %swap3A_2292 = tpu.vector_load %arg14[%swap3A_2291] {strides = array<i32>} : memref<1024xi32, #tpu.memory_space<vmem>>, vector<16xi32>,
      tpu.vector_store %arg14[%swap3A_2291], %gather3A_2289 {strides = array<i32>} : memref<1024xi32, #tpu.memory_space<vmem>>, vector<16xi32>,
      %swap3A_2293 = arith.constant 400 : index
      %swap3A_2294 = tpu.vector_load %arg14[%swap3A_2293] {strides = array<i32>} : memref<1024xi32, #tpu.memory_space<vmem>>, vector<16xi32>,
      tpu.vector_store %arg14[%swap3A_2293], %gather3A_2290 {strides = array<i32>} : memref<1024xi32, #tpu.memory_space<vmem>>, vector<16xi32>,
      %get3A_2295 = arith.constant 208 : index
      %get3A_2296 = tpu.vector_load %arg10[%get3A_2295] {strides = array<i32>} : memref<512xi32, #tpu.memory_space<vmem>>, vector<16xi32>,
      %and3A_2297 = arith.constant 65535 : i32
      %and3A_2298 = vector.broadcast %and3A_2297 : i32 to vector<16xi32>
      %and3A_2299 = arith.andi %get3A_2296, %and3A_2298 : vector<16xi32>
      %shift_right_logical3A_2300 = arith.constant 16 : i32
      %shift_right_logical3A_2301 = vector.broadcast %shift_right_logical3A_2300 : i32 to vector<16xi32>
      %shift_right_logical3A_2302 = arith.shrui %get3A_2296, %shift_right_logical3A_2301 : vector<16xi32>
      %and3A_2303 = arith.constant 2047 : i32
      %and3A_2304 = vector.broadcast %and3A_2303 : i32 to vector<16xi32>
      %and3A_2305 = arith.andi %and3A_2299, %and3A_2304 : vector<16xi32>
      %gather3A_2306 = tpu.vector_load_idx %arg8[%and3A_2305] : memref<2048xi32, #tpu.memory_space<vmem>>[vector<16xi32>], vector<16xi32>,
      %and3A_2307 = arith.constant 2047 : i32
      %and3A_2308 = vector.broadcast %and3A_2307 : i32 to vector<16xi32>
      %and3A_2309 = arith.andi %shift_right_logical3A_2302, %and3A_2308 : vector<16xi32>
      %gather3A_2310 = tpu.vector_load_idx %arg8[%and3A_2309] : memref<2048xi32, #tpu.memory_space<vmem>>[vector<16xi32>], vector<16xi32>,
      %shift_right_logical3A_2311 = arith.constant 11 : i32
      %shift_right_logical3A_2312 = vector.broadcast %shift_right_logical3A_2311 : i32 to vector<16xi32>
      %shift_right_logical3A_2313 = arith.shrui %and3A_2299, %shift_right_logical3A_2312 : vector<16xi32>
      %shift_left3A_2314 = arith.constant 4 : i32
      %shift_left3A_2315 = vector.broadcast %shift_left3A_2314 : i32 to vector<16xi32>
      %shift_left3A_2316 = arith.shli %shift_right_logical3A_2313, %shift_left3A_2315 : vector<16xi32>
      %shift_right_logical3A_2317 = arith.constant 11 : i32
      %shift_right_logical3A_2318 = vector.broadcast %shift_right_logical3A_2317 : i32 to vector<16xi32>
      %shift_right_logical3A_2319 = arith.shrui %shift_right_logical3A_2302, %shift_right_logical3A_2318 : vector<16xi32>
      %shift_left3A_2320 = arith.constant 4 : i32
      %shift_left3A_2321 = vector.broadcast %shift_left3A_2320 : i32 to vector<16xi32>
      %shift_left3A_2322 = arith.shli %shift_right_logical3A_2319, %shift_left3A_2321 : vector<16xi32>
      %shift_right_logical3A_2323 = arith.shrui %gather3A_2306, %shift_left3A_2316 : vector<16xi32>
      %shift_left3A_2324 = arith.constant 16 : i32
      %shift_left3A_2325 = vector.broadcast %shift_left3A_2324 : i32 to vector<16xi32>
      %shift_left3A_2326 = arith.shli %shift_right_logical3A_2323, %shift_left3A_2325 : vector<16xi32>
      %bitcast3A_2327 = vector.bitcast %shift_left3A_2326 : vector<16xi32> to vector<16xf32>
      %shift_right_logical3A_2328 = arith.shrui %gather3A_2310, %shift_left3A_2322 : vector<16xi32>
      %shift_left3A_2329 = arith.constant 16 : i32
      %shift_left3A_2330 = vector.broadcast %shift_left3A_2329 : i32 to vector<16xi32>
      %shift_left3A_2331 = arith.shli %shift_right_logical3A_2328, %shift_left3A_2330 : vector<16xi32>
      %bitcast3A_2332 = vector.bitcast %shift_left3A_2331 : vector<16xi32> to vector<16xf32>
      %swap3A_2333 = arith.constant 416 : index
      %swap3A_2334 = tpu.vector_load %arg12[%swap3A_2333] {strides = array<i32>} : memref<1024xf32, #tpu.memory_space<vmem>>, vector<16xf32>,
      tpu.vector_store %arg12[%swap3A_2333], %bitcast3A_2327 {strides = array<i32>} : memref<1024xf32, #tpu.memory_space<vmem>>, vector<16xf32>,
      %swap3A_2335 = arith.constant 432 : index
      %swap3A_2336 = tpu.vector_load %arg12[%swap3A_2335] {strides = array<i32>} : memref<1024xf32, #tpu.memory_space<vmem>>, vector<16xf32>,
      tpu.vector_store %arg12[%swap3A_2335], %bitcast3A_2332 {strides = array<i32>} : memref<1024xf32, #tpu.memory_space<vmem>>, vector<16xf32>,
      %gather3A_2337 = tpu.vector_load_idx %arg15[%and3A_2299] : memref<4096xi32, #tpu.memory_space<vmem>>[vector<16xi32>], vector<16xi32>,
      %gather3A_2338 = tpu.vector_load_idx %arg15[%shift_right_logical3A_2302] : memref<4096xi32, #tpu.memory_space<vmem>>[vector<16xi32>], vector<16xi32>,
      %swap3A_2339 = arith.constant 416 : index
      %swap3A_2340 = tpu.vector_load %arg14[%swap3A_2339] {strides = array<i32>} : memref<1024xi32, #tpu.memory_space<vmem>>, vector<16xi32>,
      tpu.vector_store %arg14[%swap3A_2339], %gather3A_2337 {strides = array<i32>} : memref<1024xi32, #tpu.memory_space<vmem>>, vector<16xi32>,
      %swap3A_2341 = arith.constant 432 : index
      %swap3A_2342 = tpu.vector_load %arg14[%swap3A_2341] {strides = array<i32>} : memref<1024xi32, #tpu.memory_space<vmem>>, vector<16xi32>,
      tpu.vector_store %arg14[%swap3A_2341], %gather3A_2338 {strides = array<i32>} : memref<1024xi32, #tpu.memory_space<vmem>>, vector<16xi32>,
      %get3A_2343 = arith.constant 224 : index
      %get3A_2344 = tpu.vector_load %arg10[%get3A_2343] {strides = array<i32>} : memref<512xi32, #tpu.memory_space<vmem>>, vector<16xi32>,
      %and3A_2345 = arith.constant 65535 : i32
      %and3A_2346 = vector.broadcast %and3A_2345 : i32 to vector<16xi32>
      %and3A_2347 = arith.andi %get3A_2344, %and3A_2346 : vector<16xi32>
      %shift_right_logical3A_2348 = arith.constant 16 : i32
      %shift_right_logical3A_2349 = vector.broadcast %shift_right_logical3A_2348 : i32 to vector<16xi32>
      %shift_right_logical3A_2350 = arith.shrui %get3A_2344, %shift_right_logical3A_2349 : vector<16xi32>
      %and3A_2351 = arith.constant 2047 : i32
      %and3A_2352 = vector.broadcast %and3A_2351 : i32 to vector<16xi32>
      %and3A_2353 = arith.andi %and3A_2347, %and3A_2352 : vector<16xi32>
      %gather3A_2354 = tpu.vector_load_idx %arg8[%and3A_2353] : memref<2048xi32, #tpu.memory_space<vmem>>[vector<16xi32>], vector<16xi32>,
      %and3A_2355 = arith.constant 2047 : i32
      %and3A_2356 = vector.broadcast %and3A_2355 : i32 to vector<16xi32>
      %and3A_2357 = arith.andi %shift_right_logical3A_2350, %and3A_2356 : vector<16xi32>
      %gather3A_2358 = tpu.vector_load_idx %arg8[%and3A_2357] : memref<2048xi32, #tpu.memory_space<vmem>>[vector<16xi32>], vector<16xi32>,
      %shift_right_logical3A_2359 = arith.constant 11 : i32
      %shift_right_logical3A_2360 = vector.broadcast %shift_right_logical3A_2359 : i32 to vector<16xi32>
      %shift_right_logical3A_2361 = arith.shrui %and3A_2347, %shift_right_logical3A_2360 : vector<16xi32>
      %shift_left3A_2362 = arith.constant 4 : i32
      %shift_left3A_2363 = vector.broadcast %shift_left3A_2362 : i32 to vector<16xi32>
      %shift_left3A_2364 = arith.shli %shift_right_logical3A_2361, %shift_left3A_2363 : vector<16xi32>
      %shift_right_logical3A_2365 = arith.constant 11 : i32
      %shift_right_logical3A_2366 = vector.broadcast %shift_right_logical3A_2365 : i32 to vector<16xi32>
      %shift_right_logical3A_2367 = arith.shrui %shift_right_logical3A_2350, %shift_right_logical3A_2366 : vector<16xi32>
      %shift_left3A_2368 = arith.constant 4 : i32
      %shift_left3A_2369 = vector.broadcast %shift_left3A_2368 : i32 to vector<16xi32>
      %shift_left3A_2370 = arith.shli %shift_right_logical3A_2367, %shift_left3A_2369 : vector<16xi32>
      %shift_right_logical3A_2371 = arith.shrui %gather3A_2354, %shift_left3A_2364 : vector<16xi32>
      %shift_left3A_2372 = arith.constant 16 : i32
      %shift_left3A_2373 = vector.broadcast %shift_left3A_2372 : i32 to vector<16xi32>
      %shift_left3A_2374 = arith.shli %shift_right_logical3A_2371, %shift_left3A_2373 : vector<16xi32>
      %bitcast3A_2375 = vector.bitcast %shift_left3A_2374 : vector<16xi32> to vector<16xf32>
      %shift_right_logical3A_2376 = arith.shrui %gather3A_2358, %shift_left3A_2370 : vector<16xi32>
      %shift_left3A_2377 = arith.constant 16 : i32
      %shift_left3A_2378 = vector.broadcast %shift_left3A_2377 : i32 to vector<16xi32>
      %shift_left3A_2379 = arith.shli %shift_right_logical3A_2376, %shift_left3A_2378 : vector<16xi32>
      %bitcast3A_2380 = vector.bitcast %shift_left3A_2379 : vector<16xi32> to vector<16xf32>
      %swap3A_2381 = arith.constant 448 : index
      %swap3A_2382 = tpu.vector_load %arg12[%swap3A_2381] {strides = array<i32>} : memref<1024xf32, #tpu.memory_space<vmem>>, vector<16xf32>,
      tpu.vector_store %arg12[%swap3A_2381], %bitcast3A_2375 {strides = array<i32>} : memref<1024xf32, #tpu.memory_space<vmem>>, vector<16xf32>,
      %swap3A_2383 = arith.constant 464 : index
      %swap3A_2384 = tpu.vector_load %arg12[%swap3A_2383] {strides = array<i32>} : memref<1024xf32, #tpu.memory_space<vmem>>, vector<16xf32>,
      tpu.vector_store %arg12[%swap3A_2383], %bitcast3A_2380 {strides = array<i32>} : memref<1024xf32, #tpu.memory_space<vmem>>, vector<16xf32>,
      %gather3A_2385 = tpu.vector_load_idx %arg15[%and3A_2347] : memref<4096xi32, #tpu.memory_space<vmem>>[vector<16xi32>], vector<16xi32>,
      %gather3A_2386 = tpu.vector_load_idx %arg15[%shift_right_logical3A_2350] : memref<4096xi32, #tpu.memory_space<vmem>>[vector<16xi32>], vector<16xi32>,
      %swap3A_2387 = arith.constant 448 : index
      %swap3A_2388 = tpu.vector_load %arg14[%swap3A_2387] {strides = array<i32>} : memref<1024xi32, #tpu.memory_space<vmem>>, vector<16xi32>,
      tpu.vector_store %arg14[%swap3A_2387], %gather3A_2385 {strides = array<i32>} : memref<1024xi32, #tpu.memory_space<vmem>>, vector<16xi32>,
      %swap3A_2389 = arith.constant 464 : index
      %swap3A_2390 = tpu.vector_load %arg14[%swap3A_2389] {strides = array<i32>} : memref<1024xi32, #tpu.memory_space<vmem>>, vector<16xi32>,
      tpu.vector_store %arg14[%swap3A_2389], %gather3A_2386 {strides = array<i32>} : memref<1024xi32, #tpu.memory_space<vmem>>, vector<16xi32>,
      %get3A_2391 = arith.constant 240 : index
      %get3A_2392 = tpu.vector_load %arg10[%get3A_2391] {strides = array<i32>} : memref<512xi32, #tpu.memory_space<vmem>>, vector<16xi32>,
      %and3A_2393 = arith.constant 65535 : i32
      %and3A_2394 = vector.broadcast %and3A_2393 : i32 to vector<16xi32>
      %and3A_2395 = arith.andi %get3A_2392, %and3A_2394 : vector<16xi32>
      %shift_right_logical3A_2396 = arith.constant 16 : i32
      %shift_right_logical3A_2397 = vector.broadcast %shift_right_logical3A_2396 : i32 to vector<16xi32>
      %shift_right_logical3A_2398 = arith.shrui %get3A_2392, %shift_right_logical3A_2397 : vector<16xi32>
      %and3A_2399 = arith.constant 2047 : i32
      %and3A_2400 = vector.broadcast %and3A_2399 : i32 to vector<16xi32>
      %and3A_2401 = arith.andi %and3A_2395, %and3A_2400 : vector<16xi32>
      %gather3A_2402 = tpu.vector_load_idx %arg8[%and3A_2401] : memref<2048xi32, #tpu.memory_space<vmem>>[vector<16xi32>], vector<16xi32>,
      %and3A_2403 = arith.constant 2047 : i32
      %and3A_2404 = vector.broadcast %and3A_2403 : i32 to vector<16xi32>
      %and3A_2405 = arith.andi %shift_right_logical3A_2398, %and3A_2404 : vector<16xi32>
      %gather3A_2406 = tpu.vector_load_idx %arg8[%and3A_2405] : memref<2048xi32, #tpu.memory_space<vmem>>[vector<16xi32>], vector<16xi32>,
      %shift_right_logical3A_2407 = arith.constant 11 : i32
      %shift_right_logical3A_2408 = vector.broadcast %shift_right_logical3A_2407 : i32 to vector<16xi32>
      %shift_right_logical3A_2409 = arith.shrui %and3A_2395, %shift_right_logical3A_2408 : vector<16xi32>
      %shift_left3A_2410 = arith.constant 4 : i32
      %shift_left3A_2411 = vector.broadcast %shift_left3A_2410 : i32 to vector<16xi32>
      %shift_left3A_2412 = arith.shli %shift_right_logical3A_2409, %shift_left3A_2411 : vector<16xi32>
      %shift_right_logical3A_2413 = arith.constant 11 : i32
      %shift_right_logical3A_2414 = vector.broadcast %shift_right_logical3A_2413 : i32 to vector<16xi32>
      %shift_right_logical3A_2415 = arith.shrui %shift_right_logical3A_2398, %shift_right_logical3A_2414 : vector<16xi32>
      %shift_left3A_2416 = arith.constant 4 : i32
      %shift_left3A_2417 = vector.broadcast %shift_left3A_2416 : i32 to vector<16xi32>
      %shift_left3A_2418 = arith.shli %shift_right_logical3A_2415, %shift_left3A_2417 : vector<16xi32>
      %shift_right_logical3A_2419 = arith.shrui %gather3A_2402, %shift_left3A_2412 : vector<16xi32>
      %shift_left3A_2420 = arith.constant 16 : i32
      %shift_left3A_2421 = vector.broadcast %shift_left3A_2420 : i32 to vector<16xi32>
      %shift_left3A_2422 = arith.shli %shift_right_logical3A_2419, %shift_left3A_2421 : vector<16xi32>
      %bitcast3A_2423 = vector.bitcast %shift_left3A_2422 : vector<16xi32> to vector<16xf32>
      %shift_right_logical3A_2424 = arith.shrui %gather3A_2406, %shift_left3A_2418 : vector<16xi32>
      %shift_left3A_2425 = arith.constant 16 : i32
      %shift_left3A_2426 = vector.broadcast %shift_left3A_2425 : i32 to vector<16xi32>
      %shift_left3A_2427 = arith.shli %shift_right_logical3A_2424, %shift_left3A_2426 : vector<16xi32>
      %bitcast3A_2428 = vector.bitcast %shift_left3A_2427 : vector<16xi32> to vector<16xf32>
      %swap3A_2429 = arith.constant 480 : index
      %swap3A_2430 = tpu.vector_load %arg12[%swap3A_2429] {strides = array<i32>} : memref<1024xf32, #tpu.memory_space<vmem>>, vector<16xf32>,
      tpu.vector_store %arg12[%swap3A_2429], %bitcast3A_2423 {strides = array<i32>} : memref<1024xf32, #tpu.memory_space<vmem>>, vector<16xf32>,
      %swap3A_2431 = arith.constant 496 : index
      %swap3A_2432 = tpu.vector_load %arg12[%swap3A_2431] {strides = array<i32>} : memref<1024xf32, #tpu.memory_space<vmem>>, vector<16xf32>,
      tpu.vector_store %arg12[%swap3A_2431], %bitcast3A_2428 {strides = array<i32>} : memref<1024xf32, #tpu.memory_space<vmem>>, vector<16xf32>,
      %gather3A_2433 = tpu.vector_load_idx %arg15[%and3A_2395] : memref<4096xi32, #tpu.memory_space<vmem>>[vector<16xi32>], vector<16xi32>,
      %gather3A_2434 = tpu.vector_load_idx %arg15[%shift_right_logical3A_2398] : memref<4096xi32, #tpu.memory_space<vmem>>[vector<16xi32>], vector<16xi32>,
      %swap3A_2435 = arith.constant 480 : index
      %swap3A_2436 = tpu.vector_load %arg14[%swap3A_2435] {strides = array<i32>} : memref<1024xi32, #tpu.memory_space<vmem>>, vector<16xi32>,
      tpu.vector_store %arg14[%swap3A_2435], %gather3A_2433 {strides = array<i32>} : memref<1024xi32, #tpu.memory_space<vmem>>, vector<16xi32>,
      %swap3A_2437 = arith.constant 496 : index
      %swap3A_2438 = tpu.vector_load %arg14[%swap3A_2437] {strides = array<i32>} : memref<1024xi32, #tpu.memory_space<vmem>>, vector<16xi32>,
      tpu.vector_store %arg14[%swap3A_2437], %gather3A_2434 {strides = array<i32>} : memref<1024xi32, #tpu.memory_space<vmem>>, vector<16xi32>,
      %get3A_2439 = arith.constant 256 : index
      %get3A_2440 = tpu.vector_load %arg10[%get3A_2439] {strides = array<i32>} : memref<512xi32, #tpu.memory_space<vmem>>, vector<16xi32>,
      %and3A_2441 = arith.constant 65535 : i32
      %and3A_2442 = vector.broadcast %and3A_2441 : i32 to vector<16xi32>
      %and3A_2443 = arith.andi %get3A_2440, %and3A_2442 : vector<16xi32>
      %shift_right_logical3A_2444 = arith.constant 16 : i32
      %shift_right_logical3A_2445 = vector.broadcast %shift_right_logical3A_2444 : i32 to vector<16xi32>
      %shift_right_logical3A_2446 = arith.shrui %get3A_2440, %shift_right_logical3A_2445 : vector<16xi32>
      %and3A_2447 = arith.constant 2047 : i32
      %and3A_2448 = vector.broadcast %and3A_2447 : i32 to vector<16xi32>
      %and3A_2449 = arith.andi %and3A_2443, %and3A_2448 : vector<16xi32>
      %gather3A_2450 = tpu.vector_load_idx %arg8[%and3A_2449] : memref<2048xi32, #tpu.memory_space<vmem>>[vector<16xi32>], vector<16xi32>,
      %and3A_2451 = arith.constant 2047 : i32
      %and3A_2452 = vector.broadcast %and3A_2451 : i32 to vector<16xi32>
      %and3A_2453 = arith.andi %shift_right_logical3A_2446, %and3A_2452 : vector<16xi32>
      %gather3A_2454 = tpu.vector_load_idx %arg8[%and3A_2453] : memref<2048xi32, #tpu.memory_space<vmem>>[vector<16xi32>], vector<16xi32>,
      %shift_right_logical3A_2455 = arith.constant 11 : i32
      %shift_right_logical3A_2456 = vector.broadcast %shift_right_logical3A_2455 : i32 to vector<16xi32>
      %shift_right_logical3A_2457 = arith.shrui %and3A_2443, %shift_right_logical3A_2456 : vector<16xi32>
      %shift_left3A_2458 = arith.constant 4 : i32
      %shift_left3A_2459 = vector.broadcast %shift_left3A_2458 : i32 to vector<16xi32>
      %shift_left3A_2460 = arith.shli %shift_right_logical3A_2457, %shift_left3A_2459 : vector<16xi32>
      %shift_right_logical3A_2461 = arith.constant 11 : i32
      %shift_right_logical3A_2462 = vector.broadcast %shift_right_logical3A_2461 : i32 to vector<16xi32>
      %shift_right_logical3A_2463 = arith.shrui %shift_right_logical3A_2446, %shift_right_logical3A_2462 : vector<16xi32>
      %shift_left3A_2464 = arith.constant 4 : i32
      %shift_left3A_2465 = vector.broadcast %shift_left3A_2464 : i32 to vector<16xi32>
      %shift_left3A_2466 = arith.shli %shift_right_logical3A_2463, %shift_left3A_2465 : vector<16xi32>
      %shift_right_logical3A_2467 = arith.shrui %gather3A_2450, %shift_left3A_2460 : vector<16xi32>
      %shift_left3A_2468 = arith.constant 16 : i32
      %shift_left3A_2469 = vector.broadcast %shift_left3A_2468 : i32 to vector<16xi32>
      %shift_left3A_2470 = arith.shli %shift_right_logical3A_2467, %shift_left3A_2469 : vector<16xi32>
      %bitcast3A_2471 = vector.bitcast %shift_left3A_2470 : vector<16xi32> to vector<16xf32>
      %shift_right_logical3A_2472 = arith.shrui %gather3A_2454, %shift_left3A_2466 : vector<16xi32>
      %shift_left3A_2473 = arith.constant 16 : i32
      %shift_left3A_2474 = vector.broadcast %shift_left3A_2473 : i32 to vector<16xi32>
      %shift_left3A_2475 = arith.shli %shift_right_logical3A_2472, %shift_left3A_2474 : vector<16xi32>
      %bitcast3A_2476 = vector.bitcast %shift_left3A_2475 : vector<16xi32> to vector<16xf32>
      %swap3A_2477 = arith.constant 512 : index
      %swap3A_2478 = tpu.vector_load %arg12[%swap3A_2477] {strides = array<i32>} : memref<1024xf32, #tpu.memory_space<vmem>>, vector<16xf32>,
      tpu.vector_store %arg12[%swap3A_2477], %bitcast3A_2471 {strides = array<i32>} : memref<1024xf32, #tpu.memory_space<vmem>>, vector<16xf32>,
      %swap3A_2479 = arith.constant 528 : index
      %swap3A_2480 = tpu.vector_load %arg12[%swap3A_2479] {strides = array<i32>} : memref<1024xf32, #tpu.memory_space<vmem>>, vector<16xf32>,
      tpu.vector_store %arg12[%swap3A_2479], %bitcast3A_2476 {strides = array<i32>} : memref<1024xf32, #tpu.memory_space<vmem>>, vector<16xf32>,
      %gather3A_2481 = tpu.vector_load_idx %arg15[%and3A_2443] : memref<4096xi32, #tpu.memory_space<vmem>>[vector<16xi32>], vector<16xi32>,
      %gather3A_2482 = tpu.vector_load_idx %arg15[%shift_right_logical3A_2446] : memref<4096xi32, #tpu.memory_space<vmem>>[vector<16xi32>], vector<16xi32>,
      %swap3A_2483 = arith.constant 512 : index
      %swap3A_2484 = tpu.vector_load %arg14[%swap3A_2483] {strides = array<i32>} : memref<1024xi32, #tpu.memory_space<vmem>>, vector<16xi32>,
      tpu.vector_store %arg14[%swap3A_2483], %gather3A_2481 {strides = array<i32>} : memref<1024xi32, #tpu.memory_space<vmem>>, vector<16xi32>,
      %swap3A_2485 = arith.constant 528 : index
      %swap3A_2486 = tpu.vector_load %arg14[%swap3A_2485] {strides = array<i32>} : memref<1024xi32, #tpu.memory_space<vmem>>, vector<16xi32>,
      tpu.vector_store %arg14[%swap3A_2485], %gather3A_2482 {strides = array<i32>} : memref<1024xi32, #tpu.memory_space<vmem>>, vector<16xi32>,
      %get3A_2487 = arith.constant 272 : index
      %get3A_2488 = tpu.vector_load %arg10[%get3A_2487] {strides = array<i32>} : memref<512xi32, #tpu.memory_space<vmem>>, vector<16xi32>,
      %and3A_2489 = arith.constant 65535 : i32
      %and3A_2490 = vector.broadcast %and3A_2489 : i32 to vector<16xi32>
      %and3A_2491 = arith.andi %get3A_2488, %and3A_2490 : vector<16xi32>
      %shift_right_logical3A_2492 = arith.constant 16 : i32
      %shift_right_logical3A_2493 = vector.broadcast %shift_right_logical3A_2492 : i32 to vector<16xi32>
      %shift_right_logical3A_2494 = arith.shrui %get3A_2488, %shift_right_logical3A_2493 : vector<16xi32>
      %and3A_2495 = arith.constant 2047 : i32
      %and3A_2496 = vector.broadcast %and3A_2495 : i32 to vector<16xi32>
      %and3A_2497 = arith.andi %and3A_2491, %and3A_2496 : vector<16xi32>
      %gather3A_2498 = tpu.vector_load_idx %arg8[%and3A_2497] : memref<2048xi32, #tpu.memory_space<vmem>>[vector<16xi32>], vector<16xi32>,
      %and3A_2499 = arith.constant 2047 : i32
      %and3A_2500 = vector.broadcast %and3A_2499 : i32 to vector<16xi32>
      %and3A_2501 = arith.andi %shift_right_logical3A_2494, %and3A_2500 : vector<16xi32>
      %gather3A_2502 = tpu.vector_load_idx %arg8[%and3A_2501] : memref<2048xi32, #tpu.memory_space<vmem>>[vector<16xi32>], vector<16xi32>,
      %shift_right_logical3A_2503 = arith.constant 11 : i32
      %shift_right_logical3A_2504 = vector.broadcast %shift_right_logical3A_2503 : i32 to vector<16xi32>
      %shift_right_logical3A_2505 = arith.shrui %and3A_2491, %shift_right_logical3A_2504 : vector<16xi32>
      %shift_left3A_2506 = arith.constant 4 : i32
      %shift_left3A_2507 = vector.broadcast %shift_left3A_2506 : i32 to vector<16xi32>
      %shift_left3A_2508 = arith.shli %shift_right_logical3A_2505, %shift_left3A_2507 : vector<16xi32>
      %shift_right_logical3A_2509 = arith.constant 11 : i32
      %shift_right_logical3A_2510 = vector.broadcast %shift_right_logical3A_2509 : i32 to vector<16xi32>
      %shift_right_logical3A_2511 = arith.shrui %shift_right_logical3A_2494, %shift_right_logical3A_2510 : vector<16xi32>
      %shift_left3A_2512 = arith.constant 4 : i32
      %shift_left3A_2513 = vector.broadcast %shift_left3A_2512 : i32 to vector<16xi32>
      %shift_left3A_2514 = arith.shli %shift_right_logical3A_2511, %shift_left3A_2513 : vector<16xi32>
      %shift_right_logical3A_2515 = arith.shrui %gather3A_2498, %shift_left3A_2508 : vector<16xi32>
      %shift_left3A_2516 = arith.constant 16 : i32
      %shift_left3A_2517 = vector.broadcast %shift_left3A_2516 : i32 to vector<16xi32>
      %shift_left3A_2518 = arith.shli %shift_right_logical3A_2515, %shift_left3A_2517 : vector<16xi32>
      %bitcast3A_2519 = vector.bitcast %shift_left3A_2518 : vector<16xi32> to vector<16xf32>
      %shift_right_logical3A_2520 = arith.shrui %gather3A_2502, %shift_left3A_2514 : vector<16xi32>
      %shift_left3A_2521 = arith.constant 16 : i32
      %shift_left3A_2522 = vector.broadcast %shift_left3A_2521 : i32 to vector<16xi32>
      %shift_left3A_2523 = arith.shli %shift_right_logical3A_2520, %shift_left3A_2522 : vector<16xi32>
      %bitcast3A_2524 = vector.bitcast %shift_left3A_2523 : vector<16xi32> to vector<16xf32>
      %swap3A_2525 = arith.constant 544 : index
      %swap3A_2526 = tpu.vector_load %arg12[%swap3A_2525] {strides = array<i32>} : memref<1024xf32, #tpu.memory_space<vmem>>, vector<16xf32>,
      tpu.vector_store %arg12[%swap3A_2525], %bitcast3A_2519 {strides = array<i32>} : memref<1024xf32, #tpu.memory_space<vmem>>, vector<16xf32>,
      %swap3A_2527 = arith.constant 560 : index
      %swap3A_2528 = tpu.vector_load %arg12[%swap3A_2527] {strides = array<i32>} : memref<1024xf32, #tpu.memory_space<vmem>>, vector<16xf32>,
      tpu.vector_store %arg12[%swap3A_2527], %bitcast3A_2524 {strides = array<i32>} : memref<1024xf32, #tpu.memory_space<vmem>>, vector<16xf32>,
      %gather3A_2529 = tpu.vector_load_idx %arg15[%and3A_2491] : memref<4096xi32, #tpu.memory_space<vmem>>[vector<16xi32>], vector<16xi32>,
      %gather3A_2530 = tpu.vector_load_idx %arg15[%shift_right_logical3A_2494] : memref<4096xi32, #tpu.memory_space<vmem>>[vector<16xi32>], vector<16xi32>,
      %swap3A_2531 = arith.constant 544 : index
      %swap3A_2532 = tpu.vector_load %arg14[%swap3A_2531] {strides = array<i32>} : memref<1024xi32, #tpu.memory_space<vmem>>, vector<16xi32>,
      tpu.vector_store %arg14[%swap3A_2531], %gather3A_2529 {strides = array<i32>} : memref<1024xi32, #tpu.memory_space<vmem>>, vector<16xi32>,
      %swap3A_2533 = arith.constant 560 : index
      %swap3A_2534 = tpu.vector_load %arg14[%swap3A_2533] {strides = array<i32>} : memref<1024xi32, #tpu.memory_space<vmem>>, vector<16xi32>,
      tpu.vector_store %arg14[%swap3A_2533], %gather3A_2530 {strides = array<i32>} : memref<1024xi32, #tpu.memory_space<vmem>>, vector<16xi32>,
      %get3A_2535 = arith.constant 288 : index
      %get3A_2536 = tpu.vector_load %arg10[%get3A_2535] {strides = array<i32>} : memref<512xi32, #tpu.memory_space<vmem>>, vector<16xi32>,
      %and3A_2537 = arith.constant 65535 : i32
      %and3A_2538 = vector.broadcast %and3A_2537 : i32 to vector<16xi32>
      %and3A_2539 = arith.andi %get3A_2536, %and3A_2538 : vector<16xi32>
      %shift_right_logical3A_2540 = arith.constant 16 : i32
      %shift_right_logical3A_2541 = vector.broadcast %shift_right_logical3A_2540 : i32 to vector<16xi32>
      %shift_right_logical3A_2542 = arith.shrui %get3A_2536, %shift_right_logical3A_2541 : vector<16xi32>
      %and3A_2543 = arith.constant 2047 : i32
      %and3A_2544 = vector.broadcast %and3A_2543 : i32 to vector<16xi32>
      %and3A_2545 = arith.andi %and3A_2539, %and3A_2544 : vector<16xi32>
      %gather3A_2546 = tpu.vector_load_idx %arg8[%and3A_2545] : memref<2048xi32, #tpu.memory_space<vmem>>[vector<16xi32>], vector<16xi32>,
      %and3A_2547 = arith.constant 2047 : i32
      %and3A_2548 = vector.broadcast %and3A_2547 : i32 to vector<16xi32>
      %and3A_2549 = arith.andi %shift_right_logical3A_2542, %and3A_2548 : vector<16xi32>
      %gather3A_2550 = tpu.vector_load_idx %arg8[%and3A_2549] : memref<2048xi32, #tpu.memory_space<vmem>>[vector<16xi32>], vector<16xi32>,
      %shift_right_logical3A_2551 = arith.constant 11 : i32
      %shift_right_logical3A_2552 = vector.broadcast %shift_right_logical3A_2551 : i32 to vector<16xi32>
      %shift_right_logical3A_2553 = arith.shrui %and3A_2539, %shift_right_logical3A_2552 : vector<16xi32>
      %shift_left3A_2554 = arith.constant 4 : i32
      %shift_left3A_2555 = vector.broadcast %shift_left3A_2554 : i32 to vector<16xi32>
      %shift_left3A_2556 = arith.shli %shift_right_logical3A_2553, %shift_left3A_2555 : vector<16xi32>
      %shift_right_logical3A_2557 = arith.constant 11 : i32
      %shift_right_logical3A_2558 = vector.broadcast %shift_right_logical3A_2557 : i32 to vector<16xi32>
      %shift_right_logical3A_2559 = arith.shrui %shift_right_logical3A_2542, %shift_right_logical3A_2558 : vector<16xi32>
      %shift_left3A_2560 = arith.constant 4 : i32
      %shift_left3A_2561 = vector.broadcast %shift_left3A_2560 : i32 to vector<16xi32>
      %shift_left3A_2562 = arith.shli %shift_right_logical3A_2559, %shift_left3A_2561 : vector<16xi32>
      %shift_right_logical3A_2563 = arith.shrui %gather3A_2546, %shift_left3A_2556 : vector<16xi32>
      %shift_left3A_2564 = arith.constant 16 : i32
      %shift_left3A_2565 = vector.broadcast %shift_left3A_2564 : i32 to vector<16xi32>
      %shift_left3A_2566 = arith.shli %shift_right_logical3A_2563, %shift_left3A_2565 : vector<16xi32>
      %bitcast3A_2567 = vector.bitcast %shift_left3A_2566 : vector<16xi32> to vector<16xf32>
      %shift_right_logical3A_2568 = arith.shrui %gather3A_2550, %shift_left3A_2562 : vector<16xi32>
      %shift_left3A_2569 = arith.constant 16 : i32
      %shift_left3A_2570 = vector.broadcast %shift_left3A_2569 : i32 to vector<16xi32>
      %shift_left3A_2571 = arith.shli %shift_right_logical3A_2568, %shift_left3A_2570 : vector<16xi32>
      %bitcast3A_2572 = vector.bitcast %shift_left3A_2571 : vector<16xi32> to vector<16xf32>
      %swap3A_2573 = arith.constant 576 : index
      %swap3A_2574 = tpu.vector_load %arg12[%swap3A_2573] {strides = array<i32>} : memref<1024xf32, #tpu.memory_space<vmem>>, vector<16xf32>,
      tpu.vector_store %arg12[%swap3A_2573], %bitcast3A_2567 {strides = array<i32>} : memref<1024xf32, #tpu.memory_space<vmem>>, vector<16xf32>,
      %swap3A_2575 = arith.constant 592 : index
      %swap3A_2576 = tpu.vector_load %arg12[%swap3A_2575] {strides = array<i32>} : memref<1024xf32, #tpu.memory_space<vmem>>, vector<16xf32>,
      tpu.vector_store %arg12[%swap3A_2575], %bitcast3A_2572 {strides = array<i32>} : memref<1024xf32, #tpu.memory_space<vmem>>, vector<16xf32>,
      %gather3A_2577 = tpu.vector_load_idx %arg15[%and3A_2539] : memref<4096xi32, #tpu.memory_space<vmem>>[vector<16xi32>], vector<16xi32>,
      %gather3A_2578 = tpu.vector_load_idx %arg15[%shift_right_logical3A_2542] : memref<4096xi32, #tpu.memory_space<vmem>>[vector<16xi32>], vector<16xi32>,
      %swap3A_2579 = arith.constant 576 : index
      %swap3A_2580 = tpu.vector_load %arg14[%swap3A_2579] {strides = array<i32>} : memref<1024xi32, #tpu.memory_space<vmem>>, vector<16xi32>,
      tpu.vector_store %arg14[%swap3A_2579], %gather3A_2577 {strides = array<i32>} : memref<1024xi32, #tpu.memory_space<vmem>>, vector<16xi32>,
      %swap3A_2581 = arith.constant 592 : index
      %swap3A_2582 = tpu.vector_load %arg14[%swap3A_2581] {strides = array<i32>} : memref<1024xi32, #tpu.memory_space<vmem>>, vector<16xi32>,
      tpu.vector_store %arg14[%swap3A_2581], %gather3A_2578 {strides = array<i32>} : memref<1024xi32, #tpu.memory_space<vmem>>, vector<16xi32>,
      %get3A_2583 = arith.constant 304 : index
      %get3A_2584 = tpu.vector_load %arg10[%get3A_2583] {strides = array<i32>} : memref<512xi32, #tpu.memory_space<vmem>>, vector<16xi32>,
      %and3A_2585 = arith.constant 65535 : i32
      %and3A_2586 = vector.broadcast %and3A_2585 : i32 to vector<16xi32>
      %and3A_2587 = arith.andi %get3A_2584, %and3A_2586 : vector<16xi32>
      %shift_right_logical3A_2588 = arith.constant 16 : i32
      %shift_right_logical3A_2589 = vector.broadcast %shift_right_logical3A_2588 : i32 to vector<16xi32>
      %shift_right_logical3A_2590 = arith.shrui %get3A_2584, %shift_right_logical3A_2589 : vector<16xi32>
      %and3A_2591 = arith.constant 2047 : i32
      %and3A_2592 = vector.broadcast %and3A_2591 : i32 to vector<16xi32>
      %and3A_2593 = arith.andi %and3A_2587, %and3A_2592 : vector<16xi32>
      %gather3A_2594 = tpu.vector_load_idx %arg8[%and3A_2593] : memref<2048xi32, #tpu.memory_space<vmem>>[vector<16xi32>], vector<16xi32>,
      %and3A_2595 = arith.constant 2047 : i32
      %and3A_2596 = vector.broadcast %and3A_2595 : i32 to vector<16xi32>
      %and3A_2597 = arith.andi %shift_right_logical3A_2590, %and3A_2596 : vector<16xi32>
      %gather3A_2598 = tpu.vector_load_idx %arg8[%and3A_2597] : memref<2048xi32, #tpu.memory_space<vmem>>[vector<16xi32>], vector<16xi32>,
      %shift_right_logical3A_2599 = arith.constant 11 : i32
      %shift_right_logical3A_2600 = vector.broadcast %shift_right_logical3A_2599 : i32 to vector<16xi32>
      %shift_right_logical3A_2601 = arith.shrui %and3A_2587, %shift_right_logical3A_2600 : vector<16xi32>
      %shift_left3A_2602 = arith.constant 4 : i32
      %shift_left3A_2603 = vector.broadcast %shift_left3A_2602 : i32 to vector<16xi32>
      %shift_left3A_2604 = arith.shli %shift_right_logical3A_2601, %shift_left3A_2603 : vector<16xi32>
      %shift_right_logical3A_2605 = arith.constant 11 : i32
      %shift_right_logical3A_2606 = vector.broadcast %shift_right_logical3A_2605 : i32 to vector<16xi32>
      %shift_right_logical3A_2607 = arith.shrui %shift_right_logical3A_2590, %shift_right_logical3A_2606 : vector<16xi32>
      %shift_left3A_2608 = arith.constant 4 : i32
      %shift_left3A_2609 = vector.broadcast %shift_left3A_2608 : i32 to vector<16xi32>
      %shift_left3A_2610 = arith.shli %shift_right_logical3A_2607, %shift_left3A_2609 : vector<16xi32>
      %shift_right_logical3A_2611 = arith.shrui %gather3A_2594, %shift_left3A_2604 : vector<16xi32>
      %shift_left3A_2612 = arith.constant 16 : i32
      %shift_left3A_2613 = vector.broadcast %shift_left3A_2612 : i32 to vector<16xi32>
      %shift_left3A_2614 = arith.shli %shift_right_logical3A_2611, %shift_left3A_2613 : vector<16xi32>
      %bitcast3A_2615 = vector.bitcast %shift_left3A_2614 : vector<16xi32> to vector<16xf32>
      %shift_right_logical3A_2616 = arith.shrui %gather3A_2598, %shift_left3A_2610 : vector<16xi32>
      %shift_left3A_2617 = arith.constant 16 : i32
      %shift_left3A_2618 = vector.broadcast %shift_left3A_2617 : i32 to vector<16xi32>
      %shift_left3A_2619 = arith.shli %shift_right_logical3A_2616, %shift_left3A_2618 : vector<16xi32>
      %bitcast3A_2620 = vector.bitcast %shift_left3A_2619 : vector<16xi32> to vector<16xf32>
      %swap3A_2621 = arith.constant 608 : index
      %swap3A_2622 = tpu.vector_load %arg12[%swap3A_2621] {strides = array<i32>} : memref<1024xf32, #tpu.memory_space<vmem>>, vector<16xf32>,
      tpu.vector_store %arg12[%swap3A_2621], %bitcast3A_2615 {strides = array<i32>} : memref<1024xf32, #tpu.memory_space<vmem>>, vector<16xf32>,
      %swap3A_2623 = arith.constant 624 : index
      %swap3A_2624 = tpu.vector_load %arg12[%swap3A_2623] {strides = array<i32>} : memref<1024xf32, #tpu.memory_space<vmem>>, vector<16xf32>,
      tpu.vector_store %arg12[%swap3A_2623], %bitcast3A_2620 {strides = array<i32>} : memref<1024xf32, #tpu.memory_space<vmem>>, vector<16xf32>,
      %gather3A_2625 = tpu.vector_load_idx %arg15[%and3A_2587] : memref<4096xi32, #tpu.memory_space<vmem>>[vector<16xi32>], vector<16xi32>,
      %gather3A_2626 = tpu.vector_load_idx %arg15[%shift_right_logical3A_2590] : memref<4096xi32, #tpu.memory_space<vmem>>[vector<16xi32>], vector<16xi32>,
      %swap3A_2627 = arith.constant 608 : index
      %swap3A_2628 = tpu.vector_load %arg14[%swap3A_2627] {strides = array<i32>} : memref<1024xi32, #tpu.memory_space<vmem>>, vector<16xi32>,
      tpu.vector_store %arg14[%swap3A_2627], %gather3A_2625 {strides = array<i32>} : memref<1024xi32, #tpu.memory_space<vmem>>, vector<16xi32>,
      %swap3A_2629 = arith.constant 624 : index
      %swap3A_2630 = tpu.vector_load %arg14[%swap3A_2629] {strides = array<i32>} : memref<1024xi32, #tpu.memory_space<vmem>>, vector<16xi32>,
      tpu.vector_store %arg14[%swap3A_2629], %gather3A_2626 {strides = array<i32>} : memref<1024xi32, #tpu.memory_space<vmem>>, vector<16xi32>,
      %get3A_2631 = arith.constant 320 : index
      %get3A_2632 = tpu.vector_load %arg10[%get3A_2631] {strides = array<i32>} : memref<512xi32, #tpu.memory_space<vmem>>, vector<16xi32>,
      %and3A_2633 = arith.constant 65535 : i32
      %and3A_2634 = vector.broadcast %and3A_2633 : i32 to vector<16xi32>
      %and3A_2635 = arith.andi %get3A_2632, %and3A_2634 : vector<16xi32>
      %shift_right_logical3A_2636 = arith.constant 16 : i32
      %shift_right_logical3A_2637 = vector.broadcast %shift_right_logical3A_2636 : i32 to vector<16xi32>
      %shift_right_logical3A_2638 = arith.shrui %get3A_2632, %shift_right_logical3A_2637 : vector<16xi32>
      %and3A_2639 = arith.constant 2047 : i32
      %and3A_2640 = vector.broadcast %and3A_2639 : i32 to vector<16xi32>
      %and3A_2641 = arith.andi %and3A_2635, %and3A_2640 : vector<16xi32>
      %gather3A_2642 = tpu.vector_load_idx %arg8[%and3A_2641] : memref<2048xi32, #tpu.memory_space<vmem>>[vector<16xi32>], vector<16xi32>,
      %and3A_2643 = arith.constant 2047 : i32
      %and3A_2644 = vector.broadcast %and3A_2643 : i32 to vector<16xi32>
      %and3A_2645 = arith.andi %shift_right_logical3A_2638, %and3A_2644 : vector<16xi32>
      %gather3A_2646 = tpu.vector_load_idx %arg8[%and3A_2645] : memref<2048xi32, #tpu.memory_space<vmem>>[vector<16xi32>], vector<16xi32>,
      %shift_right_logical3A_2647 = arith.constant 11 : i32
      %shift_right_logical3A_2648 = vector.broadcast %shift_right_logical3A_2647 : i32 to vector<16xi32>
      %shift_right_logical3A_2649 = arith.shrui %and3A_2635, %shift_right_logical3A_2648 : vector<16xi32>
      %shift_left3A_2650 = arith.constant 4 : i32
      %shift_left3A_2651 = vector.broadcast %shift_left3A_2650 : i32 to vector<16xi32>
      %shift_left3A_2652 = arith.shli %shift_right_logical3A_2649, %shift_left3A_2651 : vector<16xi32>
      %shift_right_logical3A_2653 = arith.constant 11 : i32
      %shift_right_logical3A_2654 = vector.broadcast %shift_right_logical3A_2653 : i32 to vector<16xi32>
      %shift_right_logical3A_2655 = arith.shrui %shift_right_logical3A_2638, %shift_right_logical3A_2654 : vector<16xi32>
      %shift_left3A_2656 = arith.constant 4 : i32
      %shift_left3A_2657 = vector.broadcast %shift_left3A_2656 : i32 to vector<16xi32>
      %shift_left3A_2658 = arith.shli %shift_right_logical3A_2655, %shift_left3A_2657 : vector<16xi32>
      %shift_right_logical3A_2659 = arith.shrui %gather3A_2642, %shift_left3A_2652 : vector<16xi32>
      %shift_left3A_2660 = arith.constant 16 : i32
      %shift_left3A_2661 = vector.broadcast %shift_left3A_2660 : i32 to vector<16xi32>
      %shift_left3A_2662 = arith.shli %shift_right_logical3A_2659, %shift_left3A_2661 : vector<16xi32>
      %bitcast3A_2663 = vector.bitcast %shift_left3A_2662 : vector<16xi32> to vector<16xf32>
      %shift_right_logical3A_2664 = arith.shrui %gather3A_2646, %shift_left3A_2658 : vector<16xi32>
      %shift_left3A_2665 = arith.constant 16 : i32
      %shift_left3A_2666 = vector.broadcast %shift_left3A_2665 : i32 to vector<16xi32>
      %shift_left3A_2667 = arith.shli %shift_right_logical3A_2664, %shift_left3A_2666 : vector<16xi32>
      %bitcast3A_2668 = vector.bitcast %shift_left3A_2667 : vector<16xi32> to vector<16xf32>
      %swap3A_2669 = arith.constant 640 : index
      %swap3A_2670 = tpu.vector_load %arg12[%swap3A_2669] {strides = array<i32>} : memref<1024xf32, #tpu.memory_space<vmem>>, vector<16xf32>,
      tpu.vector_store %arg12[%swap3A_2669], %bitcast3A_2663 {strides = array<i32>} : memref<1024xf32, #tpu.memory_space<vmem>>, vector<16xf32>,
      %swap3A_2671 = arith.constant 656 : index
      %swap3A_2672 = tpu.vector_load %arg12[%swap3A_2671] {strides = array<i32>} : memref<1024xf32, #tpu.memory_space<vmem>>, vector<16xf32>,
      tpu.vector_store %arg12[%swap3A_2671], %bitcast3A_2668 {strides = array<i32>} : memref<1024xf32, #tpu.memory_space<vmem>>, vector<16xf32>,
      %gather3A_2673 = tpu.vector_load_idx %arg15[%and3A_2635] : memref<4096xi32, #tpu.memory_space<vmem>>[vector<16xi32>], vector<16xi32>,
      %gather3A_2674 = tpu.vector_load_idx %arg15[%shift_right_logical3A_2638] : memref<4096xi32, #tpu.memory_space<vmem>>[vector<16xi32>], vector<16xi32>,
      %swap3A_2675 = arith.constant 640 : index
      %swap3A_2676 = tpu.vector_load %arg14[%swap3A_2675] {strides = array<i32>} : memref<1024xi32, #tpu.memory_space<vmem>>, vector<16xi32>,
      tpu.vector_store %arg14[%swap3A_2675], %gather3A_2673 {strides = array<i32>} : memref<1024xi32, #tpu.memory_space<vmem>>, vector<16xi32>,
      %swap3A_2677 = arith.constant 656 : index
      %swap3A_2678 = tpu.vector_load %arg14[%swap3A_2677] {strides = array<i32>} : memref<1024xi32, #tpu.memory_space<vmem>>, vector<16xi32>,
      tpu.vector_store %arg14[%swap3A_2677], %gather3A_2674 {strides = array<i32>} : memref<1024xi32, #tpu.memory_space<vmem>>, vector<16xi32>,
      %get3A_2679 = arith.constant 336 : index
      %get3A_2680 = tpu.vector_load %arg10[%get3A_2679] {strides = array<i32>} : memref<512xi32, #tpu.memory_space<vmem>>, vector<16xi32>,
      %and3A_2681 = arith.constant 65535 : i32
      %and3A_2682 = vector.broadcast %and3A_2681 : i32 to vector<16xi32>
      %and3A_2683 = arith.andi %get3A_2680, %and3A_2682 : vector<16xi32>
      %shift_right_logical3A_2684 = arith.constant 16 : i32
      %shift_right_logical3A_2685 = vector.broadcast %shift_right_logical3A_2684 : i32 to vector<16xi32>
      %shift_right_logical3A_2686 = arith.shrui %get3A_2680, %shift_right_logical3A_2685 : vector<16xi32>
      %and3A_2687 = arith.constant 2047 : i32
      %and3A_2688 = vector.broadcast %and3A_2687 : i32 to vector<16xi32>
      %and3A_2689 = arith.andi %and3A_2683, %and3A_2688 : vector<16xi32>
      %gather3A_2690 = tpu.vector_load_idx %arg8[%and3A_2689] : memref<2048xi32, #tpu.memory_space<vmem>>[vector<16xi32>], vector<16xi32>,
      %and3A_2691 = arith.constant 2047 : i32
      %and3A_2692 = vector.broadcast %and3A_2691 : i32 to vector<16xi32>
      %and3A_2693 = arith.andi %shift_right_logical3A_2686, %and3A_2692 : vector<16xi32>
      %gather3A_2694 = tpu.vector_load_idx %arg8[%and3A_2693] : memref<2048xi32, #tpu.memory_space<vmem>>[vector<16xi32>], vector<16xi32>,
      %shift_right_logical3A_2695 = arith.constant 11 : i32
      %shift_right_logical3A_2696 = vector.broadcast %shift_right_logical3A_2695 : i32 to vector<16xi32>
      %shift_right_logical3A_2697 = arith.shrui %and3A_2683, %shift_right_logical3A_2696 : vector<16xi32>
      %shift_left3A_2698 = arith.constant 4 : i32
      %shift_left3A_2699 = vector.broadcast %shift_left3A_2698 : i32 to vector<16xi32>
      %shift_left3A_2700 = arith.shli %shift_right_logical3A_2697, %shift_left3A_2699 : vector<16xi32>
      %shift_right_logical3A_2701 = arith.constant 11 : i32
      %shift_right_logical3A_2702 = vector.broadcast %shift_right_logical3A_2701 : i32 to vector<16xi32>
      %shift_right_logical3A_2703 = arith.shrui %shift_right_logical3A_2686, %shift_right_logical3A_2702 : vector<16xi32>
      %shift_left3A_2704 = arith.constant 4 : i32
      %shift_left3A_2705 = vector.broadcast %shift_left3A_2704 : i32 to vector<16xi32>
      %shift_left3A_2706 = arith.shli %shift_right_logical3A_2703, %shift_left3A_2705 : vector<16xi32>
      %shift_right_logical3A_2707 = arith.shrui %gather3A_2690, %shift_left3A_2700 : vector<16xi32>
      %shift_left3A_2708 = arith.constant 16 : i32
      %shift_left3A_2709 = vector.broadcast %shift_left3A_2708 : i32 to vector<16xi32>
      %shift_left3A_2710 = arith.shli %shift_right_logical3A_2707, %shift_left3A_2709 : vector<16xi32>
      %bitcast3A_2711 = vector.bitcast %shift_left3A_2710 : vector<16xi32> to vector<16xf32>
      %shift_right_logical3A_2712 = arith.shrui %gather3A_2694, %shift_left3A_2706 : vector<16xi32>
      %shift_left3A_2713 = arith.constant 16 : i32
      %shift_left3A_2714 = vector.broadcast %shift_left3A_2713 : i32 to vector<16xi32>
      %shift_left3A_2715 = arith.shli %shift_right_logical3A_2712, %shift_left3A_2714 : vector<16xi32>
      %bitcast3A_2716 = vector.bitcast %shift_left3A_2715 : vector<16xi32> to vector<16xf32>
      %swap3A_2717 = arith.constant 672 : index
      %swap3A_2718 = tpu.vector_load %arg12[%swap3A_2717] {strides = array<i32>} : memref<1024xf32, #tpu.memory_space<vmem>>, vector<16xf32>,
      tpu.vector_store %arg12[%swap3A_2717], %bitcast3A_2711 {strides = array<i32>} : memref<1024xf32, #tpu.memory_space<vmem>>, vector<16xf32>,
      %swap3A_2719 = arith.constant 688 : index
      %swap3A_2720 = tpu.vector_load %arg12[%swap3A_2719] {strides = array<i32>} : memref<1024xf32, #tpu.memory_space<vmem>>, vector<16xf32>,
      tpu.vector_store %arg12[%swap3A_2719], %bitcast3A_2716 {strides = array<i32>} : memref<1024xf32, #tpu.memory_space<vmem>>, vector<16xf32>,
      %gather3A_2721 = tpu.vector_load_idx %arg15[%and3A_2683] : memref<4096xi32, #tpu.memory_space<vmem>>[vector<16xi32>], vector<16xi32>,
      %gather3A_2722 = tpu.vector_load_idx %arg15[%shift_right_logical3A_2686] : memref<4096xi32, #tpu.memory_space<vmem>>[vector<16xi32>], vector<16xi32>,
      %swap3A_2723 = arith.constant 672 : index
      %swap3A_2724 = tpu.vector_load %arg14[%swap3A_2723] {strides = array<i32>} : memref<1024xi32, #tpu.memory_space<vmem>>, vector<16xi32>,
      tpu.vector_store %arg14[%swap3A_2723], %gather3A_2721 {strides = array<i32>} : memref<1024xi32, #tpu.memory_space<vmem>>, vector<16xi32>,
      %swap3A_2725 = arith.constant 688 : index
      %swap3A_2726 = tpu.vector_load %arg14[%swap3A_2725] {strides = array<i32>} : memref<1024xi32, #tpu.memory_space<vmem>>, vector<16xi32>,
      tpu.vector_store %arg14[%swap3A_2725], %gather3A_2722 {strides = array<i32>} : memref<1024xi32, #tpu.memory_space<vmem>>, vector<16xi32>,
      %get3A_2727 = arith.constant 352 : index
      %get3A_2728 = tpu.vector_load %arg10[%get3A_2727] {strides = array<i32>} : memref<512xi32, #tpu.memory_space<vmem>>, vector<16xi32>,
      %and3A_2729 = arith.constant 65535 : i32
      %and3A_2730 = vector.broadcast %and3A_2729 : i32 to vector<16xi32>
      %and3A_2731 = arith.andi %get3A_2728, %and3A_2730 : vector<16xi32>
      %shift_right_logical3A_2732 = arith.constant 16 : i32
      %shift_right_logical3A_2733 = vector.broadcast %shift_right_logical3A_2732 : i32 to vector<16xi32>
      %shift_right_logical3A_2734 = arith.shrui %get3A_2728, %shift_right_logical3A_2733 : vector<16xi32>
      %and3A_2735 = arith.constant 2047 : i32
      %and3A_2736 = vector.broadcast %and3A_2735 : i32 to vector<16xi32>
      %and3A_2737 = arith.andi %and3A_2731, %and3A_2736 : vector<16xi32>
      %gather3A_2738 = tpu.vector_load_idx %arg8[%and3A_2737] : memref<2048xi32, #tpu.memory_space<vmem>>[vector<16xi32>], vector<16xi32>,
      %and3A_2739 = arith.constant 2047 : i32
      %and3A_2740 = vector.broadcast %and3A_2739 : i32 to vector<16xi32>
      %and3A_2741 = arith.andi %shift_right_logical3A_2734, %and3A_2740 : vector<16xi32>
      %gather3A_2742 = tpu.vector_load_idx %arg8[%and3A_2741] : memref<2048xi32, #tpu.memory_space<vmem>>[vector<16xi32>], vector<16xi32>,
      %shift_right_logical3A_2743 = arith.constant 11 : i32
      %shift_right_logical3A_2744 = vector.broadcast %shift_right_logical3A_2743 : i32 to vector<16xi32>
      %shift_right_logical3A_2745 = arith.shrui %and3A_2731, %shift_right_logical3A_2744 : vector<16xi32>
      %shift_left3A_2746 = arith.constant 4 : i32
      %shift_left3A_2747 = vector.broadcast %shift_left3A_2746 : i32 to vector<16xi32>
      %shift_left3A_2748 = arith.shli %shift_right_logical3A_2745, %shift_left3A_2747 : vector<16xi32>
      %shift_right_logical3A_2749 = arith.constant 11 : i32
      %shift_right_logical3A_2750 = vector.broadcast %shift_right_logical3A_2749 : i32 to vector<16xi32>
      %shift_right_logical3A_2751 = arith.shrui %shift_right_logical3A_2734, %shift_right_logical3A_2750 : vector<16xi32>
      %shift_left3A_2752 = arith.constant 4 : i32
      %shift_left3A_2753 = vector.broadcast %shift_left3A_2752 : i32 to vector<16xi32>
      %shift_left3A_2754 = arith.shli %shift_right_logical3A_2751, %shift_left3A_2753 : vector<16xi32>
      %shift_right_logical3A_2755 = arith.shrui %gather3A_2738, %shift_left3A_2748 : vector<16xi32>
      %shift_left3A_2756 = arith.constant 16 : i32
      %shift_left3A_2757 = vector.broadcast %shift_left3A_2756 : i32 to vector<16xi32>
      %shift_left3A_2758 = arith.shli %shift_right_logical3A_2755, %shift_left3A_2757 : vector<16xi32>
      %bitcast3A_2759 = vector.bitcast %shift_left3A_2758 : vector<16xi32> to vector<16xf32>
      %shift_right_logical3A_2760 = arith.shrui %gather3A_2742, %shift_left3A_2754 : vector<16xi32>
      %shift_left3A_2761 = arith.constant 16 : i32
      %shift_left3A_2762 = vector.broadcast %shift_left3A_2761 : i32 to vector<16xi32>
      %shift_left3A_2763 = arith.shli %shift_right_logical3A_2760, %shift_left3A_2762 : vector<16xi32>
      %bitcast3A_2764 = vector.bitcast %shift_left3A_2763 : vector<16xi32> to vector<16xf32>
      %swap3A_2765 = arith.constant 704 : index
      %swap3A_2766 = tpu.vector_load %arg12[%swap3A_2765] {strides = array<i32>} : memref<1024xf32, #tpu.memory_space<vmem>>, vector<16xf32>,
      tpu.vector_store %arg12[%swap3A_2765], %bitcast3A_2759 {strides = array<i32>} : memref<1024xf32, #tpu.memory_space<vmem>>, vector<16xf32>,
      %swap3A_2767 = arith.constant 720 : index
      %swap3A_2768 = tpu.vector_load %arg12[%swap3A_2767] {strides = array<i32>} : memref<1024xf32, #tpu.memory_space<vmem>>, vector<16xf32>,
      tpu.vector_store %arg12[%swap3A_2767], %bitcast3A_2764 {strides = array<i32>} : memref<1024xf32, #tpu.memory_space<vmem>>, vector<16xf32>,
      %gather3A_2769 = tpu.vector_load_idx %arg15[%and3A_2731] : memref<4096xi32, #tpu.memory_space<vmem>>[vector<16xi32>], vector<16xi32>,
      %gather3A_2770 = tpu.vector_load_idx %arg15[%shift_right_logical3A_2734] : memref<4096xi32, #tpu.memory_space<vmem>>[vector<16xi32>], vector<16xi32>,
      %swap3A_2771 = arith.constant 704 : index
      %swap3A_2772 = tpu.vector_load %arg14[%swap3A_2771] {strides = array<i32>} : memref<1024xi32, #tpu.memory_space<vmem>>, vector<16xi32>,
      tpu.vector_store %arg14[%swap3A_2771], %gather3A_2769 {strides = array<i32>} : memref<1024xi32, #tpu.memory_space<vmem>>, vector<16xi32>,
      %swap3A_2773 = arith.constant 720 : index
      %swap3A_2774 = tpu.vector_load %arg14[%swap3A_2773] {strides = array<i32>} : memref<1024xi32, #tpu.memory_space<vmem>>, vector<16xi32>,
      tpu.vector_store %arg14[%swap3A_2773], %gather3A_2770 {strides = array<i32>} : memref<1024xi32, #tpu.memory_space<vmem>>, vector<16xi32>,
      %get3A_2775 = arith.constant 368 : index
      %get3A_2776 = tpu.vector_load %arg10[%get3A_2775] {strides = array<i32>} : memref<512xi32, #tpu.memory_space<vmem>>, vector<16xi32>,
      %and3A_2777 = arith.constant 65535 : i32
      %and3A_2778 = vector.broadcast %and3A_2777 : i32 to vector<16xi32>
      %and3A_2779 = arith.andi %get3A_2776, %and3A_2778 : vector<16xi32>
      %shift_right_logical3A_2780 = arith.constant 16 : i32
      %shift_right_logical3A_2781 = vector.broadcast %shift_right_logical3A_2780 : i32 to vector<16xi32>
      %shift_right_logical3A_2782 = arith.shrui %get3A_2776, %shift_right_logical3A_2781 : vector<16xi32>
      %and3A_2783 = arith.constant 2047 : i32
      %and3A_2784 = vector.broadcast %and3A_2783 : i32 to vector<16xi32>
      %and3A_2785 = arith.andi %and3A_2779, %and3A_2784 : vector<16xi32>
      %gather3A_2786 = tpu.vector_load_idx %arg8[%and3A_2785] : memref<2048xi32, #tpu.memory_space<vmem>>[vector<16xi32>], vector<16xi32>,
      %and3A_2787 = arith.constant 2047 : i32
      %and3A_2788 = vector.broadcast %and3A_2787 : i32 to vector<16xi32>
      %and3A_2789 = arith.andi %shift_right_logical3A_2782, %and3A_2788 : vector<16xi32>
      %gather3A_2790 = tpu.vector_load_idx %arg8[%and3A_2789] : memref<2048xi32, #tpu.memory_space<vmem>>[vector<16xi32>], vector<16xi32>,
      %shift_right_logical3A_2791 = arith.constant 11 : i32
      %shift_right_logical3A_2792 = vector.broadcast %shift_right_logical3A_2791 : i32 to vector<16xi32>
      %shift_right_logical3A_2793 = arith.shrui %and3A_2779, %shift_right_logical3A_2792 : vector<16xi32>
      %shift_left3A_2794 = arith.constant 4 : i32
      %shift_left3A_2795 = vector.broadcast %shift_left3A_2794 : i32 to vector<16xi32>
      %shift_left3A_2796 = arith.shli %shift_right_logical3A_2793, %shift_left3A_2795 : vector<16xi32>
      %shift_right_logical3A_2797 = arith.constant 11 : i32
      %shift_right_logical3A_2798 = vector.broadcast %shift_right_logical3A_2797 : i32 to vector<16xi32>
      %shift_right_logical3A_2799 = arith.shrui %shift_right_logical3A_2782, %shift_right_logical3A_2798 : vector<16xi32>
      %shift_left3A_2800 = arith.constant 4 : i32
      %shift_left3A_2801 = vector.broadcast %shift_left3A_2800 : i32 to vector<16xi32>
      %shift_left3A_2802 = arith.shli %shift_right_logical3A_2799, %shift_left3A_2801 : vector<16xi32>
      %shift_right_logical3A_2803 = arith.shrui %gather3A_2786, %shift_left3A_2796 : vector<16xi32>
      %shift_left3A_2804 = arith.constant 16 : i32
      %shift_left3A_2805 = vector.broadcast %shift_left3A_2804 : i32 to vector<16xi32>
      %shift_left3A_2806 = arith.shli %shift_right_logical3A_2803, %shift_left3A_2805 : vector<16xi32>
      %bitcast3A_2807 = vector.bitcast %shift_left3A_2806 : vector<16xi32> to vector<16xf32>
      %shift_right_logical3A_2808 = arith.shrui %gather3A_2790, %shift_left3A_2802 : vector<16xi32>
      %shift_left3A_2809 = arith.constant 16 : i32
      %shift_left3A_2810 = vector.broadcast %shift_left3A_2809 : i32 to vector<16xi32>
      %shift_left3A_2811 = arith.shli %shift_right_logical3A_2808, %shift_left3A_2810 : vector<16xi32>
      %bitcast3A_2812 = vector.bitcast %shift_left3A_2811 : vector<16xi32> to vector<16xf32>
      %swap3A_2813 = arith.constant 736 : index
      %swap3A_2814 = tpu.vector_load %arg12[%swap3A_2813] {strides = array<i32>} : memref<1024xf32, #tpu.memory_space<vmem>>, vector<16xf32>,
      tpu.vector_store %arg12[%swap3A_2813], %bitcast3A_2807 {strides = array<i32>} : memref<1024xf32, #tpu.memory_space<vmem>>, vector<16xf32>,
      %swap3A_2815 = arith.constant 752 : index
      %swap3A_2816 = tpu.vector_load %arg12[%swap3A_2815] {strides = array<i32>} : memref<1024xf32, #tpu.memory_space<vmem>>, vector<16xf32>,
      tpu.vector_store %arg12[%swap3A_2815], %bitcast3A_2812 {strides = array<i32>} : memref<1024xf32, #tpu.memory_space<vmem>>, vector<16xf32>,
      %gather3A_2817 = tpu.vector_load_idx %arg15[%and3A_2779] : memref<4096xi32, #tpu.memory_space<vmem>>[vector<16xi32>], vector<16xi32>,
      %gather3A_2818 = tpu.vector_load_idx %arg15[%shift_right_logical3A_2782] : memref<4096xi32, #tpu.memory_space<vmem>>[vector<16xi32>], vector<16xi32>,
      %swap3A_2819 = arith.constant 736 : index
      %swap3A_2820 = tpu.vector_load %arg14[%swap3A_2819] {strides = array<i32>} : memref<1024xi32, #tpu.memory_space<vmem>>, vector<16xi32>,
      tpu.vector_store %arg14[%swap3A_2819], %gather3A_2817 {strides = array<i32>} : memref<1024xi32, #tpu.memory_space<vmem>>, vector<16xi32>,
      %swap3A_2821 = arith.constant 752 : index
      %swap3A_2822 = tpu.vector_load %arg14[%swap3A_2821] {strides = array<i32>} : memref<1024xi32, #tpu.memory_space<vmem>>, vector<16xi32>,
      tpu.vector_store %arg14[%swap3A_2821], %gather3A_2818 {strides = array<i32>} : memref<1024xi32, #tpu.memory_space<vmem>>, vector<16xi32>,
      %get3A_2823 = arith.constant 384 : index
      %get3A_2824 = tpu.vector_load %arg10[%get3A_2823] {strides = array<i32>} : memref<512xi32, #tpu.memory_space<vmem>>, vector<16xi32>,
      %and3A_2825 = arith.constant 65535 : i32
      %and3A_2826 = vector.broadcast %and3A_2825 : i32 to vector<16xi32>
      %and3A_2827 = arith.andi %get3A_2824, %and3A_2826 : vector<16xi32>
      %shift_right_logical3A_2828 = arith.constant 16 : i32
      %shift_right_logical3A_2829 = vector.broadcast %shift_right_logical3A_2828 : i32 to vector<16xi32>
      %shift_right_logical3A_2830 = arith.shrui %get3A_2824, %shift_right_logical3A_2829 : vector<16xi32>
      %and3A_2831 = arith.constant 2047 : i32
      %and3A_2832 = vector.broadcast %and3A_2831 : i32 to vector<16xi32>
      %and3A_2833 = arith.andi %and3A_2827, %and3A_2832 : vector<16xi32>
      %gather3A_2834 = tpu.vector_load_idx %arg8[%and3A_2833] : memref<2048xi32, #tpu.memory_space<vmem>>[vector<16xi32>], vector<16xi32>,
      %and3A_2835 = arith.constant 2047 : i32
      %and3A_2836 = vector.broadcast %and3A_2835 : i32 to vector<16xi32>
      %and3A_2837 = arith.andi %shift_right_logical3A_2830, %and3A_2836 : vector<16xi32>
      %gather3A_2838 = tpu.vector_load_idx %arg8[%and3A_2837] : memref<2048xi32, #tpu.memory_space<vmem>>[vector<16xi32>], vector<16xi32>,
      %shift_right_logical3A_2839 = arith.constant 11 : i32
      %shift_right_logical3A_2840 = vector.broadcast %shift_right_logical3A_2839 : i32 to vector<16xi32>
      %shift_right_logical3A_2841 = arith.shrui %and3A_2827, %shift_right_logical3A_2840 : vector<16xi32>
      %shift_left3A_2842 = arith.constant 4 : i32
      %shift_left3A_2843 = vector.broadcast %shift_left3A_2842 : i32 to vector<16xi32>
      %shift_left3A_2844 = arith.shli %shift_right_logical3A_2841, %shift_left3A_2843 : vector<16xi32>
      %shift_right_logical3A_2845 = arith.constant 11 : i32
      %shift_right_logical3A_2846 = vector.broadcast %shift_right_logical3A_2845 : i32 to vector<16xi32>
      %shift_right_logical3A_2847 = arith.shrui %shift_right_logical3A_2830, %shift_right_logical3A_2846 : vector<16xi32>
      %shift_left3A_2848 = arith.constant 4 : i32
      %shift_left3A_2849 = vector.broadcast %shift_left3A_2848 : i32 to vector<16xi32>
      %shift_left3A_2850 = arith.shli %shift_right_logical3A_2847, %shift_left3A_2849 : vector<16xi32>
      %shift_right_logical3A_2851 = arith.shrui %gather3A_2834, %shift_left3A_2844 : vector<16xi32>
      %shift_left3A_2852 = arith.constant 16 : i32
      %shift_left3A_2853 = vector.broadcast %shift_left3A_2852 : i32 to vector<16xi32>
      %shift_left3A_2854 = arith.shli %shift_right_logical3A_2851, %shift_left3A_2853 : vector<16xi32>
      %bitcast3A_2855 = vector.bitcast %shift_left3A_2854 : vector<16xi32> to vector<16xf32>
      %shift_right_logical3A_2856 = arith.shrui %gather3A_2838, %shift_left3A_2850 : vector<16xi32>
      %shift_left3A_2857 = arith.constant 16 : i32
      %shift_left3A_2858 = vector.broadcast %shift_left3A_2857 : i32 to vector<16xi32>
      %shift_left3A_2859 = arith.shli %shift_right_logical3A_2856, %shift_left3A_2858 : vector<16xi32>
      %bitcast3A_2860 = vector.bitcast %shift_left3A_2859 : vector<16xi32> to vector<16xf32>
      %swap3A_2861 = arith.constant 768 : index
      %swap3A_2862 = tpu.vector_load %arg12[%swap3A_2861] {strides = array<i32>} : memref<1024xf32, #tpu.memory_space<vmem>>, vector<16xf32>,
      tpu.vector_store %arg12[%swap3A_2861], %bitcast3A_2855 {strides = array<i32>} : memref<1024xf32, #tpu.memory_space<vmem>>, vector<16xf32>,
      %swap3A_2863 = arith.constant 784 : index
      %swap3A_2864 = tpu.vector_load %arg12[%swap3A_2863] {strides = array<i32>} : memref<1024xf32, #tpu.memory_space<vmem>>, vector<16xf32>,
      tpu.vector_store %arg12[%swap3A_2863], %bitcast3A_2860 {strides = array<i32>} : memref<1024xf32, #tpu.memory_space<vmem>>, vector<16xf32>,
      %gather3A_2865 = tpu.vector_load_idx %arg15[%and3A_2827] : memref<4096xi32, #tpu.memory_space<vmem>>[vector<16xi32>], vector<16xi32>,
      %gather3A_2866 = tpu.vector_load_idx %arg15[%shift_right_logical3A_2830] : memref<4096xi32, #tpu.memory_space<vmem>>[vector<16xi32>], vector<16xi32>,
      %swap3A_2867 = arith.constant 768 : index
      %swap3A_2868 = tpu.vector_load %arg14[%swap3A_2867] {strides = array<i32>} : memref<1024xi32, #tpu.memory_space<vmem>>, vector<16xi32>,
      tpu.vector_store %arg14[%swap3A_2867], %gather3A_2865 {strides = array<i32>} : memref<1024xi32, #tpu.memory_space<vmem>>, vector<16xi32>,
      %swap3A_2869 = arith.constant 784 : index
      %swap3A_2870 = tpu.vector_load %arg14[%swap3A_2869] {strides = array<i32>} : memref<1024xi32, #tpu.memory_space<vmem>>, vector<16xi32>,
      tpu.vector_store %arg14[%swap3A_2869], %gather3A_2866 {strides = array<i32>} : memref<1024xi32, #tpu.memory_space<vmem>>, vector<16xi32>,
      %get3A_2871 = arith.constant 400 : index
      %get3A_2872 = tpu.vector_load %arg10[%get3A_2871] {strides = array<i32>} : memref<512xi32, #tpu.memory_space<vmem>>, vector<16xi32>,
      %and3A_2873 = arith.constant 65535 : i32
      %and3A_2874 = vector.broadcast %and3A_2873 : i32 to vector<16xi32>
      %and3A_2875 = arith.andi %get3A_2872, %and3A_2874 : vector<16xi32>
      %shift_right_logical3A_2876 = arith.constant 16 : i32
      %shift_right_logical3A_2877 = vector.broadcast %shift_right_logical3A_2876 : i32 to vector<16xi32>
      %shift_right_logical3A_2878 = arith.shrui %get3A_2872, %shift_right_logical3A_2877 : vector<16xi32>
      %and3A_2879 = arith.constant 2047 : i32
      %and3A_2880 = vector.broadcast %and3A_2879 : i32 to vector<16xi32>
      %and3A_2881 = arith.andi %and3A_2875, %and3A_2880 : vector<16xi32>
      %gather3A_2882 = tpu.vector_load_idx %arg8[%and3A_2881] : memref<2048xi32, #tpu.memory_space<vmem>>[vector<16xi32>], vector<16xi32>,
      %and3A_2883 = arith.constant 2047 : i32
      %and3A_2884 = vector.broadcast %and3A_2883 : i32 to vector<16xi32>
      %and3A_2885 = arith.andi %shift_right_logical3A_2878, %and3A_2884 : vector<16xi32>
      %gather3A_2886 = tpu.vector_load_idx %arg8[%and3A_2885] : memref<2048xi32, #tpu.memory_space<vmem>>[vector<16xi32>], vector<16xi32>,
      %shift_right_logical3A_2887 = arith.constant 11 : i32
      %shift_right_logical3A_2888 = vector.broadcast %shift_right_logical3A_2887 : i32 to vector<16xi32>
      %shift_right_logical3A_2889 = arith.shrui %and3A_2875, %shift_right_logical3A_2888 : vector<16xi32>
      %shift_left3A_2890 = arith.constant 4 : i32
      %shift_left3A_2891 = vector.broadcast %shift_left3A_2890 : i32 to vector<16xi32>
      %shift_left3A_2892 = arith.shli %shift_right_logical3A_2889, %shift_left3A_2891 : vector<16xi32>
      %shift_right_logical3A_2893 = arith.constant 11 : i32
      %shift_right_logical3A_2894 = vector.broadcast %shift_right_logical3A_2893 : i32 to vector<16xi32>
      %shift_right_logical3A_2895 = arith.shrui %shift_right_logical3A_2878, %shift_right_logical3A_2894 : vector<16xi32>
      %shift_left3A_2896 = arith.constant 4 : i32
      %shift_left3A_2897 = vector.broadcast %shift_left3A_2896 : i32 to vector<16xi32>
      %shift_left3A_2898 = arith.shli %shift_right_logical3A_2895, %shift_left3A_2897 : vector<16xi32>
      %shift_right_logical3A_2899 = arith.shrui %gather3A_2882, %shift_left3A_2892 : vector<16xi32>
      %shift_left3A_2900 = arith.constant 16 : i32
      %shift_left3A_2901 = vector.broadcast %shift_left3A_2900 : i32 to vector<16xi32>
      %shift_left3A_2902 = arith.shli %shift_right_logical3A_2899, %shift_left3A_2901 : vector<16xi32>
      %bitcast3A_2903 = vector.bitcast %shift_left3A_2902 : vector<16xi32> to vector<16xf32>
      %shift_right_logical3A_2904 = arith.shrui %gather3A_2886, %shift_left3A_2898 : vector<16xi32>
      %shift_left3A_2905 = arith.constant 16 : i32
      %shift_left3A_2906 = vector.broadcast %shift_left3A_2905 : i32 to vector<16xi32>
      %shift_left3A_2907 = arith.shli %shift_right_logical3A_2904, %shift_left3A_2906 : vector<16xi32>
      %bitcast3A_2908 = vector.bitcast %shift_left3A_2907 : vector<16xi32> to vector<16xf32>
      %swap3A_2909 = arith.constant 800 : index
      %swap3A_2910 = tpu.vector_load %arg12[%swap3A_2909] {strides = array<i32>} : memref<1024xf32, #tpu.memory_space<vmem>>, vector<16xf32>,
      tpu.vector_store %arg12[%swap3A_2909], %bitcast3A_2903 {strides = array<i32>} : memref<1024xf32, #tpu.memory_space<vmem>>, vector<16xf32>,
      %swap3A_2911 = arith.constant 816 : index
      %swap3A_2912 = tpu.vector_load %arg12[%swap3A_2911] {strides = array<i32>} : memref<1024xf32, #tpu.memory_space<vmem>>, vector<16xf32>,
      tpu.vector_store %arg12[%swap3A_2911], %bitcast3A_2908 {strides = array<i32>} : memref<1024xf32, #tpu.memory_space<vmem>>, vector<16xf32>,
      %gather3A_2913 = tpu.vector_load_idx %arg15[%and3A_2875] : memref<4096xi32, #tpu.memory_space<vmem>>[vector<16xi32>], vector<16xi32>,
      %gather3A_2914 = tpu.vector_load_idx %arg15[%shift_right_logical3A_2878] : memref<4096xi32, #tpu.memory_space<vmem>>[vector<16xi32>], vector<16xi32>,
      %swap3A_2915 = arith.constant 800 : index
      %swap3A_2916 = tpu.vector_load %arg14[%swap3A_2915] {strides = array<i32>} : memref<1024xi32, #tpu.memory_space<vmem>>, vector<16xi32>,
      tpu.vector_store %arg14[%swap3A_2915], %gather3A_2913 {strides = array<i32>} : memref<1024xi32, #tpu.memory_space<vmem>>, vector<16xi32>,
      %swap3A_2917 = arith.constant 816 : index
      %swap3A_2918 = tpu.vector_load %arg14[%swap3A_2917] {strides = array<i32>} : memref<1024xi32, #tpu.memory_space<vmem>>, vector<16xi32>,
      tpu.vector_store %arg14[%swap3A_2917], %gather3A_2914 {strides = array<i32>} : memref<1024xi32, #tpu.memory_space<vmem>>, vector<16xi32>,
      %get3A_2919 = arith.constant 416 : index
      %get3A_2920 = tpu.vector_load %arg10[%get3A_2919] {strides = array<i32>} : memref<512xi32, #tpu.memory_space<vmem>>, vector<16xi32>,
      %and3A_2921 = arith.constant 65535 : i32
      %and3A_2922 = vector.broadcast %and3A_2921 : i32 to vector<16xi32>
      %and3A_2923 = arith.andi %get3A_2920, %and3A_2922 : vector<16xi32>
      %shift_right_logical3A_2924 = arith.constant 16 : i32
      %shift_right_logical3A_2925 = vector.broadcast %shift_right_logical3A_2924 : i32 to vector<16xi32>
      %shift_right_logical3A_2926 = arith.shrui %get3A_2920, %shift_right_logical3A_2925 : vector<16xi32>
      %and3A_2927 = arith.constant 2047 : i32
      %and3A_2928 = vector.broadcast %and3A_2927 : i32 to vector<16xi32>
      %and3A_2929 = arith.andi %and3A_2923, %and3A_2928 : vector<16xi32>
      %gather3A_2930 = tpu.vector_load_idx %arg8[%and3A_2929] : memref<2048xi32, #tpu.memory_space<vmem>>[vector<16xi32>], vector<16xi32>,
      %and3A_2931 = arith.constant 2047 : i32
      %and3A_2932 = vector.broadcast %and3A_2931 : i32 to vector<16xi32>
      %and3A_2933 = arith.andi %shift_right_logical3A_2926, %and3A_2932 : vector<16xi32>
      %gather3A_2934 = tpu.vector_load_idx %arg8[%and3A_2933] : memref<2048xi32, #tpu.memory_space<vmem>>[vector<16xi32>], vector<16xi32>,
      %shift_right_logical3A_2935 = arith.constant 11 : i32
      %shift_right_logical3A_2936 = vector.broadcast %shift_right_logical3A_2935 : i32 to vector<16xi32>
      %shift_right_logical3A_2937 = arith.shrui %and3A_2923, %shift_right_logical3A_2936 : vector<16xi32>
      %shift_left3A_2938 = arith.constant 4 : i32
      %shift_left3A_2939 = vector.broadcast %shift_left3A_2938 : i32 to vector<16xi32>
      %shift_left3A_2940 = arith.shli %shift_right_logical3A_2937, %shift_left3A_2939 : vector<16xi32>
      %shift_right_logical3A_2941 = arith.constant 11 : i32
      %shift_right_logical3A_2942 = vector.broadcast %shift_right_logical3A_2941 : i32 to vector<16xi32>
      %shift_right_logical3A_2943 = arith.shrui %shift_right_logical3A_2926, %shift_right_logical3A_2942 : vector<16xi32>
      %shift_left3A_2944 = arith.constant 4 : i32
      %shift_left3A_2945 = vector.broadcast %shift_left3A_2944 : i32 to vector<16xi32>
      %shift_left3A_2946 = arith.shli %shift_right_logical3A_2943, %shift_left3A_2945 : vector<16xi32>
      %shift_right_logical3A_2947 = arith.shrui %gather3A_2930, %shift_left3A_2940 : vector<16xi32>
      %shift_left3A_2948 = arith.constant 16 : i32
      %shift_left3A_2949 = vector.broadcast %shift_left3A_2948 : i32 to vector<16xi32>
      %shift_left3A_2950 = arith.shli %shift_right_logical3A_2947, %shift_left3A_2949 : vector<16xi32>
      %bitcast3A_2951 = vector.bitcast %shift_left3A_2950 : vector<16xi32> to vector<16xf32>
      %shift_right_logical3A_2952 = arith.shrui %gather3A_2934, %shift_left3A_2946 : vector<16xi32>
      %shift_left3A_2953 = arith.constant 16 : i32
      %shift_left3A_2954 = vector.broadcast %shift_left3A_2953 : i32 to vector<16xi32>
      %shift_left3A_2955 = arith.shli %shift_right_logical3A_2952, %shift_left3A_2954 : vector<16xi32>
      %bitcast3A_2956 = vector.bitcast %shift_left3A_2955 : vector<16xi32> to vector<16xf32>
      %swap3A_2957 = arith.constant 832 : index
      %swap3A_2958 = tpu.vector_load %arg12[%swap3A_2957] {strides = array<i32>} : memref<1024xf32, #tpu.memory_space<vmem>>, vector<16xf32>,
      tpu.vector_store %arg12[%swap3A_2957], %bitcast3A_2951 {strides = array<i32>} : memref<1024xf32, #tpu.memory_space<vmem>>, vector<16xf32>,
      %swap3A_2959 = arith.constant 848 : index
      %swap3A_2960 = tpu.vector_load %arg12[%swap3A_2959] {strides = array<i32>} : memref<1024xf32, #tpu.memory_space<vmem>>, vector<16xf32>,
      tpu.vector_store %arg12[%swap3A_2959], %bitcast3A_2956 {strides = array<i32>} : memref<1024xf32, #tpu.memory_space<vmem>>, vector<16xf32>,
      %gather3A_2961 = tpu.vector_load_idx %arg15[%and3A_2923] : memref<4096xi32, #tpu.memory_space<vmem>>[vector<16xi32>], vector<16xi32>,
      %gather3A_2962 = tpu.vector_load_idx %arg15[%shift_right_logical3A_2926] : memref<4096xi32, #tpu.memory_space<vmem>>[vector<16xi32>], vector<16xi32>,
      %swap3A_2963 = arith.constant 832 : index
      %swap3A_2964 = tpu.vector_load %arg14[%swap3A_2963] {strides = array<i32>} : memref<1024xi32, #tpu.memory_space<vmem>>, vector<16xi32>,
      tpu.vector_store %arg14[%swap3A_2963], %gather3A_2961 {strides = array<i32>} : memref<1024xi32, #tpu.memory_space<vmem>>, vector<16xi32>,
      %swap3A_2965 = arith.constant 848 : index
      %swap3A_2966 = tpu.vector_load %arg14[%swap3A_2965] {strides = array<i32>} : memref<1024xi32, #tpu.memory_space<vmem>>, vector<16xi32>,
      tpu.vector_store %arg14[%swap3A_2965], %gather3A_2962 {strides = array<i32>} : memref<1024xi32, #tpu.memory_space<vmem>>, vector<16xi32>,
      %get3A_2967 = arith.constant 432 : index
      %get3A_2968 = tpu.vector_load %arg10[%get3A_2967] {strides = array<i32>} : memref<512xi32, #tpu.memory_space<vmem>>, vector<16xi32>,
      %and3A_2969 = arith.constant 65535 : i32
      %and3A_2970 = vector.broadcast %and3A_2969 : i32 to vector<16xi32>
      %and3A_2971 = arith.andi %get3A_2968, %and3A_2970 : vector<16xi32>
      %shift_right_logical3A_2972 = arith.constant 16 : i32
      %shift_right_logical3A_2973 = vector.broadcast %shift_right_logical3A_2972 : i32 to vector<16xi32>
      %shift_right_logical3A_2974 = arith.shrui %get3A_2968, %shift_right_logical3A_2973 : vector<16xi32>
      %and3A_2975 = arith.constant 2047 : i32
      %and3A_2976 = vector.broadcast %and3A_2975 : i32 to vector<16xi32>
      %and3A_2977 = arith.andi %and3A_2971, %and3A_2976 : vector<16xi32>
      %gather3A_2978 = tpu.vector_load_idx %arg8[%and3A_2977] : memref<2048xi32, #tpu.memory_space<vmem>>[vector<16xi32>], vector<16xi32>,
      %and3A_2979 = arith.constant 2047 : i32
      %and3A_2980 = vector.broadcast %and3A_2979 : i32 to vector<16xi32>
      %and3A_2981 = arith.andi %shift_right_logical3A_2974, %and3A_2980 : vector<16xi32>
      %gather3A_2982 = tpu.vector_load_idx %arg8[%and3A_2981] : memref<2048xi32, #tpu.memory_space<vmem>>[vector<16xi32>], vector<16xi32>,
      %shift_right_logical3A_2983 = arith.constant 11 : i32
      %shift_right_logical3A_2984 = vector.broadcast %shift_right_logical3A_2983 : i32 to vector<16xi32>
      %shift_right_logical3A_2985 = arith.shrui %and3A_2971, %shift_right_logical3A_2984 : vector<16xi32>
      %shift_left3A_2986 = arith.constant 4 : i32
      %shift_left3A_2987 = vector.broadcast %shift_left3A_2986 : i32 to vector<16xi32>
      %shift_left3A_2988 = arith.shli %shift_right_logical3A_2985, %shift_left3A_2987 : vector<16xi32>
      %shift_right_logical3A_2989 = arith.constant 11 : i32
      %shift_right_logical3A_2990 = vector.broadcast %shift_right_logical3A_2989 : i32 to vector<16xi32>
      %shift_right_logical3A_2991 = arith.shrui %shift_right_logical3A_2974, %shift_right_logical3A_2990 : vector<16xi32>
      %shift_left3A_2992 = arith.constant 4 : i32
      %shift_left3A_2993 = vector.broadcast %shift_left3A_2992 : i32 to vector<16xi32>
      %shift_left3A_2994 = arith.shli %shift_right_logical3A_2991, %shift_left3A_2993 : vector<16xi32>
      %shift_right_logical3A_2995 = arith.shrui %gather3A_2978, %shift_left3A_2988 : vector<16xi32>
      %shift_left3A_2996 = arith.constant 16 : i32
      %shift_left3A_2997 = vector.broadcast %shift_left3A_2996 : i32 to vector<16xi32>
      %shift_left3A_2998 = arith.shli %shift_right_logical3A_2995, %shift_left3A_2997 : vector<16xi32>
      %bitcast3A_2999 = vector.bitcast %shift_left3A_2998 : vector<16xi32> to vector<16xf32>
      %shift_right_logical3A_3000 = arith.shrui %gather3A_2982, %shift_left3A_2994 : vector<16xi32>
      %shift_left3A_3001 = arith.constant 16 : i32
      %shift_left3A_3002 = vector.broadcast %shift_left3A_3001 : i32 to vector<16xi32>
      %shift_left3A_3003 = arith.shli %shift_right_logical3A_3000, %shift_left3A_3002 : vector<16xi32>
      %bitcast3A_3004 = vector.bitcast %shift_left3A_3003 : vector<16xi32> to vector<16xf32>
      %swap3A_3005 = arith.constant 864 : index
      %swap3A_3006 = tpu.vector_load %arg12[%swap3A_3005] {strides = array<i32>} : memref<1024xf32, #tpu.memory_space<vmem>>, vector<16xf32>,
      tpu.vector_store %arg12[%swap3A_3005], %bitcast3A_2999 {strides = array<i32>} : memref<1024xf32, #tpu.memory_space<vmem>>, vector<16xf32>,
      %swap3A_3007 = arith.constant 880 : index
      %swap3A_3008 = tpu.vector_load %arg12[%swap3A_3007] {strides = array<i32>} : memref<1024xf32, #tpu.memory_space<vmem>>, vector<16xf32>,
      tpu.vector_store %arg12[%swap3A_3007], %bitcast3A_3004 {strides = array<i32>} : memref<1024xf32, #tpu.memory_space<vmem>>, vector<16xf32>,
      %gather3A_3009 = tpu.vector_load_idx %arg15[%and3A_2971] : memref<4096xi32, #tpu.memory_space<vmem>>[vector<16xi32>], vector<16xi32>,
      %gather3A_3010 = tpu.vector_load_idx %arg15[%shift_right_logical3A_2974] : memref<4096xi32, #tpu.memory_space<vmem>>[vector<16xi32>], vector<16xi32>,
      %swap3A_3011 = arith.constant 864 : index
      %swap3A_3012 = tpu.vector_load %arg14[%swap3A_3011] {strides = array<i32>} : memref<1024xi32, #tpu.memory_space<vmem>>, vector<16xi32>,
      tpu.vector_store %arg14[%swap3A_3011], %gather3A_3009 {strides = array<i32>} : memref<1024xi32, #tpu.memory_space<vmem>>, vector<16xi32>,
      %swap3A_3013 = arith.constant 880 : index
      %swap3A_3014 = tpu.vector_load %arg14[%swap3A_3013] {strides = array<i32>} : memref<1024xi32, #tpu.memory_space<vmem>>, vector<16xi32>,
      tpu.vector_store %arg14[%swap3A_3013], %gather3A_3010 {strides = array<i32>} : memref<1024xi32, #tpu.memory_space<vmem>>, vector<16xi32>,
      %get3A_3015 = arith.constant 448 : index
      %get3A_3016 = tpu.vector_load %arg10[%get3A_3015] {strides = array<i32>} : memref<512xi32, #tpu.memory_space<vmem>>, vector<16xi32>,
      %and3A_3017 = arith.constant 65535 : i32
      %and3A_3018 = vector.broadcast %and3A_3017 : i32 to vector<16xi32>
      %and3A_3019 = arith.andi %get3A_3016, %and3A_3018 : vector<16xi32>
      %shift_right_logical3A_3020 = arith.constant 16 : i32
      %shift_right_logical3A_3021 = vector.broadcast %shift_right_logical3A_3020 : i32 to vector<16xi32>
      %shift_right_logical3A_3022 = arith.shrui %get3A_3016, %shift_right_logical3A_3021 : vector<16xi32>
      %and3A_3023 = arith.constant 2047 : i32
      %and3A_3024 = vector.broadcast %and3A_3023 : i32 to vector<16xi32>
      %and3A_3025 = arith.andi %and3A_3019, %and3A_3024 : vector<16xi32>
      %gather3A_3026 = tpu.vector_load_idx %arg8[%and3A_3025] : memref<2048xi32, #tpu.memory_space<vmem>>[vector<16xi32>], vector<16xi32>,
      %and3A_3027 = arith.constant 2047 : i32
      %and3A_3028 = vector.broadcast %and3A_3027 : i32 to vector<16xi32>
      %and3A_3029 = arith.andi %shift_right_logical3A_3022, %and3A_3028 : vector<16xi32>
      %gather3A_3030 = tpu.vector_load_idx %arg8[%and3A_3029] : memref<2048xi32, #tpu.memory_space<vmem>>[vector<16xi32>], vector<16xi32>,
      %shift_right_logical3A_3031 = arith.constant 11 : i32
      %shift_right_logical3A_3032 = vector.broadcast %shift_right_logical3A_3031 : i32 to vector<16xi32>
      %shift_right_logical3A_3033 = arith.shrui %and3A_3019, %shift_right_logical3A_3032 : vector<16xi32>
      %shift_left3A_3034 = arith.constant 4 : i32
      %shift_left3A_3035 = vector.broadcast %shift_left3A_3034 : i32 to vector<16xi32>
      %shift_left3A_3036 = arith.shli %shift_right_logical3A_3033, %shift_left3A_3035 : vector<16xi32>
      %shift_right_logical3A_3037 = arith.constant 11 : i32
      %shift_right_logical3A_3038 = vector.broadcast %shift_right_logical3A_3037 : i32 to vector<16xi32>
      %shift_right_logical3A_3039 = arith.shrui %shift_right_logical3A_3022, %shift_right_logical3A_3038 : vector<16xi32>
      %shift_left3A_3040 = arith.constant 4 : i32
      %shift_left3A_3041 = vector.broadcast %shift_left3A_3040 : i32 to vector<16xi32>
      %shift_left3A_3042 = arith.shli %shift_right_logical3A_3039, %shift_left3A_3041 : vector<16xi32>
      %shift_right_logical3A_3043 = arith.shrui %gather3A_3026, %shift_left3A_3036 : vector<16xi32>
      %shift_left3A_3044 = arith.constant 16 : i32
      %shift_left3A_3045 = vector.broadcast %shift_left3A_3044 : i32 to vector<16xi32>
      %shift_left3A_3046 = arith.shli %shift_right_logical3A_3043, %shift_left3A_3045 : vector<16xi32>
      %bitcast3A_3047 = vector.bitcast %shift_left3A_3046 : vector<16xi32> to vector<16xf32>
      %shift_right_logical3A_3048 = arith.shrui %gather3A_3030, %shift_left3A_3042 : vector<16xi32>
      %shift_left3A_3049 = arith.constant 16 : i32
      %shift_left3A_3050 = vector.broadcast %shift_left3A_3049 : i32 to vector<16xi32>
      %shift_left3A_3051 = arith.shli %shift_right_logical3A_3048, %shift_left3A_3050 : vector<16xi32>
      %bitcast3A_3052 = vector.bitcast %shift_left3A_3051 : vector<16xi32> to vector<16xf32>
      %swap3A_3053 = arith.constant 896 : index
      %swap3A_3054 = tpu.vector_load %arg12[%swap3A_3053] {strides = array<i32>} : memref<1024xf32, #tpu.memory_space<vmem>>, vector<16xf32>,
      tpu.vector_store %arg12[%swap3A_3053], %bitcast3A_3047 {strides = array<i32>} : memref<1024xf32, #tpu.memory_space<vmem>>, vector<16xf32>,
      %swap3A_3055 = arith.constant 912 : index
      %swap3A_3056 = tpu.vector_load %arg12[%swap3A_3055] {strides = array<i32>} : memref<1024xf32, #tpu.memory_space<vmem>>, vector<16xf32>,
      tpu.vector_store %arg12[%swap3A_3055], %bitcast3A_3052 {strides = array<i32>} : memref<1024xf32, #tpu.memory_space<vmem>>, vector<16xf32>,
      %gather3A_3057 = tpu.vector_load_idx %arg15[%and3A_3019] : memref<4096xi32, #tpu.memory_space<vmem>>[vector<16xi32>], vector<16xi32>,
      %gather3A_3058 = tpu.vector_load_idx %arg15[%shift_right_logical3A_3022] : memref<4096xi32, #tpu.memory_space<vmem>>[vector<16xi32>], vector<16xi32>,
      %swap3A_3059 = arith.constant 896 : index
      %swap3A_3060 = tpu.vector_load %arg14[%swap3A_3059] {strides = array<i32>} : memref<1024xi32, #tpu.memory_space<vmem>>, vector<16xi32>,
      tpu.vector_store %arg14[%swap3A_3059], %gather3A_3057 {strides = array<i32>} : memref<1024xi32, #tpu.memory_space<vmem>>, vector<16xi32>,
      %swap3A_3061 = arith.constant 912 : index
      %swap3A_3062 = tpu.vector_load %arg14[%swap3A_3061] {strides = array<i32>} : memref<1024xi32, #tpu.memory_space<vmem>>, vector<16xi32>,
      tpu.vector_store %arg14[%swap3A_3061], %gather3A_3058 {strides = array<i32>} : memref<1024xi32, #tpu.memory_space<vmem>>, vector<16xi32>,
      %get3A_3063 = arith.constant 464 : index
      %get3A_3064 = tpu.vector_load %arg10[%get3A_3063] {strides = array<i32>} : memref<512xi32, #tpu.memory_space<vmem>>, vector<16xi32>,
      %and3A_3065 = arith.constant 65535 : i32
      %and3A_3066 = vector.broadcast %and3A_3065 : i32 to vector<16xi32>
      %and3A_3067 = arith.andi %get3A_3064, %and3A_3066 : vector<16xi32>
      %shift_right_logical3A_3068 = arith.constant 16 : i32
      %shift_right_logical3A_3069 = vector.broadcast %shift_right_logical3A_3068 : i32 to vector<16xi32>
      %shift_right_logical3A_3070 = arith.shrui %get3A_3064, %shift_right_logical3A_3069 : vector<16xi32>
      %and3A_3071 = arith.constant 2047 : i32
      %and3A_3072 = vector.broadcast %and3A_3071 : i32 to vector<16xi32>
      %and3A_3073 = arith.andi %and3A_3067, %and3A_3072 : vector<16xi32>
      %gather3A_3074 = tpu.vector_load_idx %arg8[%and3A_3073] : memref<2048xi32, #tpu.memory_space<vmem>>[vector<16xi32>], vector<16xi32>,
      %and3A_3075 = arith.constant 2047 : i32
      %and3A_3076 = vector.broadcast %and3A_3075 : i32 to vector<16xi32>
      %and3A_3077 = arith.andi %shift_right_logical3A_3070, %and3A_3076 : vector<16xi32>
      %gather3A_3078 = tpu.vector_load_idx %arg8[%and3A_3077] : memref<2048xi32, #tpu.memory_space<vmem>>[vector<16xi32>], vector<16xi32>,
      %shift_right_logical3A_3079 = arith.constant 11 : i32
      %shift_right_logical3A_3080 = vector.broadcast %shift_right_logical3A_3079 : i32 to vector<16xi32>
      %shift_right_logical3A_3081 = arith.shrui %and3A_3067, %shift_right_logical3A_3080 : vector<16xi32>
      %shift_left3A_3082 = arith.constant 4 : i32
      %shift_left3A_3083 = vector.broadcast %shift_left3A_3082 : i32 to vector<16xi32>
      %shift_left3A_3084 = arith.shli %shift_right_logical3A_3081, %shift_left3A_3083 : vector<16xi32>
      %shift_right_logical3A_3085 = arith.constant 11 : i32
      %shift_right_logical3A_3086 = vector.broadcast %shift_right_logical3A_3085 : i32 to vector<16xi32>
      %shift_right_logical3A_3087 = arith.shrui %shift_right_logical3A_3070, %shift_right_logical3A_3086 : vector<16xi32>
      %shift_left3A_3088 = arith.constant 4 : i32
      %shift_left3A_3089 = vector.broadcast %shift_left3A_3088 : i32 to vector<16xi32>
      %shift_left3A_3090 = arith.shli %shift_right_logical3A_3087, %shift_left3A_3089 : vector<16xi32>
      %shift_right_logical3A_3091 = arith.shrui %gather3A_3074, %shift_left3A_3084 : vector<16xi32>
      %shift_left3A_3092 = arith.constant 16 : i32
      %shift_left3A_3093 = vector.broadcast %shift_left3A_3092 : i32 to vector<16xi32>
      %shift_left3A_3094 = arith.shli %shift_right_logical3A_3091, %shift_left3A_3093 : vector<16xi32>
      %bitcast3A_3095 = vector.bitcast %shift_left3A_3094 : vector<16xi32> to vector<16xf32>
      %shift_right_logical3A_3096 = arith.shrui %gather3A_3078, %shift_left3A_3090 : vector<16xi32>
      %shift_left3A_3097 = arith.constant 16 : i32
      %shift_left3A_3098 = vector.broadcast %shift_left3A_3097 : i32 to vector<16xi32>
      %shift_left3A_3099 = arith.shli %shift_right_logical3A_3096, %shift_left3A_3098 : vector<16xi32>
      %bitcast3A_3100 = vector.bitcast %shift_left3A_3099 : vector<16xi32> to vector<16xf32>
      %swap3A_3101 = arith.constant 928 : index
      %swap3A_3102 = tpu.vector_load %arg12[%swap3A_3101] {strides = array<i32>} : memref<1024xf32, #tpu.memory_space<vmem>>, vector<16xf32>,
      tpu.vector_store %arg12[%swap3A_3101], %bitcast3A_3095 {strides = array<i32>} : memref<1024xf32, #tpu.memory_space<vmem>>, vector<16xf32>,
      %swap3A_3103 = arith.constant 944 : index
      %swap3A_3104 = tpu.vector_load %arg12[%swap3A_3103] {strides = array<i32>} : memref<1024xf32, #tpu.memory_space<vmem>>, vector<16xf32>,
      tpu.vector_store %arg12[%swap3A_3103], %bitcast3A_3100 {strides = array<i32>} : memref<1024xf32, #tpu.memory_space<vmem>>, vector<16xf32>,
      %gather3A_3105 = tpu.vector_load_idx %arg15[%and3A_3067] : memref<4096xi32, #tpu.memory_space<vmem>>[vector<16xi32>], vector<16xi32>,
      %gather3A_3106 = tpu.vector_load_idx %arg15[%shift_right_logical3A_3070] : memref<4096xi32, #tpu.memory_space<vmem>>[vector<16xi32>], vector<16xi32>,
      %swap3A_3107 = arith.constant 928 : index
      %swap3A_3108 = tpu.vector_load %arg14[%swap3A_3107] {strides = array<i32>} : memref<1024xi32, #tpu.memory_space<vmem>>, vector<16xi32>,
      tpu.vector_store %arg14[%swap3A_3107], %gather3A_3105 {strides = array<i32>} : memref<1024xi32, #tpu.memory_space<vmem>>, vector<16xi32>,
      %swap3A_3109 = arith.constant 944 : index
      %swap3A_3110 = tpu.vector_load %arg14[%swap3A_3109] {strides = array<i32>} : memref<1024xi32, #tpu.memory_space<vmem>>, vector<16xi32>,
      tpu.vector_store %arg14[%swap3A_3109], %gather3A_3106 {strides = array<i32>} : memref<1024xi32, #tpu.memory_space<vmem>>, vector<16xi32>,
      %get3A_3111 = arith.constant 480 : index
      %get3A_3112 = tpu.vector_load %arg10[%get3A_3111] {strides = array<i32>} : memref<512xi32, #tpu.memory_space<vmem>>, vector<16xi32>,
      %and3A_3113 = arith.constant 65535 : i32
      %and3A_3114 = vector.broadcast %and3A_3113 : i32 to vector<16xi32>
      %and3A_3115 = arith.andi %get3A_3112, %and3A_3114 : vector<16xi32>
      %shift_right_logical3A_3116 = arith.constant 16 : i32
      %shift_right_logical3A_3117 = vector.broadcast %shift_right_logical3A_3116 : i32 to vector<16xi32>
      %shift_right_logical3A_3118 = arith.shrui %get3A_3112, %shift_right_logical3A_3117 : vector<16xi32>
      %and3A_3119 = arith.constant 2047 : i32
      %and3A_3120 = vector.broadcast %and3A_3119 : i32 to vector<16xi32>
      %and3A_3121 = arith.andi %and3A_3115, %and3A_3120 : vector<16xi32>
      %gather3A_3122 = tpu.vector_load_idx %arg8[%and3A_3121] : memref<2048xi32, #tpu.memory_space<vmem>>[vector<16xi32>], vector<16xi32>,
      %and3A_3123 = arith.constant 2047 : i32
      %and3A_3124 = vector.broadcast %and3A_3123 : i32 to vector<16xi32>
      %and3A_3125 = arith.andi %shift_right_logical3A_3118, %and3A_3124 : vector<16xi32>
      %gather3A_3126 = tpu.vector_load_idx %arg8[%and3A_3125] : memref<2048xi32, #tpu.memory_space<vmem>>[vector<16xi32>], vector<16xi32>,
      %shift_right_logical3A_3127 = arith.constant 11 : i32
      %shift_right_logical3A_3128 = vector.broadcast %shift_right_logical3A_3127 : i32 to vector<16xi32>
      %shift_right_logical3A_3129 = arith.shrui %and3A_3115, %shift_right_logical3A_3128 : vector<16xi32>
      %shift_left3A_3130 = arith.constant 4 : i32
      %shift_left3A_3131 = vector.broadcast %shift_left3A_3130 : i32 to vector<16xi32>
      %shift_left3A_3132 = arith.shli %shift_right_logical3A_3129, %shift_left3A_3131 : vector<16xi32>
      %shift_right_logical3A_3133 = arith.constant 11 : i32
      %shift_right_logical3A_3134 = vector.broadcast %shift_right_logical3A_3133 : i32 to vector<16xi32>
      %shift_right_logical3A_3135 = arith.shrui %shift_right_logical3A_3118, %shift_right_logical3A_3134 : vector<16xi32>
      %shift_left3A_3136 = arith.constant 4 : i32
      %shift_left3A_3137 = vector.broadcast %shift_left3A_3136 : i32 to vector<16xi32>
      %shift_left3A_3138 = arith.shli %shift_right_logical3A_3135, %shift_left3A_3137 : vector<16xi32>
      %shift_right_logical3A_3139 = arith.shrui %gather3A_3122, %shift_left3A_3132 : vector<16xi32>
      %shift_left3A_3140 = arith.constant 16 : i32
      %shift_left3A_3141 = vector.broadcast %shift_left3A_3140 : i32 to vector<16xi32>
      %shift_left3A_3142 = arith.shli %shift_right_logical3A_3139, %shift_left3A_3141 : vector<16xi32>
      %bitcast3A_3143 = vector.bitcast %shift_left3A_3142 : vector<16xi32> to vector<16xf32>
      %shift_right_logical3A_3144 = arith.shrui %gather3A_3126, %shift_left3A_3138 : vector<16xi32>
      %shift_left3A_3145 = arith.constant 16 : i32
      %shift_left3A_3146 = vector.broadcast %shift_left3A_3145 : i32 to vector<16xi32>
      %shift_left3A_3147 = arith.shli %shift_right_logical3A_3144, %shift_left3A_3146 : vector<16xi32>
      %bitcast3A_3148 = vector.bitcast %shift_left3A_3147 : vector<16xi32> to vector<16xf32>
      %swap3A_3149 = arith.constant 960 : index
      %swap3A_3150 = tpu.vector_load %arg12[%swap3A_3149] {strides = array<i32>} : memref<1024xf32, #tpu.memory_space<vmem>>, vector<16xf32>,
      tpu.vector_store %arg12[%swap3A_3149], %bitcast3A_3143 {strides = array<i32>} : memref<1024xf32, #tpu.memory_space<vmem>>, vector<16xf32>,
      %swap3A_3151 = arith.constant 976 : index
      %swap3A_3152 = tpu.vector_load %arg12[%swap3A_3151] {strides = array<i32>} : memref<1024xf32, #tpu.memory_space<vmem>>, vector<16xf32>,
      tpu.vector_store %arg12[%swap3A_3151], %bitcast3A_3148 {strides = array<i32>} : memref<1024xf32, #tpu.memory_space<vmem>>, vector<16xf32>,
      %gather3A_3153 = tpu.vector_load_idx %arg15[%and3A_3115] : memref<4096xi32, #tpu.memory_space<vmem>>[vector<16xi32>], vector<16xi32>,
      %gather3A_3154 = tpu.vector_load_idx %arg15[%shift_right_logical3A_3118] : memref<4096xi32, #tpu.memory_space<vmem>>[vector<16xi32>], vector<16xi32>,
      %swap3A_3155 = arith.constant 960 : index
      %swap3A_3156 = tpu.vector_load %arg14[%swap3A_3155] {strides = array<i32>} : memref<1024xi32, #tpu.memory_space<vmem>>, vector<16xi32>,
      tpu.vector_store %arg14[%swap3A_3155], %gather3A_3153 {strides = array<i32>} : memref<1024xi32, #tpu.memory_space<vmem>>, vector<16xi32>,
      %swap3A_3157 = arith.constant 976 : index
      %swap3A_3158 = tpu.vector_load %arg14[%swap3A_3157] {strides = array<i32>} : memref<1024xi32, #tpu.memory_space<vmem>>, vector<16xi32>,
      tpu.vector_store %arg14[%swap3A_3157], %gather3A_3154 {strides = array<i32>} : memref<1024xi32, #tpu.memory_space<vmem>>, vector<16xi32>,
      %get3A_3159 = arith.constant 496 : index
      %get3A_3160 = tpu.vector_load %arg10[%get3A_3159] {strides = array<i32>} : memref<512xi32, #tpu.memory_space<vmem>>, vector<16xi32>,
      %and3A_3161 = arith.constant 65535 : i32
      %and3A_3162 = vector.broadcast %and3A_3161 : i32 to vector<16xi32>
      %and3A_3163 = arith.andi %get3A_3160, %and3A_3162 : vector<16xi32>
      %shift_right_logical3A_3164 = arith.constant 16 : i32
      %shift_right_logical3A_3165 = vector.broadcast %shift_right_logical3A_3164 : i32 to vector<16xi32>
      %shift_right_logical3A_3166 = arith.shrui %get3A_3160, %shift_right_logical3A_3165 : vector<16xi32>
      %and3A_3167 = arith.constant 2047 : i32
      %and3A_3168 = vector.broadcast %and3A_3167 : i32 to vector<16xi32>
      %and3A_3169 = arith.andi %and3A_3163, %and3A_3168 : vector<16xi32>
      %gather3A_3170 = tpu.vector_load_idx %arg8[%and3A_3169] : memref<2048xi32, #tpu.memory_space<vmem>>[vector<16xi32>], vector<16xi32>,
      %and3A_3171 = arith.constant 2047 : i32
      %and3A_3172 = vector.broadcast %and3A_3171 : i32 to vector<16xi32>
      %and3A_3173 = arith.andi %shift_right_logical3A_3166, %and3A_3172 : vector<16xi32>
      %gather3A_3174 = tpu.vector_load_idx %arg8[%and3A_3173] : memref<2048xi32, #tpu.memory_space<vmem>>[vector<16xi32>], vector<16xi32>,
      %shift_right_logical3A_3175 = arith.constant 11 : i32
      %shift_right_logical3A_3176 = vector.broadcast %shift_right_logical3A_3175 : i32 to vector<16xi32>
      %shift_right_logical3A_3177 = arith.shrui %and3A_3163, %shift_right_logical3A_3176 : vector<16xi32>
      %shift_left3A_3178 = arith.constant 4 : i32
      %shift_left3A_3179 = vector.broadcast %shift_left3A_3178 : i32 to vector<16xi32>
      %shift_left3A_3180 = arith.shli %shift_right_logical3A_3177, %shift_left3A_3179 : vector<16xi32>
      %shift_right_logical3A_3181 = arith.constant 11 : i32
      %shift_right_logical3A_3182 = vector.broadcast %shift_right_logical3A_3181 : i32 to vector<16xi32>
      %shift_right_logical3A_3183 = arith.shrui %shift_right_logical3A_3166, %shift_right_logical3A_3182 : vector<16xi32>
      %shift_left3A_3184 = arith.constant 4 : i32
      %shift_left3A_3185 = vector.broadcast %shift_left3A_3184 : i32 to vector<16xi32>
      %shift_left3A_3186 = arith.shli %shift_right_logical3A_3183, %shift_left3A_3185 : vector<16xi32>
      %shift_right_logical3A_3187 = arith.shrui %gather3A_3170, %shift_left3A_3180 : vector<16xi32>
      %shift_left3A_3188 = arith.constant 16 : i32
      %shift_left3A_3189 = vector.broadcast %shift_left3A_3188 : i32 to vector<16xi32>
      %shift_left3A_3190 = arith.shli %shift_right_logical3A_3187, %shift_left3A_3189 : vector<16xi32>
      %bitcast3A_3191 = vector.bitcast %shift_left3A_3190 : vector<16xi32> to vector<16xf32>
      %shift_right_logical3A_3192 = arith.shrui %gather3A_3174, %shift_left3A_3186 : vector<16xi32>
      %shift_left3A_3193 = arith.constant 16 : i32
      %shift_left3A_3194 = vector.broadcast %shift_left3A_3193 : i32 to vector<16xi32>
      %shift_left3A_3195 = arith.shli %shift_right_logical3A_3192, %shift_left3A_3194 : vector<16xi32>
      %bitcast3A_3196 = vector.bitcast %shift_left3A_3195 : vector<16xi32> to vector<16xf32>
      %swap3A_3197 = arith.constant 992 : index
      %swap3A_3198 = tpu.vector_load %arg12[%swap3A_3197] {strides = array<i32>} : memref<1024xf32, #tpu.memory_space<vmem>>, vector<16xf32>,
      tpu.vector_store %arg12[%swap3A_3197], %bitcast3A_3191 {strides = array<i32>} : memref<1024xf32, #tpu.memory_space<vmem>>, vector<16xf32>,
      %swap3A_3199 = arith.constant 1008 : index
      %swap3A_3200 = tpu.vector_load %arg12[%swap3A_3199] {strides = array<i32>} : memref<1024xf32, #tpu.memory_space<vmem>>, vector<16xf32>,
      tpu.vector_store %arg12[%swap3A_3199], %bitcast3A_3196 {strides = array<i32>} : memref<1024xf32, #tpu.memory_space<vmem>>, vector<16xf32>,
      %gather3A_3201 = tpu.vector_load_idx %arg15[%and3A_3163] : memref<4096xi32, #tpu.memory_space<vmem>>[vector<16xi32>], vector<16xi32>,
      %gather3A_3202 = tpu.vector_load_idx %arg15[%shift_right_logical3A_3166] : memref<4096xi32, #tpu.memory_space<vmem>>[vector<16xi32>], vector<16xi32>,
      %swap3A_3203 = arith.constant 992 : index
      %swap3A_3204 = tpu.vector_load %arg14[%swap3A_3203] {strides = array<i32>} : memref<1024xi32, #tpu.memory_space<vmem>>, vector<16xi32>,
      tpu.vector_store %arg14[%swap3A_3203], %gather3A_3201 {strides = array<i32>} : memref<1024xi32, #tpu.memory_space<vmem>>, vector<16xi32>,
      %swap3A_3205 = arith.constant 1008 : index
      %swap3A_3206 = tpu.vector_load %arg14[%swap3A_3205] {strides = array<i32>} : memref<1024xi32, #tpu.memory_space<vmem>>, vector<16xi32>,
      tpu.vector_store %arg14[%swap3A_3205], %gather3A_3202 {strides = array<i32>} : memref<1024xi32, #tpu.memory_space<vmem>>, vector<16xi32>,
      %dma_start3A_3207 = arith.constant 0 : i32
      %dma_start3A_3208 = tpu.memref_slice %arg5[%add3A_1646, %dma_start3A_3207] : memref<8192x1024xf32, #tpu.memory_space<hbm>> -> memref<1x1024xf32, #tpu.memory_space<hbm>>
      %dma_start3A_3209 = tpu.memref_squeeze %dma_start3A_3208 : memref<1x1024xf32, #tpu.memory_space<hbm>> -> memref<1024xf32, #tpu.memory_space<hbm>>
      %dma_start3A_3210 = arith.constant 0 : i32
      %dma_start3A_3211 = tpu.memref_slice %arg5[%add3A_1646, %dma_start3A_3210] : memref<8192x1024xf32, #tpu.memory_space<hbm>> -> memref<1x1024xf32, #tpu.memory_space<hbm>>
      %dma_start3A_3212 = tpu.memref_squeeze %dma_start3A_3211 : memref<1x1024xf32, #tpu.memory_space<hbm>> -> memref<1024xf32, #tpu.memory_space<hbm>>
      tpu.enqueue_dma source(%arg12 : memref<1024xf32, #tpu.memory_space<vmem>>) target(%dma_start3A_3212 : memref<1024xf32, #tpu.memory_space<hbm>>) target_semaphore(%arg21 : memref<!tpu.dma_semaphore, #tpu.memory_space<semaphore_mem>>)
      %dma_start3A_3213 = arith.constant 0 : i32
      %dma_start3A_3214 = tpu.memref_slice %arg6[%add3A_1646, %dma_start3A_3213] : memref<8192x1024xi32, #tpu.memory_space<hbm>> -> memref<1x1024xi32, #tpu.memory_space<hbm>>
      %dma_start3A_3215 = tpu.memref_squeeze %dma_start3A_3214 : memref<1x1024xi32, #tpu.memory_space<hbm>> -> memref<1024xi32, #tpu.memory_space<hbm>>
      %dma_start3A_3216 = arith.constant 0 : i32
      %dma_start3A_3217 = tpu.memref_slice %arg6[%add3A_1646, %dma_start3A_3216] : memref<8192x1024xi32, #tpu.memory_space<hbm>> -> memref<1x1024xi32, #tpu.memory_space<hbm>>
      %dma_start3A_3218 = tpu.memref_squeeze %dma_start3A_3217 : memref<1x1024xi32, #tpu.memory_space<hbm>> -> memref<1024xi32, #tpu.memory_space<hbm>>
      tpu.enqueue_dma source(%arg14 : memref<1024xi32, #tpu.memory_space<vmem>>) target(%dma_start3A_3218 : memref<1024xi32, #tpu.memory_space<hbm>>) target_semaphore(%arg23 : memref<!tpu.dma_semaphore, #tpu.memory_space<semaphore_mem>>)
    }
    %scan3A_34 = arith.constant 128 : i32
    %add3A_35 = arith.constant 256 : i32
    %add3A_36 = arith.addi %mul3A_2, %add3A_35 : i32
    %sub3A_37 = arith.constant 2 : i32
    %sub3A_38 = arith.subi %add3A_36, %sub3A_37 : i32
    %dma_wait3A = arith.constant 0 : i32
    %dma_wait3A_39 = tpu.memref_slice %arg5[%sub3A_38, %dma_wait3A] : memref<8192x1024xf32, #tpu.memory_space<hbm>> -> memref<1x1024xf32, #tpu.memory_space<hbm>>
    %dma_wait3A_40 = tpu.memref_squeeze %dma_wait3A_39 : memref<1x1024xf32, #tpu.memory_space<hbm>> -> memref<1024xf32, #tpu.memory_space<hbm>>
    %dma_wait3A_41 = arith.constant 0 : i32
    %dma_wait3A_42 = tpu.memref_slice %arg5[%sub3A_38, %dma_wait3A_41] : memref<8192x1024xf32, #tpu.memory_space<hbm>> -> memref<1x1024xf32, #tpu.memory_space<hbm>>
    %dma_wait3A_43 = tpu.memref_squeeze %dma_wait3A_42 : memref<1x1024xf32, #tpu.memory_space<hbm>> -> memref<1024xf32, #tpu.memory_space<hbm>>
    tpu.wait_dma2 semaphore(%arg20 : memref<!tpu.dma_semaphore, #tpu.memory_space<semaphore_mem>>) src(%arg11 : memref<1024xf32, #tpu.memory_space<vmem>>) dst(%dma_wait3A_43 : memref<1024xf32, #tpu.memory_space<hbm>>)
    %add3A_44 = arith.constant 256 : i32
    %add3A_45 = arith.addi %mul3A_2, %add3A_44 : i32
    %sub3A_46 = arith.constant 2 : i32
    %sub3A_47 = arith.subi %add3A_45, %sub3A_46 : i32
    %dma_wait3A_48 = arith.constant 0 : i32
    %dma_wait3A_49 = tpu.memref_slice %arg6[%sub3A_47, %dma_wait3A_48] : memref<8192x1024xi32, #tpu.memory_space<hbm>> -> memref<1x1024xi32, #tpu.memory_space<hbm>>
    %dma_wait3A_50 = tpu.memref_squeeze %dma_wait3A_49 : memref<1x1024xi32, #tpu.memory_space<hbm>> -> memref<1024xi32, #tpu.memory_space<hbm>>
    %dma_wait3A_51 = arith.constant 0 : i32
    %dma_wait3A_52 = tpu.memref_slice %arg6[%sub3A_47, %dma_wait3A_51] : memref<8192x1024xi32, #tpu.memory_space<hbm>> -> memref<1x1024xi32, #tpu.memory_space<hbm>>
    %dma_wait3A_53 = tpu.memref_squeeze %dma_wait3A_52 : memref<1x1024xi32, #tpu.memory_space<hbm>> -> memref<1024xi32, #tpu.memory_space<hbm>>
    tpu.wait_dma2 semaphore(%arg22 : memref<!tpu.dma_semaphore, #tpu.memory_space<semaphore_mem>>) src(%arg13 : memref<1024xi32, #tpu.memory_space<vmem>>) dst(%dma_wait3A_53 : memref<1024xi32, #tpu.memory_space<hbm>>)
    %add3A_54 = arith.constant 256 : i32
    %add3A_55 = arith.addi %mul3A_2, %add3A_54 : i32
    %sub3A_56 = arith.constant 1 : i32
    %sub3A_57 = arith.subi %add3A_55, %sub3A_56 : i32
    %dma_wait3A_58 = arith.constant 0 : i32
    %dma_wait3A_59 = tpu.memref_slice %arg5[%sub3A_57, %dma_wait3A_58] : memref<8192x1024xf32, #tpu.memory_space<hbm>> -> memref<1x1024xf32, #tpu.memory_space<hbm>>
    %dma_wait3A_60 = tpu.memref_squeeze %dma_wait3A_59 : memref<1x1024xf32, #tpu.memory_space<hbm>> -> memref<1024xf32, #tpu.memory_space<hbm>>
    %dma_wait3A_61 = arith.constant 0 : i32
    %dma_wait3A_62 = tpu.memref_slice %arg5[%sub3A_57, %dma_wait3A_61] : memref<8192x1024xf32, #tpu.memory_space<hbm>> -> memref<1x1024xf32, #tpu.memory_space<hbm>>
    %dma_wait3A_63 = tpu.memref_squeeze %dma_wait3A_62 : memref<1x1024xf32, #tpu.memory_space<hbm>> -> memref<1024xf32, #tpu.memory_space<hbm>>
    tpu.wait_dma2 semaphore(%arg21 : memref<!tpu.dma_semaphore, #tpu.memory_space<semaphore_mem>>) src(%arg12 : memref<1024xf32, #tpu.memory_space<vmem>>) dst(%dma_wait3A_63 : memref<1024xf32, #tpu.memory_space<hbm>>)
    %add3A_64 = arith.constant 256 : i32
    %add3A_65 = arith.addi %mul3A_2, %add3A_64 : i32
    %sub3A_66 = arith.constant 1 : i32
    %sub3A_67 = arith.subi %add3A_65, %sub3A_66 : i32
    %dma_wait3A_68 = arith.constant 0 : i32
    %dma_wait3A_69 = tpu.memref_slice %arg6[%sub3A_67, %dma_wait3A_68] : memref<8192x1024xi32, #tpu.memory_space<hbm>> -> memref<1x1024xi32, #tpu.memory_space<hbm>>
    %dma_wait3A_70 = tpu.memref_squeeze %dma_wait3A_69 : memref<1x1024xi32, #tpu.memory_space<hbm>> -> memref<1024xi32, #tpu.memory_space<hbm>>
    %dma_wait3A_71 = arith.constant 0 : i32
    %dma_wait3A_72 = tpu.memref_slice %arg6[%sub3A_67, %dma_wait3A_71] : memref<8192x1024xi32, #tpu.memory_space<hbm>> -> memref<1x1024xi32, #tpu.memory_space<hbm>>
    %dma_wait3A_73 = tpu.memref_squeeze %dma_wait3A_72 : memref<1x1024xi32, #tpu.memory_space<hbm>> -> memref<1024xi32, #tpu.memory_space<hbm>>
    tpu.wait_dma2 semaphore(%arg23 : memref<!tpu.dma_semaphore, #tpu.memory_space<semaphore_mem>>) src(%arg14 : memref<1024xi32, #tpu.memory_space<vmem>>) dst(%dma_wait3A_73 : memref<1024xi32, #tpu.memory_space<hbm>>)
    return
  }
}

module attributes {stable_mosaic.version = 14 : i64} {
  func.func @_norm_body(%arg0: memref<6x65536xf32, #tpu.memory_space<vmem>>, %arg1: memref<6x65536xf32, #tpu.memory_space<vmem>>) attributes {dimension_semantics = [], scalar_prefetch = 0 : i64, scratch_operands = 0 : i64, tpu.core_type = #tpu.core_type<tc>} {
    %get3A = arith.constant 0 : index
    %get3A_0 = arith.constant 0 : index
    %get3A_1 = vector.load %arg0[%get3A, %get3A_0] : memref<6x65536xf32, #tpu.memory_space<vmem>>, vector<6x65536xf32>
    %iota3A = tpu.iota {dimensions = array<i32: 0>} : vector<6x65536xi32>
    %jit3A = arith.constant 3 : i32
    %eq3A = arith.constant 0 : i32
    %eq3A_2 = arith.cmpi eq, %jit3A, %eq3A : i32
    %jit3A_3 = arith.constant 1 : i32
    %select_n3A = arith.select %eq3A_2, %jit3A_3, %jit3A : i32
    %rem3A = vector.broadcast %select_n3A : i32 to vector<6x65536xi32>
    %rem3A_4 = arith.remsi %iota3A, %rem3A : vector<6x65536xi32>
    %ne3A = arith.constant 0 : i32
    %ne3A_5 = vector.broadcast %ne3A : i32 to vector<6x65536xi32>
    %ne3A_6 = arith.cmpi ne, %rem3A_4, %ne3A_5 : vector<6x65536xi32>
    %lt3A = arith.constant 0 : i32
    %lt3A_7 = vector.broadcast %lt3A : i32 to vector<6x65536xi32>
    %lt3A_8 = arith.cmpi slt, %rem3A_4, %lt3A_7 : vector<6x65536xi32>
    %lt3A_9 = arith.constant 0 : i32
    %lt3A_10 = arith.cmpi slt, %select_n3A, %lt3A_9 : i32
    %ne3A_11 = vector.broadcast %lt3A_10 : i1 to vector<6x65536xi1>
    %ne3A_12 = vector.broadcast %ne3A_11 : vector<6x65536xi1> to vector<6x65536xi1>
    %ne3A_13 = arith.xori %lt3A_8, %ne3A_12 : vector<6x65536xi1>
    %and3A = arith.andi %ne3A_13, %ne3A_6 : vector<6x65536xi1>
    %add3A = vector.broadcast %select_n3A : i32 to vector<6x65536xi32>
    %add3A_14 = arith.addi %rem3A_4, %add3A : vector<6x65536xi32>
    %select_n3A_15 = arith.select %and3A, %add3A_14, %rem3A_4 : vector<6x65536xi1>, vector<6x65536xi32>
    %eq3A_16 = arith.constant 0 : i32
    %eq3A_17 = vector.broadcast %eq3A_16 : i32 to vector<6x65536xi32>
    %eq3A_18 = arith.cmpi eq, %select_n3A_15, %eq3A_17 : vector<6x65536xi32>
    %eq3A_19 = arith.constant 1 : i32
    %eq3A_20 = vector.broadcast %eq3A_19 : i32 to vector<6x65536xi32>
    %eq3A_21 = arith.cmpi eq, %select_n3A_15, %eq3A_20 : vector<6x65536xi32>
    %jit3A_22 = arith.constant 1.162800e+02 : f32
    %jit3A_23 = arith.constant 1.035300e+02 : f32
    %broadcast_in_dim3A = vector.broadcast %jit3A_22 : f32 to vector<6x65536xf32>
    %broadcast_in_dim3A_24 = vector.broadcast %jit3A_23 : f32 to vector<6x65536xf32>
    %select_n3A_25 = arith.select %eq3A_21, %broadcast_in_dim3A, %broadcast_in_dim3A_24 : vector<6x65536xi1>, vector<6x65536xf32>
    %jit3A_26 = arith.constant 1.236750e+02 : f32
    %broadcast_in_dim3A_27 = vector.broadcast %jit3A_26 : f32 to vector<6x65536xf32>
    %select_n3A_28 = arith.select %eq3A_18, %broadcast_in_dim3A_27, %select_n3A_25 : vector<6x65536xi1>, vector<6x65536xf32>
    %eq3A_29 = arith.constant 0 : i32
    %eq3A_30 = vector.broadcast %eq3A_29 : i32 to vector<6x65536xi32>
    %eq3A_31 = arith.cmpi eq, %select_n3A_15, %eq3A_30 : vector<6x65536xi32>
    %eq3A_32 = arith.constant 1 : i32
    %eq3A_33 = vector.broadcast %eq3A_32 : i32 to vector<6x65536xi32>
    %eq3A_34 = arith.cmpi eq, %select_n3A_15, %eq3A_33 : vector<6x65536xi32>
    %jit3A_35 = arith.constant 0.0175070036 : f32
    %jit3A_36 = arith.constant 0.0174291935 : f32
    %broadcast_in_dim3A_37 = vector.broadcast %jit3A_35 : f32 to vector<6x65536xf32>
    %broadcast_in_dim3A_38 = vector.broadcast %jit3A_36 : f32 to vector<6x65536xf32>
    %select_n3A_39 = arith.select %eq3A_34, %broadcast_in_dim3A_37, %broadcast_in_dim3A_38 : vector<6x65536xi1>, vector<6x65536xf32>
    %jit3A_40 = arith.constant 0.0171247534 : f32
    %broadcast_in_dim3A_41 = vector.broadcast %jit3A_40 : f32 to vector<6x65536xf32>
    %select_n3A_42 = arith.select %eq3A_31, %broadcast_in_dim3A_41, %select_n3A_39 : vector<6x65536xi1>, vector<6x65536xf32>
    %sub3A = arith.subf %get3A_1, %select_n3A_28 : vector<6x65536xf32>
    %mul3A = arith.mulf %sub3A, %select_n3A_42 : vector<6x65536xf32>
    %swap3A = arith.constant 0 : index
    %swap3A_43 = arith.constant 0 : index
    %swap3A_44 = vector.load %arg1[%swap3A, %swap3A_43] : memref<6x65536xf32, #tpu.memory_space<vmem>>, vector<6x65536xf32>
    tpu.vector_store %arg1[%swap3A, %swap3A_43], %mul3A {strides = array<i32>} : memref<6x65536xf32, #tpu.memory_space<vmem>>, vector<6x65536xf32>,
    return
  }
}

module attributes {stable_mosaic.version = 14 : i64} {
  func.func @_conv1_body(%arg0: i32, %arg1: memref<27x4096xf32, #tpu.memory_space<vmem>>, %arg2: memref<27x64xf32, #tpu.memory_space<vmem>>, %arg3: memref<4096x64xbf16, #tpu.memory_space<vmem>>) attributes {dimension_semantics = [#tpu.dimension_semantics<arbitrary>], iteration_bounds = array<i64: 8>, scalar_prefetch = 0 : i64, scratch_operands = 0 : i64, tpu.core_type = #tpu.core_type<tc>, window_params = [{transform_indices = @transform_0, window_bounds = array<i64: 27, 4096>}, {pipeline_mode = #tpu.pipeline_mode<synchronous>, transform_indices = @transform_1, window_bounds = array<i64: 27, 64>}, {transform_indices = @transform_2, window_bounds = array<i64: 4096, 64>}]} {
    %get3A = arith.constant 0 : index
    %get3A_0 = arith.constant 0 : index
    %get3A_1 = vector.load %arg1[%get3A, %get3A_0] : memref<27x4096xf32, #tpu.memory_space<vmem>>, vector<27x4096xf32>
    %get3A_2 = arith.constant 0 : index
    %get3A_3 = arith.constant 0 : index
    %get3A_4 = vector.load %arg2[%get3A_2, %get3A_3] : memref<27x64xf32, #tpu.memory_space<vmem>>, vector<27x64xf32>
    %dot_general3A = arith.constant dense<0.000000e+00> : vector<4096x64xf32>
    %dot_general3A_5 = tpu.matmul %get3A_1, %get3A_4, %dot_general3A {dimension_numbers = #tpu.dot_dimension_numbers<[0], [0], [1], [1], [0, 1, 1, 1], [], []>, transpose_lhs_hint = false} : vector<27x4096xf32>, vector<27x64xf32>, vector<4096x64xf32> -> vector<4096x64xf32>
    %max3A = arith.constant 0.000000e+00 : f32
    %max3A_6 = vector.broadcast %max3A : f32 to vector<4096x64xf32>
    %max3A_7 = arith.maximumf %dot_general3A_5, %max3A_6 : vector<4096x64xf32>
    %convert_element_type3A = arith.truncf %max3A_7 : vector<4096x64xf32> to vector<4096x64xbf16>
    %swap3A = arith.constant 0 : index
    %swap3A_8 = arith.constant 0 : index
    %swap3A_9 = vector.load %arg3[%swap3A, %swap3A_8] : memref<4096x64xbf16, #tpu.memory_space<vmem>>, vector<4096x64xbf16>
    tpu.vector_store %arg3[%swap3A, %swap3A_8], %convert_element_type3A {strides = array<i32>} : memref<4096x64xbf16, #tpu.memory_space<vmem>>, vector<4096x64xbf16>,
    return
  }
  func.func @transform_0(%arg0: i32) -> (i32, i32) {
    %c0_i32 = arith.constant 0 : i32
    %c0_i32_0 = arith.constant 0 : i32
    return %c0_i32, %arg0 : i32, i32
  }
  func.func @transform_1(%arg0: i32) -> (i32, i32) {
    %c0_i32 = arith.constant 0 : i32
    %c0_i32_0 = arith.constant 0 : i32
    %c0_i32_1 = arith.constant 0 : i32
    return %c0_i32, %c0_i32_0 : i32, i32
  }
  func.func @transform_2(%arg0: i32) -> (i32, i32) {
    %c0_i32 = arith.constant 0 : i32
    %c0_i32_0 = arith.constant 0 : i32
    return %arg0, %c0_i32 : i32, i32
  }
}

module attributes {stable_mosaic.version = 14 : i64} {
  func.func @_heads_body(%arg0: i32, %arg1: memref<9x512x64xbf16, #tpu.memory_space<vmem>>, %arg2: memref<9x64x256xbf16, #tpu.memory_space<vmem>>, %arg3: memref<256x64xbf16, #tpu.memory_space<vmem>>, %arg4: memref<64x32xbf16, #tpu.memory_space<vmem>>, %arg5: memref<256x64xbf16, #tpu.memory_space<vmem>>, %arg6: memref<64x32xbf16, #tpu.memory_space<vmem>>, %arg7: memref<512x32xbf16, #tpu.memory_space<vmem>>, %arg8: memref<512x32xbf16, #tpu.memory_space<vmem>>) attributes {dimension_semantics = [#tpu.dimension_semantics<arbitrary>], iteration_bounds = array<i64: 16>, scalar_prefetch = 0 : i64, scratch_operands = 0 : i64, tpu.core_type = #tpu.core_type<tc>, window_params = [{transform_indices = @transform_0, window_bounds = array<i64: 9, 512, 64>}, {pipeline_mode = #tpu.pipeline_mode<synchronous>, transform_indices = @transform_1, window_bounds = array<i64: 9, 64, 256>}, {pipeline_mode = #tpu.pipeline_mode<synchronous>, transform_indices = @transform_2, window_bounds = array<i64: 256, 64>}, {pipeline_mode = #tpu.pipeline_mode<synchronous>, transform_indices = @transform_3, window_bounds = array<i64: 64, 32>}, {pipeline_mode = #tpu.pipeline_mode<synchronous>, transform_indices = @transform_4, window_bounds = array<i64: 256, 64>}, {pipeline_mode = #tpu.pipeline_mode<synchronous>, transform_indices = @transform_5, window_bounds = array<i64: 64, 32>}, {transform_indices = @transform_6, window_bounds = array<i64: 512, 32>}, {transform_indices = @transform_7, window_bounds = array<i64: 512, 32>}]} {
    %get3A = arith.constant 0 : index
    %get3A_0 = arith.constant 0 : index
    %get3A_1 = arith.constant 0 : index
    %get3A_2 = vector.load %arg1[%get3A, %get3A_0, %get3A_1] : memref<9x512x64xbf16, #tpu.memory_space<vmem>>, vector<1x512x64xbf16>
    %get3A_3 = vector.shape_cast %get3A_2 : vector<1x512x64xbf16> to vector<512x64xbf16>
    %get3A_4 = arith.constant 0 : index
    %get3A_5 = arith.constant 0 : index
    %get3A_6 = arith.constant 0 : index
    %get3A_7 = vector.load %arg2[%get3A_4, %get3A_5, %get3A_6] : memref<9x64x256xbf16, #tpu.memory_space<vmem>>, vector<1x64x256xbf16>
    %get3A_8 = vector.shape_cast %get3A_7 : vector<1x64x256xbf16> to vector<64x256xbf16>
    %dot_general3A = arith.constant dense<0.000000e+00> : vector<512x256xf32>
    %dot_general3A_9 = tpu.matmul %get3A_3, %get3A_8, %dot_general3A {dimension_numbers = #tpu.dot_dimension_numbers<[1], [0], [0], [1], [0, 0, 1, 1], [], []>, transpose_lhs_hint = false} : vector<512x64xbf16>, vector<64x256xbf16>, vector<512x256xf32> -> vector<512x256xf32>
    %get3A_10 = arith.constant 1 : index
    %get3A_11 = arith.constant 0 : index
    %get3A_12 = arith.constant 0 : index
    %get3A_13 = vector.load %arg1[%get3A_10, %get3A_11, %get3A_12] : memref<9x512x64xbf16, #tpu.memory_space<vmem>>, vector<1x512x64xbf16>
    %get3A_14 = vector.shape_cast %get3A_13 : vector<1x512x64xbf16> to vector<512x64xbf16>
    %get3A_15 = arith.constant 1 : index
    %get3A_16 = arith.constant 0 : index
    %get3A_17 = arith.constant 0 : index
    %get3A_18 = vector.load %arg2[%get3A_15, %get3A_16, %get3A_17] : memref<9x64x256xbf16, #tpu.memory_space<vmem>>, vector<1x64x256xbf16>
    %get3A_19 = vector.shape_cast %get3A_18 : vector<1x64x256xbf16> to vector<64x256xbf16>
    %dot_general3A_20 = arith.constant dense<0.000000e+00> : vector<512x256xf32>
    %dot_general3A_21 = tpu.matmul %get3A_14, %get3A_19, %dot_general3A_20 {dimension_numbers = #tpu.dot_dimension_numbers<[1], [0], [0], [1], [0, 0, 1, 1], [], []>, transpose_lhs_hint = false} : vector<512x64xbf16>, vector<64x256xbf16>, vector<512x256xf32> -> vector<512x256xf32>
    %add3A = arith.addf %dot_general3A_9, %dot_general3A_21 : vector<512x256xf32>
    %get3A_22 = arith.constant 2 : index
    %get3A_23 = arith.constant 0 : index
    %get3A_24 = arith.constant 0 : index
    %get3A_25 = vector.load %arg1[%get3A_22, %get3A_23, %get3A_24] : memref<9x512x64xbf16, #tpu.memory_space<vmem>>, vector<1x512x64xbf16>
    %get3A_26 = vector.shape_cast %get3A_25 : vector<1x512x64xbf16> to vector<512x64xbf16>
    %get3A_27 = arith.constant 2 : index
    %get3A_28 = arith.constant 0 : index
    %get3A_29 = arith.constant 0 : index
    %get3A_30 = vector.load %arg2[%get3A_27, %get3A_28, %get3A_29] : memref<9x64x256xbf16, #tpu.memory_space<vmem>>, vector<1x64x256xbf16>
    %get3A_31 = vector.shape_cast %get3A_30 : vector<1x64x256xbf16> to vector<64x256xbf16>
    %dot_general3A_32 = arith.constant dense<0.000000e+00> : vector<512x256xf32>
    %dot_general3A_33 = tpu.matmul %get3A_26, %get3A_31, %dot_general3A_32 {dimension_numbers = #tpu.dot_dimension_numbers<[1], [0], [0], [1], [0, 0, 1, 1], [], []>, transpose_lhs_hint = false} : vector<512x64xbf16>, vector<64x256xbf16>, vector<512x256xf32> -> vector<512x256xf32>
    %add3A_34 = arith.addf %add3A, %dot_general3A_33 : vector<512x256xf32>
    %get3A_35 = arith.constant 3 : index
    %get3A_36 = arith.constant 0 : index
    %get3A_37 = arith.constant 0 : index
    %get3A_38 = vector.load %arg1[%get3A_35, %get3A_36, %get3A_37] : memref<9x512x64xbf16, #tpu.memory_space<vmem>>, vector<1x512x64xbf16>
    %get3A_39 = vector.shape_cast %get3A_38 : vector<1x512x64xbf16> to vector<512x64xbf16>
    %get3A_40 = arith.constant 3 : index
    %get3A_41 = arith.constant 0 : index
    %get3A_42 = arith.constant 0 : index
    %get3A_43 = vector.load %arg2[%get3A_40, %get3A_41, %get3A_42] : memref<9x64x256xbf16, #tpu.memory_space<vmem>>, vector<1x64x256xbf16>
    %get3A_44 = vector.shape_cast %get3A_43 : vector<1x64x256xbf16> to vector<64x256xbf16>
    %dot_general3A_45 = arith.constant dense<0.000000e+00> : vector<512x256xf32>
    %dot_general3A_46 = tpu.matmul %get3A_39, %get3A_44, %dot_general3A_45 {dimension_numbers = #tpu.dot_dimension_numbers<[1], [0], [0], [1], [0, 0, 1, 1], [], []>, transpose_lhs_hint = false} : vector<512x64xbf16>, vector<64x256xbf16>, vector<512x256xf32> -> vector<512x256xf32>
    %add3A_47 = arith.addf %add3A_34, %dot_general3A_46 : vector<512x256xf32>
    %get3A_48 = arith.constant 4 : index
    %get3A_49 = arith.constant 0 : index
    %get3A_50 = arith.constant 0 : index
    %get3A_51 = vector.load %arg1[%get3A_48, %get3A_49, %get3A_50] : memref<9x512x64xbf16, #tpu.memory_space<vmem>>, vector<1x512x64xbf16>
    %get3A_52 = vector.shape_cast %get3A_51 : vector<1x512x64xbf16> to vector<512x64xbf16>
    %get3A_53 = arith.constant 4 : index
    %get3A_54 = arith.constant 0 : index
    %get3A_55 = arith.constant 0 : index
    %get3A_56 = vector.load %arg2[%get3A_53, %get3A_54, %get3A_55] : memref<9x64x256xbf16, #tpu.memory_space<vmem>>, vector<1x64x256xbf16>
    %get3A_57 = vector.shape_cast %get3A_56 : vector<1x64x256xbf16> to vector<64x256xbf16>
    %dot_general3A_58 = arith.constant dense<0.000000e+00> : vector<512x256xf32>
    %dot_general3A_59 = tpu.matmul %get3A_52, %get3A_57, %dot_general3A_58 {dimension_numbers = #tpu.dot_dimension_numbers<[1], [0], [0], [1], [0, 0, 1, 1], [], []>, transpose_lhs_hint = false} : vector<512x64xbf16>, vector<64x256xbf16>, vector<512x256xf32> -> vector<512x256xf32>
    %add3A_60 = arith.addf %add3A_47, %dot_general3A_59 : vector<512x256xf32>
    %get3A_61 = arith.constant 5 : index
    %get3A_62 = arith.constant 0 : index
    %get3A_63 = arith.constant 0 : index
    %get3A_64 = vector.load %arg1[%get3A_61, %get3A_62, %get3A_63] : memref<9x512x64xbf16, #tpu.memory_space<vmem>>, vector<1x512x64xbf16>
    %get3A_65 = vector.shape_cast %get3A_64 : vector<1x512x64xbf16> to vector<512x64xbf16>
    %get3A_66 = arith.constant 5 : index
    %get3A_67 = arith.constant 0 : index
    %get3A_68 = arith.constant 0 : index
    %get3A_69 = vector.load %arg2[%get3A_66, %get3A_67, %get3A_68] : memref<9x64x256xbf16, #tpu.memory_space<vmem>>, vector<1x64x256xbf16>
    %get3A_70 = vector.shape_cast %get3A_69 : vector<1x64x256xbf16> to vector<64x256xbf16>
    %dot_general3A_71 = arith.constant dense<0.000000e+00> : vector<512x256xf32>
    %dot_general3A_72 = tpu.matmul %get3A_65, %get3A_70, %dot_general3A_71 {dimension_numbers = #tpu.dot_dimension_numbers<[1], [0], [0], [1], [0, 0, 1, 1], [], []>, transpose_lhs_hint = false} : vector<512x64xbf16>, vector<64x256xbf16>, vector<512x256xf32> -> vector<512x256xf32>
    %add3A_73 = arith.addf %add3A_60, %dot_general3A_72 : vector<512x256xf32>
    %get3A_74 = arith.constant 6 : index
    %get3A_75 = arith.constant 0 : index
    %get3A_76 = arith.constant 0 : index
    %get3A_77 = vector.load %arg1[%get3A_74, %get3A_75, %get3A_76] : memref<9x512x64xbf16, #tpu.memory_space<vmem>>, vector<1x512x64xbf16>
    %get3A_78 = vector.shape_cast %get3A_77 : vector<1x512x64xbf16> to vector<512x64xbf16>
    %get3A_79 = arith.constant 6 : index
    %get3A_80 = arith.constant 0 : index
    %get3A_81 = arith.constant 0 : index
    %get3A_82 = vector.load %arg2[%get3A_79, %get3A_80, %get3A_81] : memref<9x64x256xbf16, #tpu.memory_space<vmem>>, vector<1x64x256xbf16>
    %get3A_83 = vector.shape_cast %get3A_82 : vector<1x64x256xbf16> to vector<64x256xbf16>
    %dot_general3A_84 = arith.constant dense<0.000000e+00> : vector<512x256xf32>
    %dot_general3A_85 = tpu.matmul %get3A_78, %get3A_83, %dot_general3A_84 {dimension_numbers = #tpu.dot_dimension_numbers<[1], [0], [0], [1], [0, 0, 1, 1], [], []>, transpose_lhs_hint = false} : vector<512x64xbf16>, vector<64x256xbf16>, vector<512x256xf32> -> vector<512x256xf32>
    %add3A_86 = arith.addf %add3A_73, %dot_general3A_85 : vector<512x256xf32>
    %get3A_87 = arith.constant 7 : index
    %get3A_88 = arith.constant 0 : index
    %get3A_89 = arith.constant 0 : index
    %get3A_90 = vector.load %arg1[%get3A_87, %get3A_88, %get3A_89] : memref<9x512x64xbf16, #tpu.memory_space<vmem>>, vector<1x512x64xbf16>
    %get3A_91 = vector.shape_cast %get3A_90 : vector<1x512x64xbf16> to vector<512x64xbf16>
    %get3A_92 = arith.constant 7 : index
    %get3A_93 = arith.constant 0 : index
    %get3A_94 = arith.constant 0 : index
    %get3A_95 = vector.load %arg2[%get3A_92, %get3A_93, %get3A_94] : memref<9x64x256xbf16, #tpu.memory_space<vmem>>, vector<1x64x256xbf16>
    %get3A_96 = vector.shape_cast %get3A_95 : vector<1x64x256xbf16> to vector<64x256xbf16>
    %dot_general3A_97 = arith.constant dense<0.000000e+00> : vector<512x256xf32>
    %dot_general3A_98 = tpu.matmul %get3A_91, %get3A_96, %dot_general3A_97 {dimension_numbers = #tpu.dot_dimension_numbers<[1], [0], [0], [1], [0, 0, 1, 1], [], []>, transpose_lhs_hint = false} : vector<512x64xbf16>, vector<64x256xbf16>, vector<512x256xf32> -> vector<512x256xf32>
    %add3A_99 = arith.addf %add3A_86, %dot_general3A_98 : vector<512x256xf32>
    %get3A_100 = arith.constant 8 : index
    %get3A_101 = arith.constant 0 : index
    %get3A_102 = arith.constant 0 : index
    %get3A_103 = vector.load %arg1[%get3A_100, %get3A_101, %get3A_102] : memref<9x512x64xbf16, #tpu.memory_space<vmem>>, vector<1x512x64xbf16>
    %get3A_104 = vector.shape_cast %get3A_103 : vector<1x512x64xbf16> to vector<512x64xbf16>
    %get3A_105 = arith.constant 8 : index
    %get3A_106 = arith.constant 0 : index
    %get3A_107 = arith.constant 0 : index
    %get3A_108 = vector.load %arg2[%get3A_105, %get3A_106, %get3A_107] : memref<9x64x256xbf16, #tpu.memory_space<vmem>>, vector<1x64x256xbf16>
    %get3A_109 = vector.shape_cast %get3A_108 : vector<1x64x256xbf16> to vector<64x256xbf16>
    %dot_general3A_110 = arith.constant dense<0.000000e+00> : vector<512x256xf32>
    %dot_general3A_111 = tpu.matmul %get3A_104, %get3A_109, %dot_general3A_110 {dimension_numbers = #tpu.dot_dimension_numbers<[1], [0], [0], [1], [0, 0, 1, 1], [], []>, transpose_lhs_hint = false} : vector<512x64xbf16>, vector<64x256xbf16>, vector<512x256xf32> -> vector<512x256xf32>
    %add3A_112 = arith.addf %add3A_99, %dot_general3A_111 : vector<512x256xf32>
    %max3A = arith.constant 0.000000e+00 : f32
    %max3A_113 = vector.broadcast %max3A : f32 to vector<512x256xf32>
    %max3A_114 = arith.maximumf %add3A_112, %max3A_113 : vector<512x256xf32>
    %get3A_115 = arith.constant 0 : index
    %get3A_116 = arith.constant 0 : index
    %get3A_117 = vector.load %arg3[%get3A_115, %get3A_116] : memref<256x64xbf16, #tpu.memory_space<vmem>>, vector<256x64xbf16>
    %dot_general3A_118 = arith.constant dense<0.000000e+00> : vector<512x64xf32>
    %dot_general3A_119 = tpu.matmul %max3A_114, %get3A_117, %dot_general3A_118 {dimension_numbers = #tpu.dot_dimension_numbers<[1], [0], [0], [1], [0, 0, 1, 1], [], []>, transpose_lhs_hint = false} : vector<512x256xf32>, vector<256x64xbf16>, vector<512x64xf32> -> vector<512x64xf32>
    %max3A_120 = arith.constant 0.000000e+00 : f32
    %max3A_121 = vector.broadcast %max3A_120 : f32 to vector<512x64xf32>
    %max3A_122 = arith.maximumf %dot_general3A_119, %max3A_121 : vector<512x64xf32>
    %get3A_123 = arith.constant 0 : index
    %get3A_124 = arith.constant 0 : index
    %get3A_125 = vector.load %arg4[%get3A_123, %get3A_124] : memref<64x32xbf16, #tpu.memory_space<vmem>>, vector<64x32xbf16>
    %dot_general3A_126 = arith.constant dense<0.000000e+00> : vector<512x32xf32>
    %dot_general3A_127 = tpu.matmul %max3A_122, %get3A_125, %dot_general3A_126 {dimension_numbers = #tpu.dot_dimension_numbers<[1], [0], [0], [1], [0, 0, 1, 1], [], []>, transpose_lhs_hint = false} : vector<512x64xf32>, vector<64x32xbf16>, vector<512x32xf32> -> vector<512x32xf32>
    %convert_element_type3A = arith.truncf %dot_general3A_127 : vector<512x32xf32> to vector<512x32xbf16>
    %swap3A = arith.constant 0 : index
    %swap3A_128 = arith.constant 0 : index
    %swap3A_129 = vector.load %arg7[%swap3A, %swap3A_128] : memref<512x32xbf16, #tpu.memory_space<vmem>>, vector<512x32xbf16>
    tpu.vector_store %arg7[%swap3A, %swap3A_128], %convert_element_type3A {strides = array<i32>} : memref<512x32xbf16, #tpu.memory_space<vmem>>, vector<512x32xbf16>,
    %get3A_130 = arith.constant 0 : index
    %get3A_131 = arith.constant 0 : index
    %get3A_132 = vector.load %arg5[%get3A_130, %get3A_131] : memref<256x64xbf16, #tpu.memory_space<vmem>>, vector<256x64xbf16>
    %dot_general3A_133 = arith.constant dense<0.000000e+00> : vector<512x64xf32>
    %dot_general3A_134 = tpu.matmul %max3A_114, %get3A_132, %dot_general3A_133 {dimension_numbers = #tpu.dot_dimension_numbers<[1], [0], [0], [1], [0, 0, 1, 1], [], []>, transpose_lhs_hint = false} : vector<512x256xf32>, vector<256x64xbf16>, vector<512x64xf32> -> vector<512x64xf32>
    %max3A_135 = arith.constant 0.000000e+00 : f32
    %max3A_136 = vector.broadcast %max3A_135 : f32 to vector<512x64xf32>
    %max3A_137 = arith.maximumf %dot_general3A_134, %max3A_136 : vector<512x64xf32>
    %get3A_138 = arith.constant 0 : index
    %get3A_139 = arith.constant 0 : index
    %get3A_140 = vector.load %arg6[%get3A_138, %get3A_139] : memref<64x32xbf16, #tpu.memory_space<vmem>>, vector<64x32xbf16>
    %dot_general3A_141 = arith.constant dense<0.000000e+00> : vector<512x32xf32>
    %dot_general3A_142 = tpu.matmul %max3A_137, %get3A_140, %dot_general3A_141 {dimension_numbers = #tpu.dot_dimension_numbers<[1], [0], [0], [1], [0, 0, 1, 1], [], []>, transpose_lhs_hint = false} : vector<512x64xf32>, vector<64x32xbf16>, vector<512x32xf32> -> vector<512x32xf32>
    %convert_element_type3A_143 = arith.truncf %dot_general3A_142 : vector<512x32xf32> to vector<512x32xbf16>
    %swap3A_144 = arith.constant 0 : index
    %swap3A_145 = arith.constant 0 : index
    %swap3A_146 = vector.load %arg8[%swap3A_144, %swap3A_145] : memref<512x32xbf16, #tpu.memory_space<vmem>>, vector<512x32xbf16>
    tpu.vector_store %arg8[%swap3A_144, %swap3A_145], %convert_element_type3A_143 {strides = array<i32>} : memref<512x32xbf16, #tpu.memory_space<vmem>>, vector<512x32xbf16>,
    return
  }
  func.func @transform_0(%arg0: i32) -> (i32, i32, i32) {
    %c0_i32 = arith.constant 0 : i32
    %c0_i32_0 = arith.constant 0 : i32
    %c0_i32_1 = arith.constant 0 : i32
    return %c0_i32, %arg0, %c0_i32_0 : i32, i32, i32
  }
  func.func @transform_1(%arg0: i32) -> (i32, i32, i32) {
    %c0_i32 = arith.constant 0 : i32
    %c0_i32_0 = arith.constant 0 : i32
    %c0_i32_1 = arith.constant 0 : i32
    %c0_i32_2 = arith.constant 0 : i32
    return %c0_i32, %c0_i32_0, %c0_i32_1 : i32, i32, i32
  }
  func.func @transform_2(%arg0: i32) -> (i32, i32) {
    %c0_i32 = arith.constant 0 : i32
    %c0_i32_0 = arith.constant 0 : i32
    %c0_i32_1 = arith.constant 0 : i32
    return %c0_i32, %c0_i32_0 : i32, i32
  }
  func.func @transform_3(%arg0: i32) -> (i32, i32) {
    %c0_i32 = arith.constant 0 : i32
    %c0_i32_0 = arith.constant 0 : i32
    %c0_i32_1 = arith.constant 0 : i32
    return %c0_i32, %c0_i32_0 : i32, i32
  }
  func.func @transform_4(%arg0: i32) -> (i32, i32) {
    %c0_i32 = arith.constant 0 : i32
    %c0_i32_0 = arith.constant 0 : i32
    %c0_i32_1 = arith.constant 0 : i32
    return %c0_i32, %c0_i32_0 : i32, i32
  }
  func.func @transform_5(%arg0: i32) -> (i32, i32) {
    %c0_i32 = arith.constant 0 : i32
    %c0_i32_0 = arith.constant 0 : i32
    %c0_i32_1 = arith.constant 0 : i32
    return %c0_i32, %c0_i32_0 : i32, i32
  }
  func.func @transform_6(%arg0: i32) -> (i32, i32) {
    %c0_i32 = arith.constant 0 : i32
    %c0_i32_0 = arith.constant 0 : i32
    return %arg0, %c0_i32 : i32, i32
  }
  func.func @transform_7(%arg0: i32) -> (i32, i32) {
    %c0_i32 = arith.constant 0 : i32
    %c0_i32_0 = arith.constant 0 : i32
    return %arg0, %c0_i32 : i32, i32
  }
}

module attributes {stable_mosaic.version = 14 : i64} {
  func.func @_scores_body(%arg0: i32, %arg1: i32, %arg2: memref<1x256x32xbf16, #tpu.memory_space<vmem>>, %arg3: memref<1x32x4096xbf16, #tpu.memory_space<vmem>>, %arg4: memref<1x256x2048xi32, #tpu.memory_space<vmem>>) attributes {dimension_semantics = [#tpu.dimension_semantics<arbitrary>, #tpu.dimension_semantics<arbitrary>], iteration_bounds = array<i64: 2, 16>, scalar_prefetch = 0 : i64, scratch_operands = 0 : i64, tpu.core_type = #tpu.core_type<tc>, window_params = [{transform_indices = @transform_0, window_bounds = array<i64: 1, 256, 32>}, {transform_indices = @transform_1, window_bounds = array<i64: 1, 32, 4096>}, {transform_indices = @transform_2, window_bounds = array<i64: 1, 256, 2048>}]} {
    %get3A = arith.constant 0 : index
    %get3A_0 = arith.constant 0 : index
    %get3A_1 = arith.constant 0 : index
    %get3A_2 = vector.load %arg2[%get3A, %get3A_0, %get3A_1] : memref<1x256x32xbf16, #tpu.memory_space<vmem>>, vector<1x256x32xbf16>
    %get3A_3 = vector.shape_cast %get3A_2 : vector<1x256x32xbf16> to vector<256x32xbf16>
    %get3A_4 = arith.constant 0 : index
    %get3A_5 = arith.constant 0 : index
    %get3A_6 = arith.constant 0 : index
    %get3A_7 = vector.load %arg3[%get3A_4, %get3A_5, %get3A_6] : memref<1x32x4096xbf16, #tpu.memory_space<vmem>>, vector<1x32x4096xbf16>
    %get3A_8 = vector.shape_cast %get3A_7 : vector<1x32x4096xbf16> to vector<32x4096xbf16>
    %dot_general3A = arith.constant dense<0.000000e+00> : vector<256x4096xf32>
    %dot_general3A_9 = tpu.matmul %get3A_3, %get3A_8, %dot_general3A {dimension_numbers = #tpu.dot_dimension_numbers<[1], [0], [0], [1], [0, 0, 1, 1], [], []>, transpose_lhs_hint = false} : vector<256x32xbf16>, vector<32x4096xbf16>, vector<256x4096xf32> -> vector<256x4096xf32>
    %mul3A = arith.constant 0.176776692 : f32
    %mul3A_10 = vector.broadcast %mul3A : f32 to vector<256x4096xf32>
    %mul3A_11 = arith.mulf %dot_general3A_9, %mul3A_10 : vector<256x4096xf32>
    %convert_element_type3A = arith.truncf %mul3A_11 : vector<256x4096xf32> to vector<256x4096xbf16>
    %slice3A = vector.extract_strided_slice %convert_element_type3A {offsets = [0, 0], sizes = [256, 2048], strides = [1, 1]} : vector<256x4096xbf16> to vector<256x2048xbf16>
    %bitcast_convert_type3A = tpu.bitcast %slice3A : vector<256x2048xbf16> -> vector<256x2048xi16>
    %convert_element_type3A_12 = arith.extsi %bitcast_convert_type3A : vector<256x2048xi16> to vector<256x2048xi32>
    %slice3A_13 = vector.extract_strided_slice %convert_element_type3A {offsets = [0, 2048], sizes = [256, 2048], strides = [1, 1]} : vector<256x4096xbf16> to vector<256x2048xbf16>
    %bitcast_convert_type3A_14 = tpu.bitcast %slice3A_13 : vector<256x2048xbf16> -> vector<256x2048xi16>
    %convert_element_type3A_15 = arith.extsi %bitcast_convert_type3A_14 : vector<256x2048xi16> to vector<256x2048xi32>
    %and3A = arith.constant 65535 : i32
    %and3A_16 = vector.broadcast %and3A : i32 to vector<256x2048xi32>
    %and3A_17 = arith.andi %convert_element_type3A_12, %and3A_16 : vector<256x2048xi32>
    %shift_left3A = arith.constant 16 : i32
    %shift_left3A_18 = vector.broadcast %shift_left3A : i32 to vector<256x2048xi32>
    %shift_left3A_19 = arith.shli %convert_element_type3A_15, %shift_left3A_18 : vector<256x2048xi32>
    %or3A = arith.ori %and3A_17, %shift_left3A_19 : vector<256x2048xi32>
    %swap3A = arith.constant 0 : index
    %swap3A_20 = arith.constant 0 : index
    %swap3A_21 = arith.constant 0 : index
    %swap3A_22 = vector.load %arg4[%swap3A, %swap3A_20, %swap3A_21] : memref<1x256x2048xi32, #tpu.memory_space<vmem>>, vector<1x256x2048xi32>
    %swap3A_23 = vector.shape_cast %swap3A_22 : vector<1x256x2048xi32> to vector<256x2048xi32>
    %swap3A_24 = vector.shape_cast %or3A : vector<256x2048xi32> to vector<1x256x2048xi32>
    tpu.vector_store %arg4[%swap3A, %swap3A_20, %swap3A_21], %swap3A_24 {strides = array<i32>} : memref<1x256x2048xi32, #tpu.memory_space<vmem>>, vector<1x256x2048xi32>,
    return
  }
  func.func @transform_0(%arg0: i32, %arg1: i32) -> (i32, i32, i32) {
    %c0_i32 = arith.constant 0 : i32
    %c0_i32_0 = arith.constant 0 : i32
    return %arg0, %arg1, %c0_i32 : i32, i32, i32
  }
  func.func @transform_1(%arg0: i32, %arg1: i32) -> (i32, i32, i32) {
    %c0_i32 = arith.constant 0 : i32
    %c0_i32_0 = arith.constant 0 : i32
    %c0_i32_1 = arith.constant 0 : i32
    return %arg0, %c0_i32, %c0_i32_0 : i32, i32, i32
  }
  func.func @transform_2(%arg0: i32, %arg1: i32) -> (i32, i32, i32) {
    %c0_i32 = arith.constant 0 : i32
    %c0_i32_0 = arith.constant 0 : i32
    return %arg0, %arg1, %c0_i32 : i32, i32, i32
  }
}

module attributes {stable_mosaic.version = 14 : i64} {
  func.func @_loss_body(%arg0: i32, %arg1: memref<512x1024xf32, #tpu.memory_space<vmem>>, %arg2: memref<512x1024xi32, #tpu.memory_space<vmem>>, %arg3: memref<512x1xi32, #tpu.memory_space<vmem>>, %arg4: memref<1x1xf32, #tpu.memory_space<smem>>, %arg5: memref<2xf32, #tpu.memory_space<smem>>) attributes {dimension_semantics = [#tpu.dimension_semantics<arbitrary>], iteration_bounds = array<i64: 16>, scalar_prefetch = 0 : i64, scratch_operands = 1 : i64, tpu.core_type = #tpu.core_type<tc>, window_params = [{transform_indices = @transform_0, window_bounds = array<i64: 512, 1024>}, {transform_indices = @transform_1, window_bounds = array<i64: 512, 1024>}, {transform_indices = @transform_2, window_bounds = array<i64: 512, 1>}, {transform_indices = @transform_3, window_bounds = array<i64: 1, 1>}]} {
    %eq3A = arith.constant 0 : i32
    %eq3A_0 = arith.cmpi eq, %arg0, %eq3A : i32
    %convert_element_type3A = arith.extui %eq3A_0 : i1 to i32
    %cond3A = arith.constant 0 : i32
    %cond3A_1 = arith.cmpi ne, %convert_element_type3A, %cond3A : i32
    scf.if %cond3A_1 {
      %swap3A_70 = arith.constant 0.000000e+00 : f32
      %swap3A_71 = arith.constant 0 : index
      %swap3A_72 = memref.load %arg5[%swap3A_71] : memref<2xf32, #tpu.memory_space<smem>>
      memref.store %swap3A_70, %arg5[%swap3A_71] : memref<2xf32, #tpu.memory_space<smem>>
      %swap3A_73 = arith.constant 0.000000e+00 : f32
      %swap3A_74 = arith.constant 1 : index
      %swap3A_75 = memref.load %arg5[%swap3A_74] : memref<2xf32, #tpu.memory_space<smem>>
      memref.store %swap3A_73, %arg5[%swap3A_74] : memref<2xf32, #tpu.memory_space<smem>>
    } else {
    }
    %get3A = arith.constant 0 : index
    %get3A_2 = arith.constant 0 : index
    %get3A_3 = vector.load %arg1[%get3A, %get3A_2] : memref<512x1024xf32, #tpu.memory_space<vmem>>, vector<512x1024xf32>
    %reduce_max3A = arith.constant dense<0xFF800000> : vector<512xf32>
    %reduce_max3A_4 = vector.multi_reduction <maximumf>, %get3A_3, %reduce_max3A [1] : vector<512x1024xf32> to vector<512xf32>
    %broadcast_in_dim3A = vector.shape_cast %reduce_max3A_4 : vector<512xf32> to vector<512x1xf32>
    %sub3A = vector.broadcast %broadcast_in_dim3A : vector<512x1xf32> to vector<512x1024xf32>
    %sub3A_5 = arith.subf %get3A_3, %sub3A : vector<512x1024xf32>
    %exp3A = math.exp %sub3A_5 : vector<512x1024xf32>
    %reduce_sum3A = arith.constant dense<0.000000e+00> : vector<512xf32>
    %reduce_sum3A_6 = vector.multi_reduction <add>, %exp3A, %reduce_sum3A [1] : vector<512x1024xf32> to vector<512xf32>
    %broadcast_in_dim3A_7 = vector.shape_cast %reduce_sum3A_6 : vector<512xf32> to vector<512x1xf32>
    %add3A = arith.constant 9.99999996E-13 : f32
    %add3A_8 = vector.broadcast %add3A : f32 to vector<512x1xf32>
    %add3A_9 = arith.addf %broadcast_in_dim3A_7, %add3A_8 : vector<512x1xf32>
    %div3A = vector.broadcast %add3A_9 : vector<512x1xf32> to vector<512x1024xf32>
    %div3A_10 = arith.divf %exp3A, %div3A : vector<512x1024xf32>
    %max3A = arith.constant 9.99999993E-9 : f32
    %max3A_11 = vector.broadcast %max3A : f32 to vector<512x1024xf32>
    %max3A_12 = arith.maximumf %div3A_10, %max3A_11 : vector<512x1024xf32>
    %log3A = math.log %max3A_12 : vector<512x1024xf32>
    %get3A_13 = arith.constant 0 : index
    %get3A_14 = arith.constant 0 : index
    %get3A_15 = vector.load %arg3[%get3A_13, %get3A_14] : memref<512x1xi32, #tpu.memory_space<vmem>>, vector<512x1xi32>
    %get3A_16 = arith.constant 0 : index
    %get3A_17 = arith.constant 0 : index
    %get3A_18 = vector.load %arg2[%get3A_16, %get3A_17] : memref<512x1024xi32, #tpu.memory_space<vmem>>, vector<512x1024xi32>
    %eq3A_19 = vector.broadcast %get3A_15 : vector<512x1xi32> to vector<512x1024xi32>
    %eq3A_20 = arith.cmpi eq, %get3A_18, %eq3A_19 : vector<512x1024xi32>
    %convert_element_type3A_21 = arith.extui %eq3A_20 : vector<512x1024xi1> to vector<512x1024xi32>
    %convert_element_type3A_22 = arith.sitofp %convert_element_type3A_21 : vector<512x1024xi32> to vector<512x1024xf32>
    %reduce_sum3A_23 = arith.constant dense<0.000000e+00> : vector<512xf32>
    %reduce_sum3A_24 = vector.multi_reduction <add>, %convert_element_type3A_22, %reduce_sum3A_23 [1] : vector<512x1024xf32> to vector<512xf32>
    %broadcast_in_dim3A_25 = vector.shape_cast %reduce_sum3A_24 : vector<512xf32> to vector<512x1xf32>
    %add3A_26 = arith.constant 9.99999971E-10 : f32
    %add3A_27 = vector.broadcast %add3A_26 : f32 to vector<512x1xf32>
    %add3A_28 = arith.addf %broadcast_in_dim3A_25, %add3A_27 : vector<512x1xf32>
    %div3A_29 = vector.broadcast %add3A_28 : vector<512x1xf32> to vector<512x1024xf32>
    %div3A_30 = arith.divf %convert_element_type3A_22, %div3A_29 : vector<512x1024xf32>
    %max3A_31 = arith.constant 1.000000e-30 : f32
    %max3A_32 = vector.broadcast %max3A_31 : f32 to vector<512x1024xf32>
    %max3A_33 = arith.maximumf %div3A_30, %max3A_32 : vector<512x1024xf32>
    %log3A_34 = math.log %max3A_33 : vector<512x1024xf32>
    %gt3A = arith.constant 0.000000e+00 : f32
    %gt3A_35 = vector.broadcast %gt3A : f32 to vector<512x1024xf32>
    %gt3A_36 = arith.cmpf ogt, %div3A_30, %gt3A_35 : vector<512x1024xf32>
    %sub3A_37 = arith.subf %log3A_34, %log3A : vector<512x1024xf32>
    %mul3A = arith.mulf %div3A_30, %sub3A_37 : vector<512x1024xf32>
    %jit3A = arith.constant 0.000000e+00 : f32
    %broadcast_in_dim3A_38 = vector.broadcast %jit3A : f32 to vector<512x1024xf32>
    %select_n3A = arith.select %gt3A_36, %mul3A, %broadcast_in_dim3A_38 : vector<512x1024xi1>, vector<512x1024xf32>
    %reduce_sum3A_39 = arith.constant dense<0.000000e+00> : vector<512xf32>
    %reduce_sum3A_40 = vector.multi_reduction <add>, %select_n3A, %reduce_sum3A_39 [1] : vector<512x1024xf32> to vector<512xf32>
    %squeeze3A = vector.shape_cast %get3A_15 : vector<512x1xi32> to vector<512xi32>
    %ne3A = arith.constant 0 : i32
    %ne3A_41 = vector.broadcast %ne3A : i32 to vector<512xi32>
    %ne3A_42 = arith.cmpi ne, %squeeze3A, %ne3A_41 : vector<512xi32>
    %convert_element_type3A_43 = arith.extui %ne3A_42 : vector<512xi1> to vector<512xi32>
    %convert_element_type3A_44 = arith.sitofp %convert_element_type3A_43 : vector<512xi32> to vector<512xf32>
    %get3A_45 = arith.constant 0 : index
    %get3A_46 = memref.load %arg5[%get3A_45] : memref<2xf32, #tpu.memory_space<smem>>
    %mul3A_47 = arith.mulf %reduce_sum3A_40, %convert_element_type3A_44 : vector<512xf32>
    %reduce_sum3A_48 = vector.shape_cast %mul3A_47 : vector<512xf32> to vector<1x512xf32>
    %reduce_sum3A_49 = arith.constant dense<0.000000e+00> : vector<1xf32>
    %reduce_sum3A_50 = vector.multi_reduction <add>, %reduce_sum3A_48, %reduce_sum3A_49 [1] : vector<1x512xf32> to vector<1xf32>
    %reduce_sum3A_51 = vector.shape_cast %reduce_sum3A_50 : vector<1xf32> to vector<1x1xf32>
    %reduce_sum3A_52 = vector.extract %reduce_sum3A_51[0, 0] : f32 from vector<1x1xf32>
    %add3A_53 = arith.addf %get3A_46, %reduce_sum3A_52 : f32
    %swap3A = arith.constant 0 : index
    %swap3A_54 = memref.load %arg5[%swap3A] : memref<2xf32, #tpu.memory_space<smem>>
    memref.store %add3A_53, %arg5[%swap3A] : memref<2xf32, #tpu.memory_space<smem>>
    %get3A_55 = arith.constant 1 : index
    %get3A_56 = memref.load %arg5[%get3A_55] : memref<2xf32, #tpu.memory_space<smem>>
    %reduce_sum3A_57 = vector.shape_cast %convert_element_type3A_44 : vector<512xf32> to vector<1x512xf32>
    %reduce_sum3A_58 = arith.constant dense<0.000000e+00> : vector<1xf32>
    %reduce_sum3A_59 = vector.multi_reduction <add>, %reduce_sum3A_57, %reduce_sum3A_58 [1] : vector<1x512xf32> to vector<1xf32>
    %reduce_sum3A_60 = vector.shape_cast %reduce_sum3A_59 : vector<1xf32> to vector<1x1xf32>
    %reduce_sum3A_61 = vector.extract %reduce_sum3A_60[0, 0] : f32 from vector<1x1xf32>
    %add3A_62 = arith.addf %get3A_56, %reduce_sum3A_61 : f32
    %swap3A_63 = arith.constant 1 : index
    %swap3A_64 = memref.load %arg5[%swap3A_63] : memref<2xf32, #tpu.memory_space<smem>>
    memref.store %add3A_62, %arg5[%swap3A_63] : memref<2xf32, #tpu.memory_space<smem>>
    %eq3A_65 = arith.constant 15 : i32
    %eq3A_66 = arith.cmpi eq, %arg0, %eq3A_65 : i32
    %convert_element_type3A_67 = arith.extui %eq3A_66 : i1 to i32
    %cond3A_68 = arith.constant 0 : i32
    %cond3A_69 = arith.cmpi ne, %convert_element_type3A_67, %cond3A_68 : i32
    scf.if %cond3A_69 {
      %get3A_70 = arith.constant 0 : index
      %get3A_71 = memref.load %arg5[%get3A_70] : memref<2xf32, #tpu.memory_space<smem>>
      %get3A_72 = arith.constant 1 : index
      %get3A_73 = memref.load %arg5[%get3A_72] : memref<2xf32, #tpu.memory_space<smem>>
      %add3A_74 = arith.constant 9.99999971E-10 : f32
      %add3A_75 = arith.addf %get3A_73, %add3A_74 : f32
      %div3A_76 = arith.divf %get3A_71, %add3A_75 : f32
      %swap3A_77 = arith.constant 0 : index
      %swap3A_78 = arith.constant 0 : index
      %swap3A_79 = memref.load %arg4[%swap3A_77, %swap3A_78] : memref<1x1xf32, #tpu.memory_space<smem>>
      memref.store %div3A_76, %arg4[%swap3A_77, %swap3A_78] : memref<1x1xf32, #tpu.memory_space<smem>>
    } else {
    }
    return
  }
  func.func @transform_0(%arg0: i32) -> (i32, i32) {
    %c0_i32 = arith.constant 0 : i32
    %c0_i32_0 = arith.constant 0 : i32
    return %arg0, %c0_i32 : i32, i32
  }
  func.func @transform_1(%arg0: i32) -> (i32, i32) {
    %c0_i32 = arith.constant 0 : i32
    %c0_i32_0 = arith.constant 0 : i32
    return %arg0, %c0_i32 : i32, i32
  }
  func.func @transform_2(%arg0: i32) -> (i32, i32) {
    %c0_i32 = arith.constant 0 : i32
    %c0_i32_0 = arith.constant 0 : i32
    return %arg0, %c0_i32 : i32, i32
  }
  func.func @transform_3(%arg0: i32) -> (i32, i32) {
    %c0_i32 = arith.constant 0 : i32
    %c0_i32_0 = arith.constant 0 : i32
    %c0_i32_1 = arith.constant 0 : i32
    return %c0_i32, %c0_i32_0 : i32, i32
  }
}

</mosaic_0001>

<sc_bundles>
// kernel: kernel.8.cloned.1.call-start
scs
__scs_entry_jumppad:
0x0: {  	(pc) =	sbr.rel $0x88, $3  }
0x1: {  	(tag) =	ssettag $0x0;
	lr =	simm.s32 $0x1  }
0x2: {  	[smem:$0x3F99] =	sst lr;
	_ =	strace $0xD0000000  }
0x3: {  	_ = 	snop  }
0x4: {  	_ = 	snop  }
0x5: {  	_ = 	snop  }
0x6: {  	_ = 	snop  }
0x7: {  	_ = 	snop  }
__scs_overlays_trampoline_lowered:
0x8: {  	[smem:$0x3FA8] =	sst s0  }
0x9: {  	[smem:$0x3FA9] =	sst s1  }
0xa: {  	[smem:$0x3FAA] =	sst s2  }
0xb: {  	[smem:$0x3FAB] =	sst s3  }
0xc: {  	[smem:$0x3FAC] =	sst s4  }
0xd: {  	[smem:$0x3FAD] =	sst s5  }
0xe: {  	[smem:$0x3FAE] =	sst s6  }
0xf: {  	[smem:$0x3FAF] =	sst s7  }
0x10: {  	[smem:$0x3FB0] =	sst s8  }
0x11: {  	[smem:$0x3FB1] =	sst s9;
	s0 =	simm.s32 @!p0 $0x0  }
0x12: {  	s1 =	sld [smem:$0x3F97];
	s0 =	simm.s32 @p0 $0x1  }
0x13: {  	[smem:$0x3FB2] =	sst s0;
	s0 =	simm.s32 @!p1 $0x0  }
0x14: {  	s2 =	sld [smem:$0x3F96];
	s0 =	simm.s32 @p1 $0x1  }
0x15: {  	[smem:$0x3FB3] =	sst s0;
	s0 =	simm.s32 @!p2 $0x0  }
0x16: {  	s3 =	sld [smem:$0x3FDB];
	s0 =	simm.s32 @p2 $0x1  }
0x17: {  	s4 =	simm.s32 $0x1BF5;
	[smem:$0x3FB5] =	sst s0  }
0x18: {  	s0 =	sld [smem:$0x3F98];
	_ =	swait.ge [sflag:s4], $0x0  }
0x19: {  	s7 =	sld [smem:$0x3F99]  }
0x1a: {  	s8 =	sadd.s32 $0xFFFFE003, lr  }
0x1b: {  	s9 =	sadd.s32 $0xFFFFFEF7, lr;
	s5 =	simm.s32 $0xFFFFFFFF;
	p2 =	slt.u32 s8, $0xFFFFF086  }
0x1c: {  	p1 =	slt.u32 s9, $0xF7A;
	s5 =	simm.s32 @!p2 $0x0  }
0x1d: {  	s5 =	simm.s32 @p1 $0x1;
	p0 =	seq.s32 s7, s2  }
0x1e: {  	s7 =	smul.u32 @!p0 $0xF7A, s2;
	p2 =	seq.s32 @!p0 s5, $0x0  }
0x1f: {  	s9 =	smul.u32 $0xF7A, s1;
	s8 =	simm.s32 @!p0 $0x1BF5;
	p2 =	por !p2, p0  }
0x20: {  	[sflag:s8] =	ssyncset.s32 @!p0 $0xFFFFF086;
	s6 =	sadd.s32 @!p0 s3, s7;
	s7 =	simm.s32 @!p0 $0x108  }
0x21: {  	s3 =	sadd.s32 s3, s9;
	s6 =	sadd.s32 @!p0 $0x88, s6;
	s7 =	simm.s32 @p2 $0x1082  }
0x22: {  	[simem:s7], [sflag:s8] =	dma.local @!p0 [hbm:s6], $0xF7A  }
0x23: {  	s9 =	sor.u32 $0xD0000000, s2;
	s6 =	simm.s32 $0x108;
	_ =	swait.ge @!p0 [sflag:s8], $0x0  }
0x24: {  	s3 =	sadd.s32 $0x88, s3;
	s6 =	simm.s32 @!p1 $0x1082;
	[sflag:s4] =	ssyncset.s32 $0xFFFFF086  }
0x25: {  	[simem:s6], [sflag:s4] =	dma.local [hbm:s3], $0xF7A  }
0x26: {  	[smem:$0x3F99] =	sst s1;
	(tag) =	ssettag s2;
	_ =	strace s9  }
0x27: {  	s1 =	sld [smem:$0x3FA9]  }
0x28: {  	s2 =	sld [smem:$0x3FAA]  }
0x29: {  	s4 =	sld [smem:$0x3FAC]  }
0x2a: {  	p0 =	seq.s32 s5, $0x0;
	s5 =	sld [smem:$0x3FAD]  }
0x2b: {  	s6 =	sld [smem:$0x3FAE]  }
0x2c: {  	s7 =	sld [smem:$0x3FAF]  }
0x2d: {  	s3 =	simm.s32 $0x108;
	s8 =	sld [smem:$0x3FB0]  }
0x2e: {  	s3 =	simm.s32 @!p0 $0x1082;
	s9 =	sld [smem:$0x3FB1]  }
0x2f: {  	lr =	sadd.s32 s0, s3;
	s0 =	sld [smem:$0x3FA8]  }
0x30: {  	s3 =	sld [smem:$0x3FAB]  }
0x31: {  	[smem:$0x3FB4] =	sst s10  }
0x32: {  	s10 =	sld [smem:$0x3FB2];
	_ =	sdelay $0x3  }
0x33: {  	p0 =	seq.s32 s10, $0x1;
	s10 =	sld [smem:$0x3FB4];
	_ =	sdelay $0x3  }
0x34: {  	[smem:$0x3FB4] =	sst s10  }
0x35: {  	s10 =	sld [smem:$0x3FB3];
	_ =	sdelay $0x3  }
0x36: {  	p1 =	seq.s32 s10, $0x1;
	s10 =	sld [smem:$0x3FB4];
	_ =	sdelay $0x3  }
0x37: {  	[smem:$0x3FB4] =	sst s10  }
0x38: {  	s10 =	sld [smem:$0x3FB5]  }
0x39: {  	_ = 	snop;
	(pc) =	sbr.ind lr, $3  }
0x3a: {  	_ = 	snop  }
0x3b: {  	_ = 	snop  }
0x3c: {  	p2 =	seq.s32 s10, $0x1;
	s10 =	sld [smem:$0x3FB4]  }
0x3d: {  	_ =	shalt  }
0x3e: {  	_ =	shalt  }
0x3f: {  	_ =	shalt  }
0x40: {  	_ =	shalt  }
0x41: {  	_ =	shalt  }
0x42: {  	_ =	shalt  }
0x43: {  	_ =	shalt  }
0x44: {  	_ =	shalt  }
0x45: {  	_ =	shalt  }
0x46: {  	_ =	shalt  }
0x47: {  	_ =	shalt  }
0x48: {  	_ =	shalt  }
0x49: {  	_ =	shalt  }
0x4a: {  	_ =	shalt  }
0x4b: {  	_ =	shalt  }
0x4c: {  	_ =	shalt  }
0x4d: {  	_ =	shalt  }
0x4e: {  	_ =	shalt  }
0x4f: {  	_ =	shalt  }
0x50: {  	_ =	shalt  }
0x51: {  	_ =	shalt  }
0x52: {  	_ =	shalt  }
0x53: {  	_ =	shalt  }
0x54: {  	_ =	shalt  }
0x55: {  	_ =	shalt  }
0x56: {  	_ =	shalt  }
0x57: {  	_ =	shalt  }
0x58: {  	_ =	shalt  }
0x59: {  	_ =	shalt  }
0x5a: {  	_ =	shalt  }
0x5b: {  	_ =	shalt  }
0x5c: {  	_ =	shalt  }
0x5d: {  	_ =	shalt  }
0x5e: {  	_ =	shalt  }
0x5f: {  	_ =	shalt  }
0x60: {  	_ =	shalt  }
0x61: {  	_ =	shalt  }
0x62: {  	_ =	shalt  }
0x63: {  	_ =	shalt  }
0x64: {  	_ =	shalt  }
0x65: {  	_ =	shalt  }
0x66: {  	_ =	shalt  }
0x67: {  	_ =	shalt  }
0x68: {  	_ =	shalt  }
0x69: {  	_ =	shalt  }
0x6a: {  	_ =	shalt  }
0x6b: {  	_ =	shalt  }
0x6c: {  	_ =	shalt  }
0x6d: {  	_ =	shalt  }
0x6e: {  	_ =	shalt  }
0x6f: {  	_ =	shalt  }
0x70: {  	_ =	shalt  }
0x71: {  	_ =	shalt  }
0x72: {  	_ =	shalt  }
0x73: {  	_ =	shalt  }
0x74: {  	_ =	shalt  }
0x75: {  	_ =	shalt  }
0x76: {  	_ =	shalt  }
0x77: {  	_ =	shalt  }
0x78: {  	_ =	shalt  }
0x79: {  	_ =	shalt  }
0x7a: {  	_ =	shalt  }
0x7b: {  	_ =	shalt  }
0x7c: {  	_ =	shalt  }
0x7d: {  	_ =	shalt  }
0x7e: {  	_ =	shalt  }
0x7f: {  	_ =	shalt  }
0x80: {  	_ =	shalt  }
0x81: {  	_ =	shalt  }
0x82: {  	_ =	shalt  }
0x83: {  	_ =	shalt  }
0x84: {  	_ =	shalt  }
0x85: {  	_ =	shalt  }
0x86: {  	_ =	shalt  }
0x87: {  	_ =	shalt  }
.Lfunc_end0:
.L_simem_size_0:
called_computation_lowered:
.L_overlay_start_0:
0x88: {  	s2 =	sld [smem:$0x3FD9]  }
0x89: {  	s3 =	sld [smem:$0x3FFE];
	_ =	sdelay $0x1  }
0x8a: {  	s1 =	srdreg.scid  }
0x8b: {  	s0 =	sand.u32 $0x1, s1  }
0x8c: {  	s14 =	sshll.u32 s0, $0xA;
	s2 =	sadd.s32 s3, s2  }
0x8d: {  	s2 =	sadd.s32 s2, s14  }
0x8e: {  	[smem:$0x3FC0] =	sst s2  }
0x8f: {  	_ = 	snop  }
0x90: {  	s2 =	sld [smem:$0x3FD0];
	_ =	sdelay $0x2  }
0x91: {  	s15 =	simm.s32 $0xA;
	s4 =	simm.s32 $0x10  }
0x92: {  	[smem:s4], [sflag:s15] =	dma.local [hbm:s2], $0x1  }
0x93: {  	_ =	swait.eq [sflag:s15], $0x1  }
0x94: {  	[sflag:s15] =	ssyncset.done $0x0  }
0x95: {  	[sflag:s15] =	ssyncadd.s32 $0xFFFFFFFF  }
0x96: {  	s16 =	sld [smem:$0x10];
	(tm) =	ssettm $0x1  }
0x97: {  	s17 =	sld [smem:$0x3FFB];
	_ =	sdelay $0x3  }
0x98: {  	_ =	strace s17  }
0x99: {  	s3 =	sld [smem:$0x3FFC];
	_ =	sdelay $0x3  }
0x9a: {  	_ =	strace s3  }
0x9b: {  	s3 =	sld [smem:$0x3FFD];
	_ =	sdelay $0x3  }
0x9c: {  	_ =	strace s3  }
0x9d: {  	_ =	strace $0x8FFFFFFF  }
0x9e: {  	s18 =	sld [smem:$0x3FDB];
	_ =	sdelay $0x1  }
0x9f: {  	s19 =	simm.s32 $_scs_section_size  }
0xa0: {  	s5 =	simm.s32 $_size__tile_overlayer_lowered;
	s6 =	simm.s32 $_tile_overlayer_lowered  }
0xa1: {  	s22 =	simm.s32 $0x1BFF;
	s21 =	sshll.u32 s6, $0x1;
	s3 =	sadd.s32 s19, s18  }
0xa2: {  	s7 =	simm.s32 $0x0;
	s20 =	sshll.u32 s5, $0x1;
	s5 =	sadd.s32 s21, s3  }
0xa3: {  	[timem:s7], [sflag:s22] =	dma.local [hbm:s5], s20  }
0xa4: {  	_ =	swait.ge [sflag:s22], s20  }
0xa5: {  	s4 =	ssub.s32 $0x0, s20;
	[sflag:s22] =	ssyncset.done $0x0  }
0xa6: {  	[sflag:s22] =	ssyncadd.s32 s4;
	_ =	sdelay $0x1  }
0xa7: {  	s23 =	simm.s32 $0x1B8B  }
0xa8: {  	_ =	swait.ge [sflag:s23], $0x1  }
0xa9: {  	[sflag:s23] =	ssyncset.done $0x0  }
0xaa: {  	s25 =	simm.s32 $0x1B8E;
	s24 =	sld [smem:$0x3FFE];
	[sflag:s23] =	ssyncadd.s32 $0xFFFFFFFF  }
0xab: {  	s26 =	simm.s32 $execute0_lowered;
	[smem:$0x3FD2] =	sst s25  }
0xac: {  	s5 =	sshll.u32 s26, $0x1;
	_ =	strace $0x80000046;
	[dreg:$0x1] =	wrdreg $0xFFFFFFFF  }
0xad: {  	s28 =	simm.s32 $_size_execute0_lowered;
	s3 =	sadd.s32 s3, s5;
	[dreg:$0x0] =	wrdreg $0x0  }
0xae: {  	s5 =	sshll.u32 s28, $0x1;
	[dreg:$0x2] =	wrdreg s3  }
0xaf: {  	[dreg:$0x3] =	wrdreg s5  }
0xb0: {  	[dreg:$0x4] =	wrdreg $0xC0  }
0xb1: {  	_ =	task [dreg:s7], $0x5FFFF  }
0xb2: {  	[dreg:$0x1] =	wrdreg $0xFFFFFFFF  }
0xb3: {  	[dreg:$0x0] =	wrdreg $0x60  }
0xb4: {  	[dreg:$0x2] =	wrdreg s24  }
0xb5: {  	[dreg:$0x3] =	wrdreg s16  }
0xb6: {  	[dreg:$0x4] =	wrdreg $0x9  }
0xb7: {  	_ =	task.clear_ibuf [dreg:s7], $0x5FFFF;
	_ =	strace $0x90000046  }
0xb8: {  	s29 =	simm.s32 $0x9;
	_ =	strace $0x80000048  }
0xb9: {  	_ =	swait.ge [sflag:s29], $0x1  }
0xba: {  	[sflag:s29] =	ssyncadd.s32 $0xFFFFFFFF  }
0xbb: {  	_ =	strace $0x90000048  }
0xbc: {  	_ =	sfence  }
0xbd: {  	s30 =	sld [smem:$0x0];
	_ =	sdelay $0x2  }
0xbe: {  	s31 =	sshll.u32 s1, $0xD;
	s1 =	sshrl.u32 s1, $0x2  }
0xbf: {  	s3 =	sand.u32 $0x4000, s31;
	s1 =	sadd.s32 s1, s30  }
0xc0: {  	s0 =	sor.u32 s3, s0;
	s1 =	sshll.u32 s1, $0x11  }
0xc1: {  	s0 =	sor.u32 s1, s0  }
0xc2: {  	s0 =	sadd.s32 $0x8F2B, s0  }
0xc3: {  	[sflag:s0] =	ssyncadd.remote.s32 $0x1  }
0xc4: {  	_ =	sfence.sel $0xFFFF  }
0xc5: {  	[dreg:$0x0] =	wrdreg $0xFFFFFFFF;
	(pc) =	sbr.abs _section_cstart, $3  }
0xc6: {  	[dreg:$0x1] =	wrdreg $0xFFFFFFFF  }
0xc7: {  	_ =	task.clear_ibuf [dreg:s7], $0x2FFFF;
	_ =	strace $0x9FFFFFFF  }
0xc8: {  	(tm) =	ssettm $0x7FFFFFFF  }
0xc9: {  	_ =	shalt  }
tec
execute0_lowered:
.L_overlay_start_1:
0x0: {  	(tag) =	ssettag $0x1  }
0x1: {  	s0 =	rddreg [dreg:$0x0]  }
0x2: {  	s1 =	rddreg [dreg:$0x1];
	s2 =	simm.s32 $0x0  }
0x3: {  	s3 =	srdreg.scid;
	s12 =	stileid.u32;
	s13 =	simm.s32 $0x80  }
0x4: {  	s24 =	simm.s32 $0x1200;
	s25 =	simm.s32 $0x1400;
	s26 =	simm.s32 $0x1C00  }
0x5: {  	s30 =	simm.s32 $0x1800;
	s31 =	simm.s32 $0x2000;
	s28 =	simm.s32 $0x8  }
0x6: {  	s29 =	simm.s32 $0x0;
	[smem:$0x7FF] =	sst s2;
	s3 =	sand.u32 $0x1, s3  }
0x7: {  	s4 =	sadd.s32 $0x400, s0;
	s5 =	sadd.s32 $0x200400, s0;
	s9 =	sshll.u32 s12, $0x1  }
0x8: {  	s6 =	sadd.s32 $0x280400, s0;
	_ =	strace $0x80000047;
	[dreg:$0x3] =	wrdreg s24  }
0x9: {  	s21 =	sshll.u32 s12, $0x9;
	s23 =	sshll.u32 s12, $0x10;
	[dreg:$0x4] =	wrdreg s25  }
0xa: {  	s7 =	ssub.s32 $0x2, s3;
	s15 =	sor.u32 s3, s9;
	[dreg:$0x5] =	wrdreg s26  }
0xb: {  	s16 =	sand.u32 $0x10, s9;
	s22 =	sshll.u32 s3, $0x8;
	[dreg:$0x6] =	wrdreg s30  }
0xc: {  	s3 =	sshll.u32 s3, $0xF;
	[dreg:$0x7] =	wrdreg s31;
	s24 =	simm.s32 $0x5  }
0xd: {  	s25 =	simm.s32 $0x7;
	s26 =	simm.s32 $0x6;
	s8 =	sshrl.u32 s7, $0x1  }
0xe: {  	s17 =	sshll.u32 s15, $0x10;
	s11 =	sshll.u32 s15, $0xE;
	s0 =	sadd.s32 s0, s16  }
0xf: {  	s12 =	sor.u32 s3, s23;
	s15 =	simm.s32 $0x2400;
	s16 =	simm.s32 $0x9  }
0x10: {  	s23 =	simm.s32 $0x4;
	s10 =	ssub.s32 s7, s8;
	[dreg:$0x8] =	wrdreg s0  }
0x11: {  	s18 =	sadd.s32 s4, s17;
	s19 =	sadd.s32 s5, s11;
	s11 =	sor.u32 s22, s21  }
0x12: {  	s17 =	simm.s32 $0x400;
	s21 =	simm.s32 $0x3;
	[dreg:$0x9] =	wrdreg s18  }
0x13: {  	s22 =	simm.s32 $0x2;
	[dreg:$0xa] =	wrdreg s19;
	s20 =	smax.u32 s10, $0x1  }
0x14: {  	s19 =	simm.s32 $0x800;
	[dreg:$0xb] =	wrdreg s20;
	s20 =	simm.s32 $0x1  }
.LBB2_1:
0x15: {  	s0 =	rddreg [dreg:$0x8];
	s3 =	simm.s32 $0x100  }
0x16: {  	[tilespmem:s15], [sflag:$0x9] =	stream.strided.gather [hbm4b:s0+s13], $0x1000, s3, s13, $0x38;
	[tilespmem:$0x3400] =	vst v63  }
0x17: {  	_ =	swait.ge [sflag:s16], $0x1000  }
0x18: {  	s18 =	simm.s32 $0x1000;
	[sflag:s16] =	ssyncset.done $0x0  }
0x19: {  	s30 =	smov.u32 s11;
	s10 =	rddreg [dreg:$0x9];
	[sflag:s16] =	ssyncadd.s32 $0xFFFFF000  }
0x1a: {  	[tilespmem:s2], [sflag:$0x1] =	stream.strided.gather [hbm4b:s10+s13], $0x800, s17, s13, $0x38;
	[tilespmem:$0x3400] =	vst v63  }
0x1b: {  	s31 =	simm.s32 $0x0;
	s0 =	simm.s32 $0x0;
	s14 =	rddreg [dreg:$0xa]  }
0x1c: {  	[tilespmem:s18], [sflag:$0x3] =	stream.strided.gather [hbm4b:s14+s13], $0x200, s17, s13, $0x38;
	[tilespmem:$0x3400] =	vst v63  }
.LBB2_2:
0x1d: {  	s3 =	sshrl.u32 s30, $0x3;
	s14 =	sand.u32 $0x300, s0  }
0x1e: {  	s18 =	sshll.u32 s3, $0xE;
	s14 =	sor.u32 $0x80, s14  }
0x1f: {  	s3 =	sshll.u32 s3, $0xC;
	s18 =	sor.u32 s14, s18  }
0x20: {  	s3 =	sor.u32 s14, s3;
	s18 =	sshrl.u32 s18, $0x3  }
0x21: {  	s3 =	sshrl.u32 s3, $0x3;
	s18 =	sadd.s32 s4, s18  }
0x22: {  	[tilespmem:s19], [sflag:$0x2] =	stream.strided.gather [hbm4b:s18+s13], $0x800, s17, s13, $0x38;
	[tilespmem:$0x3400] =	vst v63  }
0x23: {  	s10 =	rddreg [dreg:$0x3];
	s3 =	sadd.s32 s5, s3  }
0x24: {  	[tilespmem:s10], [sflag:$0x4] =	stream.strided.gather [hbm4b:s3+s13], $0x200, s17, s13, $0x38;
	[tilespmem:$0x3400] =	vst v63  }
0x25: {  	_ =	swait.ge [sflag:s20], $0x800  }
0x26: {  	[sflag:s20] =	ssyncset.done $0x0  }
0x27: {  	[sflag:s20] =	ssyncadd.s32 $0xFFFFF800  }
0x28: {  	_ =	swait.ge [sflag:s21], $0x200  }
0x29: {  	p0 =	seq.s32 s0, $0x0;
	[sflag:s21] =	ssyncset.done $0x0  }
0x2a: {  	s3 =	simm.s32 @!p0 $0x5;
	[sflag:s21] =	ssyncadd.s32 $0xFFFFFE00  }
0x2b: {  	_ =	swait.ge @!p0 [sflag:s3], $0x400  }
0x2c: {  	[sflag:s3] =	ssyncset.done @!p0 $0x0  }
0x2d: {  	[sflag:s3] =	ssyncadd.s32 @!p0 $0xFFFFFC00;
	s3 =	simm.s32 @!p0 $0x7  }
0x2e: {  	_ =	swait.ge @!p0 [sflag:s3], $0x400  }
0x2f: {  	[sflag:s3] =	ssyncset.done @!p0 $0x0  }
0x30: {  	[sflag:s3] =	ssyncadd.s32 @!p0 $0xFFFFFC00  }
0x31: {  	v0 =	vld [tilespmem:$0x1000];
	_ =	sdelay $0x4  }
0x32: {  	v1 =	vshrl.u32 v0, $0x10;
	v2 =	vand.u32 $0x7FF, v0  }
0x33: {  	v3 =	vand.u32 $0x7FF, v1;
	_ =	sdelay $0x3  }
0x34: {  	v2 =	vld.idx.msk [tilespmem:v2+s2+$0x0], $0xffff  }
0x35: {  	v3 =	vld.idx.msk [tilespmem:v3+s2+$0x0], $0xffff;
	_ =	sdelay $0x1  }
0x36: {  	v4 =	vshrl.u32 v0, $0x7  }
0x37: {  	v5 =	vshrl.u32 v0, $0x17;
	v0 =	vand.u32 $0xFFFF, v0;
	v4 =	vand.u32 $0x1F0, v4  }
0x38: {  	v5 =	vand.u32 $0x1F0, v5;
	v2 =	vshrl.u32 v2, v4  }
0x39: {  	v21 =	vld [tilespmem:$0x1010];
	v2 =	vshll.u32 v2, $0x10;
	v3 =	vshrl.u32 v3, v5  }
0x3a: {  	v3 =	vshll.u32 v3, $0x10;
	[tilespmem:$0x1400] =	vst v2  }
0x3b: {  	[tilespmem:$0x1410] =	vst v3  }
0x3c: {  	v0 =	vld.idx.msk [tilespmem:v0+s15+$0x0], $0xffff  }
0x3d: {  	v1 =	vld.idx.msk [tilespmem:v1+s15+$0x0], $0xffff  }
0x3e: {  	v22 =	vshrl.u32 v21, $0x10;
	v23 =	vand.u32 $0x7FF, v21  }
0x3f: {  	v24 =	vand.u32 $0x7FF, v22;
	_ =	sdelay $0x1  }
0x40: {  	[tilespmem:$0x1C00] =	vst v0  }
0x41: {  	[tilespmem:$0x1C10] =	vst v1  }
0x42: {  	v0 =	vld.idx.msk [tilespmem:v23+s2+$0x0], $0xffff  }
0x43: {  	v1 =	vld.idx.msk [tilespmem:v24+s2+$0x0], $0xffff;
	_ =	sdelay $0x1  }
0x44: {  	v25 =	vshrl.u32 v21, $0x7  }
0x45: {  	v26 =	vshrl.u32 v21, $0x17;
	v4 =	vand.u32 $0xFFFF, v21;
	v3 =	vand.u32 $0x1F0, v25  }
0x46: {  	v5 =	vand.u32 $0x1F0, v26;
	v0 =	vshrl.u32 v0, v3  }
0x47: {  	v27 =	vld [tilespmem:$0x1020];
	v1 =	vshrl.u32 v1, v5;
	v0 =	vshll.u32 v0, $0x10  }
0x48: {  	v1 =	vshll.u32 v1, $0x10;
	[tilespmem:$0x1420] =	vst v0  }
0x49: {  	[tilespmem:$0x1430] =	vst v1  }
0x4a: {  	v0 =	vld.idx.msk [tilespmem:v4+s15+$0x0], $0xffff  }
0x4b: {  	v1 =	vld.idx.msk [tilespmem:v22+s15+$0x0], $0xffff  }
0x4c: {  	v28 =	vshrl.u32 v27, $0x10;
	v29 =	vand.u32 $0x7FF, v27  }
0x4d: {  	v30 =	vand.u32 $0x7FF, v28;
	_ =	sdelay $0x1  }
0x4e: {  	[tilespmem:$0x1C20] =	vst v0  }
0x4f: {  	[tilespmem:$0x1C30] =	vst v1  }
0x50: {  	v0 =	vld.idx.msk [tilespmem:v29+s2+$0x0], $0xffff  }
0x51: {  	v1 =	vld.idx.msk [tilespmem:v30+s2+$0x0], $0xffff;
	_ =	sdelay $0x1  }
0x52: {  	v31 =	vshrl.u32 v27, $0x7  }
0x53: {  	v32 =	vshrl.u32 v27, $0x17;
	v3 =	vand.u32 $0xFFFF, v27;
	v4 =	vand.u32 $0x1F0, v31  }
0x54: {  	v5 =	vand.u32 $0x1F0, v32;
	v0 =	vshrl.u32 v0, v4  }
0x55: {  	v33 =	vld [tilespmem:$0x1030];
	v1 =	vshrl.u32 v1, v5;
	v0 =	vshll.u32 v0, $0x10  }
0x56: {  	v1 =	vshll.u32 v1, $0x10;
	[tilespmem:$0x1440] =	vst v0  }
0x57: {  	[tilespmem:$0x1450] =	vst v1  }
0x58: {  	v0 =	vld.idx.msk [tilespmem:v3+s15+$0x0], $0xffff  }
0x59: {  	v1 =	vld.idx.msk [tilespmem:v28+s15+$0x0], $0xffff  }
0x5a: {  	v34 =	vshrl.u32 v33, $0x10;
	v35 =	vand.u32 $0x7FF, v33  }
0x5b: {  	v36 =	vand.u32 $0x7FF, v34;
	_ =	sdelay $0x1  }
0x5c: {  	[tilespmem:$0x1C40] =	vst v0  }
0x5d: {  	[tilespmem:$0x1C50] =	vst v1  }
0x5e: {  	v0 =	vld.idx.msk [tilespmem:v35+s2+$0x0], $0xffff  }
0x5f: {  	v1 =	vld.idx.msk [tilespmem:v36+s2+$0x0], $0xffff;
	_ =	sdelay $0x1  }
0x60: {  	v37 =	vshrl.u32 v33, $0x7  }
0x61: {  	v38 =	vshrl.u32 v33, $0x17;
	v4 =	vand.u32 $0xFFFF, v33;
	v3 =	vand.u32 $0x1F0, v37  }
0x62: {  	v5 =	vand.u32 $0x1F0, v38;
	v0 =	vshrl.u32 v0, v3  }
0x63: {  	v39 =	vld [tilespmem:$0x1040];
	v1 =	vshrl.u32 v1, v5;
	v0 =	vshll.u32 v0, $0x10  }
0x64: {  	v1 =	vshll.u32 v1, $0x10;
	[tilespmem:$0x1460] =	vst v0  }
0x65: {  	[tilespmem:$0x1470] =	vst v1  }
0x66: {  	v0 =	vld.idx.msk [tilespmem:v4+s15+$0x0], $0xffff  }
0x67: {  	v1 =	vld.idx.msk [tilespmem:v34+s15+$0x0], $0xffff  }
0x68: {  	v40 =	vshrl.u32 v39, $0x10;
	v41 =	vand.u32 $0x7FF, v39  }
0x69: {  	v42 =	vand.u32 $0x7FF, v40;
	_ =	sdelay $0x1  }
0x6a: {  	[tilespmem:$0x1C60] =	vst v0  }
0x6b: {  	[tilespmem:$0x1C70] =	vst v1  }
0x6c: {  	v0 =	vld.idx.msk [tilespmem:v41+s2+$0x0], $0xffff  }
0x6d: {  	v1 =	vld.idx.msk [tilespmem:v42+s2+$0x0], $0xffff;
	_ =	sdelay $0x1  }
0x6e: {  	v43 =	vshrl.u32 v39, $0x7  }
0x6f: {  	v44 =	vshrl.u32 v39, $0x17;
	v3 =	vand.u32 $0xFFFF, v39;
	v4 =	vand.u32 $0x1F0, v43  }
0x70: {  	v5 =	vand.u32 $0x1F0, v44;
	v0 =	vshrl.u32 v0, v4  }
0x71: {  	v45 =	vld [tilespmem:$0x1050];
	v1 =	vshrl.u32 v1, v5;
	v0 =	vshll.u32 v0, $0x10  }
0x72: {  	v1 =	vshll.u32 v1, $0x10;
	[tilespmem:$0x1480] =	vst v0  }
0x73: {  	[tilespmem:$0x1490] =	vst v1  }
0x74: {  	v0 =	vld.idx.msk [tilespmem:v3+s15+$0x0], $0xffff  }
0x75: {  	v1 =	vld.idx.msk [tilespmem:v40+s15+$0x0], $0xffff  }
0x76: {  	v46 =	vshrl.u32 v45, $0x10;
	v47 =	vand.u32 $0x7FF, v45  }
0x77: {  	v48 =	vand.u32 $0x7FF, v46;
	_ =	sdelay $0x1  }
0x78: {  	[tilespmem:$0x1C80] =	vst v0  }
0x79: {  	[tilespmem:$0x1C90] =	vst v1  }
0x7a: {  	v0 =	vld.idx.msk [tilespmem:v47+s2+$0x0], $0xffff  }
0x7b: {  	v1 =	vld.idx.msk [tilespmem:v48+s2+$0x0], $0xffff;
	_ =	sdelay $0x1  }
0x7c: {  	v49 =	vshrl.u32 v45, $0x7  }
0x7d: {  	v50 =	vshrl.u32 v45, $0x17;
	v4 =	vand.u32 $0xFFFF, v45;
	v3 =	vand.u32 $0x1F0, v49  }
0x7e: {  	v5 =	vand.u32 $0x1F0, v50;
	v0 =	vshrl.u32 v0, v3  }
0x7f: {  	v51 =	vld [tilespmem:$0x1060];
	v1 =	vshrl.u32 v1, v5;
	v0 =	vshll.u32 v0, $0x10  }
0x80: {  	v1 =	vshll.u32 v1, $0x10;
	[tilespmem:$0x14A0] =	vst v0  }
0x81: {  	[tilespmem:$0x14B0] =	vst v1  }
0x82: {  	v0 =	vld.idx.msk [tilespmem:v4+s15+$0x0], $0xffff  }
0x83: {  	v1 =	vld.idx.msk [tilespmem:v46+s15+$0x0], $0xffff  }
0x84: {  	v52 =	vshrl.u32 v51, $0x10;
	v53 =	vand.u32 $0x7FF, v51  }
0x85: {  	v54 =	vand.u32 $0x7FF, v52;
	_ =	sdelay $0x1  }
0x86: {  	[tilespmem:$0x1CA0] =	vst v0  }
0x87: {  	[tilespmem:$0x1CB0] =	vst v1  }
0x88: {  	v0 =	vld.idx.msk [tilespmem:v53+s2+$0x0], $0xffff  }
0x89: {  	v1 =	vld.idx.msk [tilespmem:v54+s2+$0x0], $0xffff;
	_ =	sdelay $0x1  }
0x8a: {  	v55 =	vshrl.u32 v51, $0x7  }
0x8b: {  	v56 =	vshrl.u32 v51, $0x17;
	v3 =	vand.u32 $0xFFFF, v51;
	v4 =	vand.u32 $0x1F0, v55  }
0x8c: {  	v5 =	vand.u32 $0x1F0, v56;
	v0 =	vshrl.u32 v0, v4  }
0x8d: {  	v57 =	vld [tilespmem:$0x1070];
	v1 =	vshrl.u32 v1, v5;
	v0 =	vshll.u32 v0, $0x10  }
0x8e: {  	v1 =	vshll.u32 v1, $0x10;
	[tilespmem:$0x14C0] =	vst v0  }
0x8f: {  	[tilespmem:$0x14D0] =	vst v1  }
0x90: {  	v0 =	vld.idx.msk [tilespmem:v3+s15+$0x0], $0xffff  }
0x91: {  	v1 =	vld.idx.msk [tilespmem:v52+s15+$0x0], $0xffff  }
0x92: {  	v58 =	vshrl.u32 v57, $0x10;
	v59 =	vand.u32 $0x7FF, v57  }
0x93: {  	v60 =	vand.u32 $0x7FF, v58;
	_ =	sdelay $0x1  }
0x94: {  	[tilespmem:$0x1CC0] =	vst v0  }
0x95: {  	[tilespmem:$0x1CD0] =	vst v1  }
0x96: {  	v0 =	vld.idx.msk [tilespmem:v59+s2+$0x0], $0xffff  }
0x97: {  	v1 =	vld.idx.msk [tilespmem:v60+s2+$0x0], $0xffff;
	_ =	sdelay $0x1  }
0x98: {  	v61 =	vshrl.u32 v57, $0x7  }
0x99: {  	v62 =	vshrl.u32 v57, $0x17;
	v4 =	vand.u32 $0xFFFF, v57;
	v3 =	vand.u32 $0x1F0, v61  }
0x9a: {  	v5 =	vand.u32 $0x1F0, v62;
	v0 =	vshrl.u32 v0, v3  }
0x9b: {  	v63 =	vld [tilespmem:$0x1080];
	v1 =	vshrl.u32 v1, v5;
	v0 =	vshll.u32 v0, $0x10  }
0x9c: {  	v1 =	vshll.u32 v1, $0x10;
	[tilespmem:$0x14E0] =	vst v0  }
0x9d: {  	[tilespmem:$0x14F0] =	vst v1  }
0x9e: {  	v0 =	vld.idx.msk [tilespmem:v4+s15+$0x0], $0xffff  }
0x9f: {  	v1 =	vld.idx.msk [tilespmem:v58+s15+$0x0], $0xffff  }
0xa0: {  	v8 =	vshrl.u32 v63, $0x10;
	v9 =	vand.u32 $0x7FF, v63  }
0xa1: {  	v10 =	vand.u32 $0x7FF, v8;
	_ =	sdelay $0x1  }
0xa2: {  	[tilespmem:$0x1CE0] =	vst v0  }
0xa3: {  	[tilespmem:$0x1CF0] =	vst v1  }
0xa4: {  	v0 =	vld.idx.msk [tilespmem:v9+s2+$0x0], $0xffff  }
0xa5: {  	v1 =	vld.idx.msk [tilespmem:v10+s2+$0x0], $0xffff;
	_ =	sdelay $0x1  }
0xa6: {  	v11 =	vshrl.u32 v63, $0x7  }
0xa7: {  	v12 =	vshrl.u32 v63, $0x17;
	v3 =	vand.u32 $0xFFFF, v63;
	v4 =	vand.u32 $0x1F0, v11  }
0xa8: {  	v5 =	vand.u32 $0x1F0, v12;
	v0 =	vshrl.u32 v0, v4  }
0xa9: {  	v13 =	vld [tilespmem:$0x1090];
	v1 =	vshrl.u32 v1, v5;
	v0 =	vshll.u32 v0, $0x10  }
0xaa: {  	v1 =	vshll.u32 v1, $0x10;
	[tilespmem:$0x1500] =	vst v0  }
0xab: {  	[tilespmem:$0x1510] =	vst v1  }
0xac: {  	v0 =	vld.idx.msk [tilespmem:v3+s15+$0x0], $0xffff  }
0xad: {  	v1 =	vld.idx.msk [tilespmem:v8+s15+$0x0], $0xffff  }
0xae: {  	v14 =	vshrl.u32 v13, $0x10;
	v15 =	vand.u32 $0x7FF, v13  }
0xaf: {  	v16 =	vand.u32 $0x7FF, v14;
	_ =	sdelay $0x1  }
0xb0: {  	[tilespmem:$0x1D00] =	vst v0  }
0xb1: {  	[tilespmem:$0x1D10] =	vst v1  }
0xb2: {  	v0 =	vld.idx.msk [tilespmem:v15+s2+$0x0], $0xffff  }
0xb3: {  	v1 =	vld.idx.msk [tilespmem:v16+s2+$0x0], $0xffff;
	_ =	sdelay $0x1  }
0xb4: {  	v17 =	vshrl.u32 v13, $0x7  }
0xb5: {  	v18 =	vshrl.u32 v13, $0x17;
	v4 =	vand.u32 $0xFFFF, v13;
	v3 =	vand.u32 $0x1F0, v17  }
0xb6: {  	v5 =	vand.u32 $0x1F0, v18;
	v0 =	vshrl.u32 v0, v3  }
0xb7: {  	v19 =	vld [tilespmem:$0x10A0];
	v1 =	vshrl.u32 v1, v5;
	v0 =	vshll.u32 v0, $0x10  }
0xb8: {  	v1 =	vshll.u32 v1, $0x10;
	[tilespmem:$0x1520] =	vst v0  }
0xb9: {  	[tilespmem:$0x1530] =	vst v1  }
0xba: {  	v0 =	vld.idx.msk [tilespmem:v4+s15+$0x0], $0xffff  }
0xbb: {  	v1 =	vld.idx.msk [tilespmem:v14+s15+$0x0], $0xffff  }
0xbc: {  	v20 =	vshrl.u32 v19, $0x10;
	v21 =	vand.u32 $0x7FF, v19  }
0xbd: {  	v22 =	vand.u32 $0x7FF, v20;
	_ =	sdelay $0x1  }
0xbe: {  	[tilespmem:$0x1D20] =	vst v0  }
0xbf: {  	[tilespmem:$0x1D30] =	vst v1  }
0xc0: {  	v0 =	vld.idx.msk [tilespmem:v21+s2+$0x0], $0xffff  }
0xc1: {  	v1 =	vld.idx.msk [tilespmem:v22+s2+$0x0], $0xffff;
	_ =	sdelay $0x1  }
0xc2: {  	v23 =	vshrl.u32 v19, $0x7  }
0xc3: {  	v24 =	vshrl.u32 v19, $0x17;
	v4 =	vand.u32 $0x1F0, v23  }
0xc4: {  	v5 =	vand.u32 $0x1F0, v24;
	v0 =	vshrl.u32 v0, v4  }
0xc5: {  	v1 =	vshrl.u32 v1, v5;
	v0 =	vshll.u32 v0, $0x10  }
0xc6: {  	v25 =	vand.u32 $0xFFFF, v19;
	v1 =	vshll.u32 v1, $0x10;
	[tilespmem:$0x1540] =	vst v0  }
0xc7: {  	[tilespmem:$0x1550] =	vst v1  }
0xc8: {  	v1 =	vld [tilespmem:$0x10B0];
	_ =	sdelay $0x2  }
0xc9: {  	v0 =	vld.idx.msk [tilespmem:v25+s15+$0x0], $0xffff  }
0xca: {  	v2 =	vld.idx.msk [tilespmem:v20+s15+$0x0], $0xffff  }
0xcb: {  	v26 =	vshrl.u32 v1, $0x10;
	v27 =	vand.u32 $0x7FF, v1  }
0xcc: {  	v28 =	vand.u32 $0x7FF, v26;
	_ =	sdelay $0x1  }
0xcd: {  	[tilespmem:$0x1D40] =	vst v0  }
0xce: {  	[tilespmem:$0x1D50] =	vst v2  }
0xcf: {  	v0 =	vld.idx.msk [tilespmem:v27+s2+$0x0], $0xffff  }
0xd0: {  	v2 =	vld.idx.msk [tilespmem:v28+s2+$0x0], $0xffff;
	_ =	sdelay $0x1  }
0xd1: {  	v29 =	vshrl.u32 v1, $0x7  }
0xd2: {  	v30 =	vshrl.u32 v1, $0x17;
	v1 =	vand.u32 $0xFFFF, v1;
	v4 =	vand.u32 $0x1F0, v29  }
0xd3: {  	v5 =	vand.u32 $0x1F0, v30;
	v0 =	vshrl.u32 v0, v4  }
0xd4: {  	v31 =	vld [tilespmem:$0x10C0];
	v0 =	vshll.u32 v0, $0x10;
	v2 =	vshrl.u32 v2, v5  }
0xd5: {  	v2 =	vshll.u32 v2, $0x10;
	[tilespmem:$0x1560] =	vst v0  }
0xd6: {  	[tilespmem:$0x1570] =	vst v2  }
0xd7: {  	v0 =	vld.idx.msk [tilespmem:v1+s15+$0x0], $0xffff  }
0xd8: {  	v32 =	vld.idx.msk [tilespmem:v26+s15+$0x0], $0xffff  }
0xd9: {  	v33 =	vshrl.u32 v31, $0x10;
	v34 =	vand.u32 $0x7FF, v31  }
0xda: {  	v35 =	vand.u32 $0x7FF, v33;
	_ =	sdelay $0x1  }
0xdb: {  	[tilespmem:$0x1D60] =	vst v0  }
0xdc: {  	[tilespmem:$0x1D70] =	vst v32  }
0xdd: {  	v0 =	vld.idx.msk [tilespmem:v34+s2+$0x0], $0xffff  }
0xde: {  	v1 =	vld.idx.msk [tilespmem:v35+s2+$0x0], $0xffff;
	_ =	sdelay $0x1  }
0xdf: {  	v36 =	vshrl.u32 v31, $0x7  }
0xe0: {  	v37 =	vshrl.u32 v31, $0x17;
	v3 =	vand.u32 $0x1F0, v36;
	v4 =	vand.u32 $0xFFFF, v31  }
0xe1: {  	v5 =	vand.u32 $0x1F0, v37;
	v0 =	vshrl.u32 v0, v3  }
0xe2: {  	v38 =	vld [tilespmem:$0x10D0];
	v1 =	vshrl.u32 v1, v5;
	v0 =	vshll.u32 v0, $0x10  }
0xe3: {  	v1 =	vshll.u32 v1, $0x10;
	[tilespmem:$0x1580] =	vst v0  }
0xe4: {  	[tilespmem:$0x1590] =	vst v1  }
0xe5: {  	v0 =	vld.idx.msk [tilespmem:v4+s15+$0x0], $0xffff  }
0xe6: {  	v1 =	vld.idx.msk [tilespmem:v33+s15+$0x0], $0xffff  }
0xe7: {  	v39 =	vshrl.u32 v38, $0x10;
	v40 =	vand.u32 $0x7FF, v38  }
0xe8: {  	v41 =	vand.u32 $0x7FF, v39;
	_ =	sdelay $0x1  }
0xe9: {  	[tilespmem:$0x1D80] =	vst v0  }
0xea: {  	[tilespmem:$0x1D90] =	vst v1  }
0xeb: {  	v0 =	vld.idx.msk [tilespmem:v40+s2+$0x0], $0xffff  }
0xec: {  	v1 =	vld.idx.msk [tilespmem:v41+s2+$0x0], $0xffff;
	_ =	sdelay $0x1  }
0xed: {  	v42 =	vshrl.u32 v38, $0x7  }
0xee: {  	v43 =	vshrl.u32 v38, $0x17;
	v3 =	vand.u32 $0xFFFF, v38;
	v4 =	vand.u32 $0x1F0, v42  }
0xef: {  	v5 =	vand.u32 $0x1F0, v43;
	v0 =	vshrl.u32 v0, v4  }
0xf0: {  	v44 =	vld [tilespmem:$0x10E0];
	v1 =	vshrl.u32 v1, v5;
	v0 =	vshll.u32 v0, $0x10  }
0xf1: {  	v1 =	vshll.u32 v1, $0x10;
	[tilespmem:$0x15A0] =	vst v0  }
0xf2: {  	[tilespmem:$0x15B0] =	vst v1  }
0xf3: {  	v0 =	vld.idx.msk [tilespmem:v3+s15+$0x0], $0xffff  }
0xf4: {  	v1 =	vld.idx.msk [tilespmem:v39+s15+$0x0], $0xffff  }
0xf5: {  	v45 =	vshrl.u32 v44, $0x10;
	v46 =	vand.u32 $0x7FF, v44  }
0xf6: {  	v47 =	vand.u32 $0x7FF, v45;
	_ =	sdelay $0x1  }
0xf7: {  	[tilespmem:$0x1DA0] =	vst v0  }
0xf8: {  	[tilespmem:$0x1DB0] =	vst v1  }
0xf9: {  	v0 =	vld.idx.msk [tilespmem:v46+s2+$0x0], $0xffff  }
0xfa: {  	v1 =	vld.idx.msk [tilespmem:v47+s2+$0x0], $0xffff;
	_ =	sdelay $0x1  }
0xfb: {  	v48 =	vshrl.u32 v44, $0x7  }
0xfc: {  	v49 =	vshrl.u32 v44, $0x17;
	v4 =	vand.u32 $0xFFFF, v44;
	v3 =	vand.u32 $0x1F0, v48  }
0xfd: {  	v5 =	vand.u32 $0x1F0, v49;
	v0 =	vshrl.u32 v0, v3  }
0xfe: {  	v50 =	vld [tilespmem:$0x10F0];
	v1 =	vshrl.u32 v1, v5;
	v0 =	vshll.u32 v0, $0x10  }
0xff: {  	v1 =	vshll.u32 v1, $0x10;
	[tilespmem:$0x15C0] =	vst v0  }
0x100: {  	[tilespmem:$0x15D0] =	vst v1  }
0x101: {  	v0 =	vld.idx.msk [tilespmem:v4+s15+$0x0], $0xffff  }
0x102: {  	v1 =	vld.idx.msk [tilespmem:v45+s15+$0x0], $0xffff  }
0x103: {  	v51 =	vshrl.u32 v50, $0x10;
	v52 =	vand.u32 $0x7FF, v50  }
0x104: {  	v53 =	vand.u32 $0x7FF, v51;
	_ =	sdelay $0x1  }
0x105: {  	[tilespmem:$0x1DC0] =	vst v0  }
0x106: {  	[tilespmem:$0x1DD0] =	vst v1  }
0x107: {  	v0 =	vld.idx.msk [tilespmem:v52+s2+$0x0], $0xffff  }
0x108: {  	v1 =	vld.idx.msk [tilespmem:v53+s2+$0x0], $0xffff;
	_ =	sdelay $0x1  }
0x109: {  	v54 =	vshrl.u32 v50, $0x7  }
0x10a: {  	v55 =	vshrl.u32 v50, $0x17;
	v3 =	vand.u32 $0xFFFF, v50;
	v4 =	vand.u32 $0x1F0, v54  }
0x10b: {  	v5 =	vand.u32 $0x1F0, v55;
	v0 =	vshrl.u32 v0, v4  }
0x10c: {  	v56 =	vld [tilespmem:$0x1100];
	v1 =	vshrl.u32 v1, v5;
	v0 =	vshll.u32 v0, $0x10  }
0x10d: {  	v1 =	vshll.u32 v1, $0x10;
	[tilespmem:$0x15E0] =	vst v0  }
0x10e: {  	[tilespmem:$0x15F0] =	vst v1  }
0x10f: {  	v0 =	vld.idx.msk [tilespmem:v3+s15+$0x0], $0xffff  }
0x110: {  	v1 =	vld.idx.msk [tilespmem:v51+s15+$0x0], $0xffff  }
0x111: {  	v57 =	vshrl.u32 v56, $0x10;
	v58 =	vand.u32 $0x7FF, v56  }
0x112: {  	v59 =	vand.u32 $0x7FF, v57;
	_ =	sdelay $0x1  }
0x113: {  	[tilespmem:$0x1DE0] =	vst v0  }
0x114: {  	[tilespmem:$0x1DF0] =	vst v1  }
0x115: {  	v0 =	vld.idx.msk [tilespmem:v58+s2+$0x0], $0xffff  }
0x116: {  	v1 =	vld.idx.msk [tilespmem:v59+s2+$0x0], $0xffff;
	_ =	sdelay $0x1  }
0x117: {  	v60 =	vshrl.u32 v56, $0x7  }
0x118: {  	v61 =	vshrl.u32 v56, $0x17;
	v4 =	vand.u32 $0xFFFF, v56;
	v3 =	vand.u32 $0x1F0, v60  }
0x119: {  	v5 =	vand.u32 $0x1F0, v61;
	v0 =	vshrl.u32 v0, v3  }
0x11a: {  	v62 =	vld [tilespmem:$0x1110];
	v1 =	vshrl.u32 v1, v5;
	v0 =	vshll.u32 v0, $0x10  }
0x11b: {  	v1 =	vshll.u32 v1, $0x10;
	[tilespmem:$0x1600] =	vst v0  }
0x11c: {  	[tilespmem:$0x1610] =	vst v1  }
0x11d: {  	v0 =	vld.idx.msk [tilespmem:v4+s15+$0x0], $0xffff  }
0x11e: {  	v1 =	vld.idx.msk [tilespmem:v57+s15+$0x0], $0xffff  }
0x11f: {  	v63 =	vshrl.u32 v62, $0x10;
	v8 =	vand.u32 $0x7FF, v62  }
0x120: {  	v9 =	vand.u32 $0x7FF, v63;
	_ =	sdelay $0x1  }
0x121: {  	[tilespmem:$0x1E00] =	vst v0  }
0x122: {  	[tilespmem:$0x1E10] =	vst v1  }
0x123: {  	v0 =	vld.idx.msk [tilespmem:v8+s2+$0x0], $0xffff  }
0x124: {  	v1 =	vld.idx.msk [tilespmem:v9+s2+$0x0], $0xffff;
	_ =	sdelay $0x1  }
0x125: {  	v10 =	vshrl.u32 v62, $0x7  }
0x126: {  	v11 =	vshrl.u32 v62, $0x17;
	v3 =	vand.u32 $0xFFFF, v62;
	v4 =	vand.u32 $0x1F0, v10  }
0x127: {  	v5 =	vand.u32 $0x1F0, v11;
	v0 =	vshrl.u32 v0, v4  }
0x128: {  	v12 =	vld [tilespmem:$0x1120];
	v1 =	vshrl.u32 v1, v5;
	v0 =	vshll.u32 v0, $0x10  }
0x129: {  	v1 =	vshll.u32 v1, $0x10;
	[tilespmem:$0x1620] =	vst v0  }
0x12a: {  	[tilespmem:$0x1630] =	vst v1  }
0x12b: {  	v0 =	vld.idx.msk [tilespmem:v3+s15+$0x0], $0xffff  }
0x12c: {  	v1 =	vld.idx.msk [tilespmem:v63+s15+$0x0], $0xffff  }
0x12d: {  	v13 =	vshrl.u32 v12, $0x10;
	v14 =	vand.u32 $0x7FF, v12  }
0x12e: {  	v15 =	vand.u32 $0x7FF, v13;
	_ =	sdelay $0x1  }
0x12f: {  	[tilespmem:$0x1E20] =	vst v0  }
0x130: {  	[tilespmem:$0x1E30] =	vst v1  }
0x131: {  	v0 =	vld.idx.msk [tilespmem:v14+s2+$0x0], $0xffff  }
0x132: {  	v1 =	vld.idx.msk [tilespmem:v15+s2+$0x0], $0xffff;
	_ =	sdelay $0x1  }
0x133: {  	v16 =	vshrl.u32 v12, $0x7  }
0x134: {  	v17 =	vshrl.u32 v12, $0x17;
	v4 =	vand.u32 $0xFFFF, v12;
	v3 =	vand.u32 $0x1F0, v16  }
0x135: {  	v5 =	vand.u32 $0x1F0, v17;
	v0 =	vshrl.u32 v0, v3  }
0x136: {  	v18 =	vld [tilespmem:$0x1130];
	v1 =	vshrl.u32 v1, v5;
	v0 =	vshll.u32 v0, $0x10  }
0x137: {  	v1 =	vshll.u32 v1, $0x10;
	[tilespmem:$0x1640] =	vst v0  }
0x138: {  	[tilespmem:$0x1650] =	vst v1  }
0x139: {  	v0 =	vld.idx.msk [tilespmem:v4+s15+$0x0], $0xffff  }
0x13a: {  	v1 =	vld.idx.msk [tilespmem:v13+s15+$0x0], $0xffff  }
0x13b: {  	v19 =	vshrl.u32 v18, $0x10;
	v20 =	vand.u32 $0x7FF, v18  }
0x13c: {  	v21 =	vand.u32 $0x7FF, v19;
	_ =	sdelay $0x1  }
0x13d: {  	[tilespmem:$0x1E40] =	vst v0  }
0x13e: {  	[tilespmem:$0x1E50] =	vst v1  }
0x13f: {  	v0 =	vld.idx.msk [tilespmem:v20+s2+$0x0], $0xffff  }
0x140: {  	v1 =	vld.idx.msk [tilespmem:v21+s2+$0x0], $0xffff;
	_ =	sdelay $0x1  }
0x141: {  	v22 =	vshrl.u32 v18, $0x7  }
0x142: {  	v23 =	vshrl.u32 v18, $0x17;
	v3 =	vand.u32 $0xFFFF, v18;
	v4 =	vand.u32 $0x1F0, v22  }
0x143: {  	v5 =	vand.u32 $0x1F0, v23;
	v0 =	vshrl.u32 v0, v4  }
0x144: {  	v24 =	vld [tilespmem:$0x1140];
	v1 =	vshrl.u32 v1, v5;
	v0 =	vshll.u32 v0, $0x10  }
0x145: {  	v1 =	vshll.u32 v1, $0x10;
	[tilespmem:$0x1660] =	vst v0  }
0x146: {  	[tilespmem:$0x1670] =	vst v1  }
0x147: {  	v0 =	vld.idx.msk [tilespmem:v3+s15+$0x0], $0xffff  }
0x148: {  	v1 =	vld.idx.msk [tilespmem:v19+s15+$0x0], $0xffff  }
0x149: {  	v25 =	vshrl.u32 v24, $0x10;
	v26 =	vand.u32 $0x7FF, v24  }
0x14a: {  	v27 =	vand.u32 $0x7FF, v25;
	_ =	sdelay $0x1  }
0x14b: {  	[tilespmem:$0x1E60] =	vst v0  }
0x14c: {  	[tilespmem:$0x1E70] =	vst v1  }
0x14d: {  	v0 =	vld.idx.msk [tilespmem:v26+s2+$0x0], $0xffff  }
0x14e: {  	v1 =	vld.idx.msk [tilespmem:v27+s2+$0x0], $0xffff;
	_ =	sdelay $0x1  }
0x14f: {  	v28 =	vshrl.u32 v24, $0x7  }
0x150: {  	v29 =	vshrl.u32 v24, $0x17;
	v4 =	vand.u32 $0xFFFF, v24;
	v3 =	vand.u32 $0x1F0, v28  }
0x151: {  	v5 =	vand.u32 $0x1F0, v29;
	v0 =	vshrl.u32 v0, v3  }
0x152: {  	v30 =	vld [tilespmem:$0x1150];
	v1 =	vshrl.u32 v1, v5;
	v0 =	vshll.u32 v0, $0x10  }
0x153: {  	v1 =	vshll.u32 v1, $0x10;
	[tilespmem:$0x1680] =	vst v0  }
0x154: {  	[tilespmem:$0x1690] =	vst v1  }
0x155: {  	v0 =	vld.idx.msk [tilespmem:v4+s15+$0x0], $0xffff  }
0x156: {  	v1 =	vld.idx.msk [tilespmem:v25+s15+$0x0], $0xffff  }
0x157: {  	v31 =	vshrl.u32 v30, $0x10;
	v32 =	vand.u32 $0x7FF, v30  }
0x158: {  	v33 =	vand.u32 $0x7FF, v31;
	_ =	sdelay $0x1  }
0x159: {  	[tilespmem:$0x1E80] =	vst v0  }
0x15a: {  	[tilespmem:$0x1E90] =	vst v1  }
0x15b: {  	v0 =	vld.idx.msk [tilespmem:v32+s2+$0x0], $0xffff  }
0x15c: {  	v1 =	vld.idx.msk [tilespmem:v33+s2+$0x0], $0xffff;
	_ =	sdelay $0x1  }
0x15d: {  	v34 =	vshrl.u32 v30, $0x7  }
0x15e: {  	v35 =	vshrl.u32 v30, $0x17;
	v3 =	vand.u32 $0xFFFF, v30;
	v4 =	vand.u32 $0x1F0, v34  }
0x15f: {  	v5 =	vand.u32 $0x1F0, v35;
	v0 =	vshrl.u32 v0, v4  }
0x160: {  	v36 =	vld [tilespmem:$0x1160];
	v1 =	vshrl.u32 v1, v5;
	v0 =	vshll.u32 v0, $0x10  }
0x161: {  	v1 =	vshll.u32 v1, $0x10;
	[tilespmem:$0x16A0] =	vst v0  }
0x162: {  	[tilespmem:$0x16B0] =	vst v1  }
0x163: {  	v0 =	vld.idx.msk [tilespmem:v3+s15+$0x0], $0xffff  }
0x164: {  	v1 =	vld.idx.msk [tilespmem:v31+s15+$0x0], $0xffff  }
0x165: {  	v37 =	vshrl.u32 v36, $0x10;
	v38 =	vand.u32 $0x7FF, v36  }
0x166: {  	v39 =	vand.u32 $0x7FF, v37;
	_ =	sdelay $0x1  }
0x167: {  	[tilespmem:$0x1EA0] =	vst v0  }
0x168: {  	[tilespmem:$0x1EB0] =	vst v1  }
0x169: {  	v0 =	vld.idx.msk [tilespmem:v38+s2+$0x0], $0xffff  }
0x16a: {  	v1 =	vld.idx.msk [tilespmem:v39+s2+$0x0], $0xffff;
	_ =	sdelay $0x1  }
0x16b: {  	v40 =	vshrl.u32 v36, $0x7  }
0x16c: {  	v41 =	vshrl.u32 v36, $0x17;
	v4 =	vand.u32 $0xFFFF, v36;
	v3 =	vand.u32 $0x1F0, v40  }
0x16d: {  	v5 =	vand.u32 $0x1F0, v41;
	v0 =	vshrl.u32 v0, v3  }
0x16e: {  	v42 =	vld [tilespmem:$0x1170];
	v1 =	vshrl.u32 v1, v5;
	v0 =	vshll.u32 v0, $0x10  }
0x16f: {  	v1 =	vshll.u32 v1, $0x10;
	[tilespmem:$0x16C0] =	vst v0  }
0x170: {  	[tilespmem:$0x16D0] =	vst v1  }
0x171: {  	v0 =	vld.idx.msk [tilespmem:v4+s15+$0x0], $0xffff  }
0x172: {  	v1 =	vld.idx.msk [tilespmem:v37+s15+$0x0], $0xffff  }
0x173: {  	v43 =	vshrl.u32 v42, $0x10;
	v44 =	vand.u32 $0x7FF, v42  }
0x174: {  	v45 =	vand.u32 $0x7FF, v43;
	_ =	sdelay $0x1  }
0x175: {  	[tilespmem:$0x1EC0] =	vst v0  }
0x176: {  	[tilespmem:$0x1ED0] =	vst v1  }
0x177: {  	v0 =	vld.idx.msk [tilespmem:v44+s2+$0x0], $0xffff  }
0x178: {  	v1 =	vld.idx.msk [tilespmem:v45+s2+$0x0], $0xffff;
	_ =	sdelay $0x1  }
0x179: {  	v46 =	vshrl.u32 v42, $0x7  }
0x17a: {  	v47 =	vshrl.u32 v42, $0x17;
	v3 =	vand.u32 $0xFFFF, v42;
	v4 =	vand.u32 $0x1F0, v46  }
0x17b: {  	v5 =	vand.u32 $0x1F0, v47;
	v0 =	vshrl.u32 v0, v4  }
0x17c: {  	v48 =	vld [tilespmem:$0x1180];
	v1 =	vshrl.u32 v1, v5;
	v0 =	vshll.u32 v0, $0x10  }
0x17d: {  	v1 =	vshll.u32 v1, $0x10;
	[tilespmem:$0x16E0] =	vst v0  }
0x17e: {  	[tilespmem:$0x16F0] =	vst v1  }
0x17f: {  	v0 =	vld.idx.msk [tilespmem:v3+s15+$0x0], $0xffff  }
0x180: {  	v1 =	vld.idx.msk [tilespmem:v43+s15+$0x0], $0xffff  }
0x181: {  	v49 =	vshrl.u32 v48, $0x10;
	v50 =	vand.u32 $0x7FF, v48  }
0x182: {  	v51 =	vand.u32 $0x7FF, v49;
	_ =	sdelay $0x1  }
0x183: {  	[tilespmem:$0x1EE0] =	vst v0  }
0x184: {  	[tilespmem:$0x1EF0] =	vst v1  }
0x185: {  	v0 =	vld.idx.msk [tilespmem:v50+s2+$0x0], $0xffff  }
0x186: {  	v1 =	vld.idx.msk [tilespmem:v51+s2+$0x0], $0xffff;
	_ =	sdelay $0x1  }
0x187: {  	v52 =	vshrl.u32 v48, $0x7  }
0x188: {  	v53 =	vshrl.u32 v48, $0x17;
	v4 =	vand.u32 $0xFFFF, v48;
	v3 =	vand.u32 $0x1F0, v52  }
0x189: {  	v5 =	vand.u32 $0x1F0, v53;
	v0 =	vshrl.u32 v0, v3  }
0x18a: {  	v54 =	vld [tilespmem:$0x1190];
	v1 =	vshrl.u32 v1, v5;
	v0 =	vshll.u32 v0, $0x10  }
0x18b: {  	v1 =	vshll.u32 v1, $0x10;
	[tilespmem:$0x1700] =	vst v0  }
0x18c: {  	[tilespmem:$0x1710] =	vst v1  }
0x18d: {  	v0 =	vld.idx.msk [tilespmem:v4+s15+$0x0], $0xffff  }
0x18e: {  	v1 =	vld.idx.msk [tilespmem:v49+s15+$0x0], $0xffff  }
0x18f: {  	v55 =	vshrl.u32 v54, $0x10;
	v56 =	vand.u32 $0x7FF, v54  }
0x190: {  	v57 =	vand.u32 $0x7FF, v55;
	_ =	sdelay $0x1  }
0x191: {  	[tilespmem:$0x1F00] =	vst v0  }
0x192: {  	[tilespmem:$0x1F10] =	vst v1  }
0x193: {  	v0 =	vld.idx.msk [tilespmem:v56+s2+$0x0], $0xffff  }
0x194: {  	v1 =	vld.idx.msk [tilespmem:v57+s2+$0x0], $0xffff;
	_ =	sdelay $0x1  }
0x195: {  	v58 =	vshrl.u32 v54, $0x7  }
0x196: {  	v59 =	vshrl.u32 v54, $0x17;
	v3 =	vand.u32 $0xFFFF, v54;
	v4 =	vand.u32 $0x1F0, v58  }
0x197: {  	v5 =	vand.u32 $0x1F0, v59;
	v0 =	vshrl.u32 v0, v4  }
0x198: {  	v60 =	vld [tilespmem:$0x11A0];
	v1 =	vshrl.u32 v1, v5;
	v0 =	vshll.u32 v0, $0x10  }
0x199: {  	v1 =	vshll.u32 v1, $0x10;
	[tilespmem:$0x1720] =	vst v0  }
0x19a: {  	[tilespmem:$0x1730] =	vst v1  }
0x19b: {  	v0 =	vld.idx.msk [tilespmem:v3+s15+$0x0], $0xffff  }
0x19c: {  	v1 =	vld.idx.msk [tilespmem:v55+s15+$0x0], $0xffff  }
0x19d: {  	v61 =	vshrl.u32 v60, $0x10;
	v62 =	vand.u32 $0x7FF, v60  }
0x19e: {  	v63 =	vand.u32 $0x7FF, v61;
	_ =	sdelay $0x1  }
0x19f: {  	[tilespmem:$0x1F20] =	vst v0  }
0x1a0: {  	[tilespmem:$0x1F30] =	vst v1  }
0x1a1: {  	v0 =	vld.idx.msk [tilespmem:v62+s2+$0x0], $0xffff  }
0x1a2: {  	v1 =	vld.idx.msk [tilespmem:v63+s2+$0x0], $0xffff;
	_ =	sdelay $0x1  }
0x1a3: {  	v8 =	vshrl.u32 v60, $0x7  }
0x1a4: {  	v9 =	vshrl.u32 v60, $0x17;
	v4 =	vand.u32 $0xFFFF, v60;
	v3 =	vand.u32 $0x1F0, v8  }
0x1a5: {  	v5 =	vand.u32 $0x1F0, v9;
	v0 =	vshrl.u32 v0, v3  }
0x1a6: {  	v10 =	vld [tilespmem:$0x11B0];
	v1 =	vshrl.u32 v1, v5;
	v0 =	vshll.u32 v0, $0x10  }
0x1a7: {  	v1 =	vshll.u32 v1, $0x10;
	[tilespmem:$0x1740] =	vst v0  }
0x1a8: {  	[tilespmem:$0x1750] =	vst v1  }
0x1a9: {  	v0 =	vld.idx.msk [tilespmem:v4+s15+$0x0], $0xffff  }
0x1aa: {  	v1 =	vld.idx.msk [tilespmem:v61+s15+$0x0], $0xffff  }
0x1ab: {  	v11 =	vshrl.u32 v10, $0x10;
	v12 =	vand.u32 $0x7FF, v10  }
0x1ac: {  	v13 =	vand.u32 $0x7FF, v11;
	_ =	sdelay $0x1  }
0x1ad: {  	[tilespmem:$0x1F40] =	vst v0  }
0x1ae: {  	[tilespmem:$0x1F50] =	vst v1  }
0x1af: {  	v0 =	vld.idx.msk [tilespmem:v12+s2+$0x0], $0xffff  }
0x1b0: {  	v1 =	vld.idx.msk [tilespmem:v13+s2+$0x0], $0xffff;
	_ =	sdelay $0x1  }
0x1b1: {  	v14 =	vshrl.u32 v10, $0x7  }
0x1b2: {  	v15 =	vshrl.u32 v10, $0x17;
	v3 =	vand.u32 $0xFFFF, v10;
	v4 =	vand.u32 $0x1F0, v14  }
0x1b3: {  	v5 =	vand.u32 $0x1F0, v15;
	v0 =	vshrl.u32 v0, v4  }
0x1b4: {  	v16 =	vld [tilespmem:$0x11C0];
	v1 =	vshrl.u32 v1, v5;
	v0 =	vshll.u32 v0, $0x10  }
0x1b5: {  	v1 =	vshll.u32 v1, $0x10;
	[tilespmem:$0x1760] =	vst v0  }
0x1b6: {  	[tilespmem:$0x1770] =	vst v1  }
0x1b7: {  	v0 =	vld.idx.msk [tilespmem:v3+s15+$0x0], $0xffff  }
0x1b8: {  	v1 =	vld.idx.msk [tilespmem:v11+s15+$0x0], $0xffff  }
0x1b9: {  	v17 =	vshrl.u32 v16, $0x10;
	v18 =	vand.u32 $0x7FF, v16  }
0x1ba: {  	v19 =	vand.u32 $0x7FF, v17;
	_ =	sdelay $0x1  }
0x1bb: {  	[tilespmem:$0x1F60] =	vst v0  }
0x1bc: {  	[tilespmem:$0x1F70] =	vst v1  }
0x1bd: {  	v0 =	vld.idx.msk [tilespmem:v18+s2+$0x0], $0xffff  }
0x1be: {  	v1 =	vld.idx.msk [tilespmem:v19+s2+$0x0], $0xffff;
	_ =	sdelay $0x1  }
0x1bf: {  	v20 =	vshrl.u32 v16, $0x7  }
0x1c0: {  	v21 =	vshrl.u32 v16, $0x17;
	v4 =	vand.u32 $0xFFFF, v16;
	v3 =	vand.u32 $0x1F0, v20  }
0x1c1: {  	v5 =	vand.u32 $0x1F0, v21;
	v0 =	vshrl.u32 v0, v3  }
0x1c2: {  	v22 =	vld [tilespmem:$0x11D0];
	v1 =	vshrl.u32 v1, v5;
	v0 =	vshll.u32 v0, $0x10  }
0x1c3: {  	v1 =	vshll.u32 v1, $0x10;
	[tilespmem:$0x1780] =	vst v0  }
0x1c4: {  	[tilespmem:$0x1790] =	vst v1  }
0x1c5: {  	v0 =	vld.idx.msk [tilespmem:v4+s15+$0x0], $0xffff  }
0x1c6: {  	v1 =	vld.idx.msk [tilespmem:v17+s15+$0x0], $0xffff  }
0x1c7: {  	v23 =	vshrl.u32 v22, $0x10;
	v24 =	vand.u32 $0x7FF, v22  }
0x1c8: {  	v25 =	vand.u32 $0x7FF, v23;
	_ =	sdelay $0x1  }
0x1c9: {  	[tilespmem:$0x1F80] =	vst v0  }
0x1ca: {  	[tilespmem:$0x1F90] =	vst v1  }
0x1cb: {  	v0 =	vld.idx.msk [tilespmem:v24+s2+$0x0], $0xffff  }
0x1cc: {  	v1 =	vld.idx.msk [tilespmem:v25+s2+$0x0], $0xffff;
	_ =	sdelay $0x1  }
0x1cd: {  	v26 =	vshrl.u32 v22, $0x7  }
0x1ce: {  	v27 =	vshrl.u32 v22, $0x17;
	v3 =	vand.u32 $0xFFFF, v22;
	v4 =	vand.u32 $0x1F0, v26  }
0x1cf: {  	v5 =	vand.u32 $0x1F0, v27;
	v0 =	vshrl.u32 v0, v4  }
0x1d0: {  	v28 =	vld [tilespmem:$0x11E0];
	v1 =	vshrl.u32 v1, v5;
	v0 =	vshll.u32 v0, $0x10  }
0x1d1: {  	v1 =	vshll.u32 v1, $0x10;
	[tilespmem:$0x17A0] =	vst v0  }
0x1d2: {  	[tilespmem:$0x17B0] =	vst v1  }
0x1d3: {  	v0 =	vld.idx.msk [tilespmem:v3+s15+$0x0], $0xffff  }
0x1d4: {  	v1 =	vld.idx.msk [tilespmem:v23+s15+$0x0], $0xffff  }
0x1d5: {  	v29 =	vshrl.u32 v28, $0x10;
	v30 =	vand.u32 $0x7FF, v28  }
0x1d6: {  	v31 =	vand.u32 $0x7FF, v29;
	_ =	sdelay $0x1  }
0x1d7: {  	[tilespmem:$0x1FA0] =	vst v0  }
0x1d8: {  	[tilespmem:$0x1FB0] =	vst v1  }
0x1d9: {  	v0 =	vld.idx.msk [tilespmem:v30+s2+$0x0], $0xffff  }
0x1da: {  	v1 =	vld.idx.msk [tilespmem:v31+s2+$0x0], $0xffff;
	_ =	sdelay $0x1  }
0x1db: {  	v32 =	vshrl.u32 v28, $0x7  }
0x1dc: {  	v33 =	vshrl.u32 v28, $0x17;
	v4 =	vand.u32 $0xFFFF, v28;
	v3 =	vand.u32 $0x1F0, v32  }
0x1dd: {  	v5 =	vand.u32 $0x1F0, v33;
	v0 =	vshrl.u32 v0, v3  }
0x1de: {  	v34 =	vld [tilespmem:$0x11F0];
	v1 =	vshrl.u32 v1, v5;
	v0 =	vshll.u32 v0, $0x10  }
0x1df: {  	v1 =	vshll.u32 v1, $0x10;
	[tilespmem:$0x17C0] =	vst v0  }
0x1e0: {  	[tilespmem:$0x17D0] =	vst v1  }
0x1e1: {  	v0 =	vld.idx.msk [tilespmem:v4+s15+$0x0], $0xffff  }
0x1e2: {  	v1 =	vld.idx.msk [tilespmem:v29+s15+$0x0], $0xffff  }
0x1e3: {  	v35 =	vshrl.u32 v34, $0x10;
	v36 =	vand.u32 $0x7FF, v34  }
0x1e4: {  	v37 =	vand.u32 $0x7FF, v35;
	_ =	sdelay $0x1  }
0x1e5: {  	[tilespmem:$0x1FC0] =	vst v0  }
0x1e6: {  	[tilespmem:$0x1FD0] =	vst v1  }
0x1e7: {  	v0 =	vld.idx.msk [tilespmem:v36+s2+$0x0], $0xffff  }
0x1e8: {  	v1 =	vld.idx.msk [tilespmem:v37+s2+$0x0], $0xffff;
	_ =	sdelay $0x1  }
0x1e9: {  	v38 =	vshrl.u32 v34, $0x7  }
0x1ea: {  	v39 =	vshrl.u32 v34, $0x17;
	v3 =	vand.u32 $0xFFFF, v34;
	v4 =	vand.u32 $0x1F0, v38  }
0x1eb: {  	v5 =	vand.u32 $0x1F0, v39;
	v0 =	vshrl.u32 v0, v4  }
0x1ec: {  	v1 =	vshrl.u32 v1, v5;
	v0 =	vshll.u32 v0, $0x10  }
0x1ed: {  	v1 =	vshll.u32 v1, $0x10;
	[tilespmem:$0x17E0] =	vst v0  }
0x1ee: {  	[tilespmem:$0x17F0] =	vst v1  }
0x1ef: {  	v0 =	vld.idx.msk [tilespmem:v3+s15+$0x0], $0xffff  }
0x1f0: {  	v1 =	vld.idx.msk [tilespmem:v35+s15+$0x0], $0xffff;
	_ =	sdelay $0x1  }
0x1f1: {  	s3 =	sadd.s32 s0, s12  }
0x1f2: {  	s18 =	sand.u32 $0x60, s31;
	s8 =	sand.u32 $0xFFFFC00, s3  }
0x1f3: {  	s14 =	sor.u32 s18, s8;
	[tilespmem:$0x1FE0] =	vst v0  }
0x1f4: {  	s18 =	sadd.s32 s1, s14;
	s7 =	rddreg [dreg:$0x4];
	[tilespmem:$0x1FF0] =	vst v1  }
0x1f5: {  	[hbm4b:s18+s13] =	stream.strided.scatter [tilespmem:s7], [sflag:$0x5], $0x400, s17, s13, $0x38;
	[tilespmem:$0x3400] =	vst v63  }
0x1f6: {  	p1 =	seq.s32 s0, $0x7F00;
	s9 =	sadd.s32 s6, s14;
	s8 =	rddreg [dreg:$0x5]  }
0x1f7: {  	[hbm4b:s9+s13] =	stream.strided.scatter [tilespmem:s8], [sflag:$0x7], $0x400, s17, s13, $0x38;
	[tilespmem:$0x3400] =	vst v63  }
0x1f8: {  	s7 =	sadd.s32 @!p1 $0x2, s30;
	s8 =	sadd.s32 @!p1 s0, s12  }
0x1f9: {  	s7 =	sshrl.u32 @!p1 s7, $0x3;
	s8 =	sadd.s32 @!p1 $0x100, s8  }
0x1fa: {  	s14 =	sshll.u32 @!p1 s7, $0xE;
	s8 =	sand.u32 @!p1 $0x300, s8  }
0x1fb: {  	s10 =	simm.s32 @!p1 $0x0;
	s7 =	sshll.u32 @!p1 s7, $0xC;
	s14 =	sor.u32 @!p1 s8, s14  }
0x1fc: {  	s18 =	simm.s32 @!p1 $0x80;
	s7 =	sor.u32 @!p1 s8, s7;
	s14 =	sshrl.u32 @!p1 s14, $0x3  }
0x1fd: {  	s9 =	simm.s32 @!p1 $0x400;
	s7 =	sshrl.u32 @!p1 s7, $0x3;
	s14 =	sadd.s32 @!p1 s4, s14  }
0x1fe: {  	[tilespmem:s10], [sflag:$0x1] =	stream.strided.gather @!p1 [hbm4b:s14+s18], $0x800, s9, s18, $0x38;
	[tilespmem:$0x3400] =	vst v63  }
0x1ff: {  	s8 =	simm.s32 @!p1 $0x1000;
	s7 =	sadd.s32 @!p1 s5, s7  }
0x200: {  	[tilespmem:s8], [sflag:$0x3] =	stream.strided.gather @!p1 [hbm4b:s7+s18], $0x200, s9, s18, $0x38;
	[tilespmem:$0x3400] =	vst v63  }
0x201: {  	_ =	swait.ge [sflag:s22], $0x800  }
0x202: {  	[sflag:s22] =	ssyncset.done $0x0  }
0x203: {  	[sflag:s22] =	ssyncadd.s32 $0xFFFFF800  }
0x204: {  	_ =	swait.ge [sflag:s23], $0x200  }
0x205: {  	[sflag:s23] =	ssyncset.done $0x0  }
0x206: {  	s7 =	simm.s32 @!p0 $0x6;
	[sflag:s23] =	ssyncadd.s32 $0xFFFFFE00  }
0x207: {  	_ =	swait.ge @!p0 [sflag:s7], $0x400  }
0x208: {  	[sflag:s7] =	ssyncset.done @!p0 $0x0  }
0x209: {  	[sflag:s7] =	ssyncadd.s32 @!p0 $0xFFFFFC00;
	s7 =	simm.s32 @!p0 $0x8  }
0x20a: {  	_ =	swait.ge @!p0 [sflag:s7], $0x400  }
0x20b: {  	[sflag:s7] =	ssyncset.done @!p0 $0x0  }
0x20c: {  	[sflag:s7] =	ssyncadd.s32 @!p0 $0xFFFFFC00  }
0x20d: {  	v40 =	vld [tilespmem:$0x1200];
	_ =	sdelay $0x4  }
0x20e: {  	v41 =	vshrl.u32 v40, $0x10;
	v42 =	vand.u32 $0x7FF, v40  }
0x20f: {  	v43 =	vand.u32 $0x7FF, v41;
	_ =	sdelay $0x3  }
0x210: {  	v2 =	vld.idx.msk [tilespmem:v42+s19+$0x0], $0xffff  }
0x211: {  	v3 =	vld.idx.msk [tilespmem:v43+s19+$0x0], $0xffff;
	_ =	sdelay $0x1  }
0x212: {  	v44 =	vshrl.u32 v40, $0x7  }
0x213: {  	v45 =	vshrl.u32 v40, $0x17;
	v0 =	vand.u32 $0xFFFF, v40;
	v4 =	vand.u32 $0x1F0, v44  }
0x214: {  	v5 =	vand.u32 $0x1F0, v45;
	v2 =	vshrl.u32 v2, v4  }
0x215: {  	v46 =	vld [tilespmem:$0x1210];
	v2 =	vshll.u32 v2, $0x10;
	v3 =	vshrl.u32 v3, v5  }
0x216: {  	v3 =	vshll.u32 v3, $0x10;
	[tilespmem:$0x1800] =	vst v2  }
0x217: {  	[tilespmem:$0x1810] =	vst v3  }
0x218: {  	v0 =	vld.idx.msk [tilespmem:v0+s15+$0x0], $0xffff  }
0x219: {  	v1 =	vld.idx.msk [tilespmem:v41+s15+$0x0], $0xffff  }
0x21a: {  	v47 =	vshrl.u32 v46, $0x10;
	v48 =	vand.u32 $0x7FF, v46  }
0x21b: {  	v49 =	vand.u32 $0x7FF, v47;
	_ =	sdelay $0x1  }
0x21c: {  	[tilespmem:$0x2000] =	vst v0  }
0x21d: {  	[tilespmem:$0x2010] =	vst v1  }
0x21e: {  	v0 =	vld.idx.msk [tilespmem:v48+s19+$0x0], $0xffff  }
0x21f: {  	v1 =	vld.idx.msk [tilespmem:v49+s19+$0x0], $0xffff;
	_ =	sdelay $0x1  }
0x220: {  	v50 =	vshrl.u32 v46, $0x7  }
0x221: {  	v51 =	vshrl.u32 v46, $0x17;
	v4 =	vand.u32 $0xFFFF, v46;
	v3 =	vand.u32 $0x1F0, v50  }
0x222: {  	v5 =	vand.u32 $0x1F0, v51;
	v0 =	vshrl.u32 v0, v3  }
0x223: {  	v52 =	vld [tilespmem:$0x1220];
	v1 =	vshrl.u32 v1, v5;
	v0 =	vshll.u32 v0, $0x10  }
0x224: {  	v1 =	vshll.u32 v1, $0x10;
	[tilespmem:$0x1820] =	vst v0  }
0x225: {  	[tilespmem:$0x1830] =	vst v1  }
0x226: {  	v0 =	vld.idx.msk [tilespmem:v4+s15+$0x0], $0xffff  }
0x227: {  	v1 =	vld.idx.msk [tilespmem:v47+s15+$0x0], $0xffff  }
0x228: {  	v53 =	vshrl.u32 v52, $0x10;
	v54 =	vand.u32 $0x7FF, v52  }
0x229: {  	v55 =	vand.u32 $0x7FF, v53;
	_ =	sdelay $0x1  }
0x22a: {  	[tilespmem:$0x2020] =	vst v0  }
0x22b: {  	[tilespmem:$0x2030] =	vst v1  }
0x22c: {  	v0 =	vld.idx.msk [tilespmem:v54+s19+$0x0], $0xffff  }
0x22d: {  	v1 =	vld.idx.msk [tilespmem:v55+s19+$0x0], $0xffff;
	_ =	sdelay $0x1  }
0x22e: {  	v56 =	vshrl.u32 v52, $0x7  }
0x22f: {  	v57 =	vshrl.u32 v52, $0x17;
	v3 =	vand.u32 $0xFFFF, v52;
	v4 =	vand.u32 $0x1F0, v56  }
0x230: {  	v5 =	vand.u32 $0x1F0, v57;
	v0 =	vshrl.u32 v0, v4  }
0x231: {  	v58 =	vld [tilespmem:$0x1230];
	v1 =	vshrl.u32 v1, v5;
	v0 =	vshll.u32 v0, $0x10  }
0x232: {  	v1 =	vshll.u32 v1, $0x10;
	[tilespmem:$0x1840] =	vst v0  }
0x233: {  	[tilespmem:$0x1850] =	vst v1  }
0x234: {  	v0 =	vld.idx.msk [tilespmem:v3+s15+$0x0], $0xffff  }
0x235: {  	v1 =	vld.idx.msk [tilespmem:v53+s15+$0x0], $0xffff  }
0x236: {  	v59 =	vshrl.u32 v58, $0x10;
	v60 =	vand.u32 $0x7FF, v58  }
0x237: {  	v61 =	vand.u32 $0x7FF, v59;
	_ =	sdelay $0x1  }
0x238: {  	[tilespmem:$0x2040] =	vst v0  }
0x239: {  	[tilespmem:$0x2050] =	vst v1  }
0x23a: {  	v0 =	vld.idx.msk [tilespmem:v60+s19+$0x0], $0xffff  }
0x23b: {  	v1 =	vld.idx.msk [tilespmem:v61+s19+$0x0], $0xffff;
	_ =	sdelay $0x1  }
0x23c: {  	v62 =	vshrl.u32 v58, $0x7  }
0x23d: {  	v63 =	vshrl.u32 v58, $0x17;
	v4 =	vand.u32 $0xFFFF, v58;
	v3 =	vand.u32 $0x1F0, v62  }
0x23e: {  	v5 =	vand.u32 $0x1F0, v63;
	v0 =	vshrl.u32 v0, v3  }
0x23f: {  	v8 =	vld [tilespmem:$0x1240];
	v1 =	vshrl.u32 v1, v5;
	v0 =	vshll.u32 v0, $0x10  }
0x240: {  	v1 =	vshll.u32 v1, $0x10;
	[tilespmem:$0x1860] =	vst v0  }
0x241: {  	[tilespmem:$0x1870] =	vst v1  }
0x242: {  	v0 =	vld.idx.msk [tilespmem:v4+s15+$0x0], $0xffff  }
0x243: {  	v1 =	vld.idx.msk [tilespmem:v59+s15+$0x0], $0xffff  }
0x244: {  	v9 =	vshrl.u32 v8, $0x10;
	v10 =	vand.u32 $0x7FF, v8  }
0x245: {  	v11 =	vand.u32 $0x7FF, v9;
	_ =	sdelay $0x1  }
0x246: {  	[tilespmem:$0x2060] =	vst v0  }
0x247: {  	[tilespmem:$0x2070] =	vst v1  }
0x248: {  	v0 =	vld.idx.msk [tilespmem:v10+s19+$0x0], $0xffff  }
0x249: {  	v1 =	vld.idx.msk [tilespmem:v11+s19+$0x0], $0xffff;
	_ =	sdelay $0x1  }
0x24a: {  	v12 =	vshrl.u32 v8, $0x7  }
0x24b: {  	v13 =	vshrl.u32 v8, $0x17;
	v3 =	vand.u32 $0xFFFF, v8;
	v4 =	vand.u32 $0x1F0, v12  }
0x24c: {  	v5 =	vand.u32 $0x1F0, v13;
	v0 =	vshrl.u32 v0, v4  }
0x24d: {  	v14 =	vld [tilespmem:$0x1250];
	v1 =	vshrl.u32 v1, v5;
	v0 =	vshll.u32 v0, $0x10  }
0x24e: {  	v1 =	vshll.u32 v1, $0x10;
	[tilespmem:$0x1880] =	vst v0  }
0x24f: {  	[tilespmem:$0x1890] =	vst v1  }
0x250: {  	v0 =	vld.idx.msk [tilespmem:v3+s15+$0x0], $0xffff  }
0x251: {  	v1 =	vld.idx.msk [tilespmem:v9+s15+$0x0], $0xffff  }
0x252: {  	v15 =	vshrl.u32 v14, $0x10;
	v16 =	vand.u32 $0x7FF, v14  }
0x253: {  	v17 =	vand.u32 $0x7FF, v15;
	_ =	sdelay $0x1  }
0x254: {  	[tilespmem:$0x2080] =	vst v0  }
0x255: {  	[tilespmem:$0x2090] =	vst v1  }
0x256: {  	v0 =	vld.idx.msk [tilespmem:v16+s19+$0x0], $0xffff  }
0x257: {  	v1 =	vld.idx.msk [tilespmem:v17+s19+$0x0], $0xffff;
	_ =	sdelay $0x1  }
0x258: {  	v18 =	vshrl.u32 v14, $0x7  }
0x259: {  	v19 =	vshrl.u32 v14, $0x17;
	v4 =	vand.u32 $0xFFFF, v14;
	v3 =	vand.u32 $0x1F0, v18  }
0x25a: {  	v5 =	vand.u32 $0x1F0, v19;
	v0 =	vshrl.u32 v0, v3  }
0x25b: {  	v20 =	vld [tilespmem:$0x1260];
	v1 =	vshrl.u32 v1, v5;
	v0 =	vshll.u32 v0, $0x10  }
0x25c: {  	v1 =	vshll.u32 v1, $0x10;
	[tilespmem:$0x18A0] =	vst v0  }
0x25d: {  	[tilespmem:$0x18B0] =	vst v1  }
0x25e: {  	v0 =	vld.idx.msk [tilespmem:v4+s15+$0x0], $0xffff  }
0x25f: {  	v1 =	vld.idx.msk [tilespmem:v15+s15+$0x0], $0xffff  }
0x260: {  	v21 =	vshrl.u32 v20, $0x10;
	v22 =	vand.u32 $0x7FF, v20  }
0x261: {  	v23 =	vand.u32 $0x7FF, v21;
	_ =	sdelay $0x1  }
0x262: {  	[tilespmem:$0x20A0] =	vst v0  }
0x263: {  	[tilespmem:$0x20B0] =	vst v1  }
0x264: {  	v0 =	vld.idx.msk [tilespmem:v22+s19+$0x0], $0xffff  }
0x265: {  	v1 =	vld.idx.msk [tilespmem:v23+s19+$0x0], $0xffff;
	_ =	sdelay $0x1  }
0x266: {  	v24 =	vshrl.u32 v20, $0x7  }
0x267: {  	v25 =	vshrl.u32 v20, $0x17;
	v3 =	vand.u32 $0xFFFF, v20;
	v4 =	vand.u32 $0x1F0, v24  }
0x268: {  	v5 =	vand.u32 $0x1F0, v25;
	v0 =	vshrl.u32 v0, v4  }
0x269: {  	v26 =	vld [tilespmem:$0x1270];
	v1 =	vshrl.u32 v1, v5;
	v0 =	vshll.u32 v0, $0x10  }
0x26a: {  	v1 =	vshll.u32 v1, $0x10;
	[tilespmem:$0x18C0] =	vst v0  }
0x26b: {  	[tilespmem:$0x18D0] =	vst v1  }
0x26c: {  	v0 =	vld.idx.msk [tilespmem:v3+s15+$0x0], $0xffff  }
0x26d: {  	v1 =	vld.idx.msk [tilespmem:v21+s15+$0x0], $0xffff  }
0x26e: {  	v27 =	vshrl.u32 v26, $0x10;
	v28 =	vand.u32 $0x7FF, v26  }
0x26f: {  	v29 =	vand.u32 $0x7FF, v27;
	_ =	sdelay $0x1  }
0x270: {  	[tilespmem:$0x20C0] =	vst v0  }
0x271: {  	[tilespmem:$0x20D0] =	vst v1  }
0x272: {  	v0 =	vld.idx.msk [tilespmem:v28+s19+$0x0], $0xffff  }
0x273: {  	v1 =	vld.idx.msk [tilespmem:v29+s19+$0x0], $0xffff;
	_ =	sdelay $0x1  }
0x274: {  	v30 =	vshrl.u32 v26, $0x7  }
0x275: {  	v31 =	vshrl.u32 v26, $0x17;
	v4 =	vand.u32 $0xFFFF, v26;
	v3 =	vand.u32 $0x1F0, v30  }
0x276: {  	v5 =	vand.u32 $0x1F0, v31;
	v0 =	vshrl.u32 v0, v3  }
0x277: {  	v32 =	vld [tilespmem:$0x1280];
	v1 =	vshrl.u32 v1, v5;
	v0 =	vshll.u32 v0, $0x10  }
0x278: {  	v1 =	vshll.u32 v1, $0x10;
	[tilespmem:$0x18E0] =	vst v0  }
0x279: {  	[tilespmem:$0x18F0] =	vst v1  }
0x27a: {  	v0 =	vld.idx.msk [tilespmem:v4+s15+$0x0], $0xffff  }
0x27b: {  	v1 =	vld.idx.msk [tilespmem:v27+s15+$0x0], $0xffff  }
0x27c: {  	v33 =	vshrl.u32 v32, $0x10;
	v34 =	vand.u32 $0x7FF, v32  }
0x27d: {  	v35 =	vand.u32 $0x7FF, v33;
	_ =	sdelay $0x1  }
0x27e: {  	[tilespmem:$0x20E0] =	vst v0  }
0x27f: {  	[tilespmem:$0x20F0] =	vst v1  }
0x280: {  	v0 =	vld.idx.msk [tilespmem:v34+s19+$0x0], $0xffff  }
0x281: {  	v1 =	vld.idx.msk [tilespmem:v35+s19+$0x0], $0xffff;
	_ =	sdelay $0x1  }
0x282: {  	v36 =	vshrl.u32 v32, $0x7  }
0x283: {  	v37 =	vshrl.u32 v32, $0x17;
	v3 =	vand.u32 $0xFFFF, v32;
	v4 =	vand.u32 $0x1F0, v36  }
0x284: {  	v5 =	vand.u32 $0x1F0, v37;
	v0 =	vshrl.u32 v0, v4  }
0x285: {  	v38 =	vld [tilespmem:$0x1290];
	v1 =	vshrl.u32 v1, v5;
	v0 =	vshll.u32 v0, $0x10  }
0x286: {  	v1 =	vshll.u32 v1, $0x10;
	[tilespmem:$0x1900] =	vst v0  }
0x287: {  	[tilespmem:$0x1910] =	vst v1  }
0x288: {  	v0 =	vld.idx.msk [tilespmem:v3+s15+$0x0], $0xffff  }
0x289: {  	v1 =	vld.idx.msk [tilespmem:v33+s15+$0x0], $0xffff  }
0x28a: {  	v39 =	vshrl.u32 v38, $0x10;
	v40 =	vand.u32 $0x7FF, v38  }
0x28b: {  	v41 =	vand.u32 $0x7FF, v39;
	_ =	sdelay $0x1  }
0x28c: {  	[tilespmem:$0x2100] =	vst v0  }
0x28d: {  	[tilespmem:$0x2110] =	vst v1  }
0x28e: {  	v0 =	vld.idx.msk [tilespmem:v40+s19+$0x0], $0xffff  }
0x28f: {  	v1 =	vld.idx.msk [tilespmem:v41+s19+$0x0], $0xffff;
	_ =	sdelay $0x1  }
0x290: {  	v42 =	vshrl.u32 v38, $0x7  }
0x291: {  	v43 =	vshrl.u32 v38, $0x17;
	v4 =	vand.u32 $0xFFFF, v38;
	v3 =	vand.u32 $0x1F0, v42  }
0x292: {  	v5 =	vand.u32 $0x1F0, v43;
	v0 =	vshrl.u32 v0, v3  }
0x293: {  	v44 =	vld [tilespmem:$0x12A0];
	v1 =	vshrl.u32 v1, v5;
	v0 =	vshll.u32 v0, $0x10  }
0x294: {  	v1 =	vshll.u32 v1, $0x10;
	[tilespmem:$0x1920] =	vst v0  }
0x295: {  	[tilespmem:$0x1930] =	vst v1  }
0x296: {  	v0 =	vld.idx.msk [tilespmem:v4+s15+$0x0], $0xffff  }
0x297: {  	v1 =	vld.idx.msk [tilespmem:v39+s15+$0x0], $0xffff  }
0x298: {  	v45 =	vshrl.u32 v44, $0x10;
	v46 =	vand.u32 $0x7FF, v44  }
0x299: {  	v47 =	vand.u32 $0x7FF, v45;
	_ =	sdelay $0x1  }
0x29a: {  	[tilespmem:$0x2120] =	vst v0  }
0x29b: {  	[tilespmem:$0x2130] =	vst v1  }
0x29c: {  	v0 =	vld.idx.msk [tilespmem:v46+s19+$0x0], $0xffff  }
0x29d: {  	v1 =	vld.idx.msk [tilespmem:v47+s19+$0x0], $0xffff;
	_ =	sdelay $0x1  }
0x29e: {  	v48 =	vshrl.u32 v44, $0x7  }
0x29f: {  	v49 =	vshrl.u32 v44, $0x17;
	v3 =	vand.u32 $0xFFFF, v44;
	v4 =	vand.u32 $0x1F0, v48  }
0x2a0: {  	v5 =	vand.u32 $0x1F0, v49;
	v0 =	vshrl.u32 v0, v4  }
0x2a1: {  	v50 =	vld [tilespmem:$0x12B0];
	v1 =	vshrl.u32 v1, v5;
	v0 =	vshll.u32 v0, $0x10  }
0x2a2: {  	v1 =	vshll.u32 v1, $0x10;
	[tilespmem:$0x1940] =	vst v0  }
0x2a3: {  	[tilespmem:$0x1950] =	vst v1  }
0x2a4: {  	v0 =	vld.idx.msk [tilespmem:v3+s15+$0x0], $0xffff  }
0x2a5: {  	v1 =	vld.idx.msk [tilespmem:v45+s15+$0x0], $0xffff  }
0x2a6: {  	v51 =	vshrl.u32 v50, $0x10;
	v52 =	vand.u32 $0x7FF, v50  }
0x2a7: {  	v53 =	vand.u32 $0x7FF, v51;
	_ =	sdelay $0x1  }
0x2a8: {  	[tilespmem:$0x2140] =	vst v0  }
0x2a9: {  	[tilespmem:$0x2150] =	vst v1  }
0x2aa: {  	v0 =	vld.idx.msk [tilespmem:v52+s19+$0x0], $0xffff  }
0x2ab: {  	v1 =	vld.idx.msk [tilespmem:v53+s19+$0x0], $0xffff;
	_ =	sdelay $0x1  }
0x2ac: {  	v54 =	vshrl.u32 v50, $0x7  }
0x2ad: {  	v55 =	vshrl.u32 v50, $0x17;
	v4 =	vand.u32 $0xFFFF, v50;
	v3 =	vand.u32 $0x1F0, v54  }
0x2ae: {  	v5 =	vand.u32 $0x1F0, v55;
	v0 =	vshrl.u32 v0, v3  }
0x2af: {  	v56 =	vld [tilespmem:$0x12C0];
	v1 =	vshrl.u32 v1, v5;
	v0 =	vshll.u32 v0, $0x10  }
0x2b0: {  	v1 =	vshll.u32 v1, $0x10;
	[tilespmem:$0x1960] =	vst v0  }
0x2b1: {  	[tilespmem:$0x1970] =	vst v1  }
0x2b2: {  	v0 =	vld.idx.msk [tilespmem:v4+s15+$0x0], $0xffff  }
0x2b3: {  	v1 =	vld.idx.msk [tilespmem:v51+s15+$0x0], $0xffff  }
0x2b4: {  	v57 =	vshrl.u32 v56, $0x10;
	v58 =	vand.u32 $0x7FF, v56  }
0x2b5: {  	v59 =	vand.u32 $0x7FF, v57;
	_ =	sdelay $0x1  }
0x2b6: {  	[tilespmem:$0x2160] =	vst v0  }
0x2b7: {  	[tilespmem:$0x2170] =	vst v1  }
0x2b8: {  	v0 =	vld.idx.msk [tilespmem:v58+s19+$0x0], $0xffff  }
0x2b9: {  	v1 =	vld.idx.msk [tilespmem:v59+s19+$0x0], $0xffff;
	_ =	sdelay $0x1  }
0x2ba: {  	v60 =	vshrl.u32 v56, $0x7  }
0x2bb: {  	v61 =	vshrl.u32 v56, $0x17;
	v3 =	vand.u32 $0xFFFF, v56;
	v4 =	vand.u32 $0x1F0, v60  }
0x2bc: {  	v5 =	vand.u32 $0x1F0, v61;
	v0 =	vshrl.u32 v0, v4  }
0x2bd: {  	v62 =	vld [tilespmem:$0x12D0];
	v1 =	vshrl.u32 v1, v5;
	v0 =	vshll.u32 v0, $0x10  }
0x2be: {  	v1 =	vshll.u32 v1, $0x10;
	[tilespmem:$0x1980] =	vst v0  }
0x2bf: {  	[tilespmem:$0x1990] =	vst v1  }
0x2c0: {  	v0 =	vld.idx.msk [tilespmem:v3+s15+$0x0], $0xffff  }
0x2c1: {  	v1 =	vld.idx.msk [tilespmem:v57+s15+$0x0], $0xffff  }
0x2c2: {  	v63 =	vshrl.u32 v62, $0x10;
	v8 =	vand.u32 $0x7FF, v62  }
0x2c3: {  	v9 =	vand.u32 $0x7FF, v63;
	_ =	sdelay $0x1  }
0x2c4: {  	[tilespmem:$0x2180] =	vst v0  }
0x2c5: {  	[tilespmem:$0x2190] =	vst v1  }
0x2c6: {  	v0 =	vld.idx.msk [tilespmem:v8+s19+$0x0], $0xffff  }
0x2c7: {  	v1 =	vld.idx.msk [tilespmem:v9+s19+$0x0], $0xffff;
	_ =	sdelay $0x1  }
0x2c8: {  	v10 =	vshrl.u32 v62, $0x7  }
0x2c9: {  	v11 =	vshrl.u32 v62, $0x17;
	v4 =	vand.u32 $0xFFFF, v62;
	v3 =	vand.u32 $0x1F0, v10  }
0x2ca: {  	v5 =	vand.u32 $0x1F0, v11;
	v0 =	vshrl.u32 v0, v3  }
0x2cb: {  	v12 =	vld [tilespmem:$0x12E0];
	v1 =	vshrl.u32 v1, v5;
	v0 =	vshll.u32 v0, $0x10  }
0x2cc: {  	v1 =	vshll.u32 v1, $0x10;
	[tilespmem:$0x19A0] =	vst v0  }
0x2cd: {  	[tilespmem:$0x19B0] =	vst v1  }
0x2ce: {  	v0 =	vld.idx.msk [tilespmem:v4+s15+$0x0], $0xffff  }
0x2cf: {  	v1 =	vld.idx.msk [tilespmem:v63+s15+$0x0], $0xffff  }
0x2d0: {  	v13 =	vshrl.u32 v12, $0x10;
	v14 =	vand.u32 $0x7FF, v12  }
0x2d1: {  	v15 =	vand.u32 $0x7FF, v13;
	_ =	sdelay $0x1  }
0x2d2: {  	[tilespmem:$0x21A0] =	vst v0  }
0x2d3: {  	[tilespmem:$0x21B0] =	vst v1  }
0x2d4: {  	v0 =	vld.idx.msk [tilespmem:v14+s19+$0x0], $0xffff  }
0x2d5: {  	v1 =	vld.idx.msk [tilespmem:v15+s19+$0x0], $0xffff;
	_ =	sdelay $0x1  }
0x2d6: {  	v16 =	vshrl.u32 v12, $0x7  }
0x2d7: {  	v17 =	vshrl.u32 v12, $0x17;
	v3 =	vand.u32 $0xFFFF, v12;
	v4 =	vand.u32 $0x1F0, v16  }
0x2d8: {  	v5 =	vand.u32 $0x1F0, v17;
	v0 =	vshrl.u32 v0, v4  }
0x2d9: {  	v18 =	vld [tilespmem:$0x12F0];
	v1 =	vshrl.u32 v1, v5;
	v0 =	vshll.u32 v0, $0x10  }
0x2da: {  	v1 =	vshll.u32 v1, $0x10;
	[tilespmem:$0x19C0] =	vst v0  }
0x2db: {  	[tilespmem:$0x19D0] =	vst v1  }
0x2dc: {  	v0 =	vld.idx.msk [tilespmem:v3+s15+$0x0], $0xffff  }
0x2dd: {  	v1 =	vld.idx.msk [tilespmem:v13+s15+$0x0], $0xffff  }
0x2de: {  	v19 =	vshrl.u32 v18, $0x10;
	v20 =	vand.u32 $0x7FF, v18  }
0x2df: {  	v21 =	vand.u32 $0x7FF, v19;
	_ =	sdelay $0x1  }
0x2e0: {  	[tilespmem:$0x21C0] =	vst v0  }
0x2e1: {  	[tilespmem:$0x21D0] =	vst v1  }
0x2e2: {  	v0 =	vld.idx.msk [tilespmem:v20+s19+$0x0], $0xffff  }
0x2e3: {  	v1 =	vld.idx.msk [tilespmem:v21+s19+$0x0], $0xffff;
	_ =	sdelay $0x1  }
0x2e4: {  	v22 =	vshrl.u32 v18, $0x7  }
0x2e5: {  	v23 =	vshrl.u32 v18, $0x17;
	v4 =	vand.u32 $0xFFFF, v18;
	v3 =	vand.u32 $0x1F0, v22  }
0x2e6: {  	v5 =	vand.u32 $0x1F0, v23;
	v0 =	vshrl.u32 v0, v3  }
0x2e7: {  	v24 =	vld [tilespmem:$0x1300];
	v1 =	vshrl.u32 v1, v5;
	v0 =	vshll.u32 v0, $0x10  }
0x2e8: {  	v1 =	vshll.u32 v1, $0x10;
	[tilespmem:$0x19E0] =	vst v0  }
0x2e9: {  	[tilespmem:$0x19F0] =	vst v1  }
0x2ea: {  	v0 =	vld.idx.msk [tilespmem:v4+s15+$0x0], $0xffff  }
0x2eb: {  	v1 =	vld.idx.msk [tilespmem:v19+s15+$0x0], $0xffff  }
0x2ec: {  	v25 =	vshrl.u32 v24, $0x10;
	v26 =	vand.u32 $0x7FF, v24  }
0x2ed: {  	v27 =	vand.u32 $0x7FF, v25;
	_ =	sdelay $0x1  }
0x2ee: {  	[tilespmem:$0x21E0] =	vst v0  }
0x2ef: {  	[tilespmem:$0x21F0] =	vst v1  }
0x2f0: {  	v0 =	vld.idx.msk [tilespmem:v26+s19+$0x0], $0xffff  }
0x2f1: {  	v1 =	vld.idx.msk [tilespmem:v27+s19+$0x0], $0xffff;
	_ =	sdelay $0x1  }
0x2f2: {  	v28 =	vshrl.u32 v24, $0x7  }
0x2f3: {  	v29 =	vshrl.u32 v24, $0x17;
	v3 =	vand.u32 $0xFFFF, v24;
	v4 =	vand.u32 $0x1F0, v28  }
0x2f4: {  	v5 =	vand.u32 $0x1F0, v29;
	v0 =	vshrl.u32 v0, v4  }
0x2f5: {  	v30 =	vld [tilespmem:$0x1310];
	v1 =	vshrl.u32 v1, v5;
	v0 =	vshll.u32 v0, $0x10  }
0x2f6: {  	v1 =	vshll.u32 v1, $0x10;
	[tilespmem:$0x1A00] =	vst v0  }
0x2f7: {  	[tilespmem:$0x1A10] =	vst v1  }
0x2f8: {  	v0 =	vld.idx.msk [tilespmem:v3+s15+$0x0], $0xffff  }
0x2f9: {  	v1 =	vld.idx.msk [tilespmem:v25+s15+$0x0], $0xffff  }
0x2fa: {  	v31 =	vshrl.u32 v30, $0x10;
	v32 =	vand.u32 $0x7FF, v30  }
0x2fb: {  	v33 =	vand.u32 $0x7FF, v31;
	_ =	sdelay $0x1  }
0x2fc: {  	[tilespmem:$0x2200] =	vst v0  }
0x2fd: {  	[tilespmem:$0x2210] =	vst v1  }
0x2fe: {  	v0 =	vld.idx.msk [tilespmem:v32+s19+$0x0], $0xffff  }
0x2ff: {  	v1 =	vld.idx.msk [tilespmem:v33+s19+$0x0], $0xffff;
	_ =	sdelay $0x1  }
0x300: {  	v34 =	vshrl.u32 v30, $0x7  }
0x301: {  	v35 =	vshrl.u32 v30, $0x17;
	v4 =	vand.u32 $0xFFFF, v30;
	v3 =	vand.u32 $0x1F0, v34  }
0x302: {  	v5 =	vand.u32 $0x1F0, v35;
	v0 =	vshrl.u32 v0, v3  }
0x303: {  	v36 =	vld [tilespmem:$0x1320];
	v1 =	vshrl.u32 v1, v5;
	v0 =	vshll.u32 v0, $0x10  }
0x304: {  	v1 =	vshll.u32 v1, $0x10;
	[tilespmem:$0x1A20] =	vst v0  }
0x305: {  	[tilespmem:$0x1A30] =	vst v1  }
0x306: {  	v0 =	vld.idx.msk [tilespmem:v4+s15+$0x0], $0xffff  }
0x307: {  	v1 =	vld.idx.msk [tilespmem:v31+s15+$0x0], $0xffff  }
0x308: {  	v37 =	vshrl.u32 v36, $0x10;
	v38 =	vand.u32 $0x7FF, v36  }
0x309: {  	v39 =	vand.u32 $0x7FF, v37;
	_ =	sdelay $0x1  }
0x30a: {  	[tilespmem:$0x2220] =	vst v0  }
0x30b: {  	[tilespmem:$0x2230] =	vst v1  }
0x30c: {  	v0 =	vld.idx.msk [tilespmem:v38+s19+$0x0], $0xffff  }
0x30d: {  	v1 =	vld.idx.msk [tilespmem:v39+s19+$0x0], $0xffff;
	_ =	sdelay $0x1  }
0x30e: {  	v40 =	vshrl.u32 v36, $0x7  }
0x30f: {  	v41 =	vshrl.u32 v36, $0x17;
	v3 =	vand.u32 $0xFFFF, v36;
	v4 =	vand.u32 $0x1F0, v40  }
0x310: {  	v5 =	vand.u32 $0x1F0, v41;
	v0 =	vshrl.u32 v0, v4  }
0x311: {  	v42 =	vld [tilespmem:$0x1330];
	v1 =	vshrl.u32 v1, v5;
	v0 =	vshll.u32 v0, $0x10  }
0x312: {  	v1 =	vshll.u32 v1, $0x10;
	[tilespmem:$0x1A40] =	vst v0  }
0x313: {  	[tilespmem:$0x1A50] =	vst v1  }
0x314: {  	v0 =	vld.idx.msk [tilespmem:v3+s15+$0x0], $0xffff  }
0x315: {  	v1 =	vld.idx.msk [tilespmem:v37+s15+$0x0], $0xffff  }
0x316: {  	v43 =	vshrl.u32 v42, $0x10;
	v44 =	vand.u32 $0x7FF, v42  }
0x317: {  	v45 =	vand.u32 $0x7FF, v43;
	_ =	sdelay $0x1  }
0x318: {  	[tilespmem:$0x2240] =	vst v0  }
0x319: {  	[tilespmem:$0x2250] =	vst v1  }
0x31a: {  	v0 =	vld.idx.msk [tilespmem:v44+s19+$0x0], $0xffff  }
0x31b: {  	v1 =	vld.idx.msk [tilespmem:v45+s19+$0x0], $0xffff;
	_ =	sdelay $0x1  }
0x31c: {  	v46 =	vshrl.u32 v42, $0x7  }
0x31d: {  	v47 =	vshrl.u32 v42, $0x17;
	v4 =	vand.u32 $0xFFFF, v42;
	v3 =	vand.u32 $0x1F0, v46  }
0x31e: {  	v5 =	vand.u32 $0x1F0, v47;
	v0 =	vshrl.u32 v0, v3  }
0x31f: {  	v48 =	vld [tilespmem:$0x1340];
	v1 =	vshrl.u32 v1, v5;
	v0 =	vshll.u32 v0, $0x10  }
0x320: {  	v1 =	vshll.u32 v1, $0x10;
	[tilespmem:$0x1A60] =	vst v0  }
0x321: {  	[tilespmem:$0x1A70] =	vst v1  }
0x322: {  	v0 =	vld.idx.msk [tilespmem:v4+s15+$0x0], $0xffff  }
0x323: {  	v1 =	vld.idx.msk [tilespmem:v43+s15+$0x0], $0xffff  }
0x324: {  	v49 =	vshrl.u32 v48, $0x10;
	v50 =	vand.u32 $0x7FF, v48  }
0x325: {  	v51 =	vand.u32 $0x7FF, v49;
	_ =	sdelay $0x1  }
0x326: {  	[tilespmem:$0x2260] =	vst v0  }
0x327: {  	[tilespmem:$0x2270] =	vst v1  }
0x328: {  	v0 =	vld.idx.msk [tilespmem:v50+s19+$0x0], $0xffff  }
0x329: {  	v1 =	vld.idx.msk [tilespmem:v51+s19+$0x0], $0xffff;
	_ =	sdelay $0x1  }
0x32a: {  	v52 =	vshrl.u32 v48, $0x7  }
0x32b: {  	v53 =	vshrl.u32 v48, $0x17;
	v3 =	vand.u32 $0xFFFF, v48;
	v4 =	vand.u32 $0x1F0, v52  }
0x32c: {  	v5 =	vand.u32 $0x1F0, v53;
	v0 =	vshrl.u32 v0, v4  }
0x32d: {  	v54 =	vld [tilespmem:$0x1350];
	v1 =	vshrl.u32 v1, v5;
	v0 =	vshll.u32 v0, $0x10  }
0x32e: {  	v1 =	vshll.u32 v1, $0x10;
	[tilespmem:$0x1A80] =	vst v0  }
0x32f: {  	[tilespmem:$0x1A90] =	vst v1  }
0x330: {  	v0 =	vld.idx.msk [tilespmem:v3+s15+$0x0], $0xffff  }
0x331: {  	v1 =	vld.idx.msk [tilespmem:v49+s15+$0x0], $0xffff  }
0x332: {  	v55 =	vshrl.u32 v54, $0x10;
	v56 =	vand.u32 $0x7FF, v54  }
0x333: {  	v57 =	vand.u32 $0x7FF, v55;
	_ =	sdelay $0x1  }
0x334: {  	[tilespmem:$0x2280] =	vst v0  }
0x335: {  	[tilespmem:$0x2290] =	vst v1  }
0x336: {  	v0 =	vld.idx.msk [tilespmem:v56+s19+$0x0], $0xffff  }
0x337: {  	v1 =	vld.idx.msk [tilespmem:v57+s19+$0x0], $0xffff;
	_ =	sdelay $0x1  }
0x338: {  	v58 =	vshrl.u32 v54, $0x7  }
0x339: {  	v59 =	vshrl.u32 v54, $0x17;
	v4 =	vand.u32 $0xFFFF, v54;
	v3 =	vand.u32 $0x1F0, v58  }
0x33a: {  	v5 =	vand.u32 $0x1F0, v59;
	v0 =	vshrl.u32 v0, v3  }
0x33b: {  	v60 =	vld [tilespmem:$0x1360];
	v1 =	vshrl.u32 v1, v5;
	v0 =	vshll.u32 v0, $0x10  }
0x33c: {  	v1 =	vshll.u32 v1, $0x10;
	[tilespmem:$0x1AA0] =	vst v0  }
0x33d: {  	[tilespmem:$0x1AB0] =	vst v1  }
0x33e: {  	v0 =	vld.idx.msk [tilespmem:v4+s15+$0x0], $0xffff  }
0x33f: {  	v1 =	vld.idx.msk [tilespmem:v55+s15+$0x0], $0xffff  }
0x340: {  	v61 =	vshrl.u32 v60, $0x10;
	v62 =	vand.u32 $0x7FF, v60  }
0x341: {  	v63 =	vand.u32 $0x7FF, v61;
	_ =	sdelay $0x1  }
0x342: {  	[tilespmem:$0x22A0] =	vst v0  }
0x343: {  	[tilespmem:$0x22B0] =	vst v1  }
0x344: {  	v0 =	vld.idx.msk [tilespmem:v62+s19+$0x0], $0xffff  }
0x345: {  	v1 =	vld.idx.msk [tilespmem:v63+s19+$0x0], $0xffff;
	_ =	sdelay $0x1  }
0x346: {  	v8 =	vshrl.u32 v60, $0x7  }
0x347: {  	v9 =	vshrl.u32 v60, $0x17;
	v3 =	vand.u32 $0xFFFF, v60;
	v4 =	vand.u32 $0x1F0, v8  }
0x348: {  	v5 =	vand.u32 $0x1F0, v9;
	v0 =	vshrl.u32 v0, v4  }
0x349: {  	v10 =	vld [tilespmem:$0x1370];
	v1 =	vshrl.u32 v1, v5;
	v0 =	vshll.u32 v0, $0x10  }
0x34a: {  	v1 =	vshll.u32 v1, $0x10;
	[tilespmem:$0x1AC0] =	vst v0  }
0x34b: {  	[tilespmem:$0x1AD0] =	vst v1  }
0x34c: {  	v0 =	vld.idx.msk [tilespmem:v3+s15+$0x0], $0xffff  }
0x34d: {  	v1 =	vld.idx.msk [tilespmem:v61+s15+$0x0], $0xffff  }
0x34e: {  	v11 =	vshrl.u32 v10, $0x10;
	v12 =	vand.u32 $0x7FF, v10  }
0x34f: {  	v13 =	vand.u32 $0x7FF, v11;
	_ =	sdelay $0x1  }
0x350: {  	[tilespmem:$0x22C0] =	vst v0  }
0x351: {  	[tilespmem:$0x22D0] =	vst v1  }
0x352: {  	v0 =	vld.idx.msk [tilespmem:v12+s19+$0x0], $0xffff  }
0x353: {  	v1 =	vld.idx.msk [tilespmem:v13+s19+$0x0], $0xffff;
	_ =	sdelay $0x1  }
0x354: {  	v14 =	vshrl.u32 v10, $0x7  }
0x355: {  	v15 =	vshrl.u32 v10, $0x17;
	v4 =	vand.u32 $0xFFFF, v10;
	v3 =	vand.u32 $0x1F0, v14  }
0x356: {  	v5 =	vand.u32 $0x1F0, v15;
	v0 =	vshrl.u32 v0, v3  }
0x357: {  	v16 =	vld [tilespmem:$0x1380];
	v1 =	vshrl.u32 v1, v5;
	v0 =	vshll.u32 v0, $0x10  }
0x358: {  	v1 =	vshll.u32 v1, $0x10;
	[tilespmem:$0x1AE0] =	vst v0  }
0x359: {  	[tilespmem:$0x1AF0] =	vst v1  }
0x35a: {  	v0 =	vld.idx.msk [tilespmem:v4+s15+$0x0], $0xffff  }
0x35b: {  	v1 =	vld.idx.msk [tilespmem:v11+s15+$0x0], $0xffff  }
0x35c: {  	v17 =	vshrl.u32 v16, $0x10;
	v18 =	vand.u32 $0x7FF, v16  }
0x35d: {  	v19 =	vand.u32 $0x7FF, v17;
	_ =	sdelay $0x1  }
0x35e: {  	[tilespmem:$0x22E0] =	vst v0  }
0x35f: {  	[tilespmem:$0x22F0] =	vst v1  }
0x360: {  	v0 =	vld.idx.msk [tilespmem:v18+s19+$0x0], $0xffff  }
0x361: {  	v1 =	vld.idx.msk [tilespmem:v19+s19+$0x0], $0xffff;
	_ =	sdelay $0x1  }
0x362: {  	v20 =	vshrl.u32 v16, $0x7  }
0x363: {  	v21 =	vshrl.u32 v16, $0x17;
	v3 =	vand.u32 $0xFFFF, v16;
	v4 =	vand.u32 $0x1F0, v20  }
0x364: {  	v5 =	vand.u32 $0x1F0, v21;
	v0 =	vshrl.u32 v0, v4  }
0x365: {  	v22 =	vld [tilespmem:$0x1390];
	v1 =	vshrl.u32 v1, v5;
	v0 =	vshll.u32 v0, $0x10  }
0x366: {  	v1 =	vshll.u32 v1, $0x10;
	[tilespmem:$0x1B00] =	vst v0  }
0x367: {  	[tilespmem:$0x1B10] =	vst v1  }
0x368: {  	v0 =	vld.idx.msk [tilespmem:v3+s15+$0x0], $0xffff  }
0x369: {  	v1 =	vld.idx.msk [tilespmem:v17+s15+$0x0], $0xffff  }
0x36a: {  	v23 =	vshrl.u32 v22, $0x10;
	v24 =	vand.u32 $0x7FF, v22  }
0x36b: {  	v25 =	vand.u32 $0x7FF, v23;
	_ =	sdelay $0x1  }
0x36c: {  	[tilespmem:$0x2300] =	vst v0  }
0x36d: {  	[tilespmem:$0x2310] =	vst v1  }
0x36e: {  	v0 =	vld.idx.msk [tilespmem:v24+s19+$0x0], $0xffff  }
0x36f: {  	v1 =	vld.idx.msk [tilespmem:v25+s19+$0x0], $0xffff;
	_ =	sdelay $0x1  }
0x370: {  	v26 =	vshrl.u32 v22, $0x7  }
0x371: {  	v27 =	vshrl.u32 v22, $0x17;
	v4 =	vand.u32 $0xFFFF, v22;
	v3 =	vand.u32 $0x1F0, v26  }
0x372: {  	v5 =	vand.u32 $0x1F0, v27;
	v0 =	vshrl.u32 v0, v3  }
0x373: {  	v28 =	vld [tilespmem:$0x13A0];
	v1 =	vshrl.u32 v1, v5;
	v0 =	vshll.u32 v0, $0x10  }
0x374: {  	v1 =	vshll.u32 v1, $0x10;
	[tilespmem:$0x1B20] =	vst v0  }
0x375: {  	[tilespmem:$0x1B30] =	vst v1  }
0x376: {  	v0 =	vld.idx.msk [tilespmem:v4+s15+$0x0], $0xffff  }
0x377: {  	v1 =	vld.idx.msk [tilespmem:v23+s15+$0x0], $0xffff  }
0x378: {  	v29 =	vshrl.u32 v28, $0x10;
	v30 =	vand.u32 $0x7FF, v28  }
0x379: {  	v31 =	vand.u32 $0x7FF, v29;
	_ =	sdelay $0x1  }
0x37a: {  	[tilespmem:$0x2320] =	vst v0  }
0x37b: {  	[tilespmem:$0x2330] =	vst v1  }
0x37c: {  	v0 =	vld.idx.msk [tilespmem:v30+s19+$0x0], $0xffff  }
0x37d: {  	v1 =	vld.idx.msk [tilespmem:v31+s19+$0x0], $0xffff;
	_ =	sdelay $0x1  }
0x37e: {  	v32 =	vshrl.u32 v28, $0x7  }
0x37f: {  	v33 =	vshrl.u32 v28, $0x17;
	v3 =	vand.u32 $0xFFFF, v28;
	v4 =	vand.u32 $0x1F0, v32  }
0x380: {  	v5 =	vand.u32 $0x1F0, v33;
	v0 =	vshrl.u32 v0, v4  }
0x381: {  	v34 =	vld [tilespmem:$0x13B0];
	v1 =	vshrl.u32 v1, v5;
	v0 =	vshll.u32 v0, $0x10  }
0x382: {  	v1 =	vshll.u32 v1, $0x10;
	[tilespmem:$0x1B40] =	vst v0  }
0x383: {  	[tilespmem:$0x1B50] =	vst v1  }
0x384: {  	v0 =	vld.idx.msk [tilespmem:v3+s15+$0x0], $0xffff  }
0x385: {  	v1 =	vld.idx.msk [tilespmem:v29+s15+$0x0], $0xffff  }
0x386: {  	v35 =	vshrl.u32 v34, $0x10;
	v36 =	vand.u32 $0x7FF, v34  }
0x387: {  	v37 =	vand.u32 $0x7FF, v35;
	_ =	sdelay $0x1  }
0x388: {  	[tilespmem:$0x2340] =	vst v0  }
0x389: {  	[tilespmem:$0x2350] =	vst v1  }
0x38a: {  	v0 =	vld.idx.msk [tilespmem:v36+s19+$0x0], $0xffff  }
0x38b: {  	v1 =	vld.idx.msk [tilespmem:v37+s19+$0x0], $0xffff;
	_ =	sdelay $0x1  }
0x38c: {  	v38 =	vshrl.u32 v34, $0x7  }
0x38d: {  	v39 =	vshrl.u32 v34, $0x17;
	v4 =	vand.u32 $0xFFFF, v34;
	v3 =	vand.u32 $0x1F0, v38  }
0x38e: {  	v5 =	vand.u32 $0x1F0, v39;
	v0 =	vshrl.u32 v0, v3  }
0x38f: {  	v40 =	vld [tilespmem:$0x13C0];
	v1 =	vshrl.u32 v1, v5;
	v0 =	vshll.u32 v0, $0x10  }
0x390: {  	v1 =	vshll.u32 v1, $0x10;
	[tilespmem:$0x1B60] =	vst v0  }
0x391: {  	[tilespmem:$0x1B70] =	vst v1  }
0x392: {  	v0 =	vld.idx.msk [tilespmem:v4+s15+$0x0], $0xffff  }
0x393: {  	v1 =	vld.idx.msk [tilespmem:v35+s15+$0x0], $0xffff  }
0x394: {  	v41 =	vshrl.u32 v40, $0x10;
	v42 =	vand.u32 $0x7FF, v40  }
0x395: {  	v43 =	vand.u32 $0x7FF, v41;
	_ =	sdelay $0x1  }
0x396: {  	[tilespmem:$0x2360] =	vst v0  }
0x397: {  	[tilespmem:$0x2370] =	vst v1  }
0x398: {  	v0 =	vld.idx.msk [tilespmem:v42+s19+$0x0], $0xffff  }
0x399: {  	v1 =	vld.idx.msk [tilespmem:v43+s19+$0x0], $0xffff;
	_ =	sdelay $0x1  }
0x39a: {  	v44 =	vshrl.u32 v40, $0x7  }
0x39b: {  	v45 =	vshrl.u32 v40, $0x17;
	v3 =	vand.u32 $0xFFFF, v40;
	v4 =	vand.u32 $0x1F0, v44  }
0x39c: {  	v5 =	vand.u32 $0x1F0, v45;
	v0 =	vshrl.u32 v0, v4  }
0x39d: {  	v46 =	vld [tilespmem:$0x13D0];
	v1 =	vshrl.u32 v1, v5;
	v0 =	vshll.u32 v0, $0x10  }
0x39e: {  	v1 =	vshll.u32 v1, $0x10;
	[tilespmem:$0x1B80] =	vst v0  }
0x39f: {  	[tilespmem:$0x1B90] =	vst v1  }
0x3a0: {  	v0 =	vld.idx.msk [tilespmem:v3+s15+$0x0], $0xffff  }
0x3a1: {  	v1 =	vld.idx.msk [tilespmem:v41+s15+$0x0], $0xffff  }
0x3a2: {  	v47 =	vshrl.u32 v46, $0x10;
	v48 =	vand.u32 $0x7FF, v46  }
0x3a3: {  	v49 =	vand.u32 $0x7FF, v47;
	_ =	sdelay $0x1  }
0x3a4: {  	[tilespmem:$0x2380] =	vst v0  }
0x3a5: {  	[tilespmem:$0x2390] =	vst v1  }
0x3a6: {  	v0 =	vld.idx.msk [tilespmem:v48+s19+$0x0], $0xffff  }
0x3a7: {  	v1 =	vld.idx.msk [tilespmem:v49+s19+$0x0], $0xffff;
	_ =	sdelay $0x1  }
0x3a8: {  	v50 =	vshrl.u32 v46, $0x7  }
0x3a9: {  	v51 =	vshrl.u32 v46, $0x17;
	v4 =	vand.u32 $0xFFFF, v46;
	v3 =	vand.u32 $0x1F0, v50  }
0x3aa: {  	v5 =	vand.u32 $0x1F0, v51;
	v0 =	vshrl.u32 v0, v3  }
0x3ab: {  	v52 =	vld [tilespmem:$0x13E0];
	v1 =	vshrl.u32 v1, v5;
	v0 =	vshll.u32 v0, $0x10  }
0x3ac: {  	v1 =	vshll.u32 v1, $0x10;
	[tilespmem:$0x1BA0] =	vst v0  }
0x3ad: {  	[tilespmem:$0x1BB0] =	vst v1  }
0x3ae: {  	v0 =	vld.idx.msk [tilespmem:v4+s15+$0x0], $0xffff  }
0x3af: {  	v1 =	vld.idx.msk [tilespmem:v47+s15+$0x0], $0xffff  }
0x3b0: {  	v53 =	vshrl.u32 v52, $0x10;
	v54 =	vand.u32 $0x7FF, v52  }
0x3b1: {  	v55 =	vand.u32 $0x7FF, v53;
	_ =	sdelay $0x1  }
0x3b2: {  	[tilespmem:$0x23A0] =	vst v0  }
0x3b3: {  	[tilespmem:$0x23B0] =	vst v1  }
0x3b4: {  	v0 =	vld.idx.msk [tilespmem:v54+s19+$0x0], $0xffff  }
0x3b5: {  	v1 =	vld.idx.msk [tilespmem:v55+s19+$0x0], $0xffff;
	_ =	sdelay $0x1  }
0x3b6: {  	v56 =	vshrl.u32 v52, $0x7  }
0x3b7: {  	v57 =	vshrl.u32 v52, $0x17;
	v3 =	vand.u32 $0xFFFF, v52;
	v4 =	vand.u32 $0x1F0, v56  }
0x3b8: {  	v5 =	vand.u32 $0x1F0, v57;
	v0 =	vshrl.u32 v0, v4  }
0x3b9: {  	v58 =	vld [tilespmem:$0x13F0];
	v1 =	vshrl.u32 v1, v5;
	v0 =	vshll.u32 v0, $0x10  }
0x3ba: {  	v1 =	vshll.u32 v1, $0x10;
	[tilespmem:$0x1BC0] =	vst v0  }
0x3bb: {  	[tilespmem:$0x1BD0] =	vst v1  }
0x3bc: {  	v0 =	vld.idx.msk [tilespmem:v3+s15+$0x0], $0xffff  }
0x3bd: {  	v1 =	vld.idx.msk [tilespmem:v53+s15+$0x0], $0xffff  }
0x3be: {  	v59 =	vshrl.u32 v58, $0x10;
	v60 =	vand.u32 $0x7FF, v58  }
0x3bf: {  	v61 =	vand.u32 $0x7FF, v59;
	_ =	sdelay $0x1  }
0x3c0: {  	[tilespmem:$0x23C0] =	vst v0  }
0x3c1: {  	[tilespmem:$0x23D0] =	vst v1  }
0x3c2: {  	v0 =	vld.idx.msk [tilespmem:v60+s19+$0x0], $0xffff  }
0x3c3: {  	v1 =	vld.idx.msk [tilespmem:v61+s19+$0x0], $0xffff;
	_ =	sdelay $0x1  }
0x3c4: {  	v62 =	vshrl.u32 v58, $0x7  }
0x3c5: {  	v63 =	vshrl.u32 v58, $0x17;
	v4 =	vand.u32 $0xFFFF, v58;
	v3 =	vand.u32 $0x1F0, v62  }
0x3c6: {  	v5 =	vand.u32 $0x1F0, v63;
	v0 =	vshrl.u32 v0, v3  }
0x3c7: {  	v1 =	vshrl.u32 v1, v5;
	v0 =	vshll.u32 v0, $0x10  }
0x3c8: {  	v1 =	vshll.u32 v1, $0x10;
	[tilespmem:$0x1BE0] =	vst v0  }
0x3c9: {  	[tilespmem:$0x1BF0] =	vst v1  }
0x3ca: {  	v0 =	vld.idx.msk [tilespmem:v4+s15+$0x0], $0xffff  }
0x3cb: {  	v1 =	vld.idx.msk [tilespmem:v59+s15+$0x0], $0xffff;
	_ =	sdelay $0x1  }
0x3cc: {  	s3 =	sadd.s32 $0x80, s3;
	s0 =	sadd.s32 $0x100, s0;
	s10 =	sadd.s32 $0x10, s31  }
0x3cd: {  	s3 =	sand.u32 $0xFFFFC00, s3;
	s7 =	sand.u32 $0x70, s10;
	p0 =	sne.s32 s0, $0x8000  }
.Ltmp0:
0x3ce: {  	s3 =	sor.u32 s7, s3;
	[tilespmem:$0x23E0] =	vst v0;
	(pc) =	sbr.rel @p0 .LBB2_2-.Ltmp0, $4  }
0x3cf: {  	s30 =	sadd.s32 $0x2, s30;
	s14 =	rddreg [dreg:$0x6];
	s7 =	sadd.s32 s1, s3;
	[tilespmem:$0x23F0] =	vst v1  }
0x3d0: {  	[hbm4b:s7+s13] =	stream.strided.scatter [tilespmem:s14], [sflag:$0x6], $0x400, s17, s13, $0x38;
	[tilespmem:$0x3400] =	vst v63  }
0x3d1: {  	s31 =	sadd.s32 $0x20, s31;
	s18 =	rddreg [dreg:$0x7];
	s3 =	sadd.s32 s6, s3  }
0x3d2: {  	[hbm4b:s3+s13] =	stream.strided.scatter [tilespmem:s18], [sflag:$0x8], $0x400, s17, s13, $0x38;
	[tilespmem:$0x3400] =	vst v63  }
0x3d3: {  	_ =	swait.ge [sflag:s24], $0x400  }
0x3d4: {  	[sflag:s24] =	ssyncset.done $0x0  }
0x3d5: {  	[sflag:s24] =	ssyncadd.s32 $0xFFFFFC00  }
0x3d6: {  	_ =	swait.ge [sflag:s25], $0x400  }
0x3d7: {  	[sflag:s25] =	ssyncset.done $0x0  }
0x3d8: {  	[sflag:s25] =	ssyncadd.s32 $0xFFFFFC00  }
0x3d9: {  	_ =	swait.ge [sflag:s26], $0x400  }
0x3da: {  	[sflag:s26] =	ssyncset.done $0x0  }
0x3db: {  	[sflag:s26] =	ssyncadd.s32 $0xFFFFFC00  }
0x3dc: {  	_ =	swait.ge [sflag:s28], $0x400  }
0x3dd: {  	s29 =	sadd.s32 $0x1, s29;
	s0 =	rddreg [dreg:$0xb]  }
0x3de: {  	p0 =	sne.s32 s29, s0  }
.Ltmp1:
0x3df: {  	_ = 	snop;
	(pc) =	sbr.rel @p0 .LBB2_1-.Ltmp1, $3  }
0x3e0: {  	_ =	sdelay $0x1  }
0x3e1: {  	[sflag:s28] =	ssyncset.done $0x0  }
0x3e2: {  	[sflag:s28] =	ssyncadd.s32 $0xFFFFFC00  }
0x3e3: {  	_ =	sfence.sel $0x180000  }
0x3e4: {  	[bflag:$0x0] =	sbarrier.arrive $0xFFFF  }
0x3e5: {  	_ =	strace $0x90000047  }
0x3e6: {  	s0 =	stileid.u32;
	[bflag:$0x2] =	sbarrier.arrive $0xFFFF  }
0x3e7: {  	p0 =	sne.s32 s0, $0x0;
	s0 =	rddreg [dreg:$0x2]  }
0x3e8: {  	s0 =	sadd.s32 @!p0 $0x100000, s0  }
0x3e9: {  	[sflag:s0] =	ssyncadd.tile.s32 @!p0 $0x1;
	_ =	shalt  }
.Lfunc_end2:
_tile_overlayer_lowered:
.L_overlay_start_2:
0x3ea: {  	(tag) =	ssettag $0x2  }
0x3eb: {  	s0 =	rddreg [dreg:$0x0];
	s2 =	stileid.u32  }
0x3ec: {  	s1 =	rddreg [dreg:$0x1];
	p0 =	sne.s32 s2, $0x0  }
0x3ed: {  	s3 =	rddreg [dreg:$0x2];
	[bflag:$0x3] =	sbarrier.arrive $0xFFFF;
	s2 =	simm.s32 @!p0 $0x1C09  }
0x3ee: {  	[timem:s3], [sflag:s2] =	dma.local @!p0 [hbm:s0], s1  }
0x3ef: {  	s0 =	simm.s32 @!p0 $0x9  }
0x3f0: {  	_ =	swait.ge @!p0 [sflag:s0], s1  }
0x3f1: {  	s1 =	ssub.s32 @!p0 $0x0, s1;
	[sflag:s0] =	ssyncset.done @!p0 $0x0  }
0x3f2: {  	[sflag:s0] =	ssyncadd.s32 @!p0 s1  }
0x3f3: {  	[bflag:$0x3] =	sbarrier.arrive $0xFFFF  }
0x3f4: {  	_ =	shalt  }

</sc_bundles>
